<compile_context>
chip_gen: v7x
topology: tpu7x:2x2x1
jax: 0.10.2.dev20260603
libtpu: 0.0.44.dev20260713+nightly
codegen_flags: <defaults>
</compile_context>

<pallas_src>
import functools

import jax
import jax.numpy as jnp
from jax import lax
from jax.experimental import pallas as pl
from jax.experimental.pallas import tpu as pltpu
from jax.experimental.pallas import tpu_sc as plsc

N = 10000
NP = 10240
E = 320000
NW = 32
NS = 16
CH = 128
KCH = 80
EPAD = NW * KCH * CH
FH = 48
RPT = NP // NS
RB = 1024
GRID = NP // RB

_mesh = plsc.VectorSubcoreMesh(core_axis_name="c", subcore_axis_name="s")
_sc_params = pltpu.CompilerParams(use_tc_tiling_on_sc=False)



@functools.partial(
    pl.kernel,
    out_type=jax.ShapeDtypeStruct((2 * NP, 16), jnp.float32),
    mesh=_mesh,
    scratch_types=[
        pltpu.VMEM((KCH, CH), jnp.int32),
        pltpu.VMEM((CH, 16), jnp.float32),
        pltpu.VMEM_SHARED((NP, 16), jnp.float32),
        pltpu.SemaphoreType.DMA,
    ],
    compiler_params=_sc_params,
)
def _sc_degree(dst_hbm, ones_hbm, zeros_hbm, out_hbm, dst_v, ones_v, acc, sem):
    c = lax.axis_index("c")
    s = lax.axis_index("s")
    wid = c * NS + s
    pltpu.sync_copy(zeros_hbm.at[pl.ds(s * RPT, RPT)], acc.at[pl.ds(s * RPT, RPT)])
    pltpu.sync_copy(ones_hbm, ones_v)
    pltpu.sync_copy(dst_hbm.at[pl.ds(wid * KCH, KCH)], dst_v)
    plsc.subcore_barrier()

    def fire(j, carry):
        pltpu.async_copy(ones_v, acc.at[dst_v.at[j]], sem, add=True)
        return carry

    lax.fori_loop(0, KCH, fire, 0)

    def drain(j, carry):
        pltpu.make_async_copy(ones_v, acc.at[dst_v.at[j]], sem).wait()
        return carry

    lax.fori_loop(0, KCH, drain, 0)
    plsc.subcore_barrier()
    pltpu.sync_copy(acc.at[pl.ds(s * RPT, RPT)],
                    out_hbm.at[pl.ds(c * NP + s * RPT, RPT)])


NB = 8
GR = KCH // NB


@functools.partial(
    pl.kernel,
    out_type=jax.ShapeDtypeStruct((2 * NP, FH), jnp.float32),
    mesh=_mesh,
    scratch_types=[
        pltpu.VMEM((KCH, CH), jnp.int32),
        pltpu.VMEM((KCH, CH), jnp.int32),
        pltpu.VMEM((NB, CH, FH), jnp.float32),
        pltpu.VMEM_SHARED((NP, FH), jnp.float32),
        pltpu.VMEM_SHARED((NP, FH), jnp.float32),
        pltpu.SemaphoreType.DMA((NB,)),
        pltpu.SemaphoreType.DMA((NB,)),
        pltpu.SemaphoreType.DMA,
    ],
    compiler_params=_sc_params,
)
def _sc_segsum(xs_hbm, src_hbm, dst_hbm, zeros_hbm, out_hbm,
               src_v, dst_v, rows_v, acc, xs_sp, gsem, ssem, isem):
    c = lax.axis_index("c")
    s = lax.axis_index("s")
    wid = c * NS + s
    pltpu.async_copy(src_hbm.at[pl.ds(wid * KCH, KCH)], src_v, isem)
    pltpu.async_copy(dst_hbm.at[pl.ds(wid * KCH, KCH)], dst_v, isem)
    pltpu.async_copy(zeros_hbm.at[pl.ds(s * RPT, RPT)],
                     acc.at[pl.ds(s * RPT, RPT)], isem)
    pltpu.async_copy(xs_hbm.at[pl.ds(s * RPT, RPT)],
                     xs_sp.at[pl.ds(s * RPT, RPT)], isem)
    pltpu.make_async_copy(src_hbm.at[pl.ds(wid * KCH, KCH)], src_v, isem).wait()
    pltpu.make_async_copy(dst_hbm.at[pl.ds(wid * KCH, KCH)], dst_v, isem).wait()
    pltpu.make_async_copy(zeros_hbm.at[pl.ds(s * RPT, RPT)],
                          acc.at[pl.ds(s * RPT, RPT)], isem).wait()
    pltpu.make_async_copy(xs_hbm.at[pl.ds(s * RPT, RPT)],
                          xs_sp.at[pl.ds(s * RPT, RPT)], isem).wait()
    plsc.subcore_barrier()

    for b in range(NB):
        pltpu.async_copy(xs_sp.at[src_v.at[b]], rows_v.at[b], gsem.at[b])

    def grp(g, carry):
        base = g * NB
        for bank in range(2):
            for b4 in range(NB // 2):
                b = bank * (NB // 2) + b4
                j = base + b
                pltpu.make_async_copy(xs_sp.at[src_v.at[j]], rows_v.at[b],
                                      gsem.at[b]).wait()
                pltpu.async_copy(rows_v.at[b], acc.at[dst_v.at[j]], ssem.at[b],
                                 add=True)
            for b4 in range(NB // 2):
                b = bank * (NB // 2) + b4
                j = base + b
                jn = jnp.minimum(j + NB, KCH - 1)
                pltpu.make_async_copy(rows_v.at[b], acc.at[dst_v.at[j]],
                                      ssem.at[b]).wait()

                @pl.when(g + 1 < GR)
                def _():
                    pltpu.async_copy(xs_sp.at[src_v.at[jn]], rows_v.at[b],
                                     gsem.at[b])
        return carry

    lax.fori_loop(0, GR, grp, 0)
    plsc.subcore_barrier()
    pltpu.sync_copy(acc.at[pl.ds(s * RPT, RPT)],
                    out_hbm.at[pl.ds(c * NP + s * RPT, RPT)])



def _dinv(dega_ref, degb_ref):
    d = dega_ref[:, 0:1] + degb_ref[:, 0:1]
    return lax.rsqrt(d + 1.0)


def _xw_body(x_ref, w_ref, o_ref):
    o_ref[...] = jnp.dot(x_ref[...], w_ref[...], preferred_element_type=jnp.float32)


def _scale_body(xw_ref, dega_ref, degb_ref, o_ref):
    o_ref[...] = xw_ref[...] * _dinv(dega_ref, degb_ref)


def _mid_body(agga_ref, aggb_ref, xs_ref, dega_ref, degb_ref, b_ref, w_ref, o_ref):
    dinv = _dinv(dega_ref, degb_ref)
    pre = (agga_ref[...] + aggb_ref[...] + xs_ref[...]) * dinv + b_ref[...]
    h = jnp.maximum(pre, 0.0)
    o_ref[...] = jnp.dot(h, w_ref[...], preferred_element_type=jnp.float32) * dinv


def _out_body(agga_ref, aggb_ref, xs_ref, dega_ref, degb_ref, b_ref, o_ref):
    dinv = _dinv(dega_ref, degb_ref)
    logits = (agga_ref[...] + aggb_ref[...] + xs_ref[...]) * dinv + b_ref[...]
    col = lax.broadcasted_iota(jnp.int32, (RB, FH), 1)
    masked = jnp.where(col < 40, logits, -jnp.inf)
    m = jnp.max(masked, axis=1, keepdims=True)
    e = jnp.exp(masked - m)
    o_ref[...] = e / jnp.sum(e, axis=1, keepdims=True)


def _row_spec(width):
    return pl.BlockSpec((RB, width), lambda i: (i, 0))


def _rowb_spec(width):
    return pl.BlockSpec((RB, width), lambda i: (i + GRID, 0))


def _full_spec(shape):
    return pl.BlockSpec(shape, lambda i: (0,) * len(shape))


def _xw(x, w):
    return pl.pallas_call(
        _xw_body,
        grid=(GRID,),
        in_specs=[_row_spec(128), _full_spec((128, FH))],
        out_specs=_row_spec(FH),
        out_shape=jax.ShapeDtypeStruct((NP, FH), jnp.float32),
    )(x, w)


def _scale(xw, deg2):
    return pl.pallas_call(
        _scale_body,
        grid=(GRID,),
        in_specs=[_row_spec(FH), _row_spec(16), _rowb_spec(16)],
        out_specs=_row_spec(FH),
        out_shape=jax.ShapeDtypeStruct((NP, FH), jnp.float32),
    )(xw, deg2, deg2)


def _mid(agg2, xs, deg2, b, w):
    return pl.pallas_call(
        _mid_body,
        grid=(GRID,),
        in_specs=[_row_spec(FH), _rowb_spec(FH), _row_spec(FH),
                  _row_spec(16), _rowb_spec(16), _full_spec((1, FH)),
                  _full_spec((FH, FH))],
        out_specs=_row_spec(FH),
        out_shape=jax.ShapeDtypeStruct((NP, FH), jnp.float32),
    )(agg2, agg2, xs, deg2, deg2, b, w)


def _final(agg2, xs, deg2, b):
    return pl.pallas_call(
        _out_body,
        grid=(GRID,),
        in_specs=[_row_spec(FH), _rowb_spec(FH), _row_spec(FH),
                  _row_spec(16), _rowb_spec(16), _full_spec((1, FH))],
        out_specs=_row_spec(FH),
        out_shape=jax.ShapeDtypeStruct((NP, FH), jnp.float32),
    )(agg2, agg2, xs, deg2, deg2, b)



def kernel(x, edge_index, W1, b1, W2, b2, W3, b3):
    f32 = jnp.float32
    src = edge_index[0].astype(jnp.int32)
    dst = edge_index[1].astype(jnp.int32)
    pad = EPAD - E
    srcp = jnp.concatenate([src, jnp.zeros((pad,), jnp.int32)]).reshape(NW * KCH, CH)
    dstp = jnp.concatenate([dst, jnp.full((pad,), N, jnp.int32)]).reshape(NW * KCH, CH)

    w1p = jnp.zeros((128, FH), f32).at[:, :36].set(W1)
    w2p = jnp.zeros((FH, FH), f32).at[:36, :36].set(W2)
    w3p = jnp.zeros((FH, FH), f32).at[:36, :40].set(W3)
    b1p = jnp.zeros((1, FH), f32).at[0, :36].set(b1)
    b2p = jnp.zeros((1, FH), f32).at[0, :36].set(b2)
    b3p = jnp.zeros((1, FH), f32).at[0, :40].set(b3)

    ones16 = jnp.ones((CH, 16), f32)
    zeros16 = jnp.zeros((NP, 16), f32)
    zeros48 = jnp.zeros((NP, FH), f32)

    deg2 = _sc_degree(dstp, ones16, zeros16)

    xw1 = _xw(x, w1p)
    xs1 = _scale(xw1, deg2)
    agg1 = _sc_segsum(xs1, srcp, dstp, zeros48)
    xs2 = _mid(agg1, xs1, deg2, b1p, w2p)
    agg2 = _sc_segsum(xs2, srcp, dstp, zeros48)
    xs3 = _mid(agg2, xs2, deg2, b2p, w3p)
    agg3 = _sc_segsum(xs3, srcp, dstp, zeros48)
    probs = _final(agg3, xs3, deg2, b3p)
    return probs[:N, :40]

# --- scband reference (transcript-rebuilt; emitter-appended) ---
"""Pipeline reference for scband-gcnnet-71734543778230 (READ-ONLY COPY).

The authoritative reference and input builder live on the scoring server;
editing this copy changes nothing except your own understanding.
"""

import jax, jax.numpy as jnp
import numpy as np

NUM_NODES = 10000
IN_FEAT = 128
HIDDEN = 36
NUM_CLASSES = 40


def setup_inputs(seed: int = 0) -> dict:
    key = jax.random.key(seed)
    ks = jax.random.split(key, 9)
    x = jax.random.normal(ks[0], (NUM_NODES, IN_FEAT), dtype=jnp.float32)
    edge_index = jax.random.randint(ks[1], (2, 320000), 0, NUM_NODES, dtype=jnp.int64)
    W1 = jax.random.normal(ks[2], (IN_FEAT, HIDDEN), dtype=jnp.float32) * 0.1
    b1 = jnp.zeros((HIDDEN,), dtype=jnp.float32)
    W2 = jax.random.normal(ks[3], (HIDDEN, HIDDEN), dtype=jnp.float32) * 0.1
    b2 = jnp.zeros((HIDDEN,), dtype=jnp.float32)
    W3 = jax.random.normal(ks[4], (HIDDEN, NUM_CLASSES), dtype=jnp.float32) * 0.1
    b3 = jnp.zeros((NUM_CLASSES,), dtype=jnp.float32)
    return {"x": x, "edge_index": edge_index, "W1": W1, "b1": b1, "W2": W2, "b2": b2, "W3": W3, "b3": b3}


def _gcn_conv(x, src, dst, norm, W, b, num_nodes):
    # PyG GCNConv: linear transform, then normalized scatter-add aggregation, then bias
    xw = x @ W
    msg = jnp.take(xw, src, axis=0) * norm[:, None]
    out = jax.ops.segment_sum(msg, dst, num_segments=num_nodes)
    return out + b


def _build_norm(edge_index, num_nodes, dtype):
    # add self-loops and compute symmetric normalization D^{-1/2} (A+I) D^{-1/2}
    loop = jnp.arange(num_nodes, dtype=edge_index.dtype)
    src = jnp.concatenate([edge_index[0], loop])
    dst = jnp.concatenate([edge_index[1], loop])
    deg = jax.ops.segment_sum(jnp.ones_like(dst, dtype=dtype), dst, num_segments=num_nodes)
    dinv = jnp.where(deg > 0, 1.0 / jnp.sqrt(deg), 0.0)
    norm = jnp.take(dinv, src) * jnp.take(dinv, dst)
    return src, dst, norm


def reference(x, edge_index, W1, b1, W2, b2, W3, b3):
    num_nodes = x.shape[0]
    src, dst, norm = _build_norm(edge_index, num_nodes, x.dtype)
    h = jax.nn.relu(_gcn_conv(x, src, dst, norm, W1, b1, num_nodes))
    # dropout is identity in eval mode
    h = jax.nn.relu(_gcn_conv(h, src, dst, norm, W2, b2, num_nodes))
    logits = _gcn_conv(h, src, dst, norm, W3, b3, num_nodes)
    return jax.nn.softmax(logits, axis=1)

if __name__ == "__main__":
    import jax
    _d = setup_inputs()
    print(jax.jit(kernel)(*tuple(_d.values())))

</pallas_src>

<mosaic_0001>
#map = affine_map<(d0, d1) -> (0, 0)>
module attributes {stable_mosaic.version = 14 : i64} {
  func.func @_sc_degree(%arg0: i32, %arg1: i32, %arg2: memref<2560x128xi32, #tpu.memory_space<hbm>>, %arg3: memref<128x16xf32, #tpu.memory_space<hbm>>, %arg4: memref<10240x16xf32, #tpu.memory_space<hbm>>, %arg5: memref<20480x16xf32, #tpu.memory_space<hbm>>, %arg6: memref<80x128xi32, #tpu.memory_space<vmem>>, %arg7: memref<128x16xf32, #tpu.memory_space<vmem>>, %arg8: memref<10240x16xf32, #tpu.memory_space<vmem_shared>>, %arg9: memref<!tpu.dma_semaphore, #tpu.memory_space<semaphore_mem>>) attributes {dimension_semantics = [#tpu.dimension_semantics<core_parallel>, #tpu.dimension_semantics<subcore_parallel>], iteration_bounds = array<i64: 2, 16>, scalar_prefetch = 0 : i64, scratch_operands = 4 : i64, tpu.core_type = #tpu.core_type<sc_vector_subcore>, window_params = [{transform_indices = #map}, {transform_indices = #map}, {transform_indices = #map}, {transform_indices = #map}]} {
    %mul3A = arith.constant 16 : i32
    %mul3A_0 = arith.muli %arg0, %mul3A : i32
    %add3A = arith.addi %mul3A_0, %arg1 : i32
    %mul3A_1 = arith.constant 640 : i32
    %mul3A_2 = arith.muli %arg1, %mul3A_1 : i32
    %mul3A_3 = arith.constant 640 : i32
    %mul3A_4 = arith.muli %arg1, %mul3A_3 : i32
    "tpu.region"() ({
      %run_scoped3A = tpu.sem_alloc : memref<!tpu.dma_semaphore, #tpu.memory_space<semaphore_mem>>
      %dma_start3A = arith.constant 0 : i32
      %dma_start3A_26 = tpu.memref_slice %arg8[%mul3A_4, %dma_start3A] : memref<10240x16xf32, #tpu.memory_space<vmem_shared>> -> memref<640x16xf32, #tpu.memory_space<vmem_shared>>
      %dma_start3A_27 = arith.constant 0 : i32
      %dma_start3A_28 = tpu.memref_slice %arg4[%mul3A_2, %dma_start3A_27] : memref<10240x16xf32, #tpu.memory_space<hbm>> -> memref<640x16xf32, #tpu.memory_space<hbm>>
      tpu.enqueue_dma source(%dma_start3A_28 : memref<640x16xf32, #tpu.memory_space<hbm>>) target(%dma_start3A_26 : memref<640x16xf32, #tpu.memory_space<vmem_shared>>) target_semaphore(%run_scoped3A : memref<!tpu.dma_semaphore, #tpu.memory_space<semaphore_mem>>)
      %dma_wait3A = arith.constant 0 : i32
      %dma_wait3A_29 = tpu.memref_slice %arg8[%mul3A_4, %dma_wait3A] : memref<10240x16xf32, #tpu.memory_space<vmem_shared>> -> memref<640x16xf32, #tpu.memory_space<vmem_shared>>
      %dma_wait3A_30 = arith.constant 0 : i32
      %dma_wait3A_31 = tpu.memref_slice %arg4[%mul3A_2, %dma_wait3A_30] : memref<10240x16xf32, #tpu.memory_space<hbm>> -> memref<640x16xf32, #tpu.memory_space<hbm>>
      tpu.wait_dma2 semaphore(%run_scoped3A : memref<!tpu.dma_semaphore, #tpu.memory_space<semaphore_mem>>) src(%dma_wait3A_31 : memref<640x16xf32, #tpu.memory_space<hbm>>) dst(%dma_wait3A_29 : memref<640x16xf32, #tpu.memory_space<vmem_shared>>)
      tpu.yield
    }) : () -> ()
    "tpu.region"() ({
      %run_scoped3A = tpu.sem_alloc : memref<!tpu.dma_semaphore, #tpu.memory_space<semaphore_mem>>
      tpu.enqueue_dma source(%arg3 : memref<128x16xf32, #tpu.memory_space<hbm>>) target(%arg7 : memref<128x16xf32, #tpu.memory_space<vmem>>) target_semaphore(%run_scoped3A : memref<!tpu.dma_semaphore, #tpu.memory_space<semaphore_mem>>)
      tpu.wait_dma2 semaphore(%run_scoped3A : memref<!tpu.dma_semaphore, #tpu.memory_space<semaphore_mem>>) src(%arg3 : memref<128x16xf32, #tpu.memory_space<hbm>>) dst(%arg7 : memref<128x16xf32, #tpu.memory_space<vmem>>)
      tpu.yield
    }) : () -> ()
    %mul3A_5 = arith.constant 80 : i32
    %mul3A_6 = arith.muli %add3A, %mul3A_5 : i32
    "tpu.region"() ({
      %run_scoped3A = tpu.sem_alloc : memref<!tpu.dma_semaphore, #tpu.memory_space<semaphore_mem>>
      %dma_start3A = arith.constant 0 : i32
      %dma_start3A_26 = tpu.memref_slice %arg2[%mul3A_6, %dma_start3A] : memref<2560x128xi32, #tpu.memory_space<hbm>> -> memref<80x128xi32, #tpu.memory_space<hbm>>
      %dma_start3A_27 = arith.constant 0 : i32
      %dma_start3A_28 = tpu.memref_slice %arg2[%mul3A_6, %dma_start3A_27] : memref<2560x128xi32, #tpu.memory_space<hbm>> -> memref<80x128xi32, #tpu.memory_space<hbm>>
      tpu.enqueue_dma source(%dma_start3A_28 : memref<80x128xi32, #tpu.memory_space<hbm>>) target(%arg6 : memref<80x128xi32, #tpu.memory_space<vmem>>) target_semaphore(%run_scoped3A : memref<!tpu.dma_semaphore, #tpu.memory_space<semaphore_mem>>)
      %dma_wait3A = arith.constant 0 : i32
      %dma_wait3A_29 = tpu.memref_slice %arg2[%mul3A_6, %dma_wait3A] : memref<2560x128xi32, #tpu.memory_space<hbm>> -> memref<80x128xi32, #tpu.memory_space<hbm>>
      %dma_wait3A_30 = arith.constant 0 : i32
      %dma_wait3A_31 = tpu.memref_slice %arg2[%mul3A_6, %dma_wait3A_30] : memref<2560x128xi32, #tpu.memory_space<hbm>> -> memref<80x128xi32, #tpu.memory_space<hbm>>
      tpu.wait_dma2 semaphore(%run_scoped3A : memref<!tpu.dma_semaphore, #tpu.memory_space<semaphore_mem>>) src(%dma_wait3A_31 : memref<80x128xi32, #tpu.memory_space<hbm>>) dst(%arg6 : memref<80x128xi32, #tpu.memory_space<vmem>>)
      tpu.yield
    }) : () -> ()
    %barrier3A = arith.constant 0 : index
    tpu.barrier barrier_id(%barrier3A)
    %scan3A = arith.constant 0 : i32
    %scan3A_7 = arith.constant 0 : i32
    %scan3A_8 = arith.constant 80 : i32
    %scan3A_9 = arith.addi %scan3A_7, %scan3A_8 : i32
    %scan3A_10 = arith.constant 1 : i32
    scf.for %scan3A_26 = %scan3A_7 to %scan3A_9 step %scan3A_10  : i32 {
      %dma_start3A = arith.constant 0 : i32
      %dma_start3A_27 = tpu.memref_slice %arg6[%scan3A_26, %dma_start3A] : memref<80x128xi32, #tpu.memory_space<vmem>> -> memref<1x128xi32, #tpu.memory_space<vmem>>
      %dma_start3A_28 = tpu.memref_squeeze %dma_start3A_27 : memref<1x128xi32, #tpu.memory_space<vmem>> -> memref<128xi32, #tpu.memory_space<vmem>>
      %dma_start3A_29 = arith.constant 0 : i32
      %dma_start3A_30 = arith.constant 0 : i32
      %dma_start3A_31 = tpu.memref_slice %arg8[%dma_start3A_29, %dma_start3A_30] : memref<10240x16xf32, #tpu.memory_space<vmem_shared>> -> memref<10240x16xf32, #tpu.memory_space<vmem_shared>>
      tpu.enqueue_indirect_dma source(%arg7 : memref<128x16xf32, #tpu.memory_space<vmem>>) target(%dma_start3A_31 : memref<10240x16xf32, #tpu.memory_space<vmem_shared>>) offsets(%dma_start3A_28 : memref<128xi32, #tpu.memory_space<vmem>>) semaphore(%arg9 : memref<!tpu.dma_semaphore, #tpu.memory_space<semaphore_mem>>) {add = true}
    }
    %scan3A_11 = arith.constant 80 : i32
    %scan3A_12 = arith.constant 0 : i32
    %scan3A_13 = arith.constant 0 : i32
    %scan3A_14 = arith.constant 80 : i32
    %scan3A_15 = arith.addi %scan3A_13, %scan3A_14 : i32
    %scan3A_16 = arith.constant 1 : i32
    scf.for %scan3A_26 = %scan3A_13 to %scan3A_15 step %scan3A_16  : i32 {
      %dma_wait3A = arith.constant 0 : i32
      %dma_wait3A_27 = tpu.memref_slice %arg6[%scan3A_26, %dma_wait3A] : memref<80x128xi32, #tpu.memory_space<vmem>> -> memref<1x128xi32, #tpu.memory_space<vmem>>
      %dma_wait3A_28 = tpu.memref_squeeze %dma_wait3A_27 : memref<1x128xi32, #tpu.memory_space<vmem>> -> memref<128xi32, #tpu.memory_space<vmem>>
      %dma_wait3A_29 = arith.constant 0 : i32
      %dma_wait3A_30 = arith.constant 0 : i32
      %dma_wait3A_31 = tpu.memref_slice %arg8[%dma_wait3A_29, %dma_wait3A_30] : memref<10240x16xf32, #tpu.memory_space<vmem_shared>> -> memref<10240x16xf32, #tpu.memory_space<vmem_shared>>
      tpu.wait_indirect_dma semaphore(%arg9 : memref<!tpu.dma_semaphore, #tpu.memory_space<semaphore_mem>>) src(%arg7 : memref<128x16xf32, #tpu.memory_space<vmem>>) dst(%dma_wait3A_31 : memref<10240x16xf32, #tpu.memory_space<vmem_shared>>)
    }
    %scan3A_17 = arith.constant 80 : i32
    %barrier3A_18 = arith.constant 0 : index
    tpu.barrier barrier_id(%barrier3A_18)
    %mul3A_19 = arith.constant 640 : i32
    %mul3A_20 = arith.muli %arg1, %mul3A_19 : i32
    %mul3A_21 = arith.constant 10240 : i32
    %mul3A_22 = arith.muli %arg0, %mul3A_21 : i32
    %mul3A_23 = arith.constant 640 : i32
    %mul3A_24 = arith.muli %arg1, %mul3A_23 : i32
    %add3A_25 = arith.addi %mul3A_22, %mul3A_24 : i32
    "tpu.region"() ({
      %run_scoped3A = tpu.sem_alloc : memref<!tpu.dma_semaphore, #tpu.memory_space<semaphore_mem>>
      %dma_start3A = arith.constant 0 : i32
      %dma_start3A_26 = tpu.memref_slice %arg5[%add3A_25, %dma_start3A] : memref<20480x16xf32, #tpu.memory_space<hbm>> -> memref<640x16xf32, #tpu.memory_space<hbm>>
      %dma_start3A_27 = arith.constant 0 : i32
      %dma_start3A_28 = tpu.memref_slice %arg8[%mul3A_20, %dma_start3A_27] : memref<10240x16xf32, #tpu.memory_space<vmem_shared>> -> memref<640x16xf32, #tpu.memory_space<vmem_shared>>
      tpu.enqueue_dma source(%dma_start3A_28 : memref<640x16xf32, #tpu.memory_space<vmem_shared>>) target(%dma_start3A_26 : memref<640x16xf32, #tpu.memory_space<hbm>>) target_semaphore(%run_scoped3A : memref<!tpu.dma_semaphore, #tpu.memory_space<semaphore_mem>>)
      %dma_wait3A = arith.constant 0 : i32
      %dma_wait3A_29 = tpu.memref_slice %arg5[%add3A_25, %dma_wait3A] : memref<20480x16xf32, #tpu.memory_space<hbm>> -> memref<640x16xf32, #tpu.memory_space<hbm>>
      %dma_wait3A_30 = arith.constant 0 : i32
      %dma_wait3A_31 = tpu.memref_slice %arg8[%mul3A_20, %dma_wait3A_30] : memref<10240x16xf32, #tpu.memory_space<vmem_shared>> -> memref<640x16xf32, #tpu.memory_space<vmem_shared>>
      tpu.wait_dma2 semaphore(%run_scoped3A : memref<!tpu.dma_semaphore, #tpu.memory_space<semaphore_mem>>) src(%dma_wait3A_31 : memref<640x16xf32, #tpu.memory_space<vmem_shared>>) dst(%dma_wait3A_29 : memref<640x16xf32, #tpu.memory_space<hbm>>)
      tpu.yield
    }) : () -> ()
    return
  }
}

#map = affine_map<(d0, d1) -> (0, 0)>
module attributes {stable_mosaic.version = 14 : i64} {
  func.func @_sc_segsum(%arg0: i32, %arg1: i32, %arg2: memref<10240x48xf32, #tpu.memory_space<hbm>>, %arg3: memref<2560x128xi32, #tpu.memory_space<hbm>>, %arg4: memref<2560x128xi32, #tpu.memory_space<hbm>>, %arg5: memref<10240x48xf32, #tpu.memory_space<hbm>>, %arg6: memref<20480x48xf32, #tpu.memory_space<hbm>>, %arg7: memref<80x128xi32, #tpu.memory_space<vmem>>, %arg8: memref<80x128xi32, #tpu.memory_space<vmem>>, %arg9: memref<8x128x48xf32, #tpu.memory_space<vmem>>, %arg10: memref<10240x48xf32, #tpu.memory_space<vmem_shared>>, %arg11: memref<10240x48xf32, #tpu.memory_space<vmem_shared>>, %arg12: memref<8x!tpu.dma_semaphore, #tpu.memory_space<semaphore_mem>>, %arg13: memref<8x!tpu.dma_semaphore, #tpu.memory_space<semaphore_mem>>, %arg14: memref<!tpu.dma_semaphore, #tpu.memory_space<semaphore_mem>>) attributes {dimension_semantics = [#tpu.dimension_semantics<core_parallel>, #tpu.dimension_semantics<subcore_parallel>], iteration_bounds = array<i64: 2, 16>, scalar_prefetch = 0 : i64, scratch_operands = 8 : i64, tpu.core_type = #tpu.core_type<sc_vector_subcore>, window_params = [{transform_indices = #map}, {transform_indices = #map}, {transform_indices = #map}, {transform_indices = #map}, {transform_indices = #map}]} {
    %mul3A = arith.constant 16 : i32
    %mul3A_0 = arith.muli %arg0, %mul3A : i32
    %add3A = arith.addi %mul3A_0, %arg1 : i32
    %mul3A_1 = arith.constant 80 : i32
    %mul3A_2 = arith.muli %add3A, %mul3A_1 : i32
    %dma_start3A = arith.constant 0 : i32
    %dma_start3A_3 = tpu.memref_slice %arg3[%mul3A_2, %dma_start3A] : memref<2560x128xi32, #tpu.memory_space<hbm>> -> memref<80x128xi32, #tpu.memory_space<hbm>>
    %dma_start3A_4 = arith.constant 0 : i32
    %dma_start3A_5 = tpu.memref_slice %arg3[%mul3A_2, %dma_start3A_4] : memref<2560x128xi32, #tpu.memory_space<hbm>> -> memref<80x128xi32, #tpu.memory_space<hbm>>
    tpu.enqueue_dma source(%dma_start3A_5 : memref<80x128xi32, #tpu.memory_space<hbm>>) target(%arg7 : memref<80x128xi32, #tpu.memory_space<vmem>>) target_semaphore(%arg14 : memref<!tpu.dma_semaphore, #tpu.memory_space<semaphore_mem>>)
    %mul3A_6 = arith.constant 80 : i32
    %mul3A_7 = arith.muli %add3A, %mul3A_6 : i32
    %dma_start3A_8 = arith.constant 0 : i32
    %dma_start3A_9 = tpu.memref_slice %arg4[%mul3A_7, %dma_start3A_8] : memref<2560x128xi32, #tpu.memory_space<hbm>> -> memref<80x128xi32, #tpu.memory_space<hbm>>
    %dma_start3A_10 = arith.constant 0 : i32
    %dma_start3A_11 = tpu.memref_slice %arg4[%mul3A_7, %dma_start3A_10] : memref<2560x128xi32, #tpu.memory_space<hbm>> -> memref<80x128xi32, #tpu.memory_space<hbm>>
    tpu.enqueue_dma source(%dma_start3A_11 : memref<80x128xi32, #tpu.memory_space<hbm>>) target(%arg8 : memref<80x128xi32, #tpu.memory_space<vmem>>) target_semaphore(%arg14 : memref<!tpu.dma_semaphore, #tpu.memory_space<semaphore_mem>>)
    %mul3A_12 = arith.constant 640 : i32
    %mul3A_13 = arith.muli %arg1, %mul3A_12 : i32
    %mul3A_14 = arith.constant 640 : i32
    %mul3A_15 = arith.muli %arg1, %mul3A_14 : i32
    %dma_start3A_16 = arith.constant 0 : i32
    %dma_start3A_17 = tpu.memref_slice %arg10[%mul3A_15, %dma_start3A_16] : memref<10240x48xf32, #tpu.memory_space<vmem_shared>> -> memref<640x48xf32, #tpu.memory_space<vmem_shared>>
    %dma_start3A_18 = arith.constant 0 : i32
    %dma_start3A_19 = tpu.memref_slice %arg5[%mul3A_13, %dma_start3A_18] : memref<10240x48xf32, #tpu.memory_space<hbm>> -> memref<640x48xf32, #tpu.memory_space<hbm>>
    tpu.enqueue_dma source(%dma_start3A_19 : memref<640x48xf32, #tpu.memory_space<hbm>>) target(%dma_start3A_17 : memref<640x48xf32, #tpu.memory_space<vmem_shared>>) target_semaphore(%arg14 : memref<!tpu.dma_semaphore, #tpu.memory_space<semaphore_mem>>)
    %mul3A_20 = arith.constant 640 : i32
    %mul3A_21 = arith.muli %arg1, %mul3A_20 : i32
    %mul3A_22 = arith.constant 640 : i32
    %mul3A_23 = arith.muli %arg1, %mul3A_22 : i32
    %dma_start3A_24 = arith.constant 0 : i32
    %dma_start3A_25 = tpu.memref_slice %arg11[%mul3A_23, %dma_start3A_24] : memref<10240x48xf32, #tpu.memory_space<vmem_shared>> -> memref<640x48xf32, #tpu.memory_space<vmem_shared>>
    %dma_start3A_26 = arith.constant 0 : i32
    %dma_start3A_27 = tpu.memref_slice %arg2[%mul3A_21, %dma_start3A_26] : memref<10240x48xf32, #tpu.memory_space<hbm>> -> memref<640x48xf32, #tpu.memory_space<hbm>>
    tpu.enqueue_dma source(%dma_start3A_27 : memref<640x48xf32, #tpu.memory_space<hbm>>) target(%dma_start3A_25 : memref<640x48xf32, #tpu.memory_space<vmem_shared>>) target_semaphore(%arg14 : memref<!tpu.dma_semaphore, #tpu.memory_space<semaphore_mem>>)
    %mul3A_28 = arith.constant 80 : i32
    %mul3A_29 = arith.muli %add3A, %mul3A_28 : i32
    %dma_wait3A = arith.constant 0 : i32
    %dma_wait3A_30 = tpu.memref_slice %arg3[%mul3A_29, %dma_wait3A] : memref<2560x128xi32, #tpu.memory_space<hbm>> -> memref<80x128xi32, #tpu.memory_space<hbm>>
    %dma_wait3A_31 = arith.constant 0 : i32
    %dma_wait3A_32 = tpu.memref_slice %arg3[%mul3A_29, %dma_wait3A_31] : memref<2560x128xi32, #tpu.memory_space<hbm>> -> memref<80x128xi32, #tpu.memory_space<hbm>>
    tpu.wait_dma2 semaphore(%arg14 : memref<!tpu.dma_semaphore, #tpu.memory_space<semaphore_mem>>) src(%dma_wait3A_32 : memref<80x128xi32, #tpu.memory_space<hbm>>) dst(%arg7 : memref<80x128xi32, #tpu.memory_space<vmem>>)
    %mul3A_33 = arith.constant 80 : i32
    %mul3A_34 = arith.muli %add3A, %mul3A_33 : i32
    %dma_wait3A_35 = arith.constant 0 : i32
    %dma_wait3A_36 = tpu.memref_slice %arg4[%mul3A_34, %dma_wait3A_35] : memref<2560x128xi32, #tpu.memory_space<hbm>> -> memref<80x128xi32, #tpu.memory_space<hbm>>
    %dma_wait3A_37 = arith.constant 0 : i32
    %dma_wait3A_38 = tpu.memref_slice %arg4[%mul3A_34, %dma_wait3A_37] : memref<2560x128xi32, #tpu.memory_space<hbm>> -> memref<80x128xi32, #tpu.memory_space<hbm>>
    tpu.wait_dma2 semaphore(%arg14 : memref<!tpu.dma_semaphore, #tpu.memory_space<semaphore_mem>>) src(%dma_wait3A_38 : memref<80x128xi32, #tpu.memory_space<hbm>>) dst(%arg8 : memref<80x128xi32, #tpu.memory_space<vmem>>)
    %mul3A_39 = arith.constant 640 : i32
    %mul3A_40 = arith.muli %arg1, %mul3A_39 : i32
    %mul3A_41 = arith.constant 640 : i32
    %mul3A_42 = arith.muli %arg1, %mul3A_41 : i32
    %dma_wait3A_43 = arith.constant 0 : i32
    %dma_wait3A_44 = tpu.memref_slice %arg10[%mul3A_42, %dma_wait3A_43] : memref<10240x48xf32, #tpu.memory_space<vmem_shared>> -> memref<640x48xf32, #tpu.memory_space<vmem_shared>>
    %dma_wait3A_45 = arith.constant 0 : i32
    %dma_wait3A_46 = tpu.memref_slice %arg5[%mul3A_40, %dma_wait3A_45] : memref<10240x48xf32, #tpu.memory_space<hbm>> -> memref<640x48xf32, #tpu.memory_space<hbm>>
    tpu.wait_dma2 semaphore(%arg14 : memref<!tpu.dma_semaphore, #tpu.memory_space<semaphore_mem>>) src(%dma_wait3A_46 : memref<640x48xf32, #tpu.memory_space<hbm>>) dst(%dma_wait3A_44 : memref<640x48xf32, #tpu.memory_space<vmem_shared>>)
    %mul3A_47 = arith.constant 640 : i32
    %mul3A_48 = arith.muli %arg1, %mul3A_47 : i32
    %mul3A_49 = arith.constant 640 : i32
    %mul3A_50 = arith.muli %arg1, %mul3A_49 : i32
    %dma_wait3A_51 = arith.constant 0 : i32
    %dma_wait3A_52 = tpu.memref_slice %arg11[%mul3A_50, %dma_wait3A_51] : memref<10240x48xf32, #tpu.memory_space<vmem_shared>> -> memref<640x48xf32, #tpu.memory_space<vmem_shared>>
    %dma_wait3A_53 = arith.constant 0 : i32
    %dma_wait3A_54 = tpu.memref_slice %arg2[%mul3A_48, %dma_wait3A_53] : memref<10240x48xf32, #tpu.memory_space<hbm>> -> memref<640x48xf32, #tpu.memory_space<hbm>>
    tpu.wait_dma2 semaphore(%arg14 : memref<!tpu.dma_semaphore, #tpu.memory_space<semaphore_mem>>) src(%dma_wait3A_54 : memref<640x48xf32, #tpu.memory_space<hbm>>) dst(%dma_wait3A_52 : memref<640x48xf32, #tpu.memory_space<vmem_shared>>)
    %barrier3A = arith.constant 0 : index
    tpu.barrier barrier_id(%barrier3A)
    %dma_start3A_55 = arith.constant 0 : i32
    %dma_start3A_56 = arith.constant 0 : i32
    %dma_start3A_57 = arith.constant 0 : i32
    %dma_start3A_58 = arith.constant 0 : i32
    %dma_start3A_59 = arith.constant 0 : i32
    %dma_start3A_60 = tpu.memref_slice %arg9[%dma_start3A_56, %dma_start3A_58, %dma_start3A_59] : memref<8x128x48xf32, #tpu.memory_space<vmem>> -> memref<1x128x48xf32, #tpu.memory_space<vmem>>
    %dma_start3A_61 = tpu.memref_squeeze %dma_start3A_60 : memref<1x128x48xf32, #tpu.memory_space<vmem>> -> memref<128x48xf32, #tpu.memory_space<vmem>>
    %dma_start3A_62 = arith.constant 0 : i32
    %dma_start3A_63 = tpu.memref_slice %arg7[%dma_start3A_55, %dma_start3A_62] : memref<80x128xi32, #tpu.memory_space<vmem>> -> memref<1x128xi32, #tpu.memory_space<vmem>>
    %dma_start3A_64 = tpu.memref_squeeze %dma_start3A_63 : memref<1x128xi32, #tpu.memory_space<vmem>> -> memref<128xi32, #tpu.memory_space<vmem>>
    %dma_start3A_65 = arith.constant 0 : i32
    %dma_start3A_66 = arith.constant 0 : i32
    %dma_start3A_67 = tpu.memref_slice %arg11[%dma_start3A_65, %dma_start3A_66] : memref<10240x48xf32, #tpu.memory_space<vmem_shared>> -> memref<10240x48xf32, #tpu.memory_space<vmem_shared>>
    %dma_start3A_68 = tpu.memref_slice %arg12[%dma_start3A_57] : memref<8x!tpu.dma_semaphore, #tpu.memory_space<semaphore_mem>> -> memref<1x!tpu.dma_semaphore, #tpu.memory_space<semaphore_mem>>
    %dma_start3A_69 = tpu.memref_squeeze %dma_start3A_68 : memref<1x!tpu.dma_semaphore, #tpu.memory_space<semaphore_mem>> -> memref<!tpu.dma_semaphore, #tpu.memory_space<semaphore_mem>>
    tpu.enqueue_indirect_dma source(%dma_start3A_67 : memref<10240x48xf32, #tpu.memory_space<vmem_shared>>) target(%dma_start3A_61 : memref<128x48xf32, #tpu.memory_space<vmem>>) offsets(%dma_start3A_64 : memref<128xi32, #tpu.memory_space<vmem>>) semaphore(%dma_start3A_69 : memref<!tpu.dma_semaphore, #tpu.memory_space<semaphore_mem>>)
    %dma_start3A_70 = arith.constant 1 : i32
    %dma_start3A_71 = arith.constant 1 : i32
    %dma_start3A_72 = arith.constant 1 : i32
    %dma_start3A_73 = arith.constant 0 : i32
    %dma_start3A_74 = arith.constant 0 : i32
    %dma_start3A_75 = tpu.memref_slice %arg9[%dma_start3A_71, %dma_start3A_73, %dma_start3A_74] : memref<8x128x48xf32, #tpu.memory_space<vmem>> -> memref<1x128x48xf32, #tpu.memory_space<vmem>>
    %dma_start3A_76 = tpu.memref_squeeze %dma_start3A_75 : memref<1x128x48xf32, #tpu.memory_space<vmem>> -> memref<128x48xf32, #tpu.memory_space<vmem>>
    %dma_start3A_77 = arith.constant 0 : i32
    %dma_start3A_78 = tpu.memref_slice %arg7[%dma_start3A_70, %dma_start3A_77] : memref<80x128xi32, #tpu.memory_space<vmem>> -> memref<1x128xi32, #tpu.memory_space<vmem>>
    %dma_start3A_79 = tpu.memref_squeeze %dma_start3A_78 : memref<1x128xi32, #tpu.memory_space<vmem>> -> memref<128xi32, #tpu.memory_space<vmem>>
    %dma_start3A_80 = arith.constant 0 : i32
    %dma_start3A_81 = arith.constant 0 : i32
    %dma_start3A_82 = tpu.memref_slice %arg11[%dma_start3A_80, %dma_start3A_81] : memref<10240x48xf32, #tpu.memory_space<vmem_shared>> -> memref<10240x48xf32, #tpu.memory_space<vmem_shared>>
    %dma_start3A_83 = tpu.memref_slice %arg12[%dma_start3A_72] : memref<8x!tpu.dma_semaphore, #tpu.memory_space<semaphore_mem>> -> memref<1x!tpu.dma_semaphore, #tpu.memory_space<semaphore_mem>>
    %dma_start3A_84 = tpu.memref_squeeze %dma_start3A_83 : memref<1x!tpu.dma_semaphore, #tpu.memory_space<semaphore_mem>> -> memref<!tpu.dma_semaphore, #tpu.memory_space<semaphore_mem>>
    tpu.enqueue_indirect_dma source(%dma_start3A_82 : memref<10240x48xf32, #tpu.memory_space<vmem_shared>>) target(%dma_start3A_76 : memref<128x48xf32, #tpu.memory_space<vmem>>) offsets(%dma_start3A_79 : memref<128xi32, #tpu.memory_space<vmem>>) semaphore(%dma_start3A_84 : memref<!tpu.dma_semaphore, #tpu.memory_space<semaphore_mem>>)
    %dma_start3A_85 = arith.constant 2 : i32
    %dma_start3A_86 = arith.constant 2 : i32
    %dma_start3A_87 = arith.constant 2 : i32
    %dma_start3A_88 = arith.constant 0 : i32
    %dma_start3A_89 = arith.constant 0 : i32
    %dma_start3A_90 = tpu.memref_slice %arg9[%dma_start3A_86, %dma_start3A_88, %dma_start3A_89] : memref<8x128x48xf32, #tpu.memory_space<vmem>> -> memref<1x128x48xf32, #tpu.memory_space<vmem>>
    %dma_start3A_91 = tpu.memref_squeeze %dma_start3A_90 : memref<1x128x48xf32, #tpu.memory_space<vmem>> -> memref<128x48xf32, #tpu.memory_space<vmem>>
    %dma_start3A_92 = arith.constant 0 : i32
    %dma_start3A_93 = tpu.memref_slice %arg7[%dma_start3A_85, %dma_start3A_92] : memref<80x128xi32, #tpu.memory_space<vmem>> -> memref<1x128xi32, #tpu.memory_space<vmem>>
    %dma_start3A_94 = tpu.memref_squeeze %dma_start3A_93 : memref<1x128xi32, #tpu.memory_space<vmem>> -> memref<128xi32, #tpu.memory_space<vmem>>
    %dma_start3A_95 = arith.constant 0 : i32
    %dma_start3A_96 = arith.constant 0 : i32
    %dma_start3A_97 = tpu.memref_slice %arg11[%dma_start3A_95, %dma_start3A_96] : memref<10240x48xf32, #tpu.memory_space<vmem_shared>> -> memref<10240x48xf32, #tpu.memory_space<vmem_shared>>
    %dma_start3A_98 = tpu.memref_slice %arg12[%dma_start3A_87] : memref<8x!tpu.dma_semaphore, #tpu.memory_space<semaphore_mem>> -> memref<1x!tpu.dma_semaphore, #tpu.memory_space<semaphore_mem>>
    %dma_start3A_99 = tpu.memref_squeeze %dma_start3A_98 : memref<1x!tpu.dma_semaphore, #tpu.memory_space<semaphore_mem>> -> memref<!tpu.dma_semaphore, #tpu.memory_space<semaphore_mem>>
    tpu.enqueue_indirect_dma source(%dma_start3A_97 : memref<10240x48xf32, #tpu.memory_space<vmem_shared>>) target(%dma_start3A_91 : memref<128x48xf32, #tpu.memory_space<vmem>>) offsets(%dma_start3A_94 : memref<128xi32, #tpu.memory_space<vmem>>) semaphore(%dma_start3A_99 : memref<!tpu.dma_semaphore, #tpu.memory_space<semaphore_mem>>)
    %dma_start3A_100 = arith.constant 3 : i32
    %dma_start3A_101 = arith.constant 3 : i32
    %dma_start3A_102 = arith.constant 3 : i32
    %dma_start3A_103 = arith.constant 0 : i32
    %dma_start3A_104 = arith.constant 0 : i32
    %dma_start3A_105 = tpu.memref_slice %arg9[%dma_start3A_101, %dma_start3A_103, %dma_start3A_104] : memref<8x128x48xf32, #tpu.memory_space<vmem>> -> memref<1x128x48xf32, #tpu.memory_space<vmem>>
    %dma_start3A_106 = tpu.memref_squeeze %dma_start3A_105 : memref<1x128x48xf32, #tpu.memory_space<vmem>> -> memref<128x48xf32, #tpu.memory_space<vmem>>
    %dma_start3A_107 = arith.constant 0 : i32
    %dma_start3A_108 = tpu.memref_slice %arg7[%dma_start3A_100, %dma_start3A_107] : memref<80x128xi32, #tpu.memory_space<vmem>> -> memref<1x128xi32, #tpu.memory_space<vmem>>
    %dma_start3A_109 = tpu.memref_squeeze %dma_start3A_108 : memref<1x128xi32, #tpu.memory_space<vmem>> -> memref<128xi32, #tpu.memory_space<vmem>>
    %dma_start3A_110 = arith.constant 0 : i32
    %dma_start3A_111 = arith.constant 0 : i32
    %dma_start3A_112 = tpu.memref_slice %arg11[%dma_start3A_110, %dma_start3A_111] : memref<10240x48xf32, #tpu.memory_space<vmem_shared>> -> memref<10240x48xf32, #tpu.memory_space<vmem_shared>>
    %dma_start3A_113 = tpu.memref_slice %arg12[%dma_start3A_102] : memref<8x!tpu.dma_semaphore, #tpu.memory_space<semaphore_mem>> -> memref<1x!tpu.dma_semaphore, #tpu.memory_space<semaphore_mem>>
    %dma_start3A_114 = tpu.memref_squeeze %dma_start3A_113 : memref<1x!tpu.dma_semaphore, #tpu.memory_space<semaphore_mem>> -> memref<!tpu.dma_semaphore, #tpu.memory_space<semaphore_mem>>
    tpu.enqueue_indirect_dma source(%dma_start3A_112 : memref<10240x48xf32, #tpu.memory_space<vmem_shared>>) target(%dma_start3A_106 : memref<128x48xf32, #tpu.memory_space<vmem>>) offsets(%dma_start3A_109 : memref<128xi32, #tpu.memory_space<vmem>>) semaphore(%dma_start3A_114 : memref<!tpu.dma_semaphore, #tpu.memory_space<semaphore_mem>>)
    %dma_start3A_115 = arith.constant 4 : i32
    %dma_start3A_116 = arith.constant 4 : i32
    %dma_start3A_117 = arith.constant 4 : i32
    %dma_start3A_118 = arith.constant 0 : i32
    %dma_start3A_119 = arith.constant 0 : i32
    %dma_start3A_120 = tpu.memref_slice %arg9[%dma_start3A_116, %dma_start3A_118, %dma_start3A_119] : memref<8x128x48xf32, #tpu.memory_space<vmem>> -> memref<1x128x48xf32, #tpu.memory_space<vmem>>
    %dma_start3A_121 = tpu.memref_squeeze %dma_start3A_120 : memref<1x128x48xf32, #tpu.memory_space<vmem>> -> memref<128x48xf32, #tpu.memory_space<vmem>>
    %dma_start3A_122 = arith.constant 0 : i32
    %dma_start3A_123 = tpu.memref_slice %arg7[%dma_start3A_115, %dma_start3A_122] : memref<80x128xi32, #tpu.memory_space<vmem>> -> memref<1x128xi32, #tpu.memory_space<vmem>>
    %dma_start3A_124 = tpu.memref_squeeze %dma_start3A_123 : memref<1x128xi32, #tpu.memory_space<vmem>> -> memref<128xi32, #tpu.memory_space<vmem>>
    %dma_start3A_125 = arith.constant 0 : i32
    %dma_start3A_126 = arith.constant 0 : i32
    %dma_start3A_127 = tpu.memref_slice %arg11[%dma_start3A_125, %dma_start3A_126] : memref<10240x48xf32, #tpu.memory_space<vmem_shared>> -> memref<10240x48xf32, #tpu.memory_space<vmem_shared>>
    %dma_start3A_128 = tpu.memref_slice %arg12[%dma_start3A_117] : memref<8x!tpu.dma_semaphore, #tpu.memory_space<semaphore_mem>> -> memref<1x!tpu.dma_semaphore, #tpu.memory_space<semaphore_mem>>
    %dma_start3A_129 = tpu.memref_squeeze %dma_start3A_128 : memref<1x!tpu.dma_semaphore, #tpu.memory_space<semaphore_mem>> -> memref<!tpu.dma_semaphore, #tpu.memory_space<semaphore_mem>>
    tpu.enqueue_indirect_dma source(%dma_start3A_127 : memref<10240x48xf32, #tpu.memory_space<vmem_shared>>) target(%dma_start3A_121 : memref<128x48xf32, #tpu.memory_space<vmem>>) offsets(%dma_start3A_124 : memref<128xi32, #tpu.memory_space<vmem>>) semaphore(%dma_start3A_129 : memref<!tpu.dma_semaphore, #tpu.memory_space<semaphore_mem>>)
    %dma_start3A_130 = arith.constant 5 : i32
    %dma_start3A_131 = arith.constant 5 : i32
    %dma_start3A_132 = arith.constant 5 : i32
    %dma_start3A_133 = arith.constant 0 : i32
    %dma_start3A_134 = arith.constant 0 : i32
    %dma_start3A_135 = tpu.memref_slice %arg9[%dma_start3A_131, %dma_start3A_133, %dma_start3A_134] : memref<8x128x48xf32, #tpu.memory_space<vmem>> -> memref<1x128x48xf32, #tpu.memory_space<vmem>>
    %dma_start3A_136 = tpu.memref_squeeze %dma_start3A_135 : memref<1x128x48xf32, #tpu.memory_space<vmem>> -> memref<128x48xf32, #tpu.memory_space<vmem>>
    %dma_start3A_137 = arith.constant 0 : i32
    %dma_start3A_138 = tpu.memref_slice %arg7[%dma_start3A_130, %dma_start3A_137] : memref<80x128xi32, #tpu.memory_space<vmem>> -> memref<1x128xi32, #tpu.memory_space<vmem>>
    %dma_start3A_139 = tpu.memref_squeeze %dma_start3A_138 : memref<1x128xi32, #tpu.memory_space<vmem>> -> memref<128xi32, #tpu.memory_space<vmem>>
    %dma_start3A_140 = arith.constant 0 : i32
    %dma_start3A_141 = arith.constant 0 : i32
    %dma_start3A_142 = tpu.memref_slice %arg11[%dma_start3A_140, %dma_start3A_141] : memref<10240x48xf32, #tpu.memory_space<vmem_shared>> -> memref<10240x48xf32, #tpu.memory_space<vmem_shared>>
    %dma_start3A_143 = tpu.memref_slice %arg12[%dma_start3A_132] : memref<8x!tpu.dma_semaphore, #tpu.memory_space<semaphore_mem>> -> memref<1x!tpu.dma_semaphore, #tpu.memory_space<semaphore_mem>>
    %dma_start3A_144 = tpu.memref_squeeze %dma_start3A_143 : memref<1x!tpu.dma_semaphore, #tpu.memory_space<semaphore_mem>> -> memref<!tpu.dma_semaphore, #tpu.memory_space<semaphore_mem>>
    tpu.enqueue_indirect_dma source(%dma_start3A_142 : memref<10240x48xf32, #tpu.memory_space<vmem_shared>>) target(%dma_start3A_136 : memref<128x48xf32, #tpu.memory_space<vmem>>) offsets(%dma_start3A_139 : memref<128xi32, #tpu.memory_space<vmem>>) semaphore(%dma_start3A_144 : memref<!tpu.dma_semaphore, #tpu.memory_space<semaphore_mem>>)
    %dma_start3A_145 = arith.constant 6 : i32
    %dma_start3A_146 = arith.constant 6 : i32
    %dma_start3A_147 = arith.constant 6 : i32
    %dma_start3A_148 = arith.constant 0 : i32
    %dma_start3A_149 = arith.constant 0 : i32
    %dma_start3A_150 = tpu.memref_slice %arg9[%dma_start3A_146, %dma_start3A_148, %dma_start3A_149] : memref<8x128x48xf32, #tpu.memory_space<vmem>> -> memref<1x128x48xf32, #tpu.memory_space<vmem>>
    %dma_start3A_151 = tpu.memref_squeeze %dma_start3A_150 : memref<1x128x48xf32, #tpu.memory_space<vmem>> -> memref<128x48xf32, #tpu.memory_space<vmem>>
    %dma_start3A_152 = arith.constant 0 : i32
    %dma_start3A_153 = tpu.memref_slice %arg7[%dma_start3A_145, %dma_start3A_152] : memref<80x128xi32, #tpu.memory_space<vmem>> -> memref<1x128xi32, #tpu.memory_space<vmem>>
    %dma_start3A_154 = tpu.memref_squeeze %dma_start3A_153 : memref<1x128xi32, #tpu.memory_space<vmem>> -> memref<128xi32, #tpu.memory_space<vmem>>
    %dma_start3A_155 = arith.constant 0 : i32
    %dma_start3A_156 = arith.constant 0 : i32
    %dma_start3A_157 = tpu.memref_slice %arg11[%dma_start3A_155, %dma_start3A_156] : memref<10240x48xf32, #tpu.memory_space<vmem_shared>> -> memref<10240x48xf32, #tpu.memory_space<vmem_shared>>
    %dma_start3A_158 = tpu.memref_slice %arg12[%dma_start3A_147] : memref<8x!tpu.dma_semaphore, #tpu.memory_space<semaphore_mem>> -> memref<1x!tpu.dma_semaphore, #tpu.memory_space<semaphore_mem>>
    %dma_start3A_159 = tpu.memref_squeeze %dma_start3A_158 : memref<1x!tpu.dma_semaphore, #tpu.memory_space<semaphore_mem>> -> memref<!tpu.dma_semaphore, #tpu.memory_space<semaphore_mem>>
    tpu.enqueue_indirect_dma source(%dma_start3A_157 : memref<10240x48xf32, #tpu.memory_space<vmem_shared>>) target(%dma_start3A_151 : memref<128x48xf32, #tpu.memory_space<vmem>>) offsets(%dma_start3A_154 : memref<128xi32, #tpu.memory_space<vmem>>) semaphore(%dma_start3A_159 : memref<!tpu.dma_semaphore, #tpu.memory_space<semaphore_mem>>)
    %dma_start3A_160 = arith.constant 7 : i32
    %dma_start3A_161 = arith.constant 7 : i32
    %dma_start3A_162 = arith.constant 7 : i32
    %dma_start3A_163 = arith.constant 0 : i32
    %dma_start3A_164 = arith.constant 0 : i32
    %dma_start3A_165 = tpu.memref_slice %arg9[%dma_start3A_161, %dma_start3A_163, %dma_start3A_164] : memref<8x128x48xf32, #tpu.memory_space<vmem>> -> memref<1x128x48xf32, #tpu.memory_space<vmem>>
    %dma_start3A_166 = tpu.memref_squeeze %dma_start3A_165 : memref<1x128x48xf32, #tpu.memory_space<vmem>> -> memref<128x48xf32, #tpu.memory_space<vmem>>
    %dma_start3A_167 = arith.constant 0 : i32
    %dma_start3A_168 = tpu.memref_slice %arg7[%dma_start3A_160, %dma_start3A_167] : memref<80x128xi32, #tpu.memory_space<vmem>> -> memref<1x128xi32, #tpu.memory_space<vmem>>
    %dma_start3A_169 = tpu.memref_squeeze %dma_start3A_168 : memref<1x128xi32, #tpu.memory_space<vmem>> -> memref<128xi32, #tpu.memory_space<vmem>>
    %dma_start3A_170 = arith.constant 0 : i32
    %dma_start3A_171 = arith.constant 0 : i32
    %dma_start3A_172 = tpu.memref_slice %arg11[%dma_start3A_170, %dma_start3A_171] : memref<10240x48xf32, #tpu.memory_space<vmem_shared>> -> memref<10240x48xf32, #tpu.memory_space<vmem_shared>>
    %dma_start3A_173 = tpu.memref_slice %arg12[%dma_start3A_162] : memref<8x!tpu.dma_semaphore, #tpu.memory_space<semaphore_mem>> -> memref<1x!tpu.dma_semaphore, #tpu.memory_space<semaphore_mem>>
    %dma_start3A_174 = tpu.memref_squeeze %dma_start3A_173 : memref<1x!tpu.dma_semaphore, #tpu.memory_space<semaphore_mem>> -> memref<!tpu.dma_semaphore, #tpu.memory_space<semaphore_mem>>
    tpu.enqueue_indirect_dma source(%dma_start3A_172 : memref<10240x48xf32, #tpu.memory_space<vmem_shared>>) target(%dma_start3A_166 : memref<128x48xf32, #tpu.memory_space<vmem>>) offsets(%dma_start3A_169 : memref<128xi32, #tpu.memory_space<vmem>>) semaphore(%dma_start3A_174 : memref<!tpu.dma_semaphore, #tpu.memory_space<semaphore_mem>>)
    %scan3A = arith.constant 0 : i32
    %scan3A_175 = arith.constant 0 : i32
    %scan3A_176 = arith.constant 10 : i32
    %scan3A_177 = arith.addi %scan3A_175, %scan3A_176 : i32
    %scan3A_178 = arith.constant 1 : i32
    scf.for %scan3A_188 = %scan3A_175 to %scan3A_177 step %scan3A_178  : i32 {
      %mul3A_189 = arith.constant 8 : i32
      %mul3A_190 = arith.muli %scan3A_188, %mul3A_189 : i32
      %add3A_191 = arith.constant 0 : i32
      %add3A_192 = arith.addi %mul3A_190, %add3A_191 : i32
      %dma_wait3A_193 = arith.constant 0 : i32
      %dma_wait3A_194 = arith.constant 0 : i32
      %dma_wait3A_195 = arith.constant 0 : i32
      %dma_wait3A_196 = arith.constant 0 : i32
      %dma_wait3A_197 = tpu.memref_slice %arg9[%dma_wait3A_193, %dma_wait3A_195, %dma_wait3A_196] : memref<8x128x48xf32, #tpu.memory_space<vmem>> -> memref<1x128x48xf32, #tpu.memory_space<vmem>>
      %dma_wait3A_198 = tpu.memref_squeeze %dma_wait3A_197 : memref<1x128x48xf32, #tpu.memory_space<vmem>> -> memref<128x48xf32, #tpu.memory_space<vmem>>
      %dma_wait3A_199 = arith.constant 0 : i32
      %dma_wait3A_200 = tpu.memref_slice %arg7[%add3A_192, %dma_wait3A_199] : memref<80x128xi32, #tpu.memory_space<vmem>> -> memref<1x128xi32, #tpu.memory_space<vmem>>
      %dma_wait3A_201 = tpu.memref_squeeze %dma_wait3A_200 : memref<1x128xi32, #tpu.memory_space<vmem>> -> memref<128xi32, #tpu.memory_space<vmem>>
      %dma_wait3A_202 = arith.constant 0 : i32
      %dma_wait3A_203 = arith.constant 0 : i32
      %dma_wait3A_204 = tpu.memref_slice %arg11[%dma_wait3A_202, %dma_wait3A_203] : memref<10240x48xf32, #tpu.memory_space<vmem_shared>> -> memref<10240x48xf32, #tpu.memory_space<vmem_shared>>
      %dma_wait3A_205 = tpu.memref_slice %arg12[%dma_wait3A_194] : memref<8x!tpu.dma_semaphore, #tpu.memory_space<semaphore_mem>> -> memref<1x!tpu.dma_semaphore, #tpu.memory_space<semaphore_mem>>
      %dma_wait3A_206 = tpu.memref_squeeze %dma_wait3A_205 : memref<1x!tpu.dma_semaphore, #tpu.memory_space<semaphore_mem>> -> memref<!tpu.dma_semaphore, #tpu.memory_space<semaphore_mem>>
      tpu.wait_indirect_dma semaphore(%dma_wait3A_206 : memref<!tpu.dma_semaphore, #tpu.memory_space<semaphore_mem>>) src(%dma_wait3A_204 : memref<10240x48xf32, #tpu.memory_space<vmem_shared>>) dst(%dma_wait3A_198 : memref<128x48xf32, #tpu.memory_space<vmem>>)
      %dma_start3A_207 = arith.constant 0 : i32
      %dma_start3A_208 = arith.constant 0 : i32
      %dma_start3A_209 = arith.constant 0 : i32
      %dma_start3A_210 = arith.constant 0 : i32
      %dma_start3A_211 = tpu.memref_slice %arg9[%dma_start3A_207, %dma_start3A_209, %dma_start3A_210] : memref<8x128x48xf32, #tpu.memory_space<vmem>> -> memref<1x128x48xf32, #tpu.memory_space<vmem>>
      %dma_start3A_212 = tpu.memref_squeeze %dma_start3A_211 : memref<1x128x48xf32, #tpu.memory_space<vmem>> -> memref<128x48xf32, #tpu.memory_space<vmem>>
      %dma_start3A_213 = arith.constant 0 : i32
      %dma_start3A_214 = tpu.memref_slice %arg8[%add3A_192, %dma_start3A_213] : memref<80x128xi32, #tpu.memory_space<vmem>> -> memref<1x128xi32, #tpu.memory_space<vmem>>
      %dma_start3A_215 = tpu.memref_squeeze %dma_start3A_214 : memref<1x128xi32, #tpu.memory_space<vmem>> -> memref<128xi32, #tpu.memory_space<vmem>>
      %dma_start3A_216 = arith.constant 0 : i32
      %dma_start3A_217 = arith.constant 0 : i32
      %dma_start3A_218 = tpu.memref_slice %arg10[%dma_start3A_216, %dma_start3A_217] : memref<10240x48xf32, #tpu.memory_space<vmem_shared>> -> memref<10240x48xf32, #tpu.memory_space<vmem_shared>>
      %dma_start3A_219 = tpu.memref_slice %arg13[%dma_start3A_208] : memref<8x!tpu.dma_semaphore, #tpu.memory_space<semaphore_mem>> -> memref<1x!tpu.dma_semaphore, #tpu.memory_space<semaphore_mem>>
      %dma_start3A_220 = tpu.memref_squeeze %dma_start3A_219 : memref<1x!tpu.dma_semaphore, #tpu.memory_space<semaphore_mem>> -> memref<!tpu.dma_semaphore, #tpu.memory_space<semaphore_mem>>
      tpu.enqueue_indirect_dma source(%dma_start3A_212 : memref<128x48xf32, #tpu.memory_space<vmem>>) target(%dma_start3A_218 : memref<10240x48xf32, #tpu.memory_space<vmem_shared>>) offsets(%dma_start3A_215 : memref<128xi32, #tpu.memory_space<vmem>>) semaphore(%dma_start3A_220 : memref<!tpu.dma_semaphore, #tpu.memory_space<semaphore_mem>>) {add = true}
      %add3A_221 = arith.constant 1 : i32
      %add3A_222 = arith.addi %mul3A_190, %add3A_221 : i32
      %dma_wait3A_223 = arith.constant 1 : i32
      %dma_wait3A_224 = arith.constant 1 : i32
      %dma_wait3A_225 = arith.constant 0 : i32
      %dma_wait3A_226 = arith.constant 0 : i32
      %dma_wait3A_227 = tpu.memref_slice %arg9[%dma_wait3A_223, %dma_wait3A_225, %dma_wait3A_226] : memref<8x128x48xf32, #tpu.memory_space<vmem>> -> memref<1x128x48xf32, #tpu.memory_space<vmem>>
      %dma_wait3A_228 = tpu.memref_squeeze %dma_wait3A_227 : memref<1x128x48xf32, #tpu.memory_space<vmem>> -> memref<128x48xf32, #tpu.memory_space<vmem>>
      %dma_wait3A_229 = arith.constant 0 : i32
      %dma_wait3A_230 = tpu.memref_slice %arg7[%add3A_222, %dma_wait3A_229] : memref<80x128xi32, #tpu.memory_space<vmem>> -> memref<1x128xi32, #tpu.memory_space<vmem>>
      %dma_wait3A_231 = tpu.memref_squeeze %dma_wait3A_230 : memref<1x128xi32, #tpu.memory_space<vmem>> -> memref<128xi32, #tpu.memory_space<vmem>>
      %dma_wait3A_232 = arith.constant 0 : i32
      %dma_wait3A_233 = arith.constant 0 : i32
      %dma_wait3A_234 = tpu.memref_slice %arg11[%dma_wait3A_232, %dma_wait3A_233] : memref<10240x48xf32, #tpu.memory_space<vmem_shared>> -> memref<10240x48xf32, #tpu.memory_space<vmem_shared>>
      %dma_wait3A_235 = tpu.memref_slice %arg12[%dma_wait3A_224] : memref<8x!tpu.dma_semaphore, #tpu.memory_space<semaphore_mem>> -> memref<1x!tpu.dma_semaphore, #tpu.memory_space<semaphore_mem>>
      %dma_wait3A_236 = tpu.memref_squeeze %dma_wait3A_235 : memref<1x!tpu.dma_semaphore, #tpu.memory_space<semaphore_mem>> -> memref<!tpu.dma_semaphore, #tpu.memory_space<semaphore_mem>>
      tpu.wait_indirect_dma semaphore(%dma_wait3A_236 : memref<!tpu.dma_semaphore, #tpu.memory_space<semaphore_mem>>) src(%dma_wait3A_234 : memref<10240x48xf32, #tpu.memory_space<vmem_shared>>) dst(%dma_wait3A_228 : memref<128x48xf32, #tpu.memory_space<vmem>>)
      %dma_start3A_237 = arith.constant 1 : i32
      %dma_start3A_238 = arith.constant 1 : i32
      %dma_start3A_239 = arith.constant 0 : i32
      %dma_start3A_240 = arith.constant 0 : i32
      %dma_start3A_241 = tpu.memref_slice %arg9[%dma_start3A_237, %dma_start3A_239, %dma_start3A_240] : memref<8x128x48xf32, #tpu.memory_space<vmem>> -> memref<1x128x48xf32, #tpu.memory_space<vmem>>
      %dma_start3A_242 = tpu.memref_squeeze %dma_start3A_241 : memref<1x128x48xf32, #tpu.memory_space<vmem>> -> memref<128x48xf32, #tpu.memory_space<vmem>>
      %dma_start3A_243 = arith.constant 0 : i32
      %dma_start3A_244 = tpu.memref_slice %arg8[%add3A_222, %dma_start3A_243] : memref<80x128xi32, #tpu.memory_space<vmem>> -> memref<1x128xi32, #tpu.memory_space<vmem>>
      %dma_start3A_245 = tpu.memref_squeeze %dma_start3A_244 : memref<1x128xi32, #tpu.memory_space<vmem>> -> memref<128xi32, #tpu.memory_space<vmem>>
      %dma_start3A_246 = arith.constant 0 : i32
      %dma_start3A_247 = arith.constant 0 : i32
      %dma_start3A_248 = tpu.memref_slice %arg10[%dma_start3A_246, %dma_start3A_247] : memref<10240x48xf32, #tpu.memory_space<vmem_shared>> -> memref<10240x48xf32, #tpu.memory_space<vmem_shared>>
      %dma_start3A_249 = tpu.memref_slice %arg13[%dma_start3A_238] : memref<8x!tpu.dma_semaphore, #tpu.memory_space<semaphore_mem>> -> memref<1x!tpu.dma_semaphore, #tpu.memory_space<semaphore_mem>>
      %dma_start3A_250 = tpu.memref_squeeze %dma_start3A_249 : memref<1x!tpu.dma_semaphore, #tpu.memory_space<semaphore_mem>> -> memref<!tpu.dma_semaphore, #tpu.memory_space<semaphore_mem>>
      tpu.enqueue_indirect_dma source(%dma_start3A_242 : memref<128x48xf32, #tpu.memory_space<vmem>>) target(%dma_start3A_248 : memref<10240x48xf32, #tpu.memory_space<vmem_shared>>) offsets(%dma_start3A_245 : memref<128xi32, #tpu.memory_space<vmem>>) semaphore(%dma_start3A_250 : memref<!tpu.dma_semaphore, #tpu.memory_space<semaphore_mem>>) {add = true}
      %add3A_251 = arith.constant 2 : i32
      %add3A_252 = arith.addi %mul3A_190, %add3A_251 : i32
      %dma_wait3A_253 = arith.constant 2 : i32
      %dma_wait3A_254 = arith.constant 2 : i32
      %dma_wait3A_255 = arith.constant 0 : i32
      %dma_wait3A_256 = arith.constant 0 : i32
      %dma_wait3A_257 = tpu.memref_slice %arg9[%dma_wait3A_253, %dma_wait3A_255, %dma_wait3A_256] : memref<8x128x48xf32, #tpu.memory_space<vmem>> -> memref<1x128x48xf32, #tpu.memory_space<vmem>>
      %dma_wait3A_258 = tpu.memref_squeeze %dma_wait3A_257 : memref<1x128x48xf32, #tpu.memory_space<vmem>> -> memref<128x48xf32, #tpu.memory_space<vmem>>
      %dma_wait3A_259 = arith.constant 0 : i32
      %dma_wait3A_260 = tpu.memref_slice %arg7[%add3A_252, %dma_wait3A_259] : memref<80x128xi32, #tpu.memory_space<vmem>> -> memref<1x128xi32, #tpu.memory_space<vmem>>
      %dma_wait3A_261 = tpu.memref_squeeze %dma_wait3A_260 : memref<1x128xi32, #tpu.memory_space<vmem>> -> memref<128xi32, #tpu.memory_space<vmem>>
      %dma_wait3A_262 = arith.constant 0 : i32
      %dma_wait3A_263 = arith.constant 0 : i32
      %dma_wait3A_264 = tpu.memref_slice %arg11[%dma_wait3A_262, %dma_wait3A_263] : memref<10240x48xf32, #tpu.memory_space<vmem_shared>> -> memref<10240x48xf32, #tpu.memory_space<vmem_shared>>
      %dma_wait3A_265 = tpu.memref_slice %arg12[%dma_wait3A_254] : memref<8x!tpu.dma_semaphore, #tpu.memory_space<semaphore_mem>> -> memref<1x!tpu.dma_semaphore, #tpu.memory_space<semaphore_mem>>
      %dma_wait3A_266 = tpu.memref_squeeze %dma_wait3A_265 : memref<1x!tpu.dma_semaphore, #tpu.memory_space<semaphore_mem>> -> memref<!tpu.dma_semaphore, #tpu.memory_space<semaphore_mem>>
      tpu.wait_indirect_dma semaphore(%dma_wait3A_266 : memref<!tpu.dma_semaphore, #tpu.memory_space<semaphore_mem>>) src(%dma_wait3A_264 : memref<10240x48xf32, #tpu.memory_space<vmem_shared>>) dst(%dma_wait3A_258 : memref<128x48xf32, #tpu.memory_space<vmem>>)
      %dma_start3A_267 = arith.constant 2 : i32
      %dma_start3A_268 = arith.constant 2 : i32
      %dma_start3A_269 = arith.constant 0 : i32
      %dma_start3A_270 = arith.constant 0 : i32
      %dma_start3A_271 = tpu.memref_slice %arg9[%dma_start3A_267, %dma_start3A_269, %dma_start3A_270] : memref<8x128x48xf32, #tpu.memory_space<vmem>> -> memref<1x128x48xf32, #tpu.memory_space<vmem>>
      %dma_start3A_272 = tpu.memref_squeeze %dma_start3A_271 : memref<1x128x48xf32, #tpu.memory_space<vmem>> -> memref<128x48xf32, #tpu.memory_space<vmem>>
      %dma_start3A_273 = arith.constant 0 : i32
      %dma_start3A_274 = tpu.memref_slice %arg8[%add3A_252, %dma_start3A_273] : memref<80x128xi32, #tpu.memory_space<vmem>> -> memref<1x128xi32, #tpu.memory_space<vmem>>
      %dma_start3A_275 = tpu.memref_squeeze %dma_start3A_274 : memref<1x128xi32, #tpu.memory_space<vmem>> -> memref<128xi32, #tpu.memory_space<vmem>>
      %dma_start3A_276 = arith.constant 0 : i32
      %dma_start3A_277 = arith.constant 0 : i32
      %dma_start3A_278 = tpu.memref_slice %arg10[%dma_start3A_276, %dma_start3A_277] : memref<10240x48xf32, #tpu.memory_space<vmem_shared>> -> memref<10240x48xf32, #tpu.memory_space<vmem_shared>>
      %dma_start3A_279 = tpu.memref_slice %arg13[%dma_start3A_268] : memref<8x!tpu.dma_semaphore, #tpu.memory_space<semaphore_mem>> -> memref<1x!tpu.dma_semaphore, #tpu.memory_space<semaphore_mem>>
      %dma_start3A_280 = tpu.memref_squeeze %dma_start3A_279 : memref<1x!tpu.dma_semaphore, #tpu.memory_space<semaphore_mem>> -> memref<!tpu.dma_semaphore, #tpu.memory_space<semaphore_mem>>
      tpu.enqueue_indirect_dma source(%dma_start3A_272 : memref<128x48xf32, #tpu.memory_space<vmem>>) target(%dma_start3A_278 : memref<10240x48xf32, #tpu.memory_space<vmem_shared>>) offsets(%dma_start3A_275 : memref<128xi32, #tpu.memory_space<vmem>>) semaphore(%dma_start3A_280 : memref<!tpu.dma_semaphore, #tpu.memory_space<semaphore_mem>>) {add = true}
      %add3A_281 = arith.constant 3 : i32
      %add3A_282 = arith.addi %mul3A_190, %add3A_281 : i32
      %dma_wait3A_283 = arith.constant 3 : i32
      %dma_wait3A_284 = arith.constant 3 : i32
      %dma_wait3A_285 = arith.constant 0 : i32
      %dma_wait3A_286 = arith.constant 0 : i32
      %dma_wait3A_287 = tpu.memref_slice %arg9[%dma_wait3A_283, %dma_wait3A_285, %dma_wait3A_286] : memref<8x128x48xf32, #tpu.memory_space<vmem>> -> memref<1x128x48xf32, #tpu.memory_space<vmem>>
      %dma_wait3A_288 = tpu.memref_squeeze %dma_wait3A_287 : memref<1x128x48xf32, #tpu.memory_space<vmem>> -> memref<128x48xf32, #tpu.memory_space<vmem>>
      %dma_wait3A_289 = arith.constant 0 : i32
      %dma_wait3A_290 = tpu.memref_slice %arg7[%add3A_282, %dma_wait3A_289] : memref<80x128xi32, #tpu.memory_space<vmem>> -> memref<1x128xi32, #tpu.memory_space<vmem>>
      %dma_wait3A_291 = tpu.memref_squeeze %dma_wait3A_290 : memref<1x128xi32, #tpu.memory_space<vmem>> -> memref<128xi32, #tpu.memory_space<vmem>>
      %dma_wait3A_292 = arith.constant 0 : i32
      %dma_wait3A_293 = arith.constant 0 : i32
      %dma_wait3A_294 = tpu.memref_slice %arg11[%dma_wait3A_292, %dma_wait3A_293] : memref<10240x48xf32, #tpu.memory_space<vmem_shared>> -> memref<10240x48xf32, #tpu.memory_space<vmem_shared>>
      %dma_wait3A_295 = tpu.memref_slice %arg12[%dma_wait3A_284] : memref<8x!tpu.dma_semaphore, #tpu.memory_space<semaphore_mem>> -> memref<1x!tpu.dma_semaphore, #tpu.memory_space<semaphore_mem>>
      %dma_wait3A_296 = tpu.memref_squeeze %dma_wait3A_295 : memref<1x!tpu.dma_semaphore, #tpu.memory_space<semaphore_mem>> -> memref<!tpu.dma_semaphore, #tpu.memory_space<semaphore_mem>>
      tpu.wait_indirect_dma semaphore(%dma_wait3A_296 : memref<!tpu.dma_semaphore, #tpu.memory_space<semaphore_mem>>) src(%dma_wait3A_294 : memref<10240x48xf32, #tpu.memory_space<vmem_shared>>) dst(%dma_wait3A_288 : memref<128x48xf32, #tpu.memory_space<vmem>>)
      %dma_start3A_297 = arith.constant 3 : i32
      %dma_start3A_298 = arith.constant 3 : i32
      %dma_start3A_299 = arith.constant 0 : i32
      %dma_start3A_300 = arith.constant 0 : i32
      %dma_start3A_301 = tpu.memref_slice %arg9[%dma_start3A_297, %dma_start3A_299, %dma_start3A_300] : memref<8x128x48xf32, #tpu.memory_space<vmem>> -> memref<1x128x48xf32, #tpu.memory_space<vmem>>
      %dma_start3A_302 = tpu.memref_squeeze %dma_start3A_301 : memref<1x128x48xf32, #tpu.memory_space<vmem>> -> memref<128x48xf32, #tpu.memory_space<vmem>>
      %dma_start3A_303 = arith.constant 0 : i32
      %dma_start3A_304 = tpu.memref_slice %arg8[%add3A_282, %dma_start3A_303] : memref<80x128xi32, #tpu.memory_space<vmem>> -> memref<1x128xi32, #tpu.memory_space<vmem>>
      %dma_start3A_305 = tpu.memref_squeeze %dma_start3A_304 : memref<1x128xi32, #tpu.memory_space<vmem>> -> memref<128xi32, #tpu.memory_space<vmem>>
      %dma_start3A_306 = arith.constant 0 : i32
      %dma_start3A_307 = arith.constant 0 : i32
      %dma_start3A_308 = tpu.memref_slice %arg10[%dma_start3A_306, %dma_start3A_307] : memref<10240x48xf32, #tpu.memory_space<vmem_shared>> -> memref<10240x48xf32, #tpu.memory_space<vmem_shared>>
      %dma_start3A_309 = tpu.memref_slice %arg13[%dma_start3A_298] : memref<8x!tpu.dma_semaphore, #tpu.memory_space<semaphore_mem>> -> memref<1x!tpu.dma_semaphore, #tpu.memory_space<semaphore_mem>>
      %dma_start3A_310 = tpu.memref_squeeze %dma_start3A_309 : memref<1x!tpu.dma_semaphore, #tpu.memory_space<semaphore_mem>> -> memref<!tpu.dma_semaphore, #tpu.memory_space<semaphore_mem>>
      tpu.enqueue_indirect_dma source(%dma_start3A_302 : memref<128x48xf32, #tpu.memory_space<vmem>>) target(%dma_start3A_308 : memref<10240x48xf32, #tpu.memory_space<vmem_shared>>) offsets(%dma_start3A_305 : memref<128xi32, #tpu.memory_space<vmem>>) semaphore(%dma_start3A_310 : memref<!tpu.dma_semaphore, #tpu.memory_space<semaphore_mem>>) {add = true}
      %add3A_311 = arith.constant 0 : i32
      %add3A_312 = arith.addi %mul3A_190, %add3A_311 : i32
      %add3A_313 = arith.constant 8 : i32
      %add3A_314 = arith.addi %add3A_312, %add3A_313 : i32
      %min3A = arith.constant 79 : i32
      %min3A_315 = arith.minsi %add3A_314, %min3A : i32
      %dma_wait3A_316 = arith.constant 0 : i32
      %dma_wait3A_317 = arith.constant 0 : i32
      %dma_wait3A_318 = arith.constant 0 : i32
      %dma_wait3A_319 = arith.constant 0 : i32
      %dma_wait3A_320 = tpu.memref_slice %arg9[%dma_wait3A_316, %dma_wait3A_318, %dma_wait3A_319] : memref<8x128x48xf32, #tpu.memory_space<vmem>> -> memref<1x128x48xf32, #tpu.memory_space<vmem>>
      %dma_wait3A_321 = tpu.memref_squeeze %dma_wait3A_320 : memref<1x128x48xf32, #tpu.memory_space<vmem>> -> memref<128x48xf32, #tpu.memory_space<vmem>>
      %dma_wait3A_322 = arith.constant 0 : i32
      %dma_wait3A_323 = tpu.memref_slice %arg8[%add3A_312, %dma_wait3A_322] : memref<80x128xi32, #tpu.memory_space<vmem>> -> memref<1x128xi32, #tpu.memory_space<vmem>>
      %dma_wait3A_324 = tpu.memref_squeeze %dma_wait3A_323 : memref<1x128xi32, #tpu.memory_space<vmem>> -> memref<128xi32, #tpu.memory_space<vmem>>
      %dma_wait3A_325 = arith.constant 0 : i32
      %dma_wait3A_326 = arith.constant 0 : i32
      %dma_wait3A_327 = tpu.memref_slice %arg10[%dma_wait3A_325, %dma_wait3A_326] : memref<10240x48xf32, #tpu.memory_space<vmem_shared>> -> memref<10240x48xf32, #tpu.memory_space<vmem_shared>>
      %dma_wait3A_328 = tpu.memref_slice %arg13[%dma_wait3A_317] : memref<8x!tpu.dma_semaphore, #tpu.memory_space<semaphore_mem>> -> memref<1x!tpu.dma_semaphore, #tpu.memory_space<semaphore_mem>>
      %dma_wait3A_329 = tpu.memref_squeeze %dma_wait3A_328 : memref<1x!tpu.dma_semaphore, #tpu.memory_space<semaphore_mem>> -> memref<!tpu.dma_semaphore, #tpu.memory_space<semaphore_mem>>
      tpu.wait_indirect_dma semaphore(%dma_wait3A_329 : memref<!tpu.dma_semaphore, #tpu.memory_space<semaphore_mem>>) src(%dma_wait3A_321 : memref<128x48xf32, #tpu.memory_space<vmem>>) dst(%dma_wait3A_327 : memref<10240x48xf32, #tpu.memory_space<vmem_shared>>)
      %add3A_330 = arith.constant 1 : i32
      %add3A_331 = arith.addi %scan3A_188, %add3A_330 : i32
      %lt3A = arith.constant 10 : i32
      %lt3A_332 = arith.cmpi slt, %add3A_331, %lt3A : i32
      %convert_element_type3A = arith.extui %lt3A_332 : i1 to i32
      %cond3A = arith.constant 0 : i32
      %cond3A_333 = arith.cmpi ne, %convert_element_type3A, %cond3A : i32
      scf.if %cond3A_333 {
        %dma_start3A_643 = arith.constant 0 : i32
        %dma_start3A_644 = arith.constant 0 : i32
        %dma_start3A_645 = arith.constant 0 : i32
        %dma_start3A_646 = arith.constant 0 : i32
        %dma_start3A_647 = tpu.memref_slice %arg9[%dma_start3A_643, %dma_start3A_645, %dma_start3A_646] : memref<8x128x48xf32, #tpu.memory_space<vmem>> -> memref<1x128x48xf32, #tpu.memory_space<vmem>>
        %dma_start3A_648 = tpu.memref_squeeze %dma_start3A_647 : memref<1x128x48xf32, #tpu.memory_space<vmem>> -> memref<128x48xf32, #tpu.memory_space<vmem>>
        %dma_start3A_649 = arith.constant 0 : i32
        %dma_start3A_650 = tpu.memref_slice %arg7[%min3A_315, %dma_start3A_649] : memref<80x128xi32, #tpu.memory_space<vmem>> -> memref<1x128xi32, #tpu.memory_space<vmem>>
        %dma_start3A_651 = tpu.memref_squeeze %dma_start3A_650 : memref<1x128xi32, #tpu.memory_space<vmem>> -> memref<128xi32, #tpu.memory_space<vmem>>
        %dma_start3A_652 = arith.constant 0 : i32
        %dma_start3A_653 = arith.constant 0 : i32
        %dma_start3A_654 = tpu.memref_slice %arg11[%dma_start3A_652, %dma_start3A_653] : memref<10240x48xf32, #tpu.memory_space<vmem_shared>> -> memref<10240x48xf32, #tpu.memory_space<vmem_shared>>
        %dma_start3A_655 = tpu.memref_slice %arg12[%dma_start3A_644] : memref<8x!tpu.dma_semaphore, #tpu.memory_space<semaphore_mem>> -> memref<1x!tpu.dma_semaphore, #tpu.memory_space<semaphore_mem>>
        %dma_start3A_656 = tpu.memref_squeeze %dma_start3A_655 : memref<1x!tpu.dma_semaphore, #tpu.memory_space<semaphore_mem>> -> memref<!tpu.dma_semaphore, #tpu.memory_space<semaphore_mem>>
        tpu.enqueue_indirect_dma source(%dma_start3A_654 : memref<10240x48xf32, #tpu.memory_space<vmem_shared>>) target(%dma_start3A_648 : memref<128x48xf32, #tpu.memory_space<vmem>>) offsets(%dma_start3A_651 : memref<128xi32, #tpu.memory_space<vmem>>) semaphore(%dma_start3A_656 : memref<!tpu.dma_semaphore, #tpu.memory_space<semaphore_mem>>)
      } else {
      }
      %add3A_334 = arith.constant 1 : i32
      %add3A_335 = arith.addi %mul3A_190, %add3A_334 : i32
      %add3A_336 = arith.constant 8 : i32
      %add3A_337 = arith.addi %add3A_335, %add3A_336 : i32
      %min3A_338 = arith.constant 79 : i32
      %min3A_339 = arith.minsi %add3A_337, %min3A_338 : i32
      %dma_wait3A_340 = arith.constant 1 : i32
      %dma_wait3A_341 = arith.constant 1 : i32
      %dma_wait3A_342 = arith.constant 0 : i32
      %dma_wait3A_343 = arith.constant 0 : i32
      %dma_wait3A_344 = tpu.memref_slice %arg9[%dma_wait3A_340, %dma_wait3A_342, %dma_wait3A_343] : memref<8x128x48xf32, #tpu.memory_space<vmem>> -> memref<1x128x48xf32, #tpu.memory_space<vmem>>
      %dma_wait3A_345 = tpu.memref_squeeze %dma_wait3A_344 : memref<1x128x48xf32, #tpu.memory_space<vmem>> -> memref<128x48xf32, #tpu.memory_space<vmem>>
      %dma_wait3A_346 = arith.constant 0 : i32
      %dma_wait3A_347 = tpu.memref_slice %arg8[%add3A_335, %dma_wait3A_346] : memref<80x128xi32, #tpu.memory_space<vmem>> -> memref<1x128xi32, #tpu.memory_space<vmem>>
      %dma_wait3A_348 = tpu.memref_squeeze %dma_wait3A_347 : memref<1x128xi32, #tpu.memory_space<vmem>> -> memref<128xi32, #tpu.memory_space<vmem>>
      %dma_wait3A_349 = arith.constant 0 : i32
      %dma_wait3A_350 = arith.constant 0 : i32
      %dma_wait3A_351 = tpu.memref_slice %arg10[%dma_wait3A_349, %dma_wait3A_350] : memref<10240x48xf32, #tpu.memory_space<vmem_shared>> -> memref<10240x48xf32, #tpu.memory_space<vmem_shared>>
      %dma_wait3A_352 = tpu.memref_slice %arg13[%dma_wait3A_341] : memref<8x!tpu.dma_semaphore, #tpu.memory_space<semaphore_mem>> -> memref<1x!tpu.dma_semaphore, #tpu.memory_space<semaphore_mem>>
      %dma_wait3A_353 = tpu.memref_squeeze %dma_wait3A_352 : memref<1x!tpu.dma_semaphore, #tpu.memory_space<semaphore_mem>> -> memref<!tpu.dma_semaphore, #tpu.memory_space<semaphore_mem>>
      tpu.wait_indirect_dma semaphore(%dma_wait3A_353 : memref<!tpu.dma_semaphore, #tpu.memory_space<semaphore_mem>>) src(%dma_wait3A_345 : memref<128x48xf32, #tpu.memory_space<vmem>>) dst(%dma_wait3A_351 : memref<10240x48xf32, #tpu.memory_space<vmem_shared>>)
      %add3A_354 = arith.constant 1 : i32
      %add3A_355 = arith.addi %scan3A_188, %add3A_354 : i32
      %lt3A_356 = arith.constant 10 : i32
      %lt3A_357 = arith.cmpi slt, %add3A_355, %lt3A_356 : i32
      %convert_element_type3A_358 = arith.extui %lt3A_357 : i1 to i32
      %cond3A_359 = arith.constant 0 : i32
      %cond3A_360 = arith.cmpi ne, %convert_element_type3A_358, %cond3A_359 : i32
      scf.if %cond3A_360 {
        %dma_start3A_643 = arith.constant 1 : i32
        %dma_start3A_644 = arith.constant 1 : i32
        %dma_start3A_645 = arith.constant 0 : i32
        %dma_start3A_646 = arith.constant 0 : i32
        %dma_start3A_647 = tpu.memref_slice %arg9[%dma_start3A_643, %dma_start3A_645, %dma_start3A_646] : memref<8x128x48xf32, #tpu.memory_space<vmem>> -> memref<1x128x48xf32, #tpu.memory_space<vmem>>
        %dma_start3A_648 = tpu.memref_squeeze %dma_start3A_647 : memref<1x128x48xf32, #tpu.memory_space<vmem>> -> memref<128x48xf32, #tpu.memory_space<vmem>>
        %dma_start3A_649 = arith.constant 0 : i32
        %dma_start3A_650 = tpu.memref_slice %arg7[%min3A_339, %dma_start3A_649] : memref<80x128xi32, #tpu.memory_space<vmem>> -> memref<1x128xi32, #tpu.memory_space<vmem>>
        %dma_start3A_651 = tpu.memref_squeeze %dma_start3A_650 : memref<1x128xi32, #tpu.memory_space<vmem>> -> memref<128xi32, #tpu.memory_space<vmem>>
        %dma_start3A_652 = arith.constant 0 : i32
        %dma_start3A_653 = arith.constant 0 : i32
        %dma_start3A_654 = tpu.memref_slice %arg11[%dma_start3A_652, %dma_start3A_653] : memref<10240x48xf32, #tpu.memory_space<vmem_shared>> -> memref<10240x48xf32, #tpu.memory_space<vmem_shared>>
        %dma_start3A_655 = tpu.memref_slice %arg12[%dma_start3A_644] : memref<8x!tpu.dma_semaphore, #tpu.memory_space<semaphore_mem>> -> memref<1x!tpu.dma_semaphore, #tpu.memory_space<semaphore_mem>>
        %dma_start3A_656 = tpu.memref_squeeze %dma_start3A_655 : memref<1x!tpu.dma_semaphore, #tpu.memory_space<semaphore_mem>> -> memref<!tpu.dma_semaphore, #tpu.memory_space<semaphore_mem>>
        tpu.enqueue_indirect_dma source(%dma_start3A_654 : memref<10240x48xf32, #tpu.memory_space<vmem_shared>>) target(%dma_start3A_648 : memref<128x48xf32, #tpu.memory_space<vmem>>) offsets(%dma_start3A_651 : memref<128xi32, #tpu.memory_space<vmem>>) semaphore(%dma_start3A_656 : memref<!tpu.dma_semaphore, #tpu.memory_space<semaphore_mem>>)
      } else {
      }
      %add3A_361 = arith.constant 2 : i32
      %add3A_362 = arith.addi %mul3A_190, %add3A_361 : i32
      %add3A_363 = arith.constant 8 : i32
      %add3A_364 = arith.addi %add3A_362, %add3A_363 : i32
      %min3A_365 = arith.constant 79 : i32
      %min3A_366 = arith.minsi %add3A_364, %min3A_365 : i32
      %dma_wait3A_367 = arith.constant 2 : i32
      %dma_wait3A_368 = arith.constant 2 : i32
      %dma_wait3A_369 = arith.constant 0 : i32
      %dma_wait3A_370 = arith.constant 0 : i32
      %dma_wait3A_371 = tpu.memref_slice %arg9[%dma_wait3A_367, %dma_wait3A_369, %dma_wait3A_370] : memref<8x128x48xf32, #tpu.memory_space<vmem>> -> memref<1x128x48xf32, #tpu.memory_space<vmem>>
      %dma_wait3A_372 = tpu.memref_squeeze %dma_wait3A_371 : memref<1x128x48xf32, #tpu.memory_space<vmem>> -> memref<128x48xf32, #tpu.memory_space<vmem>>
      %dma_wait3A_373 = arith.constant 0 : i32
      %dma_wait3A_374 = tpu.memref_slice %arg8[%add3A_362, %dma_wait3A_373] : memref<80x128xi32, #tpu.memory_space<vmem>> -> memref<1x128xi32, #tpu.memory_space<vmem>>
      %dma_wait3A_375 = tpu.memref_squeeze %dma_wait3A_374 : memref<1x128xi32, #tpu.memory_space<vmem>> -> memref<128xi32, #tpu.memory_space<vmem>>
      %dma_wait3A_376 = arith.constant 0 : i32
      %dma_wait3A_377 = arith.constant 0 : i32
      %dma_wait3A_378 = tpu.memref_slice %arg10[%dma_wait3A_376, %dma_wait3A_377] : memref<10240x48xf32, #tpu.memory_space<vmem_shared>> -> memref<10240x48xf32, #tpu.memory_space<vmem_shared>>
      %dma_wait3A_379 = tpu.memref_slice %arg13[%dma_wait3A_368] : memref<8x!tpu.dma_semaphore, #tpu.memory_space<semaphore_mem>> -> memref<1x!tpu.dma_semaphore, #tpu.memory_space<semaphore_mem>>
      %dma_wait3A_380 = tpu.memref_squeeze %dma_wait3A_379 : memref<1x!tpu.dma_semaphore, #tpu.memory_space<semaphore_mem>> -> memref<!tpu.dma_semaphore, #tpu.memory_space<semaphore_mem>>
      tpu.wait_indirect_dma semaphore(%dma_wait3A_380 : memref<!tpu.dma_semaphore, #tpu.memory_space<semaphore_mem>>) src(%dma_wait3A_372 : memref<128x48xf32, #tpu.memory_space<vmem>>) dst(%dma_wait3A_378 : memref<10240x48xf32, #tpu.memory_space<vmem_shared>>)
      %add3A_381 = arith.constant 1 : i32
      %add3A_382 = arith.addi %scan3A_188, %add3A_381 : i32
      %lt3A_383 = arith.constant 10 : i32
      %lt3A_384 = arith.cmpi slt, %add3A_382, %lt3A_383 : i32
      %convert_element_type3A_385 = arith.extui %lt3A_384 : i1 to i32
      %cond3A_386 = arith.constant 0 : i32
      %cond3A_387 = arith.cmpi ne, %convert_element_type3A_385, %cond3A_386 : i32
      scf.if %cond3A_387 {
        %dma_start3A_643 = arith.constant 2 : i32
        %dma_start3A_644 = arith.constant 2 : i32
        %dma_start3A_645 = arith.constant 0 : i32
        %dma_start3A_646 = arith.constant 0 : i32
        %dma_start3A_647 = tpu.memref_slice %arg9[%dma_start3A_643, %dma_start3A_645, %dma_start3A_646] : memref<8x128x48xf32, #tpu.memory_space<vmem>> -> memref<1x128x48xf32, #tpu.memory_space<vmem>>
        %dma_start3A_648 = tpu.memref_squeeze %dma_start3A_647 : memref<1x128x48xf32, #tpu.memory_space<vmem>> -> memref<128x48xf32, #tpu.memory_space<vmem>>
        %dma_start3A_649 = arith.constant 0 : i32
        %dma_start3A_650 = tpu.memref_slice %arg7[%min3A_366, %dma_start3A_649] : memref<80x128xi32, #tpu.memory_space<vmem>> -> memref<1x128xi32, #tpu.memory_space<vmem>>
        %dma_start3A_651 = tpu.memref_squeeze %dma_start3A_650 : memref<1x128xi32, #tpu.memory_space<vmem>> -> memref<128xi32, #tpu.memory_space<vmem>>
        %dma_start3A_652 = arith.constant 0 : i32
        %dma_start3A_653 = arith.constant 0 : i32
        %dma_start3A_654 = tpu.memref_slice %arg11[%dma_start3A_652, %dma_start3A_653] : memref<10240x48xf32, #tpu.memory_space<vmem_shared>> -> memref<10240x48xf32, #tpu.memory_space<vmem_shared>>
        %dma_start3A_655 = tpu.memref_slice %arg12[%dma_start3A_644] : memref<8x!tpu.dma_semaphore, #tpu.memory_space<semaphore_mem>> -> memref<1x!tpu.dma_semaphore, #tpu.memory_space<semaphore_mem>>
        %dma_start3A_656 = tpu.memref_squeeze %dma_start3A_655 : memref<1x!tpu.dma_semaphore, #tpu.memory_space<semaphore_mem>> -> memref<!tpu.dma_semaphore, #tpu.memory_space<semaphore_mem>>
        tpu.enqueue_indirect_dma source(%dma_start3A_654 : memref<10240x48xf32, #tpu.memory_space<vmem_shared>>) target(%dma_start3A_648 : memref<128x48xf32, #tpu.memory_space<vmem>>) offsets(%dma_start3A_651 : memref<128xi32, #tpu.memory_space<vmem>>) semaphore(%dma_start3A_656 : memref<!tpu.dma_semaphore, #tpu.memory_space<semaphore_mem>>)
      } else {
      }
      %add3A_388 = arith.constant 3 : i32
      %add3A_389 = arith.addi %mul3A_190, %add3A_388 : i32
      %add3A_390 = arith.constant 8 : i32
      %add3A_391 = arith.addi %add3A_389, %add3A_390 : i32
      %min3A_392 = arith.constant 79 : i32
      %min3A_393 = arith.minsi %add3A_391, %min3A_392 : i32
      %dma_wait3A_394 = arith.constant 3 : i32
      %dma_wait3A_395 = arith.constant 3 : i32
      %dma_wait3A_396 = arith.constant 0 : i32
      %dma_wait3A_397 = arith.constant 0 : i32
      %dma_wait3A_398 = tpu.memref_slice %arg9[%dma_wait3A_394, %dma_wait3A_396, %dma_wait3A_397] : memref<8x128x48xf32, #tpu.memory_space<vmem>> -> memref<1x128x48xf32, #tpu.memory_space<vmem>>
      %dma_wait3A_399 = tpu.memref_squeeze %dma_wait3A_398 : memref<1x128x48xf32, #tpu.memory_space<vmem>> -> memref<128x48xf32, #tpu.memory_space<vmem>>
      %dma_wait3A_400 = arith.constant 0 : i32
      %dma_wait3A_401 = tpu.memref_slice %arg8[%add3A_389, %dma_wait3A_400] : memref<80x128xi32, #tpu.memory_space<vmem>> -> memref<1x128xi32, #tpu.memory_space<vmem>>
      %dma_wait3A_402 = tpu.memref_squeeze %dma_wait3A_401 : memref<1x128xi32, #tpu.memory_space<vmem>> -> memref<128xi32, #tpu.memory_space<vmem>>
      %dma_wait3A_403 = arith.constant 0 : i32
      %dma_wait3A_404 = arith.constant 0 : i32
      %dma_wait3A_405 = tpu.memref_slice %arg10[%dma_wait3A_403, %dma_wait3A_404] : memref<10240x48xf32, #tpu.memory_space<vmem_shared>> -> memref<10240x48xf32, #tpu.memory_space<vmem_shared>>
      %dma_wait3A_406 = tpu.memref_slice %arg13[%dma_wait3A_395] : memref<8x!tpu.dma_semaphore, #tpu.memory_space<semaphore_mem>> -> memref<1x!tpu.dma_semaphore, #tpu.memory_space<semaphore_mem>>
      %dma_wait3A_407 = tpu.memref_squeeze %dma_wait3A_406 : memref<1x!tpu.dma_semaphore, #tpu.memory_space<semaphore_mem>> -> memref<!tpu.dma_semaphore, #tpu.memory_space<semaphore_mem>>
      tpu.wait_indirect_dma semaphore(%dma_wait3A_407 : memref<!tpu.dma_semaphore, #tpu.memory_space<semaphore_mem>>) src(%dma_wait3A_399 : memref<128x48xf32, #tpu.memory_space<vmem>>) dst(%dma_wait3A_405 : memref<10240x48xf32, #tpu.memory_space<vmem_shared>>)
      %add3A_408 = arith.constant 1 : i32
      %add3A_409 = arith.addi %scan3A_188, %add3A_408 : i32
      %lt3A_410 = arith.constant 10 : i32
      %lt3A_411 = arith.cmpi slt, %add3A_409, %lt3A_410 : i32
      %convert_element_type3A_412 = arith.extui %lt3A_411 : i1 to i32
      %cond3A_413 = arith.constant 0 : i32
      %cond3A_414 = arith.cmpi ne, %convert_element_type3A_412, %cond3A_413 : i32
      scf.if %cond3A_414 {
        %dma_start3A_643 = arith.constant 3 : i32
        %dma_start3A_644 = arith.constant 3 : i32
        %dma_start3A_645 = arith.constant 0 : i32
        %dma_start3A_646 = arith.constant 0 : i32
        %dma_start3A_647 = tpu.memref_slice %arg9[%dma_start3A_643, %dma_start3A_645, %dma_start3A_646] : memref<8x128x48xf32, #tpu.memory_space<vmem>> -> memref<1x128x48xf32, #tpu.memory_space<vmem>>
        %dma_start3A_648 = tpu.memref_squeeze %dma_start3A_647 : memref<1x128x48xf32, #tpu.memory_space<vmem>> -> memref<128x48xf32, #tpu.memory_space<vmem>>
        %dma_start3A_649 = arith.constant 0 : i32
        %dma_start3A_650 = tpu.memref_slice %arg7[%min3A_393, %dma_start3A_649] : memref<80x128xi32, #tpu.memory_space<vmem>> -> memref<1x128xi32, #tpu.memory_space<vmem>>
        %dma_start3A_651 = tpu.memref_squeeze %dma_start3A_650 : memref<1x128xi32, #tpu.memory_space<vmem>> -> memref<128xi32, #tpu.memory_space<vmem>>
        %dma_start3A_652 = arith.constant 0 : i32
        %dma_start3A_653 = arith.constant 0 : i32
        %dma_start3A_654 = tpu.memref_slice %arg11[%dma_start3A_652, %dma_start3A_653] : memref<10240x48xf32, #tpu.memory_space<vmem_shared>> -> memref<10240x48xf32, #tpu.memory_space<vmem_shared>>
        %dma_start3A_655 = tpu.memref_slice %arg12[%dma_start3A_644] : memref<8x!tpu.dma_semaphore, #tpu.memory_space<semaphore_mem>> -> memref<1x!tpu.dma_semaphore, #tpu.memory_space<semaphore_mem>>
        %dma_start3A_656 = tpu.memref_squeeze %dma_start3A_655 : memref<1x!tpu.dma_semaphore, #tpu.memory_space<semaphore_mem>> -> memref<!tpu.dma_semaphore, #tpu.memory_space<semaphore_mem>>
        tpu.enqueue_indirect_dma source(%dma_start3A_654 : memref<10240x48xf32, #tpu.memory_space<vmem_shared>>) target(%dma_start3A_648 : memref<128x48xf32, #tpu.memory_space<vmem>>) offsets(%dma_start3A_651 : memref<128xi32, #tpu.memory_space<vmem>>) semaphore(%dma_start3A_656 : memref<!tpu.dma_semaphore, #tpu.memory_space<semaphore_mem>>)
      } else {
      }
      %add3A_415 = arith.constant 4 : i32
      %add3A_416 = arith.addi %mul3A_190, %add3A_415 : i32
      %dma_wait3A_417 = arith.constant 4 : i32
      %dma_wait3A_418 = arith.constant 4 : i32
      %dma_wait3A_419 = arith.constant 0 : i32
      %dma_wait3A_420 = arith.constant 0 : i32
      %dma_wait3A_421 = tpu.memref_slice %arg9[%dma_wait3A_417, %dma_wait3A_419, %dma_wait3A_420] : memref<8x128x48xf32, #tpu.memory_space<vmem>> -> memref<1x128x48xf32, #tpu.memory_space<vmem>>
      %dma_wait3A_422 = tpu.memref_squeeze %dma_wait3A_421 : memref<1x128x48xf32, #tpu.memory_space<vmem>> -> memref<128x48xf32, #tpu.memory_space<vmem>>
      %dma_wait3A_423 = arith.constant 0 : i32
      %dma_wait3A_424 = tpu.memref_slice %arg7[%add3A_416, %dma_wait3A_423] : memref<80x128xi32, #tpu.memory_space<vmem>> -> memref<1x128xi32, #tpu.memory_space<vmem>>
      %dma_wait3A_425 = tpu.memref_squeeze %dma_wait3A_424 : memref<1x128xi32, #tpu.memory_space<vmem>> -> memref<128xi32, #tpu.memory_space<vmem>>
      %dma_wait3A_426 = arith.constant 0 : i32
      %dma_wait3A_427 = arith.constant 0 : i32
      %dma_wait3A_428 = tpu.memref_slice %arg11[%dma_wait3A_426, %dma_wait3A_427] : memref<10240x48xf32, #tpu.memory_space<vmem_shared>> -> memref<10240x48xf32, #tpu.memory_space<vmem_shared>>
      %dma_wait3A_429 = tpu.memref_slice %arg12[%dma_wait3A_418] : memref<8x!tpu.dma_semaphore, #tpu.memory_space<semaphore_mem>> -> memref<1x!tpu.dma_semaphore, #tpu.memory_space<semaphore_mem>>
      %dma_wait3A_430 = tpu.memref_squeeze %dma_wait3A_429 : memref<1x!tpu.dma_semaphore, #tpu.memory_space<semaphore_mem>> -> memref<!tpu.dma_semaphore, #tpu.memory_space<semaphore_mem>>
      tpu.wait_indirect_dma semaphore(%dma_wait3A_430 : memref<!tpu.dma_semaphore, #tpu.memory_space<semaphore_mem>>) src(%dma_wait3A_428 : memref<10240x48xf32, #tpu.memory_space<vmem_shared>>) dst(%dma_wait3A_422 : memref<128x48xf32, #tpu.memory_space<vmem>>)
      %dma_start3A_431 = arith.constant 4 : i32
      %dma_start3A_432 = arith.constant 4 : i32
      %dma_start3A_433 = arith.constant 0 : i32
      %dma_start3A_434 = arith.constant 0 : i32
      %dma_start3A_435 = tpu.memref_slice %arg9[%dma_start3A_431, %dma_start3A_433, %dma_start3A_434] : memref<8x128x48xf32, #tpu.memory_space<vmem>> -> memref<1x128x48xf32, #tpu.memory_space<vmem>>
      %dma_start3A_436 = tpu.memref_squeeze %dma_start3A_435 : memref<1x128x48xf32, #tpu.memory_space<vmem>> -> memref<128x48xf32, #tpu.memory_space<vmem>>
      %dma_start3A_437 = arith.constant 0 : i32
      %dma_start3A_438 = tpu.memref_slice %arg8[%add3A_416, %dma_start3A_437] : memref<80x128xi32, #tpu.memory_space<vmem>> -> memref<1x128xi32, #tpu.memory_space<vmem>>
      %dma_start3A_439 = tpu.memref_squeeze %dma_start3A_438 : memref<1x128xi32, #tpu.memory_space<vmem>> -> memref<128xi32, #tpu.memory_space<vmem>>
      %dma_start3A_440 = arith.constant 0 : i32
      %dma_start3A_441 = arith.constant 0 : i32
      %dma_start3A_442 = tpu.memref_slice %arg10[%dma_start3A_440, %dma_start3A_441] : memref<10240x48xf32, #tpu.memory_space<vmem_shared>> -> memref<10240x48xf32, #tpu.memory_space<vmem_shared>>
      %dma_start3A_443 = tpu.memref_slice %arg13[%dma_start3A_432] : memref<8x!tpu.dma_semaphore, #tpu.memory_space<semaphore_mem>> -> memref<1x!tpu.dma_semaphore, #tpu.memory_space<semaphore_mem>>
      %dma_start3A_444 = tpu.memref_squeeze %dma_start3A_443 : memref<1x!tpu.dma_semaphore, #tpu.memory_space<semaphore_mem>> -> memref<!tpu.dma_semaphore, #tpu.memory_space<semaphore_mem>>
      tpu.enqueue_indirect_dma source(%dma_start3A_436 : memref<128x48xf32, #tpu.memory_space<vmem>>) target(%dma_start3A_442 : memref<10240x48xf32, #tpu.memory_space<vmem_shared>>) offsets(%dma_start3A_439 : memref<128xi32, #tpu.memory_space<vmem>>) semaphore(%dma_start3A_444 : memref<!tpu.dma_semaphore, #tpu.memory_space<semaphore_mem>>) {add = true}
      %add3A_445 = arith.constant 5 : i32
      %add3A_446 = arith.addi %mul3A_190, %add3A_445 : i32
      %dma_wait3A_447 = arith.constant 5 : i32
      %dma_wait3A_448 = arith.constant 5 : i32
      %dma_wait3A_449 = arith.constant 0 : i32
      %dma_wait3A_450 = arith.constant 0 : i32
      %dma_wait3A_451 = tpu.memref_slice %arg9[%dma_wait3A_447, %dma_wait3A_449, %dma_wait3A_450] : memref<8x128x48xf32, #tpu.memory_space<vmem>> -> memref<1x128x48xf32, #tpu.memory_space<vmem>>
      %dma_wait3A_452 = tpu.memref_squeeze %dma_wait3A_451 : memref<1x128x48xf32, #tpu.memory_space<vmem>> -> memref<128x48xf32, #tpu.memory_space<vmem>>
      %dma_wait3A_453 = arith.constant 0 : i32
      %dma_wait3A_454 = tpu.memref_slice %arg7[%add3A_446, %dma_wait3A_453] : memref<80x128xi32, #tpu.memory_space<vmem>> -> memref<1x128xi32, #tpu.memory_space<vmem>>
      %dma_wait3A_455 = tpu.memref_squeeze %dma_wait3A_454 : memref<1x128xi32, #tpu.memory_space<vmem>> -> memref<128xi32, #tpu.memory_space<vmem>>
      %dma_wait3A_456 = arith.constant 0 : i32
      %dma_wait3A_457 = arith.constant 0 : i32
      %dma_wait3A_458 = tpu.memref_slice %arg11[%dma_wait3A_456, %dma_wait3A_457] : memref<10240x48xf32, #tpu.memory_space<vmem_shared>> -> memref<10240x48xf32, #tpu.memory_space<vmem_shared>>
      %dma_wait3A_459 = tpu.memref_slice %arg12[%dma_wait3A_448] : memref<8x!tpu.dma_semaphore, #tpu.memory_space<semaphore_mem>> -> memref<1x!tpu.dma_semaphore, #tpu.memory_space<semaphore_mem>>
      %dma_wait3A_460 = tpu.memref_squeeze %dma_wait3A_459 : memref<1x!tpu.dma_semaphore, #tpu.memory_space<semaphore_mem>> -> memref<!tpu.dma_semaphore, #tpu.memory_space<semaphore_mem>>
      tpu.wait_indirect_dma semaphore(%dma_wait3A_460 : memref<!tpu.dma_semaphore, #tpu.memory_space<semaphore_mem>>) src(%dma_wait3A_458 : memref<10240x48xf32, #tpu.memory_space<vmem_shared>>) dst(%dma_wait3A_452 : memref<128x48xf32, #tpu.memory_space<vmem>>)
      %dma_start3A_461 = arith.constant 5 : i32
      %dma_start3A_462 = arith.constant 5 : i32
      %dma_start3A_463 = arith.constant 0 : i32
      %dma_start3A_464 = arith.constant 0 : i32
      %dma_start3A_465 = tpu.memref_slice %arg9[%dma_start3A_461, %dma_start3A_463, %dma_start3A_464] : memref<8x128x48xf32, #tpu.memory_space<vmem>> -> memref<1x128x48xf32, #tpu.memory_space<vmem>>
      %dma_start3A_466 = tpu.memref_squeeze %dma_start3A_465 : memref<1x128x48xf32, #tpu.memory_space<vmem>> -> memref<128x48xf32, #tpu.memory_space<vmem>>
      %dma_start3A_467 = arith.constant 0 : i32
      %dma_start3A_468 = tpu.memref_slice %arg8[%add3A_446, %dma_start3A_467] : memref<80x128xi32, #tpu.memory_space<vmem>> -> memref<1x128xi32, #tpu.memory_space<vmem>>
      %dma_start3A_469 = tpu.memref_squeeze %dma_start3A_468 : memref<1x128xi32, #tpu.memory_space<vmem>> -> memref<128xi32, #tpu.memory_space<vmem>>
      %dma_start3A_470 = arith.constant 0 : i32
      %dma_start3A_471 = arith.constant 0 : i32
      %dma_start3A_472 = tpu.memref_slice %arg10[%dma_start3A_470, %dma_start3A_471] : memref<10240x48xf32, #tpu.memory_space<vmem_shared>> -> memref<10240x48xf32, #tpu.memory_space<vmem_shared>>
      %dma_start3A_473 = tpu.memref_slice %arg13[%dma_start3A_462] : memref<8x!tpu.dma_semaphore, #tpu.memory_space<semaphore_mem>> -> memref<1x!tpu.dma_semaphore, #tpu.memory_space<semaphore_mem>>
      %dma_start3A_474 = tpu.memref_squeeze %dma_start3A_473 : memref<1x!tpu.dma_semaphore, #tpu.memory_space<semaphore_mem>> -> memref<!tpu.dma_semaphore, #tpu.memory_space<semaphore_mem>>
      tpu.enqueue_indirect_dma source(%dma_start3A_466 : memref<128x48xf32, #tpu.memory_space<vmem>>) target(%dma_start3A_472 : memref<10240x48xf32, #tpu.memory_space<vmem_shared>>) offsets(%dma_start3A_469 : memref<128xi32, #tpu.memory_space<vmem>>) semaphore(%dma_start3A_474 : memref<!tpu.dma_semaphore, #tpu.memory_space<semaphore_mem>>) {add = true}
      %add3A_475 = arith.constant 6 : i32
      %add3A_476 = arith.addi %mul3A_190, %add3A_475 : i32
      %dma_wait3A_477 = arith.constant 6 : i32
      %dma_wait3A_478 = arith.constant 6 : i32
      %dma_wait3A_479 = arith.constant 0 : i32
      %dma_wait3A_480 = arith.constant 0 : i32
      %dma_wait3A_481 = tpu.memref_slice %arg9[%dma_wait3A_477, %dma_wait3A_479, %dma_wait3A_480] : memref<8x128x48xf32, #tpu.memory_space<vmem>> -> memref<1x128x48xf32, #tpu.memory_space<vmem>>
      %dma_wait3A_482 = tpu.memref_squeeze %dma_wait3A_481 : memref<1x128x48xf32, #tpu.memory_space<vmem>> -> memref<128x48xf32, #tpu.memory_space<vmem>>
      %dma_wait3A_483 = arith.constant 0 : i32
      %dma_wait3A_484 = tpu.memref_slice %arg7[%add3A_476, %dma_wait3A_483] : memref<80x128xi32, #tpu.memory_space<vmem>> -> memref<1x128xi32, #tpu.memory_space<vmem>>
      %dma_wait3A_485 = tpu.memref_squeeze %dma_wait3A_484 : memref<1x128xi32, #tpu.memory_space<vmem>> -> memref<128xi32, #tpu.memory_space<vmem>>
      %dma_wait3A_486 = arith.constant 0 : i32
      %dma_wait3A_487 = arith.constant 0 : i32
      %dma_wait3A_488 = tpu.memref_slice %arg11[%dma_wait3A_486, %dma_wait3A_487] : memref<10240x48xf32, #tpu.memory_space<vmem_shared>> -> memref<10240x48xf32, #tpu.memory_space<vmem_shared>>
      %dma_wait3A_489 = tpu.memref_slice %arg12[%dma_wait3A_478] : memref<8x!tpu.dma_semaphore, #tpu.memory_space<semaphore_mem>> -> memref<1x!tpu.dma_semaphore, #tpu.memory_space<semaphore_mem>>
      %dma_wait3A_490 = tpu.memref_squeeze %dma_wait3A_489 : memref<1x!tpu.dma_semaphore, #tpu.memory_space<semaphore_mem>> -> memref<!tpu.dma_semaphore, #tpu.memory_space<semaphore_mem>>
      tpu.wait_indirect_dma semaphore(%dma_wait3A_490 : memref<!tpu.dma_semaphore, #tpu.memory_space<semaphore_mem>>) src(%dma_wait3A_488 : memref<10240x48xf32, #tpu.memory_space<vmem_shared>>) dst(%dma_wait3A_482 : memref<128x48xf32, #tpu.memory_space<vmem>>)
      %dma_start3A_491 = arith.constant 6 : i32
      %dma_start3A_492 = arith.constant 6 : i32
      %dma_start3A_493 = arith.constant 0 : i32
      %dma_start3A_494 = arith.constant 0 : i32
      %dma_start3A_495 = tpu.memref_slice %arg9[%dma_start3A_491, %dma_start3A_493, %dma_start3A_494] : memref<8x128x48xf32, #tpu.memory_space<vmem>> -> memref<1x128x48xf32, #tpu.memory_space<vmem>>
      %dma_start3A_496 = tpu.memref_squeeze %dma_start3A_495 : memref<1x128x48xf32, #tpu.memory_space<vmem>> -> memref<128x48xf32, #tpu.memory_space<vmem>>
      %dma_start3A_497 = arith.constant 0 : i32
      %dma_start3A_498 = tpu.memref_slice %arg8[%add3A_476, %dma_start3A_497] : memref<80x128xi32, #tpu.memory_space<vmem>> -> memref<1x128xi32, #tpu.memory_space<vmem>>
      %dma_start3A_499 = tpu.memref_squeeze %dma_start3A_498 : memref<1x128xi32, #tpu.memory_space<vmem>> -> memref<128xi32, #tpu.memory_space<vmem>>
      %dma_start3A_500 = arith.constant 0 : i32
      %dma_start3A_501 = arith.constant 0 : i32
      %dma_start3A_502 = tpu.memref_slice %arg10[%dma_start3A_500, %dma_start3A_501] : memref<10240x48xf32, #tpu.memory_space<vmem_shared>> -> memref<10240x48xf32, #tpu.memory_space<vmem_shared>>
      %dma_start3A_503 = tpu.memref_slice %arg13[%dma_start3A_492] : memref<8x!tpu.dma_semaphore, #tpu.memory_space<semaphore_mem>> -> memref<1x!tpu.dma_semaphore, #tpu.memory_space<semaphore_mem>>
      %dma_start3A_504 = tpu.memref_squeeze %dma_start3A_503 : memref<1x!tpu.dma_semaphore, #tpu.memory_space<semaphore_mem>> -> memref<!tpu.dma_semaphore, #tpu.memory_space<semaphore_mem>>
      tpu.enqueue_indirect_dma source(%dma_start3A_496 : memref<128x48xf32, #tpu.memory_space<vmem>>) target(%dma_start3A_502 : memref<10240x48xf32, #tpu.memory_space<vmem_shared>>) offsets(%dma_start3A_499 : memref<128xi32, #tpu.memory_space<vmem>>) semaphore(%dma_start3A_504 : memref<!tpu.dma_semaphore, #tpu.memory_space<semaphore_mem>>) {add = true}
      %add3A_505 = arith.constant 7 : i32
      %add3A_506 = arith.addi %mul3A_190, %add3A_505 : i32
      %dma_wait3A_507 = arith.constant 7 : i32
      %dma_wait3A_508 = arith.constant 7 : i32
      %dma_wait3A_509 = arith.constant 0 : i32
      %dma_wait3A_510 = arith.constant 0 : i32
      %dma_wait3A_511 = tpu.memref_slice %arg9[%dma_wait3A_507, %dma_wait3A_509, %dma_wait3A_510] : memref<8x128x48xf32, #tpu.memory_space<vmem>> -> memref<1x128x48xf32, #tpu.memory_space<vmem>>
      %dma_wait3A_512 = tpu.memref_squeeze %dma_wait3A_511 : memref<1x128x48xf32, #tpu.memory_space<vmem>> -> memref<128x48xf32, #tpu.memory_space<vmem>>
      %dma_wait3A_513 = arith.constant 0 : i32
      %dma_wait3A_514 = tpu.memref_slice %arg7[%add3A_506, %dma_wait3A_513] : memref<80x128xi32, #tpu.memory_space<vmem>> -> memref<1x128xi32, #tpu.memory_space<vmem>>
      %dma_wait3A_515 = tpu.memref_squeeze %dma_wait3A_514 : memref<1x128xi32, #tpu.memory_space<vmem>> -> memref<128xi32, #tpu.memory_space<vmem>>
      %dma_wait3A_516 = arith.constant 0 : i32
      %dma_wait3A_517 = arith.constant 0 : i32
      %dma_wait3A_518 = tpu.memref_slice %arg11[%dma_wait3A_516, %dma_wait3A_517] : memref<10240x48xf32, #tpu.memory_space<vmem_shared>> -> memref<10240x48xf32, #tpu.memory_space<vmem_shared>>
      %dma_wait3A_519 = tpu.memref_slice %arg12[%dma_wait3A_508] : memref<8x!tpu.dma_semaphore, #tpu.memory_space<semaphore_mem>> -> memref<1x!tpu.dma_semaphore, #tpu.memory_space<semaphore_mem>>
      %dma_wait3A_520 = tpu.memref_squeeze %dma_wait3A_519 : memref<1x!tpu.dma_semaphore, #tpu.memory_space<semaphore_mem>> -> memref<!tpu.dma_semaphore, #tpu.memory_space<semaphore_mem>>
      tpu.wait_indirect_dma semaphore(%dma_wait3A_520 : memref<!tpu.dma_semaphore, #tpu.memory_space<semaphore_mem>>) src(%dma_wait3A_518 : memref<10240x48xf32, #tpu.memory_space<vmem_shared>>) dst(%dma_wait3A_512 : memref<128x48xf32, #tpu.memory_space<vmem>>)
      %dma_start3A_521 = arith.constant 7 : i32
      %dma_start3A_522 = arith.constant 7 : i32
      %dma_start3A_523 = arith.constant 0 : i32
      %dma_start3A_524 = arith.constant 0 : i32
      %dma_start3A_525 = tpu.memref_slice %arg9[%dma_start3A_521, %dma_start3A_523, %dma_start3A_524] : memref<8x128x48xf32, #tpu.memory_space<vmem>> -> memref<1x128x48xf32, #tpu.memory_space<vmem>>
      %dma_start3A_526 = tpu.memref_squeeze %dma_start3A_525 : memref<1x128x48xf32, #tpu.memory_space<vmem>> -> memref<128x48xf32, #tpu.memory_space<vmem>>
      %dma_start3A_527 = arith.constant 0 : i32
      %dma_start3A_528 = tpu.memref_slice %arg8[%add3A_506, %dma_start3A_527] : memref<80x128xi32, #tpu.memory_space<vmem>> -> memref<1x128xi32, #tpu.memory_space<vmem>>
      %dma_start3A_529 = tpu.memref_squeeze %dma_start3A_528 : memref<1x128xi32, #tpu.memory_space<vmem>> -> memref<128xi32, #tpu.memory_space<vmem>>
      %dma_start3A_530 = arith.constant 0 : i32
      %dma_start3A_531 = arith.constant 0 : i32
      %dma_start3A_532 = tpu.memref_slice %arg10[%dma_start3A_530, %dma_start3A_531] : memref<10240x48xf32, #tpu.memory_space<vmem_shared>> -> memref<10240x48xf32, #tpu.memory_space<vmem_shared>>
      %dma_start3A_533 = tpu.memref_slice %arg13[%dma_start3A_522] : memref<8x!tpu.dma_semaphore, #tpu.memory_space<semaphore_mem>> -> memref<1x!tpu.dma_semaphore, #tpu.memory_space<semaphore_mem>>
      %dma_start3A_534 = tpu.memref_squeeze %dma_start3A_533 : memref<1x!tpu.dma_semaphore, #tpu.memory_space<semaphore_mem>> -> memref<!tpu.dma_semaphore, #tpu.memory_space<semaphore_mem>>
      tpu.enqueue_indirect_dma source(%dma_start3A_526 : memref<128x48xf32, #tpu.memory_space<vmem>>) target(%dma_start3A_532 : memref<10240x48xf32, #tpu.memory_space<vmem_shared>>) offsets(%dma_start3A_529 : memref<128xi32, #tpu.memory_space<vmem>>) semaphore(%dma_start3A_534 : memref<!tpu.dma_semaphore, #tpu.memory_space<semaphore_mem>>) {add = true}
      %add3A_535 = arith.constant 4 : i32
      %add3A_536 = arith.addi %mul3A_190, %add3A_535 : i32
      %add3A_537 = arith.constant 8 : i32
      %add3A_538 = arith.addi %add3A_536, %add3A_537 : i32
      %min3A_539 = arith.constant 79 : i32
      %min3A_540 = arith.minsi %add3A_538, %min3A_539 : i32
      %dma_wait3A_541 = arith.constant 4 : i32
      %dma_wait3A_542 = arith.constant 4 : i32
      %dma_wait3A_543 = arith.constant 0 : i32
      %dma_wait3A_544 = arith.constant 0 : i32
      %dma_wait3A_545 = tpu.memref_slice %arg9[%dma_wait3A_541, %dma_wait3A_543, %dma_wait3A_544] : memref<8x128x48xf32, #tpu.memory_space<vmem>> -> memref<1x128x48xf32, #tpu.memory_space<vmem>>
      %dma_wait3A_546 = tpu.memref_squeeze %dma_wait3A_545 : memref<1x128x48xf32, #tpu.memory_space<vmem>> -> memref<128x48xf32, #tpu.memory_space<vmem>>
      %dma_wait3A_547 = arith.constant 0 : i32
      %dma_wait3A_548 = tpu.memref_slice %arg8[%add3A_536, %dma_wait3A_547] : memref<80x128xi32, #tpu.memory_space<vmem>> -> memref<1x128xi32, #tpu.memory_space<vmem>>
      %dma_wait3A_549 = tpu.memref_squeeze %dma_wait3A_548 : memref<1x128xi32, #tpu.memory_space<vmem>> -> memref<128xi32, #tpu.memory_space<vmem>>
      %dma_wait3A_550 = arith.constant 0 : i32
      %dma_wait3A_551 = arith.constant 0 : i32
      %dma_wait3A_552 = tpu.memref_slice %arg10[%dma_wait3A_550, %dma_wait3A_551] : memref<10240x48xf32, #tpu.memory_space<vmem_shared>> -> memref<10240x48xf32, #tpu.memory_space<vmem_shared>>
      %dma_wait3A_553 = tpu.memref_slice %arg13[%dma_wait3A_542] : memref<8x!tpu.dma_semaphore, #tpu.memory_space<semaphore_mem>> -> memref<1x!tpu.dma_semaphore, #tpu.memory_space<semaphore_mem>>
      %dma_wait3A_554 = tpu.memref_squeeze %dma_wait3A_553 : memref<1x!tpu.dma_semaphore, #tpu.memory_space<semaphore_mem>> -> memref<!tpu.dma_semaphore, #tpu.memory_space<semaphore_mem>>
      tpu.wait_indirect_dma semaphore(%dma_wait3A_554 : memref<!tpu.dma_semaphore, #tpu.memory_space<semaphore_mem>>) src(%dma_wait3A_546 : memref<128x48xf32, #tpu.memory_space<vmem>>) dst(%dma_wait3A_552 : memref<10240x48xf32, #tpu.memory_space<vmem_shared>>)
      %add3A_555 = arith.constant 1 : i32
      %add3A_556 = arith.addi %scan3A_188, %add3A_555 : i32
      %lt3A_557 = arith.constant 10 : i32
      %lt3A_558 = arith.cmpi slt, %add3A_556, %lt3A_557 : i32
      %convert_element_type3A_559 = arith.extui %lt3A_558 : i1 to i32
      %cond3A_560 = arith.constant 0 : i32
      %cond3A_561 = arith.cmpi ne, %convert_element_type3A_559, %cond3A_560 : i32
      scf.if %cond3A_561 {
        %dma_start3A_643 = arith.constant 4 : i32
        %dma_start3A_644 = arith.constant 4 : i32
        %dma_start3A_645 = arith.constant 0 : i32
        %dma_start3A_646 = arith.constant 0 : i32
        %dma_start3A_647 = tpu.memref_slice %arg9[%dma_start3A_643, %dma_start3A_645, %dma_start3A_646] : memref<8x128x48xf32, #tpu.memory_space<vmem>> -> memref<1x128x48xf32, #tpu.memory_space<vmem>>
        %dma_start3A_648 = tpu.memref_squeeze %dma_start3A_647 : memref<1x128x48xf32, #tpu.memory_space<vmem>> -> memref<128x48xf32, #tpu.memory_space<vmem>>
        %dma_start3A_649 = arith.constant 0 : i32
        %dma_start3A_650 = tpu.memref_slice %arg7[%min3A_540, %dma_start3A_649] : memref<80x128xi32, #tpu.memory_space<vmem>> -> memref<1x128xi32, #tpu.memory_space<vmem>>
        %dma_start3A_651 = tpu.memref_squeeze %dma_start3A_650 : memref<1x128xi32, #tpu.memory_space<vmem>> -> memref<128xi32, #tpu.memory_space<vmem>>
        %dma_start3A_652 = arith.constant 0 : i32
        %dma_start3A_653 = arith.constant 0 : i32
        %dma_start3A_654 = tpu.memref_slice %arg11[%dma_start3A_652, %dma_start3A_653] : memref<10240x48xf32, #tpu.memory_space<vmem_shared>> -> memref<10240x48xf32, #tpu.memory_space<vmem_shared>>
        %dma_start3A_655 = tpu.memref_slice %arg12[%dma_start3A_644] : memref<8x!tpu.dma_semaphore, #tpu.memory_space<semaphore_mem>> -> memref<1x!tpu.dma_semaphore, #tpu.memory_space<semaphore_mem>>
        %dma_start3A_656 = tpu.memref_squeeze %dma_start3A_655 : memref<1x!tpu.dma_semaphore, #tpu.memory_space<semaphore_mem>> -> memref<!tpu.dma_semaphore, #tpu.memory_space<semaphore_mem>>
        tpu.enqueue_indirect_dma source(%dma_start3A_654 : memref<10240x48xf32, #tpu.memory_space<vmem_shared>>) target(%dma_start3A_648 : memref<128x48xf32, #tpu.memory_space<vmem>>) offsets(%dma_start3A_651 : memref<128xi32, #tpu.memory_space<vmem>>) semaphore(%dma_start3A_656 : memref<!tpu.dma_semaphore, #tpu.memory_space<semaphore_mem>>)
      } else {
      }
      %add3A_562 = arith.constant 5 : i32
      %add3A_563 = arith.addi %mul3A_190, %add3A_562 : i32
      %add3A_564 = arith.constant 8 : i32
      %add3A_565 = arith.addi %add3A_563, %add3A_564 : i32
      %min3A_566 = arith.constant 79 : i32
      %min3A_567 = arith.minsi %add3A_565, %min3A_566 : i32
      %dma_wait3A_568 = arith.constant 5 : i32
      %dma_wait3A_569 = arith.constant 5 : i32
      %dma_wait3A_570 = arith.constant 0 : i32
      %dma_wait3A_571 = arith.constant 0 : i32
      %dma_wait3A_572 = tpu.memref_slice %arg9[%dma_wait3A_568, %dma_wait3A_570, %dma_wait3A_571] : memref<8x128x48xf32, #tpu.memory_space<vmem>> -> memref<1x128x48xf32, #tpu.memory_space<vmem>>
      %dma_wait3A_573 = tpu.memref_squeeze %dma_wait3A_572 : memref<1x128x48xf32, #tpu.memory_space<vmem>> -> memref<128x48xf32, #tpu.memory_space<vmem>>
      %dma_wait3A_574 = arith.constant 0 : i32
      %dma_wait3A_575 = tpu.memref_slice %arg8[%add3A_563, %dma_wait3A_574] : memref<80x128xi32, #tpu.memory_space<vmem>> -> memref<1x128xi32, #tpu.memory_space<vmem>>
      %dma_wait3A_576 = tpu.memref_squeeze %dma_wait3A_575 : memref<1x128xi32, #tpu.memory_space<vmem>> -> memref<128xi32, #tpu.memory_space<vmem>>
      %dma_wait3A_577 = arith.constant 0 : i32
      %dma_wait3A_578 = arith.constant 0 : i32
      %dma_wait3A_579 = tpu.memref_slice %arg10[%dma_wait3A_577, %dma_wait3A_578] : memref<10240x48xf32, #tpu.memory_space<vmem_shared>> -> memref<10240x48xf32, #tpu.memory_space<vmem_shared>>
      %dma_wait3A_580 = tpu.memref_slice %arg13[%dma_wait3A_569] : memref<8x!tpu.dma_semaphore, #tpu.memory_space<semaphore_mem>> -> memref<1x!tpu.dma_semaphore, #tpu.memory_space<semaphore_mem>>
      %dma_wait3A_581 = tpu.memref_squeeze %dma_wait3A_580 : memref<1x!tpu.dma_semaphore, #tpu.memory_space<semaphore_mem>> -> memref<!tpu.dma_semaphore, #tpu.memory_space<semaphore_mem>>
      tpu.wait_indirect_dma semaphore(%dma_wait3A_581 : memref<!tpu.dma_semaphore, #tpu.memory_space<semaphore_mem>>) src(%dma_wait3A_573 : memref<128x48xf32, #tpu.memory_space<vmem>>) dst(%dma_wait3A_579 : memref<10240x48xf32, #tpu.memory_space<vmem_shared>>)
      %add3A_582 = arith.constant 1 : i32
      %add3A_583 = arith.addi %scan3A_188, %add3A_582 : i32
      %lt3A_584 = arith.constant 10 : i32
      %lt3A_585 = arith.cmpi slt, %add3A_583, %lt3A_584 : i32
      %convert_element_type3A_586 = arith.extui %lt3A_585 : i1 to i32
      %cond3A_587 = arith.constant 0 : i32
      %cond3A_588 = arith.cmpi ne, %convert_element_type3A_586, %cond3A_587 : i32
      scf.if %cond3A_588 {
        %dma_start3A_643 = arith.constant 5 : i32
        %dma_start3A_644 = arith.constant 5 : i32
        %dma_start3A_645 = arith.constant 0 : i32
        %dma_start3A_646 = arith.constant 0 : i32
        %dma_start3A_647 = tpu.memref_slice %arg9[%dma_start3A_643, %dma_start3A_645, %dma_start3A_646] : memref<8x128x48xf32, #tpu.memory_space<vmem>> -> memref<1x128x48xf32, #tpu.memory_space<vmem>>
        %dma_start3A_648 = tpu.memref_squeeze %dma_start3A_647 : memref<1x128x48xf32, #tpu.memory_space<vmem>> -> memref<128x48xf32, #tpu.memory_space<vmem>>
        %dma_start3A_649 = arith.constant 0 : i32
        %dma_start3A_650 = tpu.memref_slice %arg7[%min3A_567, %dma_start3A_649] : memref<80x128xi32, #tpu.memory_space<vmem>> -> memref<1x128xi32, #tpu.memory_space<vmem>>
        %dma_start3A_651 = tpu.memref_squeeze %dma_start3A_650 : memref<1x128xi32, #tpu.memory_space<vmem>> -> memref<128xi32, #tpu.memory_space<vmem>>
        %dma_start3A_652 = arith.constant 0 : i32
        %dma_start3A_653 = arith.constant 0 : i32
        %dma_start3A_654 = tpu.memref_slice %arg11[%dma_start3A_652, %dma_start3A_653] : memref<10240x48xf32, #tpu.memory_space<vmem_shared>> -> memref<10240x48xf32, #tpu.memory_space<vmem_shared>>
        %dma_start3A_655 = tpu.memref_slice %arg12[%dma_start3A_644] : memref<8x!tpu.dma_semaphore, #tpu.memory_space<semaphore_mem>> -> memref<1x!tpu.dma_semaphore, #tpu.memory_space<semaphore_mem>>
        %dma_start3A_656 = tpu.memref_squeeze %dma_start3A_655 : memref<1x!tpu.dma_semaphore, #tpu.memory_space<semaphore_mem>> -> memref<!tpu.dma_semaphore, #tpu.memory_space<semaphore_mem>>
        tpu.enqueue_indirect_dma source(%dma_start3A_654 : memref<10240x48xf32, #tpu.memory_space<vmem_shared>>) target(%dma_start3A_648 : memref<128x48xf32, #tpu.memory_space<vmem>>) offsets(%dma_start3A_651 : memref<128xi32, #tpu.memory_space<vmem>>) semaphore(%dma_start3A_656 : memref<!tpu.dma_semaphore, #tpu.memory_space<semaphore_mem>>)
      } else {
      }
      %add3A_589 = arith.constant 6 : i32
      %add3A_590 = arith.addi %mul3A_190, %add3A_589 : i32
      %add3A_591 = arith.constant 8 : i32
      %add3A_592 = arith.addi %add3A_590, %add3A_591 : i32
      %min3A_593 = arith.constant 79 : i32
      %min3A_594 = arith.minsi %add3A_592, %min3A_593 : i32
      %dma_wait3A_595 = arith.constant 6 : i32
      %dma_wait3A_596 = arith.constant 6 : i32
      %dma_wait3A_597 = arith.constant 0 : i32
      %dma_wait3A_598 = arith.constant 0 : i32
      %dma_wait3A_599 = tpu.memref_slice %arg9[%dma_wait3A_595, %dma_wait3A_597, %dma_wait3A_598] : memref<8x128x48xf32, #tpu.memory_space<vmem>> -> memref<1x128x48xf32, #tpu.memory_space<vmem>>
      %dma_wait3A_600 = tpu.memref_squeeze %dma_wait3A_599 : memref<1x128x48xf32, #tpu.memory_space<vmem>> -> memref<128x48xf32, #tpu.memory_space<vmem>>
      %dma_wait3A_601 = arith.constant 0 : i32
      %dma_wait3A_602 = tpu.memref_slice %arg8[%add3A_590, %dma_wait3A_601] : memref<80x128xi32, #tpu.memory_space<vmem>> -> memref<1x128xi32, #tpu.memory_space<vmem>>
      %dma_wait3A_603 = tpu.memref_squeeze %dma_wait3A_602 : memref<1x128xi32, #tpu.memory_space<vmem>> -> memref<128xi32, #tpu.memory_space<vmem>>
      %dma_wait3A_604 = arith.constant 0 : i32
      %dma_wait3A_605 = arith.constant 0 : i32
      %dma_wait3A_606 = tpu.memref_slice %arg10[%dma_wait3A_604, %dma_wait3A_605] : memref<10240x48xf32, #tpu.memory_space<vmem_shared>> -> memref<10240x48xf32, #tpu.memory_space<vmem_shared>>
      %dma_wait3A_607 = tpu.memref_slice %arg13[%dma_wait3A_596] : memref<8x!tpu.dma_semaphore, #tpu.memory_space<semaphore_mem>> -> memref<1x!tpu.dma_semaphore, #tpu.memory_space<semaphore_mem>>
      %dma_wait3A_608 = tpu.memref_squeeze %dma_wait3A_607 : memref<1x!tpu.dma_semaphore, #tpu.memory_space<semaphore_mem>> -> memref<!tpu.dma_semaphore, #tpu.memory_space<semaphore_mem>>
      tpu.wait_indirect_dma semaphore(%dma_wait3A_608 : memref<!tpu.dma_semaphore, #tpu.memory_space<semaphore_mem>>) src(%dma_wait3A_600 : memref<128x48xf32, #tpu.memory_space<vmem>>) dst(%dma_wait3A_606 : memref<10240x48xf32, #tpu.memory_space<vmem_shared>>)
      %add3A_609 = arith.constant 1 : i32
      %add3A_610 = arith.addi %scan3A_188, %add3A_609 : i32
      %lt3A_611 = arith.constant 10 : i32
      %lt3A_612 = arith.cmpi slt, %add3A_610, %lt3A_611 : i32
      %convert_element_type3A_613 = arith.extui %lt3A_612 : i1 to i32
      %cond3A_614 = arith.constant 0 : i32
      %cond3A_615 = arith.cmpi ne, %convert_element_type3A_613, %cond3A_614 : i32
      scf.if %cond3A_615 {
        %dma_start3A_643 = arith.constant 6 : i32
        %dma_start3A_644 = arith.constant 6 : i32
        %dma_start3A_645 = arith.constant 0 : i32
        %dma_start3A_646 = arith.constant 0 : i32
        %dma_start3A_647 = tpu.memref_slice %arg9[%dma_start3A_643, %dma_start3A_645, %dma_start3A_646] : memref<8x128x48xf32, #tpu.memory_space<vmem>> -> memref<1x128x48xf32, #tpu.memory_space<vmem>>
        %dma_start3A_648 = tpu.memref_squeeze %dma_start3A_647 : memref<1x128x48xf32, #tpu.memory_space<vmem>> -> memref<128x48xf32, #tpu.memory_space<vmem>>
        %dma_start3A_649 = arith.constant 0 : i32
        %dma_start3A_650 = tpu.memref_slice %arg7[%min3A_594, %dma_start3A_649] : memref<80x128xi32, #tpu.memory_space<vmem>> -> memref<1x128xi32, #tpu.memory_space<vmem>>
        %dma_start3A_651 = tpu.memref_squeeze %dma_start3A_650 : memref<1x128xi32, #tpu.memory_space<vmem>> -> memref<128xi32, #tpu.memory_space<vmem>>
        %dma_start3A_652 = arith.constant 0 : i32
        %dma_start3A_653 = arith.constant 0 : i32
        %dma_start3A_654 = tpu.memref_slice %arg11[%dma_start3A_652, %dma_start3A_653] : memref<10240x48xf32, #tpu.memory_space<vmem_shared>> -> memref<10240x48xf32, #tpu.memory_space<vmem_shared>>
        %dma_start3A_655 = tpu.memref_slice %arg12[%dma_start3A_644] : memref<8x!tpu.dma_semaphore, #tpu.memory_space<semaphore_mem>> -> memref<1x!tpu.dma_semaphore, #tpu.memory_space<semaphore_mem>>
        %dma_start3A_656 = tpu.memref_squeeze %dma_start3A_655 : memref<1x!tpu.dma_semaphore, #tpu.memory_space<semaphore_mem>> -> memref<!tpu.dma_semaphore, #tpu.memory_space<semaphore_mem>>
        tpu.enqueue_indirect_dma source(%dma_start3A_654 : memref<10240x48xf32, #tpu.memory_space<vmem_shared>>) target(%dma_start3A_648 : memref<128x48xf32, #tpu.memory_space<vmem>>) offsets(%dma_start3A_651 : memref<128xi32, #tpu.memory_space<vmem>>) semaphore(%dma_start3A_656 : memref<!tpu.dma_semaphore, #tpu.memory_space<semaphore_mem>>)
      } else {
      }
      %add3A_616 = arith.constant 7 : i32
      %add3A_617 = arith.addi %mul3A_190, %add3A_616 : i32
      %add3A_618 = arith.constant 8 : i32
      %add3A_619 = arith.addi %add3A_617, %add3A_618 : i32
      %min3A_620 = arith.constant 79 : i32
      %min3A_621 = arith.minsi %add3A_619, %min3A_620 : i32
      %dma_wait3A_622 = arith.constant 7 : i32
      %dma_wait3A_623 = arith.constant 7 : i32
      %dma_wait3A_624 = arith.constant 0 : i32
      %dma_wait3A_625 = arith.constant 0 : i32
      %dma_wait3A_626 = tpu.memref_slice %arg9[%dma_wait3A_622, %dma_wait3A_624, %dma_wait3A_625] : memref<8x128x48xf32, #tpu.memory_space<vmem>> -> memref<1x128x48xf32, #tpu.memory_space<vmem>>
      %dma_wait3A_627 = tpu.memref_squeeze %dma_wait3A_626 : memref<1x128x48xf32, #tpu.memory_space<vmem>> -> memref<128x48xf32, #tpu.memory_space<vmem>>
      %dma_wait3A_628 = arith.constant 0 : i32
      %dma_wait3A_629 = tpu.memref_slice %arg8[%add3A_617, %dma_wait3A_628] : memref<80x128xi32, #tpu.memory_space<vmem>> -> memref<1x128xi32, #tpu.memory_space<vmem>>
      %dma_wait3A_630 = tpu.memref_squeeze %dma_wait3A_629 : memref<1x128xi32, #tpu.memory_space<vmem>> -> memref<128xi32, #tpu.memory_space<vmem>>
      %dma_wait3A_631 = arith.constant 0 : i32
      %dma_wait3A_632 = arith.constant 0 : i32
      %dma_wait3A_633 = tpu.memref_slice %arg10[%dma_wait3A_631, %dma_wait3A_632] : memref<10240x48xf32, #tpu.memory_space<vmem_shared>> -> memref<10240x48xf32, #tpu.memory_space<vmem_shared>>
      %dma_wait3A_634 = tpu.memref_slice %arg13[%dma_wait3A_623] : memref<8x!tpu.dma_semaphore, #tpu.memory_space<semaphore_mem>> -> memref<1x!tpu.dma_semaphore, #tpu.memory_space<semaphore_mem>>
      %dma_wait3A_635 = tpu.memref_squeeze %dma_wait3A_634 : memref<1x!tpu.dma_semaphore, #tpu.memory_space<semaphore_mem>> -> memref<!tpu.dma_semaphore, #tpu.memory_space<semaphore_mem>>
      tpu.wait_indirect_dma semaphore(%dma_wait3A_635 : memref<!tpu.dma_semaphore, #tpu.memory_space<semaphore_mem>>) src(%dma_wait3A_627 : memref<128x48xf32, #tpu.memory_space<vmem>>) dst(%dma_wait3A_633 : memref<10240x48xf32, #tpu.memory_space<vmem_shared>>)
      %add3A_636 = arith.constant 1 : i32
      %add3A_637 = arith.addi %scan3A_188, %add3A_636 : i32
      %lt3A_638 = arith.constant 10 : i32
      %lt3A_639 = arith.cmpi slt, %add3A_637, %lt3A_638 : i32
      %convert_element_type3A_640 = arith.extui %lt3A_639 : i1 to i32
      %cond3A_641 = arith.constant 0 : i32
      %cond3A_642 = arith.cmpi ne, %convert_element_type3A_640, %cond3A_641 : i32
      scf.if %cond3A_642 {
        %dma_start3A_643 = arith.constant 7 : i32
        %dma_start3A_644 = arith.constant 7 : i32
        %dma_start3A_645 = arith.constant 0 : i32
        %dma_start3A_646 = arith.constant 0 : i32
        %dma_start3A_647 = tpu.memref_slice %arg9[%dma_start3A_643, %dma_start3A_645, %dma_start3A_646] : memref<8x128x48xf32, #tpu.memory_space<vmem>> -> memref<1x128x48xf32, #tpu.memory_space<vmem>>
        %dma_start3A_648 = tpu.memref_squeeze %dma_start3A_647 : memref<1x128x48xf32, #tpu.memory_space<vmem>> -> memref<128x48xf32, #tpu.memory_space<vmem>>
        %dma_start3A_649 = arith.constant 0 : i32
        %dma_start3A_650 = tpu.memref_slice %arg7[%min3A_621, %dma_start3A_649] : memref<80x128xi32, #tpu.memory_space<vmem>> -> memref<1x128xi32, #tpu.memory_space<vmem>>
        %dma_start3A_651 = tpu.memref_squeeze %dma_start3A_650 : memref<1x128xi32, #tpu.memory_space<vmem>> -> memref<128xi32, #tpu.memory_space<vmem>>
        %dma_start3A_652 = arith.constant 0 : i32
        %dma_start3A_653 = arith.constant 0 : i32
        %dma_start3A_654 = tpu.memref_slice %arg11[%dma_start3A_652, %dma_start3A_653] : memref<10240x48xf32, #tpu.memory_space<vmem_shared>> -> memref<10240x48xf32, #tpu.memory_space<vmem_shared>>
        %dma_start3A_655 = tpu.memref_slice %arg12[%dma_start3A_644] : memref<8x!tpu.dma_semaphore, #tpu.memory_space<semaphore_mem>> -> memref<1x!tpu.dma_semaphore, #tpu.memory_space<semaphore_mem>>
        %dma_start3A_656 = tpu.memref_squeeze %dma_start3A_655 : memref<1x!tpu.dma_semaphore, #tpu.memory_space<semaphore_mem>> -> memref<!tpu.dma_semaphore, #tpu.memory_space<semaphore_mem>>
        tpu.enqueue_indirect_dma source(%dma_start3A_654 : memref<10240x48xf32, #tpu.memory_space<vmem_shared>>) target(%dma_start3A_648 : memref<128x48xf32, #tpu.memory_space<vmem>>) offsets(%dma_start3A_651 : memref<128xi32, #tpu.memory_space<vmem>>) semaphore(%dma_start3A_656 : memref<!tpu.dma_semaphore, #tpu.memory_space<semaphore_mem>>)
      } else {
      }
    }
    %scan3A_179 = arith.constant 10 : i32
    %barrier3A_180 = arith.constant 0 : index
    tpu.barrier barrier_id(%barrier3A_180)
    %mul3A_181 = arith.constant 640 : i32
    %mul3A_182 = arith.muli %arg1, %mul3A_181 : i32
    %mul3A_183 = arith.constant 10240 : i32
    %mul3A_184 = arith.muli %arg0, %mul3A_183 : i32
    %mul3A_185 = arith.constant 640 : i32
    %mul3A_186 = arith.muli %arg1, %mul3A_185 : i32
    %add3A_187 = arith.addi %mul3A_184, %mul3A_186 : i32
    "tpu.region"() ({
      %run_scoped3A = tpu.sem_alloc : memref<!tpu.dma_semaphore, #tpu.memory_space<semaphore_mem>>
      %dma_start3A_188 = arith.constant 0 : i32
      %dma_start3A_189 = tpu.memref_slice %arg6[%add3A_187, %dma_start3A_188] : memref<20480x48xf32, #tpu.memory_space<hbm>> -> memref<640x48xf32, #tpu.memory_space<hbm>>
      %dma_start3A_190 = arith.constant 0 : i32
      %dma_start3A_191 = tpu.memref_slice %arg10[%mul3A_182, %dma_start3A_190] : memref<10240x48xf32, #tpu.memory_space<vmem_shared>> -> memref<640x48xf32, #tpu.memory_space<vmem_shared>>
      tpu.enqueue_dma source(%dma_start3A_191 : memref<640x48xf32, #tpu.memory_space<vmem_shared>>) target(%dma_start3A_189 : memref<640x48xf32, #tpu.memory_space<hbm>>) target_semaphore(%run_scoped3A : memref<!tpu.dma_semaphore, #tpu.memory_space<semaphore_mem>>)
      %dma_wait3A_192 = arith.constant 0 : i32
      %dma_wait3A_193 = tpu.memref_slice %arg6[%add3A_187, %dma_wait3A_192] : memref<20480x48xf32, #tpu.memory_space<hbm>> -> memref<640x48xf32, #tpu.memory_space<hbm>>
      %dma_wait3A_194 = arith.constant 0 : i32
      %dma_wait3A_195 = tpu.memref_slice %arg10[%mul3A_182, %dma_wait3A_194] : memref<10240x48xf32, #tpu.memory_space<vmem_shared>> -> memref<640x48xf32, #tpu.memory_space<vmem_shared>>
      tpu.wait_dma2 semaphore(%run_scoped3A : memref<!tpu.dma_semaphore, #tpu.memory_space<semaphore_mem>>) src(%dma_wait3A_195 : memref<640x48xf32, #tpu.memory_space<vmem_shared>>) dst(%dma_wait3A_193 : memref<640x48xf32, #tpu.memory_space<hbm>>)
      tpu.yield
    }) : () -> ()
    return
  }
}

#map = affine_map<(d0, d1) -> (0, 0)>
module attributes {stable_mosaic.version = 14 : i64} {
  func.func @_sc_segsum(%arg0: i32, %arg1: i32, %arg2: memref<10240x48xf32, #tpu.memory_space<hbm>>, %arg3: memref<2560x128xi32, #tpu.memory_space<hbm>>, %arg4: memref<2560x128xi32, #tpu.memory_space<hbm>>, %arg5: memref<10240x48xf32, #tpu.memory_space<hbm>>, %arg6: memref<20480x48xf32, #tpu.memory_space<hbm>>, %arg7: memref<80x128xi32, #tpu.memory_space<vmem>>, %arg8: memref<80x128xi32, #tpu.memory_space<vmem>>, %arg9: memref<8x128x48xf32, #tpu.memory_space<vmem>>, %arg10: memref<10240x48xf32, #tpu.memory_space<vmem_shared>>, %arg11: memref<10240x48xf32, #tpu.memory_space<vmem_shared>>, %arg12: memref<8x!tpu.dma_semaphore, #tpu.memory_space<semaphore_mem>>, %arg13: memref<8x!tpu.dma_semaphore, #tpu.memory_space<semaphore_mem>>, %arg14: memref<!tpu.dma_semaphore, #tpu.memory_space<semaphore_mem>>) attributes {dimension_semantics = [#tpu.dimension_semantics<core_parallel>, #tpu.dimension_semantics<subcore_parallel>], iteration_bounds = array<i64: 2, 16>, scalar_prefetch = 0 : i64, scratch_operands = 8 : i64, tpu.core_type = #tpu.core_type<sc_vector_subcore>, window_params = [{transform_indices = #map}, {transform_indices = #map}, {transform_indices = #map}, {transform_indices = #map}, {transform_indices = #map}]} {
    %mul3A = arith.constant 16 : i32
    %mul3A_0 = arith.muli %arg0, %mul3A : i32
    %add3A = arith.addi %mul3A_0, %arg1 : i32
    %mul3A_1 = arith.constant 80 : i32
    %mul3A_2 = arith.muli %add3A, %mul3A_1 : i32
    %dma_start3A = arith.constant 0 : i32
    %dma_start3A_3 = tpu.memref_slice %arg3[%mul3A_2, %dma_start3A] : memref<2560x128xi32, #tpu.memory_space<hbm>> -> memref<80x128xi32, #tpu.memory_space<hbm>>
    %dma_start3A_4 = arith.constant 0 : i32
    %dma_start3A_5 = tpu.memref_slice %arg3[%mul3A_2, %dma_start3A_4] : memref<2560x128xi32, #tpu.memory_space<hbm>> -> memref<80x128xi32, #tpu.memory_space<hbm>>
    tpu.enqueue_dma source(%dma_start3A_5 : memref<80x128xi32, #tpu.memory_space<hbm>>) target(%arg7 : memref<80x128xi32, #tpu.memory_space<vmem>>) target_semaphore(%arg14 : memref<!tpu.dma_semaphore, #tpu.memory_space<semaphore_mem>>)
    %mul3A_6 = arith.constant 80 : i32
    %mul3A_7 = arith.muli %add3A, %mul3A_6 : i32
    %dma_start3A_8 = arith.constant 0 : i32
    %dma_start3A_9 = tpu.memref_slice %arg4[%mul3A_7, %dma_start3A_8] : memref<2560x128xi32, #tpu.memory_space<hbm>> -> memref<80x128xi32, #tpu.memory_space<hbm>>
    %dma_start3A_10 = arith.constant 0 : i32
    %dma_start3A_11 = tpu.memref_slice %arg4[%mul3A_7, %dma_start3A_10] : memref<2560x128xi32, #tpu.memory_space<hbm>> -> memref<80x128xi32, #tpu.memory_space<hbm>>
    tpu.enqueue_dma source(%dma_start3A_11 : memref<80x128xi32, #tpu.memory_space<hbm>>) target(%arg8 : memref<80x128xi32, #tpu.memory_space<vmem>>) target_semaphore(%arg14 : memref<!tpu.dma_semaphore, #tpu.memory_space<semaphore_mem>>)
    %mul3A_12 = arith.constant 640 : i32
    %mul3A_13 = arith.muli %arg1, %mul3A_12 : i32
    %mul3A_14 = arith.constant 640 : i32
    %mul3A_15 = arith.muli %arg1, %mul3A_14 : i32
    %dma_start3A_16 = arith.constant 0 : i32
    %dma_start3A_17 = tpu.memref_slice %arg10[%mul3A_15, %dma_start3A_16] : memref<10240x48xf32, #tpu.memory_space<vmem_shared>> -> memref<640x48xf32, #tpu.memory_space<vmem_shared>>
    %dma_start3A_18 = arith.constant 0 : i32
    %dma_start3A_19 = tpu.memref_slice %arg5[%mul3A_13, %dma_start3A_18] : memref<10240x48xf32, #tpu.memory_space<hbm>> -> memref<640x48xf32, #tpu.memory_space<hbm>>
    tpu.enqueue_dma source(%dma_start3A_19 : memref<640x48xf32, #tpu.memory_space<hbm>>) target(%dma_start3A_17 : memref<640x48xf32, #tpu.memory_space<vmem_shared>>) target_semaphore(%arg14 : memref<!tpu.dma_semaphore, #tpu.memory_space<semaphore_mem>>)
    %mul3A_20 = arith.constant 640 : i32
    %mul3A_21 = arith.muli %arg1, %mul3A_20 : i32
    %mul3A_22 = arith.constant 640 : i32
    %mul3A_23 = arith.muli %arg1, %mul3A_22 : i32
    %dma_start3A_24 = arith.constant 0 : i32
    %dma_start3A_25 = tpu.memref_slice %arg11[%mul3A_23, %dma_start3A_24] : memref<10240x48xf32, #tpu.memory_space<vmem_shared>> -> memref<640x48xf32, #tpu.memory_space<vmem_shared>>
    %dma_start3A_26 = arith.constant 0 : i32
    %dma_start3A_27 = tpu.memref_slice %arg2[%mul3A_21, %dma_start3A_26] : memref<10240x48xf32, #tpu.memory_space<hbm>> -> memref<640x48xf32, #tpu.memory_space<hbm>>
    tpu.enqueue_dma source(%dma_start3A_27 : memref<640x48xf32, #tpu.memory_space<hbm>>) target(%dma_start3A_25 : memref<640x48xf32, #tpu.memory_space<vmem_shared>>) target_semaphore(%arg14 : memref<!tpu.dma_semaphore, #tpu.memory_space<semaphore_mem>>)
    %mul3A_28 = arith.constant 80 : i32
    %mul3A_29 = arith.muli %add3A, %mul3A_28 : i32
    %dma_wait3A = arith.constant 0 : i32
    %dma_wait3A_30 = tpu.memref_slice %arg3[%mul3A_29, %dma_wait3A] : memref<2560x128xi32, #tpu.memory_space<hbm>> -> memref<80x128xi32, #tpu.memory_space<hbm>>
    %dma_wait3A_31 = arith.constant 0 : i32
    %dma_wait3A_32 = tpu.memref_slice %arg3[%mul3A_29, %dma_wait3A_31] : memref<2560x128xi32, #tpu.memory_space<hbm>> -> memref<80x128xi32, #tpu.memory_space<hbm>>
    tpu.wait_dma2 semaphore(%arg14 : memref<!tpu.dma_semaphore, #tpu.memory_space<semaphore_mem>>) src(%dma_wait3A_32 : memref<80x128xi32, #tpu.memory_space<hbm>>) dst(%arg7 : memref<80x128xi32, #tpu.memory_space<vmem>>)
    %mul3A_33 = arith.constant 80 : i32
    %mul3A_34 = arith.muli %add3A, %mul3A_33 : i32
    %dma_wait3A_35 = arith.constant 0 : i32
    %dma_wait3A_36 = tpu.memref_slice %arg4[%mul3A_34, %dma_wait3A_35] : memref<2560x128xi32, #tpu.memory_space<hbm>> -> memref<80x128xi32, #tpu.memory_space<hbm>>
    %dma_wait3A_37 = arith.constant 0 : i32
    %dma_wait3A_38 = tpu.memref_slice %arg4[%mul3A_34, %dma_wait3A_37] : memref<2560x128xi32, #tpu.memory_space<hbm>> -> memref<80x128xi32, #tpu.memory_space<hbm>>
    tpu.wait_dma2 semaphore(%arg14 : memref<!tpu.dma_semaphore, #tpu.memory_space<semaphore_mem>>) src(%dma_wait3A_38 : memref<80x128xi32, #tpu.memory_space<hbm>>) dst(%arg8 : memref<80x128xi32, #tpu.memory_space<vmem>>)
    %mul3A_39 = arith.constant 640 : i32
    %mul3A_40 = arith.muli %arg1, %mul3A_39 : i32
    %mul3A_41 = arith.constant 640 : i32
    %mul3A_42 = arith.muli %arg1, %mul3A_41 : i32
    %dma_wait3A_43 = arith.constant 0 : i32
    %dma_wait3A_44 = tpu.memref_slice %arg10[%mul3A_42, %dma_wait3A_43] : memref<10240x48xf32, #tpu.memory_space<vmem_shared>> -> memref<640x48xf32, #tpu.memory_space<vmem_shared>>
    %dma_wait3A_45 = arith.constant 0 : i32
    %dma_wait3A_46 = tpu.memref_slice %arg5[%mul3A_40, %dma_wait3A_45] : memref<10240x48xf32, #tpu.memory_space<hbm>> -> memref<640x48xf32, #tpu.memory_space<hbm>>
    tpu.wait_dma2 semaphore(%arg14 : memref<!tpu.dma_semaphore, #tpu.memory_space<semaphore_mem>>) src(%dma_wait3A_46 : memref<640x48xf32, #tpu.memory_space<hbm>>) dst(%dma_wait3A_44 : memref<640x48xf32, #tpu.memory_space<vmem_shared>>)
    %mul3A_47 = arith.constant 640 : i32
    %mul3A_48 = arith.muli %arg1, %mul3A_47 : i32
    %mul3A_49 = arith.constant 640 : i32
    %mul3A_50 = arith.muli %arg1, %mul3A_49 : i32
    %dma_wait3A_51 = arith.constant 0 : i32
    %dma_wait3A_52 = tpu.memref_slice %arg11[%mul3A_50, %dma_wait3A_51] : memref<10240x48xf32, #tpu.memory_space<vmem_shared>> -> memref<640x48xf32, #tpu.memory_space<vmem_shared>>
    %dma_wait3A_53 = arith.constant 0 : i32
    %dma_wait3A_54 = tpu.memref_slice %arg2[%mul3A_48, %dma_wait3A_53] : memref<10240x48xf32, #tpu.memory_space<hbm>> -> memref<640x48xf32, #tpu.memory_space<hbm>>
    tpu.wait_dma2 semaphore(%arg14 : memref<!tpu.dma_semaphore, #tpu.memory_space<semaphore_mem>>) src(%dma_wait3A_54 : memref<640x48xf32, #tpu.memory_space<hbm>>) dst(%dma_wait3A_52 : memref<640x48xf32, #tpu.memory_space<vmem_shared>>)
    %barrier3A = arith.constant 0 : index
    tpu.barrier barrier_id(%barrier3A)
    %dma_start3A_55 = arith.constant 0 : i32
    %dma_start3A_56 = arith.constant 0 : i32
    %dma_start3A_57 = arith.constant 0 : i32
    %dma_start3A_58 = arith.constant 0 : i32
    %dma_start3A_59 = arith.constant 0 : i32
    %dma_start3A_60 = tpu.memref_slice %arg9[%dma_start3A_56, %dma_start3A_58, %dma_start3A_59] : memref<8x128x48xf32, #tpu.memory_space<vmem>> -> memref<1x128x48xf32, #tpu.memory_space<vmem>>
    %dma_start3A_61 = tpu.memref_squeeze %dma_start3A_60 : memref<1x128x48xf32, #tpu.memory_space<vmem>> -> memref<128x48xf32, #tpu.memory_space<vmem>>
    %dma_start3A_62 = arith.constant 0 : i32
    %dma_start3A_63 = tpu.memref_slice %arg7[%dma_start3A_55, %dma_start3A_62] : memref<80x128xi32, #tpu.memory_space<vmem>> -> memref<1x128xi32, #tpu.memory_space<vmem>>
    %dma_start3A_64 = tpu.memref_squeeze %dma_start3A_63 : memref<1x128xi32, #tpu.memory_space<vmem>> -> memref<128xi32, #tpu.memory_space<vmem>>
    %dma_start3A_65 = arith.constant 0 : i32
    %dma_start3A_66 = arith.constant 0 : i32
    %dma_start3A_67 = tpu.memref_slice %arg11[%dma_start3A_65, %dma_start3A_66] : memref<10240x48xf32, #tpu.memory_space<vmem_shared>> -> memref<10240x48xf32, #tpu.memory_space<vmem_shared>>
    %dma_start3A_68 = tpu.memref_slice %arg12[%dma_start3A_57] : memref<8x!tpu.dma_semaphore, #tpu.memory_space<semaphore_mem>> -> memref<1x!tpu.dma_semaphore, #tpu.memory_space<semaphore_mem>>
    %dma_start3A_69 = tpu.memref_squeeze %dma_start3A_68 : memref<1x!tpu.dma_semaphore, #tpu.memory_space<semaphore_mem>> -> memref<!tpu.dma_semaphore, #tpu.memory_space<semaphore_mem>>
    tpu.enqueue_indirect_dma source(%dma_start3A_67 : memref<10240x48xf32, #tpu.memory_space<vmem_shared>>) target(%dma_start3A_61 : memref<128x48xf32, #tpu.memory_space<vmem>>) offsets(%dma_start3A_64 : memref<128xi32, #tpu.memory_space<vmem>>) semaphore(%dma_start3A_69 : memref<!tpu.dma_semaphore, #tpu.memory_space<semaphore_mem>>)
    %dma_start3A_70 = arith.constant 1 : i32
    %dma_start3A_71 = arith.constant 1 : i32
    %dma_start3A_72 = arith.constant 1 : i32
    %dma_start3A_73 = arith.constant 0 : i32
    %dma_start3A_74 = arith.constant 0 : i32
    %dma_start3A_75 = tpu.memref_slice %arg9[%dma_start3A_71, %dma_start3A_73, %dma_start3A_74] : memref<8x128x48xf32, #tpu.memory_space<vmem>> -> memref<1x128x48xf32, #tpu.memory_space<vmem>>
    %dma_start3A_76 = tpu.memref_squeeze %dma_start3A_75 : memref<1x128x48xf32, #tpu.memory_space<vmem>> -> memref<128x48xf32, #tpu.memory_space<vmem>>
    %dma_start3A_77 = arith.constant 0 : i32
    %dma_start3A_78 = tpu.memref_slice %arg7[%dma_start3A_70, %dma_start3A_77] : memref<80x128xi32, #tpu.memory_space<vmem>> -> memref<1x128xi32, #tpu.memory_space<vmem>>
    %dma_start3A_79 = tpu.memref_squeeze %dma_start3A_78 : memref<1x128xi32, #tpu.memory_space<vmem>> -> memref<128xi32, #tpu.memory_space<vmem>>
    %dma_start3A_80 = arith.constant 0 : i32
    %dma_start3A_81 = arith.constant 0 : i32
    %dma_start3A_82 = tpu.memref_slice %arg11[%dma_start3A_80, %dma_start3A_81] : memref<10240x48xf32, #tpu.memory_space<vmem_shared>> -> memref<10240x48xf32, #tpu.memory_space<vmem_shared>>
    %dma_start3A_83 = tpu.memref_slice %arg12[%dma_start3A_72] : memref<8x!tpu.dma_semaphore, #tpu.memory_space<semaphore_mem>> -> memref<1x!tpu.dma_semaphore, #tpu.memory_space<semaphore_mem>>
    %dma_start3A_84 = tpu.memref_squeeze %dma_start3A_83 : memref<1x!tpu.dma_semaphore, #tpu.memory_space<semaphore_mem>> -> memref<!tpu.dma_semaphore, #tpu.memory_space<semaphore_mem>>
    tpu.enqueue_indirect_dma source(%dma_start3A_82 : memref<10240x48xf32, #tpu.memory_space<vmem_shared>>) target(%dma_start3A_76 : memref<128x48xf32, #tpu.memory_space<vmem>>) offsets(%dma_start3A_79 : memref<128xi32, #tpu.memory_space<vmem>>) semaphore(%dma_start3A_84 : memref<!tpu.dma_semaphore, #tpu.memory_space<semaphore_mem>>)
    %dma_start3A_85 = arith.constant 2 : i32
    %dma_start3A_86 = arith.constant 2 : i32
    %dma_start3A_87 = arith.constant 2 : i32
    %dma_start3A_88 = arith.constant 0 : i32
    %dma_start3A_89 = arith.constant 0 : i32
    %dma_start3A_90 = tpu.memref_slice %arg9[%dma_start3A_86, %dma_start3A_88, %dma_start3A_89] : memref<8x128x48xf32, #tpu.memory_space<vmem>> -> memref<1x128x48xf32, #tpu.memory_space<vmem>>
    %dma_start3A_91 = tpu.memref_squeeze %dma_start3A_90 : memref<1x128x48xf32, #tpu.memory_space<vmem>> -> memref<128x48xf32, #tpu.memory_space<vmem>>
    %dma_start3A_92 = arith.constant 0 : i32
    %dma_start3A_93 = tpu.memref_slice %arg7[%dma_start3A_85, %dma_start3A_92] : memref<80x128xi32, #tpu.memory_space<vmem>> -> memref<1x128xi32, #tpu.memory_space<vmem>>
    %dma_start3A_94 = tpu.memref_squeeze %dma_start3A_93 : memref<1x128xi32, #tpu.memory_space<vmem>> -> memref<128xi32, #tpu.memory_space<vmem>>
    %dma_start3A_95 = arith.constant 0 : i32
    %dma_start3A_96 = arith.constant 0 : i32
    %dma_start3A_97 = tpu.memref_slice %arg11[%dma_start3A_95, %dma_start3A_96] : memref<10240x48xf32, #tpu.memory_space<vmem_shared>> -> memref<10240x48xf32, #tpu.memory_space<vmem_shared>>
    %dma_start3A_98 = tpu.memref_slice %arg12[%dma_start3A_87] : memref<8x!tpu.dma_semaphore, #tpu.memory_space<semaphore_mem>> -> memref<1x!tpu.dma_semaphore, #tpu.memory_space<semaphore_mem>>
    %dma_start3A_99 = tpu.memref_squeeze %dma_start3A_98 : memref<1x!tpu.dma_semaphore, #tpu.memory_space<semaphore_mem>> -> memref<!tpu.dma_semaphore, #tpu.memory_space<semaphore_mem>>
    tpu.enqueue_indirect_dma source(%dma_start3A_97 : memref<10240x48xf32, #tpu.memory_space<vmem_shared>>) target(%dma_start3A_91 : memref<128x48xf32, #tpu.memory_space<vmem>>) offsets(%dma_start3A_94 : memref<128xi32, #tpu.memory_space<vmem>>) semaphore(%dma_start3A_99 : memref<!tpu.dma_semaphore, #tpu.memory_space<semaphore_mem>>)
    %dma_start3A_100 = arith.constant 3 : i32
    %dma_start3A_101 = arith.constant 3 : i32
    %dma_start3A_102 = arith.constant 3 : i32
    %dma_start3A_103 = arith.constant 0 : i32
    %dma_start3A_104 = arith.constant 0 : i32
    %dma_start3A_105 = tpu.memref_slice %arg9[%dma_start3A_101, %dma_start3A_103, %dma_start3A_104] : memref<8x128x48xf32, #tpu.memory_space<vmem>> -> memref<1x128x48xf32, #tpu.memory_space<vmem>>
    %dma_start3A_106 = tpu.memref_squeeze %dma_start3A_105 : memref<1x128x48xf32, #tpu.memory_space<vmem>> -> memref<128x48xf32, #tpu.memory_space<vmem>>
    %dma_start3A_107 = arith.constant 0 : i32
    %dma_start3A_108 = tpu.memref_slice %arg7[%dma_start3A_100, %dma_start3A_107] : memref<80x128xi32, #tpu.memory_space<vmem>> -> memref<1x128xi32, #tpu.memory_space<vmem>>
    %dma_start3A_109 = tpu.memref_squeeze %dma_start3A_108 : memref<1x128xi32, #tpu.memory_space<vmem>> -> memref<128xi32, #tpu.memory_space<vmem>>
    %dma_start3A_110 = arith.constant 0 : i32
    %dma_start3A_111 = arith.constant 0 : i32
    %dma_start3A_112 = tpu.memref_slice %arg11[%dma_start3A_110, %dma_start3A_111] : memref<10240x48xf32, #tpu.memory_space<vmem_shared>> -> memref<10240x48xf32, #tpu.memory_space<vmem_shared>>
    %dma_start3A_113 = tpu.memref_slice %arg12[%dma_start3A_102] : memref<8x!tpu.dma_semaphore, #tpu.memory_space<semaphore_mem>> -> memref<1x!tpu.dma_semaphore, #tpu.memory_space<semaphore_mem>>
    %dma_start3A_114 = tpu.memref_squeeze %dma_start3A_113 : memref<1x!tpu.dma_semaphore, #tpu.memory_space<semaphore_mem>> -> memref<!tpu.dma_semaphore, #tpu.memory_space<semaphore_mem>>
    tpu.enqueue_indirect_dma source(%dma_start3A_112 : memref<10240x48xf32, #tpu.memory_space<vmem_shared>>) target(%dma_start3A_106 : memref<128x48xf32, #tpu.memory_space<vmem>>) offsets(%dma_start3A_109 : memref<128xi32, #tpu.memory_space<vmem>>) semaphore(%dma_start3A_114 : memref<!tpu.dma_semaphore, #tpu.memory_space<semaphore_mem>>)
    %dma_start3A_115 = arith.constant 4 : i32
    %dma_start3A_116 = arith.constant 4 : i32
    %dma_start3A_117 = arith.constant 4 : i32
    %dma_start3A_118 = arith.constant 0 : i32
    %dma_start3A_119 = arith.constant 0 : i32
    %dma_start3A_120 = tpu.memref_slice %arg9[%dma_start3A_116, %dma_start3A_118, %dma_start3A_119] : memref<8x128x48xf32, #tpu.memory_space<vmem>> -> memref<1x128x48xf32, #tpu.memory_space<vmem>>
    %dma_start3A_121 = tpu.memref_squeeze %dma_start3A_120 : memref<1x128x48xf32, #tpu.memory_space<vmem>> -> memref<128x48xf32, #tpu.memory_space<vmem>>
    %dma_start3A_122 = arith.constant 0 : i32
    %dma_start3A_123 = tpu.memref_slice %arg7[%dma_start3A_115, %dma_start3A_122] : memref<80x128xi32, #tpu.memory_space<vmem>> -> memref<1x128xi32, #tpu.memory_space<vmem>>
    %dma_start3A_124 = tpu.memref_squeeze %dma_start3A_123 : memref<1x128xi32, #tpu.memory_space<vmem>> -> memref<128xi32, #tpu.memory_space<vmem>>
    %dma_start3A_125 = arith.constant 0 : i32
    %dma_start3A_126 = arith.constant 0 : i32
    %dma_start3A_127 = tpu.memref_slice %arg11[%dma_start3A_125, %dma_start3A_126] : memref<10240x48xf32, #tpu.memory_space<vmem_shared>> -> memref<10240x48xf32, #tpu.memory_space<vmem_shared>>
    %dma_start3A_128 = tpu.memref_slice %arg12[%dma_start3A_117] : memref<8x!tpu.dma_semaphore, #tpu.memory_space<semaphore_mem>> -> memref<1x!tpu.dma_semaphore, #tpu.memory_space<semaphore_mem>>
    %dma_start3A_129 = tpu.memref_squeeze %dma_start3A_128 : memref<1x!tpu.dma_semaphore, #tpu.memory_space<semaphore_mem>> -> memref<!tpu.dma_semaphore, #tpu.memory_space<semaphore_mem>>
    tpu.enqueue_indirect_dma source(%dma_start3A_127 : memref<10240x48xf32, #tpu.memory_space<vmem_shared>>) target(%dma_start3A_121 : memref<128x48xf32, #tpu.memory_space<vmem>>) offsets(%dma_start3A_124 : memref<128xi32, #tpu.memory_space<vmem>>) semaphore(%dma_start3A_129 : memref<!tpu.dma_semaphore, #tpu.memory_space<semaphore_mem>>)
    %dma_start3A_130 = arith.constant 5 : i32
    %dma_start3A_131 = arith.constant 5 : i32
    %dma_start3A_132 = arith.constant 5 : i32
    %dma_start3A_133 = arith.constant 0 : i32
    %dma_start3A_134 = arith.constant 0 : i32
    %dma_start3A_135 = tpu.memref_slice %arg9[%dma_start3A_131, %dma_start3A_133, %dma_start3A_134] : memref<8x128x48xf32, #tpu.memory_space<vmem>> -> memref<1x128x48xf32, #tpu.memory_space<vmem>>
    %dma_start3A_136 = tpu.memref_squeeze %dma_start3A_135 : memref<1x128x48xf32, #tpu.memory_space<vmem>> -> memref<128x48xf32, #tpu.memory_space<vmem>>
    %dma_start3A_137 = arith.constant 0 : i32
    %dma_start3A_138 = tpu.memref_slice %arg7[%dma_start3A_130, %dma_start3A_137] : memref<80x128xi32, #tpu.memory_space<vmem>> -> memref<1x128xi32, #tpu.memory_space<vmem>>
    %dma_start3A_139 = tpu.memref_squeeze %dma_start3A_138 : memref<1x128xi32, #tpu.memory_space<vmem>> -> memref<128xi32, #tpu.memory_space<vmem>>
    %dma_start3A_140 = arith.constant 0 : i32
    %dma_start3A_141 = arith.constant 0 : i32
    %dma_start3A_142 = tpu.memref_slice %arg11[%dma_start3A_140, %dma_start3A_141] : memref<10240x48xf32, #tpu.memory_space<vmem_shared>> -> memref<10240x48xf32, #tpu.memory_space<vmem_shared>>
    %dma_start3A_143 = tpu.memref_slice %arg12[%dma_start3A_132] : memref<8x!tpu.dma_semaphore, #tpu.memory_space<semaphore_mem>> -> memref<1x!tpu.dma_semaphore, #tpu.memory_space<semaphore_mem>>
    %dma_start3A_144 = tpu.memref_squeeze %dma_start3A_143 : memref<1x!tpu.dma_semaphore, #tpu.memory_space<semaphore_mem>> -> memref<!tpu.dma_semaphore, #tpu.memory_space<semaphore_mem>>
    tpu.enqueue_indirect_dma source(%dma_start3A_142 : memref<10240x48xf32, #tpu.memory_space<vmem_shared>>) target(%dma_start3A_136 : memref<128x48xf32, #tpu.memory_space<vmem>>) offsets(%dma_start3A_139 : memref<128xi32, #tpu.memory_space<vmem>>) semaphore(%dma_start3A_144 : memref<!tpu.dma_semaphore, #tpu.memory_space<semaphore_mem>>)
    %dma_start3A_145 = arith.constant 6 : i32
    %dma_start3A_146 = arith.constant 6 : i32
    %dma_start3A_147 = arith.constant 6 : i32
    %dma_start3A_148 = arith.constant 0 : i32
    %dma_start3A_149 = arith.constant 0 : i32
    %dma_start3A_150 = tpu.memref_slice %arg9[%dma_start3A_146, %dma_start3A_148, %dma_start3A_149] : memref<8x128x48xf32, #tpu.memory_space<vmem>> -> memref<1x128x48xf32, #tpu.memory_space<vmem>>
    %dma_start3A_151 = tpu.memref_squeeze %dma_start3A_150 : memref<1x128x48xf32, #tpu.memory_space<vmem>> -> memref<128x48xf32, #tpu.memory_space<vmem>>
    %dma_start3A_152 = arith.constant 0 : i32
    %dma_start3A_153 = tpu.memref_slice %arg7[%dma_start3A_145, %dma_start3A_152] : memref<80x128xi32, #tpu.memory_space<vmem>> -> memref<1x128xi32, #tpu.memory_space<vmem>>
    %dma_start3A_154 = tpu.memref_squeeze %dma_start3A_153 : memref<1x128xi32, #tpu.memory_space<vmem>> -> memref<128xi32, #tpu.memory_space<vmem>>
    %dma_start3A_155 = arith.constant 0 : i32
    %dma_start3A_156 = arith.constant 0 : i32
    %dma_start3A_157 = tpu.memref_slice %arg11[%dma_start3A_155, %dma_start3A_156] : memref<10240x48xf32, #tpu.memory_space<vmem_shared>> -> memref<10240x48xf32, #tpu.memory_space<vmem_shared>>
    %dma_start3A_158 = tpu.memref_slice %arg12[%dma_start3A_147] : memref<8x!tpu.dma_semaphore, #tpu.memory_space<semaphore_mem>> -> memref<1x!tpu.dma_semaphore, #tpu.memory_space<semaphore_mem>>
    %dma_start3A_159 = tpu.memref_squeeze %dma_start3A_158 : memref<1x!tpu.dma_semaphore, #tpu.memory_space<semaphore_mem>> -> memref<!tpu.dma_semaphore, #tpu.memory_space<semaphore_mem>>
    tpu.enqueue_indirect_dma source(%dma_start3A_157 : memref<10240x48xf32, #tpu.memory_space<vmem_shared>>) target(%dma_start3A_151 : memref<128x48xf32, #tpu.memory_space<vmem>>) offsets(%dma_start3A_154 : memref<128xi32, #tpu.memory_space<vmem>>) semaphore(%dma_start3A_159 : memref<!tpu.dma_semaphore, #tpu.memory_space<semaphore_mem>>)
    %dma_start3A_160 = arith.constant 7 : i32
    %dma_start3A_161 = arith.constant 7 : i32
    %dma_start3A_162 = arith.constant 7 : i32
    %dma_start3A_163 = arith.constant 0 : i32
    %dma_start3A_164 = arith.constant 0 : i32
    %dma_start3A_165 = tpu.memref_slice %arg9[%dma_start3A_161, %dma_start3A_163, %dma_start3A_164] : memref<8x128x48xf32, #tpu.memory_space<vmem>> -> memref<1x128x48xf32, #tpu.memory_space<vmem>>
    %dma_start3A_166 = tpu.memref_squeeze %dma_start3A_165 : memref<1x128x48xf32, #tpu.memory_space<vmem>> -> memref<128x48xf32, #tpu.memory_space<vmem>>
    %dma_start3A_167 = arith.constant 0 : i32
    %dma_start3A_168 = tpu.memref_slice %arg7[%dma_start3A_160, %dma_start3A_167] : memref<80x128xi32, #tpu.memory_space<vmem>> -> memref<1x128xi32, #tpu.memory_space<vmem>>
    %dma_start3A_169 = tpu.memref_squeeze %dma_start3A_168 : memref<1x128xi32, #tpu.memory_space<vmem>> -> memref<128xi32, #tpu.memory_space<vmem>>
    %dma_start3A_170 = arith.constant 0 : i32
    %dma_start3A_171 = arith.constant 0 : i32
    %dma_start3A_172 = tpu.memref_slice %arg11[%dma_start3A_170, %dma_start3A_171] : memref<10240x48xf32, #tpu.memory_space<vmem_shared>> -> memref<10240x48xf32, #tpu.memory_space<vmem_shared>>
    %dma_start3A_173 = tpu.memref_slice %arg12[%dma_start3A_162] : memref<8x!tpu.dma_semaphore, #tpu.memory_space<semaphore_mem>> -> memref<1x!tpu.dma_semaphore, #tpu.memory_space<semaphore_mem>>
    %dma_start3A_174 = tpu.memref_squeeze %dma_start3A_173 : memref<1x!tpu.dma_semaphore, #tpu.memory_space<semaphore_mem>> -> memref<!tpu.dma_semaphore, #tpu.memory_space<semaphore_mem>>
    tpu.enqueue_indirect_dma source(%dma_start3A_172 : memref<10240x48xf32, #tpu.memory_space<vmem_shared>>) target(%dma_start3A_166 : memref<128x48xf32, #tpu.memory_space<vmem>>) offsets(%dma_start3A_169 : memref<128xi32, #tpu.memory_space<vmem>>) semaphore(%dma_start3A_174 : memref<!tpu.dma_semaphore, #tpu.memory_space<semaphore_mem>>)
    %scan3A = arith.constant 0 : i32
    %scan3A_175 = arith.constant 0 : i32
    %scan3A_176 = arith.constant 10 : i32
    %scan3A_177 = arith.addi %scan3A_175, %scan3A_176 : i32
    %scan3A_178 = arith.constant 1 : i32
    scf.for %scan3A_188 = %scan3A_175 to %scan3A_177 step %scan3A_178  : i32 {
      %mul3A_189 = arith.constant 8 : i32
      %mul3A_190 = arith.muli %scan3A_188, %mul3A_189 : i32
      %add3A_191 = arith.constant 0 : i32
      %add3A_192 = arith.addi %mul3A_190, %add3A_191 : i32
      %dma_wait3A_193 = arith.constant 0 : i32
      %dma_wait3A_194 = arith.constant 0 : i32
      %dma_wait3A_195 = arith.constant 0 : i32
      %dma_wait3A_196 = arith.constant 0 : i32
      %dma_wait3A_197 = tpu.memref_slice %arg9[%dma_wait3A_193, %dma_wait3A_195, %dma_wait3A_196] : memref<8x128x48xf32, #tpu.memory_space<vmem>> -> memref<1x128x48xf32, #tpu.memory_space<vmem>>
      %dma_wait3A_198 = tpu.memref_squeeze %dma_wait3A_197 : memref<1x128x48xf32, #tpu.memory_space<vmem>> -> memref<128x48xf32, #tpu.memory_space<vmem>>
      %dma_wait3A_199 = arith.constant 0 : i32
      %dma_wait3A_200 = tpu.memref_slice %arg7[%add3A_192, %dma_wait3A_199] : memref<80x128xi32, #tpu.memory_space<vmem>> -> memref<1x128xi32, #tpu.memory_space<vmem>>
      %dma_wait3A_201 = tpu.memref_squeeze %dma_wait3A_200 : memref<1x128xi32, #tpu.memory_space<vmem>> -> memref<128xi32, #tpu.memory_space<vmem>>
      %dma_wait3A_202 = arith.constant 0 : i32
      %dma_wait3A_203 = arith.constant 0 : i32
      %dma_wait3A_204 = tpu.memref_slice %arg11[%dma_wait3A_202, %dma_wait3A_203] : memref<10240x48xf32, #tpu.memory_space<vmem_shared>> -> memref<10240x48xf32, #tpu.memory_space<vmem_shared>>
      %dma_wait3A_205 = tpu.memref_slice %arg12[%dma_wait3A_194] : memref<8x!tpu.dma_semaphore, #tpu.memory_space<semaphore_mem>> -> memref<1x!tpu.dma_semaphore, #tpu.memory_space<semaphore_mem>>
      %dma_wait3A_206 = tpu.memref_squeeze %dma_wait3A_205 : memref<1x!tpu.dma_semaphore, #tpu.memory_space<semaphore_mem>> -> memref<!tpu.dma_semaphore, #tpu.memory_space<semaphore_mem>>
      tpu.wait_indirect_dma semaphore(%dma_wait3A_206 : memref<!tpu.dma_semaphore, #tpu.memory_space<semaphore_mem>>) src(%dma_wait3A_204 : memref<10240x48xf32, #tpu.memory_space<vmem_shared>>) dst(%dma_wait3A_198 : memref<128x48xf32, #tpu.memory_space<vmem>>)
      %dma_start3A_207 = arith.constant 0 : i32
      %dma_start3A_208 = arith.constant 0 : i32
      %dma_start3A_209 = arith.constant 0 : i32
      %dma_start3A_210 = arith.constant 0 : i32
      %dma_start3A_211 = tpu.memref_slice %arg9[%dma_start3A_207, %dma_start3A_209, %dma_start3A_210] : memref<8x128x48xf32, #tpu.memory_space<vmem>> -> memref<1x128x48xf32, #tpu.memory_space<vmem>>
      %dma_start3A_212 = tpu.memref_squeeze %dma_start3A_211 : memref<1x128x48xf32, #tpu.memory_space<vmem>> -> memref<128x48xf32, #tpu.memory_space<vmem>>
      %dma_start3A_213 = arith.constant 0 : i32
      %dma_start3A_214 = tpu.memref_slice %arg8[%add3A_192, %dma_start3A_213] : memref<80x128xi32, #tpu.memory_space<vmem>> -> memref<1x128xi32, #tpu.memory_space<vmem>>
      %dma_start3A_215 = tpu.memref_squeeze %dma_start3A_214 : memref<1x128xi32, #tpu.memory_space<vmem>> -> memref<128xi32, #tpu.memory_space<vmem>>
      %dma_start3A_216 = arith.constant 0 : i32
      %dma_start3A_217 = arith.constant 0 : i32
      %dma_start3A_218 = tpu.memref_slice %arg10[%dma_start3A_216, %dma_start3A_217] : memref<10240x48xf32, #tpu.memory_space<vmem_shared>> -> memref<10240x48xf32, #tpu.memory_space<vmem_shared>>
      %dma_start3A_219 = tpu.memref_slice %arg13[%dma_start3A_208] : memref<8x!tpu.dma_semaphore, #tpu.memory_space<semaphore_mem>> -> memref<1x!tpu.dma_semaphore, #tpu.memory_space<semaphore_mem>>
      %dma_start3A_220 = tpu.memref_squeeze %dma_start3A_219 : memref<1x!tpu.dma_semaphore, #tpu.memory_space<semaphore_mem>> -> memref<!tpu.dma_semaphore, #tpu.memory_space<semaphore_mem>>
      tpu.enqueue_indirect_dma source(%dma_start3A_212 : memref<128x48xf32, #tpu.memory_space<vmem>>) target(%dma_start3A_218 : memref<10240x48xf32, #tpu.memory_space<vmem_shared>>) offsets(%dma_start3A_215 : memref<128xi32, #tpu.memory_space<vmem>>) semaphore(%dma_start3A_220 : memref<!tpu.dma_semaphore, #tpu.memory_space<semaphore_mem>>) {add = true}
      %add3A_221 = arith.constant 1 : i32
      %add3A_222 = arith.addi %mul3A_190, %add3A_221 : i32
      %dma_wait3A_223 = arith.constant 1 : i32
      %dma_wait3A_224 = arith.constant 1 : i32
      %dma_wait3A_225 = arith.constant 0 : i32
      %dma_wait3A_226 = arith.constant 0 : i32
      %dma_wait3A_227 = tpu.memref_slice %arg9[%dma_wait3A_223, %dma_wait3A_225, %dma_wait3A_226] : memref<8x128x48xf32, #tpu.memory_space<vmem>> -> memref<1x128x48xf32, #tpu.memory_space<vmem>>
      %dma_wait3A_228 = tpu.memref_squeeze %dma_wait3A_227 : memref<1x128x48xf32, #tpu.memory_space<vmem>> -> memref<128x48xf32, #tpu.memory_space<vmem>>
      %dma_wait3A_229 = arith.constant 0 : i32
      %dma_wait3A_230 = tpu.memref_slice %arg7[%add3A_222, %dma_wait3A_229] : memref<80x128xi32, #tpu.memory_space<vmem>> -> memref<1x128xi32, #tpu.memory_space<vmem>>
      %dma_wait3A_231 = tpu.memref_squeeze %dma_wait3A_230 : memref<1x128xi32, #tpu.memory_space<vmem>> -> memref<128xi32, #tpu.memory_space<vmem>>
      %dma_wait3A_232 = arith.constant 0 : i32
      %dma_wait3A_233 = arith.constant 0 : i32
      %dma_wait3A_234 = tpu.memref_slice %arg11[%dma_wait3A_232, %dma_wait3A_233] : memref<10240x48xf32, #tpu.memory_space<vmem_shared>> -> memref<10240x48xf32, #tpu.memory_space<vmem_shared>>
      %dma_wait3A_235 = tpu.memref_slice %arg12[%dma_wait3A_224] : memref<8x!tpu.dma_semaphore, #tpu.memory_space<semaphore_mem>> -> memref<1x!tpu.dma_semaphore, #tpu.memory_space<semaphore_mem>>
      %dma_wait3A_236 = tpu.memref_squeeze %dma_wait3A_235 : memref<1x!tpu.dma_semaphore, #tpu.memory_space<semaphore_mem>> -> memref<!tpu.dma_semaphore, #tpu.memory_space<semaphore_mem>>
      tpu.wait_indirect_dma semaphore(%dma_wait3A_236 : memref<!tpu.dma_semaphore, #tpu.memory_space<semaphore_mem>>) src(%dma_wait3A_234 : memref<10240x48xf32, #tpu.memory_space<vmem_shared>>) dst(%dma_wait3A_228 : memref<128x48xf32, #tpu.memory_space<vmem>>)
      %dma_start3A_237 = arith.constant 1 : i32
      %dma_start3A_238 = arith.constant 1 : i32
      %dma_start3A_239 = arith.constant 0 : i32
      %dma_start3A_240 = arith.constant 0 : i32
      %dma_start3A_241 = tpu.memref_slice %arg9[%dma_start3A_237, %dma_start3A_239, %dma_start3A_240] : memref<8x128x48xf32, #tpu.memory_space<vmem>> -> memref<1x128x48xf32, #tpu.memory_space<vmem>>
      %dma_start3A_242 = tpu.memref_squeeze %dma_start3A_241 : memref<1x128x48xf32, #tpu.memory_space<vmem>> -> memref<128x48xf32, #tpu.memory_space<vmem>>
      %dma_start3A_243 = arith.constant 0 : i32
      %dma_start3A_244 = tpu.memref_slice %arg8[%add3A_222, %dma_start3A_243] : memref<80x128xi32, #tpu.memory_space<vmem>> -> memref<1x128xi32, #tpu.memory_space<vmem>>
      %dma_start3A_245 = tpu.memref_squeeze %dma_start3A_244 : memref<1x128xi32, #tpu.memory_space<vmem>> -> memref<128xi32, #tpu.memory_space<vmem>>
      %dma_start3A_246 = arith.constant 0 : i32
      %dma_start3A_247 = arith.constant 0 : i32
      %dma_start3A_248 = tpu.memref_slice %arg10[%dma_start3A_246, %dma_start3A_247] : memref<10240x48xf32, #tpu.memory_space<vmem_shared>> -> memref<10240x48xf32, #tpu.memory_space<vmem_shared>>
      %dma_start3A_249 = tpu.memref_slice %arg13[%dma_start3A_238] : memref<8x!tpu.dma_semaphore, #tpu.memory_space<semaphore_mem>> -> memref<1x!tpu.dma_semaphore, #tpu.memory_space<semaphore_mem>>
      %dma_start3A_250 = tpu.memref_squeeze %dma_start3A_249 : memref<1x!tpu.dma_semaphore, #tpu.memory_space<semaphore_mem>> -> memref<!tpu.dma_semaphore, #tpu.memory_space<semaphore_mem>>
      tpu.enqueue_indirect_dma source(%dma_start3A_242 : memref<128x48xf32, #tpu.memory_space<vmem>>) target(%dma_start3A_248 : memref<10240x48xf32, #tpu.memory_space<vmem_shared>>) offsets(%dma_start3A_245 : memref<128xi32, #tpu.memory_space<vmem>>) semaphore(%dma_start3A_250 : memref<!tpu.dma_semaphore, #tpu.memory_space<semaphore_mem>>) {add = true}
      %add3A_251 = arith.constant 2 : i32
      %add3A_252 = arith.addi %mul3A_190, %add3A_251 : i32
      %dma_wait3A_253 = arith.constant 2 : i32
      %dma_wait3A_254 = arith.constant 2 : i32
      %dma_wait3A_255 = arith.constant 0 : i32
      %dma_wait3A_256 = arith.constant 0 : i32
      %dma_wait3A_257 = tpu.memref_slice %arg9[%dma_wait3A_253, %dma_wait3A_255, %dma_wait3A_256] : memref<8x128x48xf32, #tpu.memory_space<vmem>> -> memref<1x128x48xf32, #tpu.memory_space<vmem>>
      %dma_wait3A_258 = tpu.memref_squeeze %dma_wait3A_257 : memref<1x128x48xf32, #tpu.memory_space<vmem>> -> memref<128x48xf32, #tpu.memory_space<vmem>>
      %dma_wait3A_259 = arith.constant 0 : i32
      %dma_wait3A_260 = tpu.memref_slice %arg7[%add3A_252, %dma_wait3A_259] : memref<80x128xi32, #tpu.memory_space<vmem>> -> memref<1x128xi32, #tpu.memory_space<vmem>>
      %dma_wait3A_261 = tpu.memref_squeeze %dma_wait3A_260 : memref<1x128xi32, #tpu.memory_space<vmem>> -> memref<128xi32, #tpu.memory_space<vmem>>
      %dma_wait3A_262 = arith.constant 0 : i32
      %dma_wait3A_263 = arith.constant 0 : i32
      %dma_wait3A_264 = tpu.memref_slice %arg11[%dma_wait3A_262, %dma_wait3A_263] : memref<10240x48xf32, #tpu.memory_space<vmem_shared>> -> memref<10240x48xf32, #tpu.memory_space<vmem_shared>>
      %dma_wait3A_265 = tpu.memref_slice %arg12[%dma_wait3A_254] : memref<8x!tpu.dma_semaphore, #tpu.memory_space<semaphore_mem>> -> memref<1x!tpu.dma_semaphore, #tpu.memory_space<semaphore_mem>>
      %dma_wait3A_266 = tpu.memref_squeeze %dma_wait3A_265 : memref<1x!tpu.dma_semaphore, #tpu.memory_space<semaphore_mem>> -> memref<!tpu.dma_semaphore, #tpu.memory_space<semaphore_mem>>
      tpu.wait_indirect_dma semaphore(%dma_wait3A_266 : memref<!tpu.dma_semaphore, #tpu.memory_space<semaphore_mem>>) src(%dma_wait3A_264 : memref<10240x48xf32, #tpu.memory_space<vmem_shared>>) dst(%dma_wait3A_258 : memref<128x48xf32, #tpu.memory_space<vmem>>)
      %dma_start3A_267 = arith.constant 2 : i32
      %dma_start3A_268 = arith.constant 2 : i32
      %dma_start3A_269 = arith.constant 0 : i32
      %dma_start3A_270 = arith.constant 0 : i32
      %dma_start3A_271 = tpu.memref_slice %arg9[%dma_start3A_267, %dma_start3A_269, %dma_start3A_270] : memref<8x128x48xf32, #tpu.memory_space<vmem>> -> memref<1x128x48xf32, #tpu.memory_space<vmem>>
      %dma_start3A_272 = tpu.memref_squeeze %dma_start3A_271 : memref<1x128x48xf32, #tpu.memory_space<vmem>> -> memref<128x48xf32, #tpu.memory_space<vmem>>
      %dma_start3A_273 = arith.constant 0 : i32
      %dma_start3A_274 = tpu.memref_slice %arg8[%add3A_252, %dma_start3A_273] : memref<80x128xi32, #tpu.memory_space<vmem>> -> memref<1x128xi32, #tpu.memory_space<vmem>>
      %dma_start3A_275 = tpu.memref_squeeze %dma_start3A_274 : memref<1x128xi32, #tpu.memory_space<vmem>> -> memref<128xi32, #tpu.memory_space<vmem>>
      %dma_start3A_276 = arith.constant 0 : i32
      %dma_start3A_277 = arith.constant 0 : i32
      %dma_start3A_278 = tpu.memref_slice %arg10[%dma_start3A_276, %dma_start3A_277] : memref<10240x48xf32, #tpu.memory_space<vmem_shared>> -> memref<10240x48xf32, #tpu.memory_space<vmem_shared>>
      %dma_start3A_279 = tpu.memref_slice %arg13[%dma_start3A_268] : memref<8x!tpu.dma_semaphore, #tpu.memory_space<semaphore_mem>> -> memref<1x!tpu.dma_semaphore, #tpu.memory_space<semaphore_mem>>
      %dma_start3A_280 = tpu.memref_squeeze %dma_start3A_279 : memref<1x!tpu.dma_semaphore, #tpu.memory_space<semaphore_mem>> -> memref<!tpu.dma_semaphore, #tpu.memory_space<semaphore_mem>>
      tpu.enqueue_indirect_dma source(%dma_start3A_272 : memref<128x48xf32, #tpu.memory_space<vmem>>) target(%dma_start3A_278 : memref<10240x48xf32, #tpu.memory_space<vmem_shared>>) offsets(%dma_start3A_275 : memref<128xi32, #tpu.memory_space<vmem>>) semaphore(%dma_start3A_280 : memref<!tpu.dma_semaphore, #tpu.memory_space<semaphore_mem>>) {add = true}
      %add3A_281 = arith.constant 3 : i32
      %add3A_282 = arith.addi %mul3A_190, %add3A_281 : i32
      %dma_wait3A_283 = arith.constant 3 : i32
      %dma_wait3A_284 = arith.constant 3 : i32
      %dma_wait3A_285 = arith.constant 0 : i32
      %dma_wait3A_286 = arith.constant 0 : i32
      %dma_wait3A_287 = tpu.memref_slice %arg9[%dma_wait3A_283, %dma_wait3A_285, %dma_wait3A_286] : memref<8x128x48xf32, #tpu.memory_space<vmem>> -> memref<1x128x48xf32, #tpu.memory_space<vmem>>
      %dma_wait3A_288 = tpu.memref_squeeze %dma_wait3A_287 : memref<1x128x48xf32, #tpu.memory_space<vmem>> -> memref<128x48xf32, #tpu.memory_space<vmem>>
      %dma_wait3A_289 = arith.constant 0 : i32
      %dma_wait3A_290 = tpu.memref_slice %arg7[%add3A_282, %dma_wait3A_289] : memref<80x128xi32, #tpu.memory_space<vmem>> -> memref<1x128xi32, #tpu.memory_space<vmem>>
      %dma_wait3A_291 = tpu.memref_squeeze %dma_wait3A_290 : memref<1x128xi32, #tpu.memory_space<vmem>> -> memref<128xi32, #tpu.memory_space<vmem>>
      %dma_wait3A_292 = arith.constant 0 : i32
      %dma_wait3A_293 = arith.constant 0 : i32
      %dma_wait3A_294 = tpu.memref_slice %arg11[%dma_wait3A_292, %dma_wait3A_293] : memref<10240x48xf32, #tpu.memory_space<vmem_shared>> -> memref<10240x48xf32, #tpu.memory_space<vmem_shared>>
      %dma_wait3A_295 = tpu.memref_slice %arg12[%dma_wait3A_284] : memref<8x!tpu.dma_semaphore, #tpu.memory_space<semaphore_mem>> -> memref<1x!tpu.dma_semaphore, #tpu.memory_space<semaphore_mem>>
      %dma_wait3A_296 = tpu.memref_squeeze %dma_wait3A_295 : memref<1x!tpu.dma_semaphore, #tpu.memory_space<semaphore_mem>> -> memref<!tpu.dma_semaphore, #tpu.memory_space<semaphore_mem>>
      tpu.wait_indirect_dma semaphore(%dma_wait3A_296 : memref<!tpu.dma_semaphore, #tpu.memory_space<semaphore_mem>>) src(%dma_wait3A_294 : memref<10240x48xf32, #tpu.memory_space<vmem_shared>>) dst(%dma_wait3A_288 : memref<128x48xf32, #tpu.memory_space<vmem>>)
      %dma_start3A_297 = arith.constant 3 : i32
      %dma_start3A_298 = arith.constant 3 : i32
      %dma_start3A_299 = arith.constant 0 : i32
      %dma_start3A_300 = arith.constant 0 : i32
      %dma_start3A_301 = tpu.memref_slice %arg9[%dma_start3A_297, %dma_start3A_299, %dma_start3A_300] : memref<8x128x48xf32, #tpu.memory_space<vmem>> -> memref<1x128x48xf32, #tpu.memory_space<vmem>>
      %dma_start3A_302 = tpu.memref_squeeze %dma_start3A_301 : memref<1x128x48xf32, #tpu.memory_space<vmem>> -> memref<128x48xf32, #tpu.memory_space<vmem>>
      %dma_start3A_303 = arith.constant 0 : i32
      %dma_start3A_304 = tpu.memref_slice %arg8[%add3A_282, %dma_start3A_303] : memref<80x128xi32, #tpu.memory_space<vmem>> -> memref<1x128xi32, #tpu.memory_space<vmem>>
      %dma_start3A_305 = tpu.memref_squeeze %dma_start3A_304 : memref<1x128xi32, #tpu.memory_space<vmem>> -> memref<128xi32, #tpu.memory_space<vmem>>
      %dma_start3A_306 = arith.constant 0 : i32
      %dma_start3A_307 = arith.constant 0 : i32
      %dma_start3A_308 = tpu.memref_slice %arg10[%dma_start3A_306, %dma_start3A_307] : memref<10240x48xf32, #tpu.memory_space<vmem_shared>> -> memref<10240x48xf32, #tpu.memory_space<vmem_shared>>
      %dma_start3A_309 = tpu.memref_slice %arg13[%dma_start3A_298] : memref<8x!tpu.dma_semaphore, #tpu.memory_space<semaphore_mem>> -> memref<1x!tpu.dma_semaphore, #tpu.memory_space<semaphore_mem>>
      %dma_start3A_310 = tpu.memref_squeeze %dma_start3A_309 : memref<1x!tpu.dma_semaphore, #tpu.memory_space<semaphore_mem>> -> memref<!tpu.dma_semaphore, #tpu.memory_space<semaphore_mem>>
      tpu.enqueue_indirect_dma source(%dma_start3A_302 : memref<128x48xf32, #tpu.memory_space<vmem>>) target(%dma_start3A_308 : memref<10240x48xf32, #tpu.memory_space<vmem_shared>>) offsets(%dma_start3A_305 : memref<128xi32, #tpu.memory_space<vmem>>) semaphore(%dma_start3A_310 : memref<!tpu.dma_semaphore, #tpu.memory_space<semaphore_mem>>) {add = true}
      %add3A_311 = arith.constant 0 : i32
      %add3A_312 = arith.addi %mul3A_190, %add3A_311 : i32
      %add3A_313 = arith.constant 8 : i32
      %add3A_314 = arith.addi %add3A_312, %add3A_313 : i32
      %min3A = arith.constant 79 : i32
      %min3A_315 = arith.minsi %add3A_314, %min3A : i32
      %dma_wait3A_316 = arith.constant 0 : i32
      %dma_wait3A_317 = arith.constant 0 : i32
      %dma_wait3A_318 = arith.constant 0 : i32
      %dma_wait3A_319 = arith.constant 0 : i32
      %dma_wait3A_320 = tpu.memref_slice %arg9[%dma_wait3A_316, %dma_wait3A_318, %dma_wait3A_319] : memref<8x128x48xf32, #tpu.memory_space<vmem>> -> memref<1x128x48xf32, #tpu.memory_space<vmem>>
      %dma_wait3A_321 = tpu.memref_squeeze %dma_wait3A_320 : memref<1x128x48xf32, #tpu.memory_space<vmem>> -> memref<128x48xf32, #tpu.memory_space<vmem>>
      %dma_wait3A_322 = arith.constant 0 : i32
      %dma_wait3A_323 = tpu.memref_slice %arg8[%add3A_312, %dma_wait3A_322] : memref<80x128xi32, #tpu.memory_space<vmem>> -> memref<1x128xi32, #tpu.memory_space<vmem>>
      %dma_wait3A_324 = tpu.memref_squeeze %dma_wait3A_323 : memref<1x128xi32, #tpu.memory_space<vmem>> -> memref<128xi32, #tpu.memory_space<vmem>>
      %dma_wait3A_325 = arith.constant 0 : i32
      %dma_wait3A_326 = arith.constant 0 : i32
      %dma_wait3A_327 = tpu.memref_slice %arg10[%dma_wait3A_325, %dma_wait3A_326] : memref<10240x48xf32, #tpu.memory_space<vmem_shared>> -> memref<10240x48xf32, #tpu.memory_space<vmem_shared>>
      %dma_wait3A_328 = tpu.memref_slice %arg13[%dma_wait3A_317] : memref<8x!tpu.dma_semaphore, #tpu.memory_space<semaphore_mem>> -> memref<1x!tpu.dma_semaphore, #tpu.memory_space<semaphore_mem>>
      %dma_wait3A_329 = tpu.memref_squeeze %dma_wait3A_328 : memref<1x!tpu.dma_semaphore, #tpu.memory_space<semaphore_mem>> -> memref<!tpu.dma_semaphore, #tpu.memory_space<semaphore_mem>>
      tpu.wait_indirect_dma semaphore(%dma_wait3A_329 : memref<!tpu.dma_semaphore, #tpu.memory_space<semaphore_mem>>) src(%dma_wait3A_321 : memref<128x48xf32, #tpu.memory_space<vmem>>) dst(%dma_wait3A_327 : memref<10240x48xf32, #tpu.memory_space<vmem_shared>>)
      %add3A_330 = arith.constant 1 : i32
      %add3A_331 = arith.addi %scan3A_188, %add3A_330 : i32
      %lt3A = arith.constant 10 : i32
      %lt3A_332 = arith.cmpi slt, %add3A_331, %lt3A : i32
      %convert_element_type3A = arith.extui %lt3A_332 : i1 to i32
      %cond3A = arith.constant 0 : i32
      %cond3A_333 = arith.cmpi ne, %convert_element_type3A, %cond3A : i32
      scf.if %cond3A_333 {
        %dma_start3A_643 = arith.constant 0 : i32
        %dma_start3A_644 = arith.constant 0 : i32
        %dma_start3A_645 = arith.constant 0 : i32
        %dma_start3A_646 = arith.constant 0 : i32
        %dma_start3A_647 = tpu.memref_slice %arg9[%dma_start3A_643, %dma_start3A_645, %dma_start3A_646] : memref<8x128x48xf32, #tpu.memory_space<vmem>> -> memref<1x128x48xf32, #tpu.memory_space<vmem>>
        %dma_start3A_648 = tpu.memref_squeeze %dma_start3A_647 : memref<1x128x48xf32, #tpu.memory_space<vmem>> -> memref<128x48xf32, #tpu.memory_space<vmem>>
        %dma_start3A_649 = arith.constant 0 : i32
        %dma_start3A_650 = tpu.memref_slice %arg7[%min3A_315, %dma_start3A_649] : memref<80x128xi32, #tpu.memory_space<vmem>> -> memref<1x128xi32, #tpu.memory_space<vmem>>
        %dma_start3A_651 = tpu.memref_squeeze %dma_start3A_650 : memref<1x128xi32, #tpu.memory_space<vmem>> -> memref<128xi32, #tpu.memory_space<vmem>>
        %dma_start3A_652 = arith.constant 0 : i32
        %dma_start3A_653 = arith.constant 0 : i32
        %dma_start3A_654 = tpu.memref_slice %arg11[%dma_start3A_652, %dma_start3A_653] : memref<10240x48xf32, #tpu.memory_space<vmem_shared>> -> memref<10240x48xf32, #tpu.memory_space<vmem_shared>>
        %dma_start3A_655 = tpu.memref_slice %arg12[%dma_start3A_644] : memref<8x!tpu.dma_semaphore, #tpu.memory_space<semaphore_mem>> -> memref<1x!tpu.dma_semaphore, #tpu.memory_space<semaphore_mem>>
        %dma_start3A_656 = tpu.memref_squeeze %dma_start3A_655 : memref<1x!tpu.dma_semaphore, #tpu.memory_space<semaphore_mem>> -> memref<!tpu.dma_semaphore, #tpu.memory_space<semaphore_mem>>
        tpu.enqueue_indirect_dma source(%dma_start3A_654 : memref<10240x48xf32, #tpu.memory_space<vmem_shared>>) target(%dma_start3A_648 : memref<128x48xf32, #tpu.memory_space<vmem>>) offsets(%dma_start3A_651 : memref<128xi32, #tpu.memory_space<vmem>>) semaphore(%dma_start3A_656 : memref<!tpu.dma_semaphore, #tpu.memory_space<semaphore_mem>>)
      } else {
      }
      %add3A_334 = arith.constant 1 : i32
      %add3A_335 = arith.addi %mul3A_190, %add3A_334 : i32
      %add3A_336 = arith.constant 8 : i32
      %add3A_337 = arith.addi %add3A_335, %add3A_336 : i32
      %min3A_338 = arith.constant 79 : i32
      %min3A_339 = arith.minsi %add3A_337, %min3A_338 : i32
      %dma_wait3A_340 = arith.constant 1 : i32
      %dma_wait3A_341 = arith.constant 1 : i32
      %dma_wait3A_342 = arith.constant 0 : i32
      %dma_wait3A_343 = arith.constant 0 : i32
      %dma_wait3A_344 = tpu.memref_slice %arg9[%dma_wait3A_340, %dma_wait3A_342, %dma_wait3A_343] : memref<8x128x48xf32, #tpu.memory_space<vmem>> -> memref<1x128x48xf32, #tpu.memory_space<vmem>>
      %dma_wait3A_345 = tpu.memref_squeeze %dma_wait3A_344 : memref<1x128x48xf32, #tpu.memory_space<vmem>> -> memref<128x48xf32, #tpu.memory_space<vmem>>
      %dma_wait3A_346 = arith.constant 0 : i32
      %dma_wait3A_347 = tpu.memref_slice %arg8[%add3A_335, %dma_wait3A_346] : memref<80x128xi32, #tpu.memory_space<vmem>> -> memref<1x128xi32, #tpu.memory_space<vmem>>
      %dma_wait3A_348 = tpu.memref_squeeze %dma_wait3A_347 : memref<1x128xi32, #tpu.memory_space<vmem>> -> memref<128xi32, #tpu.memory_space<vmem>>
      %dma_wait3A_349 = arith.constant 0 : i32
      %dma_wait3A_350 = arith.constant 0 : i32
      %dma_wait3A_351 = tpu.memref_slice %arg10[%dma_wait3A_349, %dma_wait3A_350] : memref<10240x48xf32, #tpu.memory_space<vmem_shared>> -> memref<10240x48xf32, #tpu.memory_space<vmem_shared>>
      %dma_wait3A_352 = tpu.memref_slice %arg13[%dma_wait3A_341] : memref<8x!tpu.dma_semaphore, #tpu.memory_space<semaphore_mem>> -> memref<1x!tpu.dma_semaphore, #tpu.memory_space<semaphore_mem>>
      %dma_wait3A_353 = tpu.memref_squeeze %dma_wait3A_352 : memref<1x!tpu.dma_semaphore, #tpu.memory_space<semaphore_mem>> -> memref<!tpu.dma_semaphore, #tpu.memory_space<semaphore_mem>>
      tpu.wait_indirect_dma semaphore(%dma_wait3A_353 : memref<!tpu.dma_semaphore, #tpu.memory_space<semaphore_mem>>) src(%dma_wait3A_345 : memref<128x48xf32, #tpu.memory_space<vmem>>) dst(%dma_wait3A_351 : memref<10240x48xf32, #tpu.memory_space<vmem_shared>>)
      %add3A_354 = arith.constant 1 : i32
      %add3A_355 = arith.addi %scan3A_188, %add3A_354 : i32
      %lt3A_356 = arith.constant 10 : i32
      %lt3A_357 = arith.cmpi slt, %add3A_355, %lt3A_356 : i32
      %convert_element_type3A_358 = arith.extui %lt3A_357 : i1 to i32
      %cond3A_359 = arith.constant 0 : i32
      %cond3A_360 = arith.cmpi ne, %convert_element_type3A_358, %cond3A_359 : i32
      scf.if %cond3A_360 {
        %dma_start3A_643 = arith.constant 1 : i32
        %dma_start3A_644 = arith.constant 1 : i32
        %dma_start3A_645 = arith.constant 0 : i32
        %dma_start3A_646 = arith.constant 0 : i32
        %dma_start3A_647 = tpu.memref_slice %arg9[%dma_start3A_643, %dma_start3A_645, %dma_start3A_646] : memref<8x128x48xf32, #tpu.memory_space<vmem>> -> memref<1x128x48xf32, #tpu.memory_space<vmem>>
        %dma_start3A_648 = tpu.memref_squeeze %dma_start3A_647 : memref<1x128x48xf32, #tpu.memory_space<vmem>> -> memref<128x48xf32, #tpu.memory_space<vmem>>
        %dma_start3A_649 = arith.constant 0 : i32
        %dma_start3A_650 = tpu.memref_slice %arg7[%min3A_339, %dma_start3A_649] : memref<80x128xi32, #tpu.memory_space<vmem>> -> memref<1x128xi32, #tpu.memory_space<vmem>>
        %dma_start3A_651 = tpu.memref_squeeze %dma_start3A_650 : memref<1x128xi32, #tpu.memory_space<vmem>> -> memref<128xi32, #tpu.memory_space<vmem>>
        %dma_start3A_652 = arith.constant 0 : i32
        %dma_start3A_653 = arith.constant 0 : i32
        %dma_start3A_654 = tpu.memref_slice %arg11[%dma_start3A_652, %dma_start3A_653] : memref<10240x48xf32, #tpu.memory_space<vmem_shared>> -> memref<10240x48xf32, #tpu.memory_space<vmem_shared>>
        %dma_start3A_655 = tpu.memref_slice %arg12[%dma_start3A_644] : memref<8x!tpu.dma_semaphore, #tpu.memory_space<semaphore_mem>> -> memref<1x!tpu.dma_semaphore, #tpu.memory_space<semaphore_mem>>
        %dma_start3A_656 = tpu.memref_squeeze %dma_start3A_655 : memref<1x!tpu.dma_semaphore, #tpu.memory_space<semaphore_mem>> -> memref<!tpu.dma_semaphore, #tpu.memory_space<semaphore_mem>>
        tpu.enqueue_indirect_dma source(%dma_start3A_654 : memref<10240x48xf32, #tpu.memory_space<vmem_shared>>) target(%dma_start3A_648 : memref<128x48xf32, #tpu.memory_space<vmem>>) offsets(%dma_start3A_651 : memref<128xi32, #tpu.memory_space<vmem>>) semaphore(%dma_start3A_656 : memref<!tpu.dma_semaphore, #tpu.memory_space<semaphore_mem>>)
      } else {
      }
      %add3A_361 = arith.constant 2 : i32
      %add3A_362 = arith.addi %mul3A_190, %add3A_361 : i32
      %add3A_363 = arith.constant 8 : i32
      %add3A_364 = arith.addi %add3A_362, %add3A_363 : i32
      %min3A_365 = arith.constant 79 : i32
      %min3A_366 = arith.minsi %add3A_364, %min3A_365 : i32
      %dma_wait3A_367 = arith.constant 2 : i32
      %dma_wait3A_368 = arith.constant 2 : i32
      %dma_wait3A_369 = arith.constant 0 : i32
      %dma_wait3A_370 = arith.constant 0 : i32
      %dma_wait3A_371 = tpu.memref_slice %arg9[%dma_wait3A_367, %dma_wait3A_369, %dma_wait3A_370] : memref<8x128x48xf32, #tpu.memory_space<vmem>> -> memref<1x128x48xf32, #tpu.memory_space<vmem>>
      %dma_wait3A_372 = tpu.memref_squeeze %dma_wait3A_371 : memref<1x128x48xf32, #tpu.memory_space<vmem>> -> memref<128x48xf32, #tpu.memory_space<vmem>>
      %dma_wait3A_373 = arith.constant 0 : i32
      %dma_wait3A_374 = tpu.memref_slice %arg8[%add3A_362, %dma_wait3A_373] : memref<80x128xi32, #tpu.memory_space<vmem>> -> memref<1x128xi32, #tpu.memory_space<vmem>>
      %dma_wait3A_375 = tpu.memref_squeeze %dma_wait3A_374 : memref<1x128xi32, #tpu.memory_space<vmem>> -> memref<128xi32, #tpu.memory_space<vmem>>
      %dma_wait3A_376 = arith.constant 0 : i32
      %dma_wait3A_377 = arith.constant 0 : i32
      %dma_wait3A_378 = tpu.memref_slice %arg10[%dma_wait3A_376, %dma_wait3A_377] : memref<10240x48xf32, #tpu.memory_space<vmem_shared>> -> memref<10240x48xf32, #tpu.memory_space<vmem_shared>>
      %dma_wait3A_379 = tpu.memref_slice %arg13[%dma_wait3A_368] : memref<8x!tpu.dma_semaphore, #tpu.memory_space<semaphore_mem>> -> memref<1x!tpu.dma_semaphore, #tpu.memory_space<semaphore_mem>>
      %dma_wait3A_380 = tpu.memref_squeeze %dma_wait3A_379 : memref<1x!tpu.dma_semaphore, #tpu.memory_space<semaphore_mem>> -> memref<!tpu.dma_semaphore, #tpu.memory_space<semaphore_mem>>
      tpu.wait_indirect_dma semaphore(%dma_wait3A_380 : memref<!tpu.dma_semaphore, #tpu.memory_space<semaphore_mem>>) src(%dma_wait3A_372 : memref<128x48xf32, #tpu.memory_space<vmem>>) dst(%dma_wait3A_378 : memref<10240x48xf32, #tpu.memory_space<vmem_shared>>)
      %add3A_381 = arith.constant 1 : i32
      %add3A_382 = arith.addi %scan3A_188, %add3A_381 : i32
      %lt3A_383 = arith.constant 10 : i32
      %lt3A_384 = arith.cmpi slt, %add3A_382, %lt3A_383 : i32
      %convert_element_type3A_385 = arith.extui %lt3A_384 : i1 to i32
      %cond3A_386 = arith.constant 0 : i32
      %cond3A_387 = arith.cmpi ne, %convert_element_type3A_385, %cond3A_386 : i32
      scf.if %cond3A_387 {
        %dma_start3A_643 = arith.constant 2 : i32
        %dma_start3A_644 = arith.constant 2 : i32
        %dma_start3A_645 = arith.constant 0 : i32
        %dma_start3A_646 = arith.constant 0 : i32
        %dma_start3A_647 = tpu.memref_slice %arg9[%dma_start3A_643, %dma_start3A_645, %dma_start3A_646] : memref<8x128x48xf32, #tpu.memory_space<vmem>> -> memref<1x128x48xf32, #tpu.memory_space<vmem>>
        %dma_start3A_648 = tpu.memref_squeeze %dma_start3A_647 : memref<1x128x48xf32, #tpu.memory_space<vmem>> -> memref<128x48xf32, #tpu.memory_space<vmem>>
        %dma_start3A_649 = arith.constant 0 : i32
        %dma_start3A_650 = tpu.memref_slice %arg7[%min3A_366, %dma_start3A_649] : memref<80x128xi32, #tpu.memory_space<vmem>> -> memref<1x128xi32, #tpu.memory_space<vmem>>
        %dma_start3A_651 = tpu.memref_squeeze %dma_start3A_650 : memref<1x128xi32, #tpu.memory_space<vmem>> -> memref<128xi32, #tpu.memory_space<vmem>>
        %dma_start3A_652 = arith.constant 0 : i32
        %dma_start3A_653 = arith.constant 0 : i32
        %dma_start3A_654 = tpu.memref_slice %arg11[%dma_start3A_652, %dma_start3A_653] : memref<10240x48xf32, #tpu.memory_space<vmem_shared>> -> memref<10240x48xf32, #tpu.memory_space<vmem_shared>>
        %dma_start3A_655 = tpu.memref_slice %arg12[%dma_start3A_644] : memref<8x!tpu.dma_semaphore, #tpu.memory_space<semaphore_mem>> -> memref<1x!tpu.dma_semaphore, #tpu.memory_space<semaphore_mem>>
        %dma_start3A_656 = tpu.memref_squeeze %dma_start3A_655 : memref<1x!tpu.dma_semaphore, #tpu.memory_space<semaphore_mem>> -> memref<!tpu.dma_semaphore, #tpu.memory_space<semaphore_mem>>
        tpu.enqueue_indirect_dma source(%dma_start3A_654 : memref<10240x48xf32, #tpu.memory_space<vmem_shared>>) target(%dma_start3A_648 : memref<128x48xf32, #tpu.memory_space<vmem>>) offsets(%dma_start3A_651 : memref<128xi32, #tpu.memory_space<vmem>>) semaphore(%dma_start3A_656 : memref<!tpu.dma_semaphore, #tpu.memory_space<semaphore_mem>>)
      } else {
      }
      %add3A_388 = arith.constant 3 : i32
      %add3A_389 = arith.addi %mul3A_190, %add3A_388 : i32
      %add3A_390 = arith.constant 8 : i32
      %add3A_391 = arith.addi %add3A_389, %add3A_390 : i32
      %min3A_392 = arith.constant 79 : i32
      %min3A_393 = arith.minsi %add3A_391, %min3A_392 : i32
      %dma_wait3A_394 = arith.constant 3 : i32
      %dma_wait3A_395 = arith.constant 3 : i32
      %dma_wait3A_396 = arith.constant 0 : i32
      %dma_wait3A_397 = arith.constant 0 : i32
      %dma_wait3A_398 = tpu.memref_slice %arg9[%dma_wait3A_394, %dma_wait3A_396, %dma_wait3A_397] : memref<8x128x48xf32, #tpu.memory_space<vmem>> -> memref<1x128x48xf32, #tpu.memory_space<vmem>>
      %dma_wait3A_399 = tpu.memref_squeeze %dma_wait3A_398 : memref<1x128x48xf32, #tpu.memory_space<vmem>> -> memref<128x48xf32, #tpu.memory_space<vmem>>
      %dma_wait3A_400 = arith.constant 0 : i32
      %dma_wait3A_401 = tpu.memref_slice %arg8[%add3A_389, %dma_wait3A_400] : memref<80x128xi32, #tpu.memory_space<vmem>> -> memref<1x128xi32, #tpu.memory_space<vmem>>
      %dma_wait3A_402 = tpu.memref_squeeze %dma_wait3A_401 : memref<1x128xi32, #tpu.memory_space<vmem>> -> memref<128xi32, #tpu.memory_space<vmem>>
      %dma_wait3A_403 = arith.constant 0 : i32
      %dma_wait3A_404 = arith.constant 0 : i32
      %dma_wait3A_405 = tpu.memref_slice %arg10[%dma_wait3A_403, %dma_wait3A_404] : memref<10240x48xf32, #tpu.memory_space<vmem_shared>> -> memref<10240x48xf32, #tpu.memory_space<vmem_shared>>
      %dma_wait3A_406 = tpu.memref_slice %arg13[%dma_wait3A_395] : memref<8x!tpu.dma_semaphore, #tpu.memory_space<semaphore_mem>> -> memref<1x!tpu.dma_semaphore, #tpu.memory_space<semaphore_mem>>
      %dma_wait3A_407 = tpu.memref_squeeze %dma_wait3A_406 : memref<1x!tpu.dma_semaphore, #tpu.memory_space<semaphore_mem>> -> memref<!tpu.dma_semaphore, #tpu.memory_space<semaphore_mem>>
      tpu.wait_indirect_dma semaphore(%dma_wait3A_407 : memref<!tpu.dma_semaphore, #tpu.memory_space<semaphore_mem>>) src(%dma_wait3A_399 : memref<128x48xf32, #tpu.memory_space<vmem>>) dst(%dma_wait3A_405 : memref<10240x48xf32, #tpu.memory_space<vmem_shared>>)
      %add3A_408 = arith.constant 1 : i32
      %add3A_409 = arith.addi %scan3A_188, %add3A_408 : i32
      %lt3A_410 = arith.constant 10 : i32
      %lt3A_411 = arith.cmpi slt, %add3A_409, %lt3A_410 : i32
      %convert_element_type3A_412 = arith.extui %lt3A_411 : i1 to i32
      %cond3A_413 = arith.constant 0 : i32
      %cond3A_414 = arith.cmpi ne, %convert_element_type3A_412, %cond3A_413 : i32
      scf.if %cond3A_414 {
        %dma_start3A_643 = arith.constant 3 : i32
        %dma_start3A_644 = arith.constant 3 : i32
        %dma_start3A_645 = arith.constant 0 : i32
        %dma_start3A_646 = arith.constant 0 : i32
        %dma_start3A_647 = tpu.memref_slice %arg9[%dma_start3A_643, %dma_start3A_645, %dma_start3A_646] : memref<8x128x48xf32, #tpu.memory_space<vmem>> -> memref<1x128x48xf32, #tpu.memory_space<vmem>>
        %dma_start3A_648 = tpu.memref_squeeze %dma_start3A_647 : memref<1x128x48xf32, #tpu.memory_space<vmem>> -> memref<128x48xf32, #tpu.memory_space<vmem>>
        %dma_start3A_649 = arith.constant 0 : i32
        %dma_start3A_650 = tpu.memref_slice %arg7[%min3A_393, %dma_start3A_649] : memref<80x128xi32, #tpu.memory_space<vmem>> -> memref<1x128xi32, #tpu.memory_space<vmem>>
        %dma_start3A_651 = tpu.memref_squeeze %dma_start3A_650 : memref<1x128xi32, #tpu.memory_space<vmem>> -> memref<128xi32, #tpu.memory_space<vmem>>
        %dma_start3A_652 = arith.constant 0 : i32
        %dma_start3A_653 = arith.constant 0 : i32
        %dma_start3A_654 = tpu.memref_slice %arg11[%dma_start3A_652, %dma_start3A_653] : memref<10240x48xf32, #tpu.memory_space<vmem_shared>> -> memref<10240x48xf32, #tpu.memory_space<vmem_shared>>
        %dma_start3A_655 = tpu.memref_slice %arg12[%dma_start3A_644] : memref<8x!tpu.dma_semaphore, #tpu.memory_space<semaphore_mem>> -> memref<1x!tpu.dma_semaphore, #tpu.memory_space<semaphore_mem>>
        %dma_start3A_656 = tpu.memref_squeeze %dma_start3A_655 : memref<1x!tpu.dma_semaphore, #tpu.memory_space<semaphore_mem>> -> memref<!tpu.dma_semaphore, #tpu.memory_space<semaphore_mem>>
        tpu.enqueue_indirect_dma source(%dma_start3A_654 : memref<10240x48xf32, #tpu.memory_space<vmem_shared>>) target(%dma_start3A_648 : memref<128x48xf32, #tpu.memory_space<vmem>>) offsets(%dma_start3A_651 : memref<128xi32, #tpu.memory_space<vmem>>) semaphore(%dma_start3A_656 : memref<!tpu.dma_semaphore, #tpu.memory_space<semaphore_mem>>)
      } else {
      }
      %add3A_415 = arith.constant 4 : i32
      %add3A_416 = arith.addi %mul3A_190, %add3A_415 : i32
      %dma_wait3A_417 = arith.constant 4 : i32
      %dma_wait3A_418 = arith.constant 4 : i32
      %dma_wait3A_419 = arith.constant 0 : i32
      %dma_wait3A_420 = arith.constant 0 : i32
      %dma_wait3A_421 = tpu.memref_slice %arg9[%dma_wait3A_417, %dma_wait3A_419, %dma_wait3A_420] : memref<8x128x48xf32, #tpu.memory_space<vmem>> -> memref<1x128x48xf32, #tpu.memory_space<vmem>>
      %dma_wait3A_422 = tpu.memref_squeeze %dma_wait3A_421 : memref<1x128x48xf32, #tpu.memory_space<vmem>> -> memref<128x48xf32, #tpu.memory_space<vmem>>
      %dma_wait3A_423 = arith.constant 0 : i32
      %dma_wait3A_424 = tpu.memref_slice %arg7[%add3A_416, %dma_wait3A_423] : memref<80x128xi32, #tpu.memory_space<vmem>> -> memref<1x128xi32, #tpu.memory_space<vmem>>
      %dma_wait3A_425 = tpu.memref_squeeze %dma_wait3A_424 : memref<1x128xi32, #tpu.memory_space<vmem>> -> memref<128xi32, #tpu.memory_space<vmem>>
      %dma_wait3A_426 = arith.constant 0 : i32
      %dma_wait3A_427 = arith.constant 0 : i32
      %dma_wait3A_428 = tpu.memref_slice %arg11[%dma_wait3A_426, %dma_wait3A_427] : memref<10240x48xf32, #tpu.memory_space<vmem_shared>> -> memref<10240x48xf32, #tpu.memory_space<vmem_shared>>
      %dma_wait3A_429 = tpu.memref_slice %arg12[%dma_wait3A_418] : memref<8x!tpu.dma_semaphore, #tpu.memory_space<semaphore_mem>> -> memref<1x!tpu.dma_semaphore, #tpu.memory_space<semaphore_mem>>
      %dma_wait3A_430 = tpu.memref_squeeze %dma_wait3A_429 : memref<1x!tpu.dma_semaphore, #tpu.memory_space<semaphore_mem>> -> memref<!tpu.dma_semaphore, #tpu.memory_space<semaphore_mem>>
      tpu.wait_indirect_dma semaphore(%dma_wait3A_430 : memref<!tpu.dma_semaphore, #tpu.memory_space<semaphore_mem>>) src(%dma_wait3A_428 : memref<10240x48xf32, #tpu.memory_space<vmem_shared>>) dst(%dma_wait3A_422 : memref<128x48xf32, #tpu.memory_space<vmem>>)
      %dma_start3A_431 = arith.constant 4 : i32
      %dma_start3A_432 = arith.constant 4 : i32
      %dma_start3A_433 = arith.constant 0 : i32
      %dma_start3A_434 = arith.constant 0 : i32
      %dma_start3A_435 = tpu.memref_slice %arg9[%dma_start3A_431, %dma_start3A_433, %dma_start3A_434] : memref<8x128x48xf32, #tpu.memory_space<vmem>> -> memref<1x128x48xf32, #tpu.memory_space<vmem>>
      %dma_start3A_436 = tpu.memref_squeeze %dma_start3A_435 : memref<1x128x48xf32, #tpu.memory_space<vmem>> -> memref<128x48xf32, #tpu.memory_space<vmem>>
      %dma_start3A_437 = arith.constant 0 : i32
      %dma_start3A_438 = tpu.memref_slice %arg8[%add3A_416, %dma_start3A_437] : memref<80x128xi32, #tpu.memory_space<vmem>> -> memref<1x128xi32, #tpu.memory_space<vmem>>
      %dma_start3A_439 = tpu.memref_squeeze %dma_start3A_438 : memref<1x128xi32, #tpu.memory_space<vmem>> -> memref<128xi32, #tpu.memory_space<vmem>>
      %dma_start3A_440 = arith.constant 0 : i32
      %dma_start3A_441 = arith.constant 0 : i32
      %dma_start3A_442 = tpu.memref_slice %arg10[%dma_start3A_440, %dma_start3A_441] : memref<10240x48xf32, #tpu.memory_space<vmem_shared>> -> memref<10240x48xf32, #tpu.memory_space<vmem_shared>>
      %dma_start3A_443 = tpu.memref_slice %arg13[%dma_start3A_432] : memref<8x!tpu.dma_semaphore, #tpu.memory_space<semaphore_mem>> -> memref<1x!tpu.dma_semaphore, #tpu.memory_space<semaphore_mem>>
      %dma_start3A_444 = tpu.memref_squeeze %dma_start3A_443 : memref<1x!tpu.dma_semaphore, #tpu.memory_space<semaphore_mem>> -> memref<!tpu.dma_semaphore, #tpu.memory_space<semaphore_mem>>
      tpu.enqueue_indirect_dma source(%dma_start3A_436 : memref<128x48xf32, #tpu.memory_space<vmem>>) target(%dma_start3A_442 : memref<10240x48xf32, #tpu.memory_space<vmem_shared>>) offsets(%dma_start3A_439 : memref<128xi32, #tpu.memory_space<vmem>>) semaphore(%dma_start3A_444 : memref<!tpu.dma_semaphore, #tpu.memory_space<semaphore_mem>>) {add = true}
      %add3A_445 = arith.constant 5 : i32
      %add3A_446 = arith.addi %mul3A_190, %add3A_445 : i32
      %dma_wait3A_447 = arith.constant 5 : i32
      %dma_wait3A_448 = arith.constant 5 : i32
      %dma_wait3A_449 = arith.constant 0 : i32
      %dma_wait3A_450 = arith.constant 0 : i32
      %dma_wait3A_451 = tpu.memref_slice %arg9[%dma_wait3A_447, %dma_wait3A_449, %dma_wait3A_450] : memref<8x128x48xf32, #tpu.memory_space<vmem>> -> memref<1x128x48xf32, #tpu.memory_space<vmem>>
      %dma_wait3A_452 = tpu.memref_squeeze %dma_wait3A_451 : memref<1x128x48xf32, #tpu.memory_space<vmem>> -> memref<128x48xf32, #tpu.memory_space<vmem>>
      %dma_wait3A_453 = arith.constant 0 : i32
      %dma_wait3A_454 = tpu.memref_slice %arg7[%add3A_446, %dma_wait3A_453] : memref<80x128xi32, #tpu.memory_space<vmem>> -> memref<1x128xi32, #tpu.memory_space<vmem>>
      %dma_wait3A_455 = tpu.memref_squeeze %dma_wait3A_454 : memref<1x128xi32, #tpu.memory_space<vmem>> -> memref<128xi32, #tpu.memory_space<vmem>>
      %dma_wait3A_456 = arith.constant 0 : i32
      %dma_wait3A_457 = arith.constant 0 : i32
      %dma_wait3A_458 = tpu.memref_slice %arg11[%dma_wait3A_456, %dma_wait3A_457] : memref<10240x48xf32, #tpu.memory_space<vmem_shared>> -> memref<10240x48xf32, #tpu.memory_space<vmem_shared>>
      %dma_wait3A_459 = tpu.memref_slice %arg12[%dma_wait3A_448] : memref<8x!tpu.dma_semaphore, #tpu.memory_space<semaphore_mem>> -> memref<1x!tpu.dma_semaphore, #tpu.memory_space<semaphore_mem>>
      %dma_wait3A_460 = tpu.memref_squeeze %dma_wait3A_459 : memref<1x!tpu.dma_semaphore, #tpu.memory_space<semaphore_mem>> -> memref<!tpu.dma_semaphore, #tpu.memory_space<semaphore_mem>>
      tpu.wait_indirect_dma semaphore(%dma_wait3A_460 : memref<!tpu.dma_semaphore, #tpu.memory_space<semaphore_mem>>) src(%dma_wait3A_458 : memref<10240x48xf32, #tpu.memory_space<vmem_shared>>) dst(%dma_wait3A_452 : memref<128x48xf32, #tpu.memory_space<vmem>>)
      %dma_start3A_461 = arith.constant 5 : i32
      %dma_start3A_462 = arith.constant 5 : i32
      %dma_start3A_463 = arith.constant 0 : i32
      %dma_start3A_464 = arith.constant 0 : i32
      %dma_start3A_465 = tpu.memref_slice %arg9[%dma_start3A_461, %dma_start3A_463, %dma_start3A_464] : memref<8x128x48xf32, #tpu.memory_space<vmem>> -> memref<1x128x48xf32, #tpu.memory_space<vmem>>
      %dma_start3A_466 = tpu.memref_squeeze %dma_start3A_465 : memref<1x128x48xf32, #tpu.memory_space<vmem>> -> memref<128x48xf32, #tpu.memory_space<vmem>>
      %dma_start3A_467 = arith.constant 0 : i32
      %dma_start3A_468 = tpu.memref_slice %arg8[%add3A_446, %dma_start3A_467] : memref<80x128xi32, #tpu.memory_space<vmem>> -> memref<1x128xi32, #tpu.memory_space<vmem>>
      %dma_start3A_469 = tpu.memref_squeeze %dma_start3A_468 : memref<1x128xi32, #tpu.memory_space<vmem>> -> memref<128xi32, #tpu.memory_space<vmem>>
      %dma_start3A_470 = arith.constant 0 : i32
      %dma_start3A_471 = arith.constant 0 : i32
      %dma_start3A_472 = tpu.memref_slice %arg10[%dma_start3A_470, %dma_start3A_471] : memref<10240x48xf32, #tpu.memory_space<vmem_shared>> -> memref<10240x48xf32, #tpu.memory_space<vmem_shared>>
      %dma_start3A_473 = tpu.memref_slice %arg13[%dma_start3A_462] : memref<8x!tpu.dma_semaphore, #tpu.memory_space<semaphore_mem>> -> memref<1x!tpu.dma_semaphore, #tpu.memory_space<semaphore_mem>>
      %dma_start3A_474 = tpu.memref_squeeze %dma_start3A_473 : memref<1x!tpu.dma_semaphore, #tpu.memory_space<semaphore_mem>> -> memref<!tpu.dma_semaphore, #tpu.memory_space<semaphore_mem>>
      tpu.enqueue_indirect_dma source(%dma_start3A_466 : memref<128x48xf32, #tpu.memory_space<vmem>>) target(%dma_start3A_472 : memref<10240x48xf32, #tpu.memory_space<vmem_shared>>) offsets(%dma_start3A_469 : memref<128xi32, #tpu.memory_space<vmem>>) semaphore(%dma_start3A_474 : memref<!tpu.dma_semaphore, #tpu.memory_space<semaphore_mem>>) {add = true}
      %add3A_475 = arith.constant 6 : i32
      %add3A_476 = arith.addi %mul3A_190, %add3A_475 : i32
      %dma_wait3A_477 = arith.constant 6 : i32
      %dma_wait3A_478 = arith.constant 6 : i32
      %dma_wait3A_479 = arith.constant 0 : i32
      %dma_wait3A_480 = arith.constant 0 : i32
      %dma_wait3A_481 = tpu.memref_slice %arg9[%dma_wait3A_477, %dma_wait3A_479, %dma_wait3A_480] : memref<8x128x48xf32, #tpu.memory_space<vmem>> -> memref<1x128x48xf32, #tpu.memory_space<vmem>>
      %dma_wait3A_482 = tpu.memref_squeeze %dma_wait3A_481 : memref<1x128x48xf32, #tpu.memory_space<vmem>> -> memref<128x48xf32, #tpu.memory_space<vmem>>
      %dma_wait3A_483 = arith.constant 0 : i32
      %dma_wait3A_484 = tpu.memref_slice %arg7[%add3A_476, %dma_wait3A_483] : memref<80x128xi32, #tpu.memory_space<vmem>> -> memref<1x128xi32, #tpu.memory_space<vmem>>
      %dma_wait3A_485 = tpu.memref_squeeze %dma_wait3A_484 : memref<1x128xi32, #tpu.memory_space<vmem>> -> memref<128xi32, #tpu.memory_space<vmem>>
      %dma_wait3A_486 = arith.constant 0 : i32
      %dma_wait3A_487 = arith.constant 0 : i32
      %dma_wait3A_488 = tpu.memref_slice %arg11[%dma_wait3A_486, %dma_wait3A_487] : memref<10240x48xf32, #tpu.memory_space<vmem_shared>> -> memref<10240x48xf32, #tpu.memory_space<vmem_shared>>
      %dma_wait3A_489 = tpu.memref_slice %arg12[%dma_wait3A_478] : memref<8x!tpu.dma_semaphore, #tpu.memory_space<semaphore_mem>> -> memref<1x!tpu.dma_semaphore, #tpu.memory_space<semaphore_mem>>
      %dma_wait3A_490 = tpu.memref_squeeze %dma_wait3A_489 : memref<1x!tpu.dma_semaphore, #tpu.memory_space<semaphore_mem>> -> memref<!tpu.dma_semaphore, #tpu.memory_space<semaphore_mem>>
      tpu.wait_indirect_dma semaphore(%dma_wait3A_490 : memref<!tpu.dma_semaphore, #tpu.memory_space<semaphore_mem>>) src(%dma_wait3A_488 : memref<10240x48xf32, #tpu.memory_space<vmem_shared>>) dst(%dma_wait3A_482 : memref<128x48xf32, #tpu.memory_space<vmem>>)
      %dma_start3A_491 = arith.constant 6 : i32
      %dma_start3A_492 = arith.constant 6 : i32
      %dma_start3A_493 = arith.constant 0 : i32
      %dma_start3A_494 = arith.constant 0 : i32
      %dma_start3A_495 = tpu.memref_slice %arg9[%dma_start3A_491, %dma_start3A_493, %dma_start3A_494] : memref<8x128x48xf32, #tpu.memory_space<vmem>> -> memref<1x128x48xf32, #tpu.memory_space<vmem>>
      %dma_start3A_496 = tpu.memref_squeeze %dma_start3A_495 : memref<1x128x48xf32, #tpu.memory_space<vmem>> -> memref<128x48xf32, #tpu.memory_space<vmem>>
      %dma_start3A_497 = arith.constant 0 : i32
      %dma_start3A_498 = tpu.memref_slice %arg8[%add3A_476, %dma_start3A_497] : memref<80x128xi32, #tpu.memory_space<vmem>> -> memref<1x128xi32, #tpu.memory_space<vmem>>
      %dma_start3A_499 = tpu.memref_squeeze %dma_start3A_498 : memref<1x128xi32, #tpu.memory_space<vmem>> -> memref<128xi32, #tpu.memory_space<vmem>>
      %dma_start3A_500 = arith.constant 0 : i32
      %dma_start3A_501 = arith.constant 0 : i32
      %dma_start3A_502 = tpu.memref_slice %arg10[%dma_start3A_500, %dma_start3A_501] : memref<10240x48xf32, #tpu.memory_space<vmem_shared>> -> memref<10240x48xf32, #tpu.memory_space<vmem_shared>>
      %dma_start3A_503 = tpu.memref_slice %arg13[%dma_start3A_492] : memref<8x!tpu.dma_semaphore, #tpu.memory_space<semaphore_mem>> -> memref<1x!tpu.dma_semaphore, #tpu.memory_space<semaphore_mem>>
      %dma_start3A_504 = tpu.memref_squeeze %dma_start3A_503 : memref<1x!tpu.dma_semaphore, #tpu.memory_space<semaphore_mem>> -> memref<!tpu.dma_semaphore, #tpu.memory_space<semaphore_mem>>
      tpu.enqueue_indirect_dma source(%dma_start3A_496 : memref<128x48xf32, #tpu.memory_space<vmem>>) target(%dma_start3A_502 : memref<10240x48xf32, #tpu.memory_space<vmem_shared>>) offsets(%dma_start3A_499 : memref<128xi32, #tpu.memory_space<vmem>>) semaphore(%dma_start3A_504 : memref<!tpu.dma_semaphore, #tpu.memory_space<semaphore_mem>>) {add = true}
      %add3A_505 = arith.constant 7 : i32
      %add3A_506 = arith.addi %mul3A_190, %add3A_505 : i32
      %dma_wait3A_507 = arith.constant 7 : i32
      %dma_wait3A_508 = arith.constant 7 : i32
      %dma_wait3A_509 = arith.constant 0 : i32
      %dma_wait3A_510 = arith.constant 0 : i32
      %dma_wait3A_511 = tpu.memref_slice %arg9[%dma_wait3A_507, %dma_wait3A_509, %dma_wait3A_510] : memref<8x128x48xf32, #tpu.memory_space<vmem>> -> memref<1x128x48xf32, #tpu.memory_space<vmem>>
      %dma_wait3A_512 = tpu.memref_squeeze %dma_wait3A_511 : memref<1x128x48xf32, #tpu.memory_space<vmem>> -> memref<128x48xf32, #tpu.memory_space<vmem>>
      %dma_wait3A_513 = arith.constant 0 : i32
      %dma_wait3A_514 = tpu.memref_slice %arg7[%add3A_506, %dma_wait3A_513] : memref<80x128xi32, #tpu.memory_space<vmem>> -> memref<1x128xi32, #tpu.memory_space<vmem>>
      %dma_wait3A_515 = tpu.memref_squeeze %dma_wait3A_514 : memref<1x128xi32, #tpu.memory_space<vmem>> -> memref<128xi32, #tpu.memory_space<vmem>>
      %dma_wait3A_516 = arith.constant 0 : i32
      %dma_wait3A_517 = arith.constant 0 : i32
      %dma_wait3A_518 = tpu.memref_slice %arg11[%dma_wait3A_516, %dma_wait3A_517] : memref<10240x48xf32, #tpu.memory_space<vmem_shared>> -> memref<10240x48xf32, #tpu.memory_space<vmem_shared>>
      %dma_wait3A_519 = tpu.memref_slice %arg12[%dma_wait3A_508] : memref<8x!tpu.dma_semaphore, #tpu.memory_space<semaphore_mem>> -> memref<1x!tpu.dma_semaphore, #tpu.memory_space<semaphore_mem>>
      %dma_wait3A_520 = tpu.memref_squeeze %dma_wait3A_519 : memref<1x!tpu.dma_semaphore, #tpu.memory_space<semaphore_mem>> -> memref<!tpu.dma_semaphore, #tpu.memory_space<semaphore_mem>>
      tpu.wait_indirect_dma semaphore(%dma_wait3A_520 : memref<!tpu.dma_semaphore, #tpu.memory_space<semaphore_mem>>) src(%dma_wait3A_518 : memref<10240x48xf32, #tpu.memory_space<vmem_shared>>) dst(%dma_wait3A_512 : memref<128x48xf32, #tpu.memory_space<vmem>>)
      %dma_start3A_521 = arith.constant 7 : i32
      %dma_start3A_522 = arith.constant 7 : i32
      %dma_start3A_523 = arith.constant 0 : i32
      %dma_start3A_524 = arith.constant 0 : i32
      %dma_start3A_525 = tpu.memref_slice %arg9[%dma_start3A_521, %dma_start3A_523, %dma_start3A_524] : memref<8x128x48xf32, #tpu.memory_space<vmem>> -> memref<1x128x48xf32, #tpu.memory_space<vmem>>
      %dma_start3A_526 = tpu.memref_squeeze %dma_start3A_525 : memref<1x128x48xf32, #tpu.memory_space<vmem>> -> memref<128x48xf32, #tpu.memory_space<vmem>>
      %dma_start3A_527 = arith.constant 0 : i32
      %dma_start3A_528 = tpu.memref_slice %arg8[%add3A_506, %dma_start3A_527] : memref<80x128xi32, #tpu.memory_space<vmem>> -> memref<1x128xi32, #tpu.memory_space<vmem>>
      %dma_start3A_529 = tpu.memref_squeeze %dma_start3A_528 : memref<1x128xi32, #tpu.memory_space<vmem>> -> memref<128xi32, #tpu.memory_space<vmem>>
      %dma_start3A_530 = arith.constant 0 : i32
      %dma_start3A_531 = arith.constant 0 : i32
      %dma_start3A_532 = tpu.memref_slice %arg10[%dma_start3A_530, %dma_start3A_531] : memref<10240x48xf32, #tpu.memory_space<vmem_shared>> -> memref<10240x48xf32, #tpu.memory_space<vmem_shared>>
      %dma_start3A_533 = tpu.memref_slice %arg13[%dma_start3A_522] : memref<8x!tpu.dma_semaphore, #tpu.memory_space<semaphore_mem>> -> memref<1x!tpu.dma_semaphore, #tpu.memory_space<semaphore_mem>>
      %dma_start3A_534 = tpu.memref_squeeze %dma_start3A_533 : memref<1x!tpu.dma_semaphore, #tpu.memory_space<semaphore_mem>> -> memref<!tpu.dma_semaphore, #tpu.memory_space<semaphore_mem>>
      tpu.enqueue_indirect_dma source(%dma_start3A_526 : memref<128x48xf32, #tpu.memory_space<vmem>>) target(%dma_start3A_532 : memref<10240x48xf32, #tpu.memory_space<vmem_shared>>) offsets(%dma_start3A_529 : memref<128xi32, #tpu.memory_space<vmem>>) semaphore(%dma_start3A_534 : memref<!tpu.dma_semaphore, #tpu.memory_space<semaphore_mem>>) {add = true}
      %add3A_535 = arith.constant 4 : i32
      %add3A_536 = arith.addi %mul3A_190, %add3A_535 : i32
      %add3A_537 = arith.constant 8 : i32
      %add3A_538 = arith.addi %add3A_536, %add3A_537 : i32
      %min3A_539 = arith.constant 79 : i32
      %min3A_540 = arith.minsi %add3A_538, %min3A_539 : i32
      %dma_wait3A_541 = arith.constant 4 : i32
      %dma_wait3A_542 = arith.constant 4 : i32
      %dma_wait3A_543 = arith.constant 0 : i32
      %dma_wait3A_544 = arith.constant 0 : i32
      %dma_wait3A_545 = tpu.memref_slice %arg9[%dma_wait3A_541, %dma_wait3A_543, %dma_wait3A_544] : memref<8x128x48xf32, #tpu.memory_space<vmem>> -> memref<1x128x48xf32, #tpu.memory_space<vmem>>
      %dma_wait3A_546 = tpu.memref_squeeze %dma_wait3A_545 : memref<1x128x48xf32, #tpu.memory_space<vmem>> -> memref<128x48xf32, #tpu.memory_space<vmem>>
      %dma_wait3A_547 = arith.constant 0 : i32
      %dma_wait3A_548 = tpu.memref_slice %arg8[%add3A_536, %dma_wait3A_547] : memref<80x128xi32, #tpu.memory_space<vmem>> -> memref<1x128xi32, #tpu.memory_space<vmem>>
      %dma_wait3A_549 = tpu.memref_squeeze %dma_wait3A_548 : memref<1x128xi32, #tpu.memory_space<vmem>> -> memref<128xi32, #tpu.memory_space<vmem>>
      %dma_wait3A_550 = arith.constant 0 : i32
      %dma_wait3A_551 = arith.constant 0 : i32
      %dma_wait3A_552 = tpu.memref_slice %arg10[%dma_wait3A_550, %dma_wait3A_551] : memref<10240x48xf32, #tpu.memory_space<vmem_shared>> -> memref<10240x48xf32, #tpu.memory_space<vmem_shared>>
      %dma_wait3A_553 = tpu.memref_slice %arg13[%dma_wait3A_542] : memref<8x!tpu.dma_semaphore, #tpu.memory_space<semaphore_mem>> -> memref<1x!tpu.dma_semaphore, #tpu.memory_space<semaphore_mem>>
      %dma_wait3A_554 = tpu.memref_squeeze %dma_wait3A_553 : memref<1x!tpu.dma_semaphore, #tpu.memory_space<semaphore_mem>> -> memref<!tpu.dma_semaphore, #tpu.memory_space<semaphore_mem>>
      tpu.wait_indirect_dma semaphore(%dma_wait3A_554 : memref<!tpu.dma_semaphore, #tpu.memory_space<semaphore_mem>>) src(%dma_wait3A_546 : memref<128x48xf32, #tpu.memory_space<vmem>>) dst(%dma_wait3A_552 : memref<10240x48xf32, #tpu.memory_space<vmem_shared>>)
      %add3A_555 = arith.constant 1 : i32
      %add3A_556 = arith.addi %scan3A_188, %add3A_555 : i32
      %lt3A_557 = arith.constant 10 : i32
      %lt3A_558 = arith.cmpi slt, %add3A_556, %lt3A_557 : i32
      %convert_element_type3A_559 = arith.extui %lt3A_558 : i1 to i32
      %cond3A_560 = arith.constant 0 : i32
      %cond3A_561 = arith.cmpi ne, %convert_element_type3A_559, %cond3A_560 : i32
      scf.if %cond3A_561 {
        %dma_start3A_643 = arith.constant 4 : i32
        %dma_start3A_644 = arith.constant 4 : i32
        %dma_start3A_645 = arith.constant 0 : i32
        %dma_start3A_646 = arith.constant 0 : i32
        %dma_start3A_647 = tpu.memref_slice %arg9[%dma_start3A_643, %dma_start3A_645, %dma_start3A_646] : memref<8x128x48xf32, #tpu.memory_space<vmem>> -> memref<1x128x48xf32, #tpu.memory_space<vmem>>
        %dma_start3A_648 = tpu.memref_squeeze %dma_start3A_647 : memref<1x128x48xf32, #tpu.memory_space<vmem>> -> memref<128x48xf32, #tpu.memory_space<vmem>>
        %dma_start3A_649 = arith.constant 0 : i32
        %dma_start3A_650 = tpu.memref_slice %arg7[%min3A_540, %dma_start3A_649] : memref<80x128xi32, #tpu.memory_space<vmem>> -> memref<1x128xi32, #tpu.memory_space<vmem>>
        %dma_start3A_651 = tpu.memref_squeeze %dma_start3A_650 : memref<1x128xi32, #tpu.memory_space<vmem>> -> memref<128xi32, #tpu.memory_space<vmem>>
        %dma_start3A_652 = arith.constant 0 : i32
        %dma_start3A_653 = arith.constant 0 : i32
        %dma_start3A_654 = tpu.memref_slice %arg11[%dma_start3A_652, %dma_start3A_653] : memref<10240x48xf32, #tpu.memory_space<vmem_shared>> -> memref<10240x48xf32, #tpu.memory_space<vmem_shared>>
        %dma_start3A_655 = tpu.memref_slice %arg12[%dma_start3A_644] : memref<8x!tpu.dma_semaphore, #tpu.memory_space<semaphore_mem>> -> memref<1x!tpu.dma_semaphore, #tpu.memory_space<semaphore_mem>>
        %dma_start3A_656 = tpu.memref_squeeze %dma_start3A_655 : memref<1x!tpu.dma_semaphore, #tpu.memory_space<semaphore_mem>> -> memref<!tpu.dma_semaphore, #tpu.memory_space<semaphore_mem>>
        tpu.enqueue_indirect_dma source(%dma_start3A_654 : memref<10240x48xf32, #tpu.memory_space<vmem_shared>>) target(%dma_start3A_648 : memref<128x48xf32, #tpu.memory_space<vmem>>) offsets(%dma_start3A_651 : memref<128xi32, #tpu.memory_space<vmem>>) semaphore(%dma_start3A_656 : memref<!tpu.dma_semaphore, #tpu.memory_space<semaphore_mem>>)
      } else {
      }
      %add3A_562 = arith.constant 5 : i32
      %add3A_563 = arith.addi %mul3A_190, %add3A_562 : i32
      %add3A_564 = arith.constant 8 : i32
      %add3A_565 = arith.addi %add3A_563, %add3A_564 : i32
      %min3A_566 = arith.constant 79 : i32
      %min3A_567 = arith.minsi %add3A_565, %min3A_566 : i32
      %dma_wait3A_568 = arith.constant 5 : i32
      %dma_wait3A_569 = arith.constant 5 : i32
      %dma_wait3A_570 = arith.constant 0 : i32
      %dma_wait3A_571 = arith.constant 0 : i32
      %dma_wait3A_572 = tpu.memref_slice %arg9[%dma_wait3A_568, %dma_wait3A_570, %dma_wait3A_571] : memref<8x128x48xf32, #tpu.memory_space<vmem>> -> memref<1x128x48xf32, #tpu.memory_space<vmem>>
      %dma_wait3A_573 = tpu.memref_squeeze %dma_wait3A_572 : memref<1x128x48xf32, #tpu.memory_space<vmem>> -> memref<128x48xf32, #tpu.memory_space<vmem>>
      %dma_wait3A_574 = arith.constant 0 : i32
      %dma_wait3A_575 = tpu.memref_slice %arg8[%add3A_563, %dma_wait3A_574] : memref<80x128xi32, #tpu.memory_space<vmem>> -> memref<1x128xi32, #tpu.memory_space<vmem>>
      %dma_wait3A_576 = tpu.memref_squeeze %dma_wait3A_575 : memref<1x128xi32, #tpu.memory_space<vmem>> -> memref<128xi32, #tpu.memory_space<vmem>>
      %dma_wait3A_577 = arith.constant 0 : i32
      %dma_wait3A_578 = arith.constant 0 : i32
      %dma_wait3A_579 = tpu.memref_slice %arg10[%dma_wait3A_577, %dma_wait3A_578] : memref<10240x48xf32, #tpu.memory_space<vmem_shared>> -> memref<10240x48xf32, #tpu.memory_space<vmem_shared>>
      %dma_wait3A_580 = tpu.memref_slice %arg13[%dma_wait3A_569] : memref<8x!tpu.dma_semaphore, #tpu.memory_space<semaphore_mem>> -> memref<1x!tpu.dma_semaphore, #tpu.memory_space<semaphore_mem>>
      %dma_wait3A_581 = tpu.memref_squeeze %dma_wait3A_580 : memref<1x!tpu.dma_semaphore, #tpu.memory_space<semaphore_mem>> -> memref<!tpu.dma_semaphore, #tpu.memory_space<semaphore_mem>>
      tpu.wait_indirect_dma semaphore(%dma_wait3A_581 : memref<!tpu.dma_semaphore, #tpu.memory_space<semaphore_mem>>) src(%dma_wait3A_573 : memref<128x48xf32, #tpu.memory_space<vmem>>) dst(%dma_wait3A_579 : memref<10240x48xf32, #tpu.memory_space<vmem_shared>>)
      %add3A_582 = arith.constant 1 : i32
      %add3A_583 = arith.addi %scan3A_188, %add3A_582 : i32
      %lt3A_584 = arith.constant 10 : i32
      %lt3A_585 = arith.cmpi slt, %add3A_583, %lt3A_584 : i32
      %convert_element_type3A_586 = arith.extui %lt3A_585 : i1 to i32
      %cond3A_587 = arith.constant 0 : i32
      %cond3A_588 = arith.cmpi ne, %convert_element_type3A_586, %cond3A_587 : i32
      scf.if %cond3A_588 {
        %dma_start3A_643 = arith.constant 5 : i32
        %dma_start3A_644 = arith.constant 5 : i32
        %dma_start3A_645 = arith.constant 0 : i32
        %dma_start3A_646 = arith.constant 0 : i32
        %dma_start3A_647 = tpu.memref_slice %arg9[%dma_start3A_643, %dma_start3A_645, %dma_start3A_646] : memref<8x128x48xf32, #tpu.memory_space<vmem>> -> memref<1x128x48xf32, #tpu.memory_space<vmem>>
        %dma_start3A_648 = tpu.memref_squeeze %dma_start3A_647 : memref<1x128x48xf32, #tpu.memory_space<vmem>> -> memref<128x48xf32, #tpu.memory_space<vmem>>
        %dma_start3A_649 = arith.constant 0 : i32
        %dma_start3A_650 = tpu.memref_slice %arg7[%min3A_567, %dma_start3A_649] : memref<80x128xi32, #tpu.memory_space<vmem>> -> memref<1x128xi32, #tpu.memory_space<vmem>>
        %dma_start3A_651 = tpu.memref_squeeze %dma_start3A_650 : memref<1x128xi32, #tpu.memory_space<vmem>> -> memref<128xi32, #tpu.memory_space<vmem>>
        %dma_start3A_652 = arith.constant 0 : i32
        %dma_start3A_653 = arith.constant 0 : i32
        %dma_start3A_654 = tpu.memref_slice %arg11[%dma_start3A_652, %dma_start3A_653] : memref<10240x48xf32, #tpu.memory_space<vmem_shared>> -> memref<10240x48xf32, #tpu.memory_space<vmem_shared>>
        %dma_start3A_655 = tpu.memref_slice %arg12[%dma_start3A_644] : memref<8x!tpu.dma_semaphore, #tpu.memory_space<semaphore_mem>> -> memref<1x!tpu.dma_semaphore, #tpu.memory_space<semaphore_mem>>
        %dma_start3A_656 = tpu.memref_squeeze %dma_start3A_655 : memref<1x!tpu.dma_semaphore, #tpu.memory_space<semaphore_mem>> -> memref<!tpu.dma_semaphore, #tpu.memory_space<semaphore_mem>>
        tpu.enqueue_indirect_dma source(%dma_start3A_654 : memref<10240x48xf32, #tpu.memory_space<vmem_shared>>) target(%dma_start3A_648 : memref<128x48xf32, #tpu.memory_space<vmem>>) offsets(%dma_start3A_651 : memref<128xi32, #tpu.memory_space<vmem>>) semaphore(%dma_start3A_656 : memref<!tpu.dma_semaphore, #tpu.memory_space<semaphore_mem>>)
      } else {
      }
      %add3A_589 = arith.constant 6 : i32
      %add3A_590 = arith.addi %mul3A_190, %add3A_589 : i32
      %add3A_591 = arith.constant 8 : i32
      %add3A_592 = arith.addi %add3A_590, %add3A_591 : i32
      %min3A_593 = arith.constant 79 : i32
      %min3A_594 = arith.minsi %add3A_592, %min3A_593 : i32
      %dma_wait3A_595 = arith.constant 6 : i32
      %dma_wait3A_596 = arith.constant 6 : i32
      %dma_wait3A_597 = arith.constant 0 : i32
      %dma_wait3A_598 = arith.constant 0 : i32
      %dma_wait3A_599 = tpu.memref_slice %arg9[%dma_wait3A_595, %dma_wait3A_597, %dma_wait3A_598] : memref<8x128x48xf32, #tpu.memory_space<vmem>> -> memref<1x128x48xf32, #tpu.memory_space<vmem>>
      %dma_wait3A_600 = tpu.memref_squeeze %dma_wait3A_599 : memref<1x128x48xf32, #tpu.memory_space<vmem>> -> memref<128x48xf32, #tpu.memory_space<vmem>>
      %dma_wait3A_601 = arith.constant 0 : i32
      %dma_wait3A_602 = tpu.memref_slice %arg8[%add3A_590, %dma_wait3A_601] : memref<80x128xi32, #tpu.memory_space<vmem>> -> memref<1x128xi32, #tpu.memory_space<vmem>>
      %dma_wait3A_603 = tpu.memref_squeeze %dma_wait3A_602 : memref<1x128xi32, #tpu.memory_space<vmem>> -> memref<128xi32, #tpu.memory_space<vmem>>
      %dma_wait3A_604 = arith.constant 0 : i32
      %dma_wait3A_605 = arith.constant 0 : i32
      %dma_wait3A_606 = tpu.memref_slice %arg10[%dma_wait3A_604, %dma_wait3A_605] : memref<10240x48xf32, #tpu.memory_space<vmem_shared>> -> memref<10240x48xf32, #tpu.memory_space<vmem_shared>>
      %dma_wait3A_607 = tpu.memref_slice %arg13[%dma_wait3A_596] : memref<8x!tpu.dma_semaphore, #tpu.memory_space<semaphore_mem>> -> memref<1x!tpu.dma_semaphore, #tpu.memory_space<semaphore_mem>>
      %dma_wait3A_608 = tpu.memref_squeeze %dma_wait3A_607 : memref<1x!tpu.dma_semaphore, #tpu.memory_space<semaphore_mem>> -> memref<!tpu.dma_semaphore, #tpu.memory_space<semaphore_mem>>
      tpu.wait_indirect_dma semaphore(%dma_wait3A_608 : memref<!tpu.dma_semaphore, #tpu.memory_space<semaphore_mem>>) src(%dma_wait3A_600 : memref<128x48xf32, #tpu.memory_space<vmem>>) dst(%dma_wait3A_606 : memref<10240x48xf32, #tpu.memory_space<vmem_shared>>)
      %add3A_609 = arith.constant 1 : i32
      %add3A_610 = arith.addi %scan3A_188, %add3A_609 : i32
      %lt3A_611 = arith.constant 10 : i32
      %lt3A_612 = arith.cmpi slt, %add3A_610, %lt3A_611 : i32
      %convert_element_type3A_613 = arith.extui %lt3A_612 : i1 to i32
      %cond3A_614 = arith.constant 0 : i32
      %cond3A_615 = arith.cmpi ne, %convert_element_type3A_613, %cond3A_614 : i32
      scf.if %cond3A_615 {
        %dma_start3A_643 = arith.constant 6 : i32
        %dma_start3A_644 = arith.constant 6 : i32
        %dma_start3A_645 = arith.constant 0 : i32
        %dma_start3A_646 = arith.constant 0 : i32
        %dma_start3A_647 = tpu.memref_slice %arg9[%dma_start3A_643, %dma_start3A_645, %dma_start3A_646] : memref<8x128x48xf32, #tpu.memory_space<vmem>> -> memref<1x128x48xf32, #tpu.memory_space<vmem>>
        %dma_start3A_648 = tpu.memref_squeeze %dma_start3A_647 : memref<1x128x48xf32, #tpu.memory_space<vmem>> -> memref<128x48xf32, #tpu.memory_space<vmem>>
        %dma_start3A_649 = arith.constant 0 : i32
        %dma_start3A_650 = tpu.memref_slice %arg7[%min3A_594, %dma_start3A_649] : memref<80x128xi32, #tpu.memory_space<vmem>> -> memref<1x128xi32, #tpu.memory_space<vmem>>
        %dma_start3A_651 = tpu.memref_squeeze %dma_start3A_650 : memref<1x128xi32, #tpu.memory_space<vmem>> -> memref<128xi32, #tpu.memory_space<vmem>>
        %dma_start3A_652 = arith.constant 0 : i32
        %dma_start3A_653 = arith.constant 0 : i32
        %dma_start3A_654 = tpu.memref_slice %arg11[%dma_start3A_652, %dma_start3A_653] : memref<10240x48xf32, #tpu.memory_space<vmem_shared>> -> memref<10240x48xf32, #tpu.memory_space<vmem_shared>>
        %dma_start3A_655 = tpu.memref_slice %arg12[%dma_start3A_644] : memref<8x!tpu.dma_semaphore, #tpu.memory_space<semaphore_mem>> -> memref<1x!tpu.dma_semaphore, #tpu.memory_space<semaphore_mem>>
        %dma_start3A_656 = tpu.memref_squeeze %dma_start3A_655 : memref<1x!tpu.dma_semaphore, #tpu.memory_space<semaphore_mem>> -> memref<!tpu.dma_semaphore, #tpu.memory_space<semaphore_mem>>
        tpu.enqueue_indirect_dma source(%dma_start3A_654 : memref<10240x48xf32, #tpu.memory_space<vmem_shared>>) target(%dma_start3A_648 : memref<128x48xf32, #tpu.memory_space<vmem>>) offsets(%dma_start3A_651 : memref<128xi32, #tpu.memory_space<vmem>>) semaphore(%dma_start3A_656 : memref<!tpu.dma_semaphore, #tpu.memory_space<semaphore_mem>>)
      } else {
      }
      %add3A_616 = arith.constant 7 : i32
      %add3A_617 = arith.addi %mul3A_190, %add3A_616 : i32
      %add3A_618 = arith.constant 8 : i32
      %add3A_619 = arith.addi %add3A_617, %add3A_618 : i32
      %min3A_620 = arith.constant 79 : i32
      %min3A_621 = arith.minsi %add3A_619, %min3A_620 : i32
      %dma_wait3A_622 = arith.constant 7 : i32
      %dma_wait3A_623 = arith.constant 7 : i32
      %dma_wait3A_624 = arith.constant 0 : i32
      %dma_wait3A_625 = arith.constant 0 : i32
      %dma_wait3A_626 = tpu.memref_slice %arg9[%dma_wait3A_622, %dma_wait3A_624, %dma_wait3A_625] : memref<8x128x48xf32, #tpu.memory_space<vmem>> -> memref<1x128x48xf32, #tpu.memory_space<vmem>>
      %dma_wait3A_627 = tpu.memref_squeeze %dma_wait3A_626 : memref<1x128x48xf32, #tpu.memory_space<vmem>> -> memref<128x48xf32, #tpu.memory_space<vmem>>
      %dma_wait3A_628 = arith.constant 0 : i32
      %dma_wait3A_629 = tpu.memref_slice %arg8[%add3A_617, %dma_wait3A_628] : memref<80x128xi32, #tpu.memory_space<vmem>> -> memref<1x128xi32, #tpu.memory_space<vmem>>
      %dma_wait3A_630 = tpu.memref_squeeze %dma_wait3A_629 : memref<1x128xi32, #tpu.memory_space<vmem>> -> memref<128xi32, #tpu.memory_space<vmem>>
      %dma_wait3A_631 = arith.constant 0 : i32
      %dma_wait3A_632 = arith.constant 0 : i32
      %dma_wait3A_633 = tpu.memref_slice %arg10[%dma_wait3A_631, %dma_wait3A_632] : memref<10240x48xf32, #tpu.memory_space<vmem_shared>> -> memref<10240x48xf32, #tpu.memory_space<vmem_shared>>
      %dma_wait3A_634 = tpu.memref_slice %arg13[%dma_wait3A_623] : memref<8x!tpu.dma_semaphore, #tpu.memory_space<semaphore_mem>> -> memref<1x!tpu.dma_semaphore, #tpu.memory_space<semaphore_mem>>
      %dma_wait3A_635 = tpu.memref_squeeze %dma_wait3A_634 : memref<1x!tpu.dma_semaphore, #tpu.memory_space<semaphore_mem>> -> memref<!tpu.dma_semaphore, #tpu.memory_space<semaphore_mem>>
      tpu.wait_indirect_dma semaphore(%dma_wait3A_635 : memref<!tpu.dma_semaphore, #tpu.memory_space<semaphore_mem>>) src(%dma_wait3A_627 : memref<128x48xf32, #tpu.memory_space<vmem>>) dst(%dma_wait3A_633 : memref<10240x48xf32, #tpu.memory_space<vmem_shared>>)
      %add3A_636 = arith.constant 1 : i32
      %add3A_637 = arith.addi %scan3A_188, %add3A_636 : i32
      %lt3A_638 = arith.constant 10 : i32
      %lt3A_639 = arith.cmpi slt, %add3A_637, %lt3A_638 : i32
      %convert_element_type3A_640 = arith.extui %lt3A_639 : i1 to i32
      %cond3A_641 = arith.constant 0 : i32
      %cond3A_642 = arith.cmpi ne, %convert_element_type3A_640, %cond3A_641 : i32
      scf.if %cond3A_642 {
        %dma_start3A_643 = arith.constant 7 : i32
        %dma_start3A_644 = arith.constant 7 : i32
        %dma_start3A_645 = arith.constant 0 : i32
        %dma_start3A_646 = arith.constant 0 : i32
        %dma_start3A_647 = tpu.memref_slice %arg9[%dma_start3A_643, %dma_start3A_645, %dma_start3A_646] : memref<8x128x48xf32, #tpu.memory_space<vmem>> -> memref<1x128x48xf32, #tpu.memory_space<vmem>>
        %dma_start3A_648 = tpu.memref_squeeze %dma_start3A_647 : memref<1x128x48xf32, #tpu.memory_space<vmem>> -> memref<128x48xf32, #tpu.memory_space<vmem>>
        %dma_start3A_649 = arith.constant 0 : i32
        %dma_start3A_650 = tpu.memref_slice %arg7[%min3A_621, %dma_start3A_649] : memref<80x128xi32, #tpu.memory_space<vmem>> -> memref<1x128xi32, #tpu.memory_space<vmem>>
        %dma_start3A_651 = tpu.memref_squeeze %dma_start3A_650 : memref<1x128xi32, #tpu.memory_space<vmem>> -> memref<128xi32, #tpu.memory_space<vmem>>
        %dma_start3A_652 = arith.constant 0 : i32
        %dma_start3A_653 = arith.constant 0 : i32
        %dma_start3A_654 = tpu.memref_slice %arg11[%dma_start3A_652, %dma_start3A_653] : memref<10240x48xf32, #tpu.memory_space<vmem_shared>> -> memref<10240x48xf32, #tpu.memory_space<vmem_shared>>
        %dma_start3A_655 = tpu.memref_slice %arg12[%dma_start3A_644] : memref<8x!tpu.dma_semaphore, #tpu.memory_space<semaphore_mem>> -> memref<1x!tpu.dma_semaphore, #tpu.memory_space<semaphore_mem>>
        %dma_start3A_656 = tpu.memref_squeeze %dma_start3A_655 : memref<1x!tpu.dma_semaphore, #tpu.memory_space<semaphore_mem>> -> memref<!tpu.dma_semaphore, #tpu.memory_space<semaphore_mem>>
        tpu.enqueue_indirect_dma source(%dma_start3A_654 : memref<10240x48xf32, #tpu.memory_space<vmem_shared>>) target(%dma_start3A_648 : memref<128x48xf32, #tpu.memory_space<vmem>>) offsets(%dma_start3A_651 : memref<128xi32, #tpu.memory_space<vmem>>) semaphore(%dma_start3A_656 : memref<!tpu.dma_semaphore, #tpu.memory_space<semaphore_mem>>)
      } else {
      }
    }
    %scan3A_179 = arith.constant 10 : i32
    %barrier3A_180 = arith.constant 0 : index
    tpu.barrier barrier_id(%barrier3A_180)
    %mul3A_181 = arith.constant 640 : i32
    %mul3A_182 = arith.muli %arg1, %mul3A_181 : i32
    %mul3A_183 = arith.constant 10240 : i32
    %mul3A_184 = arith.muli %arg0, %mul3A_183 : i32
    %mul3A_185 = arith.constant 640 : i32
    %mul3A_186 = arith.muli %arg1, %mul3A_185 : i32
    %add3A_187 = arith.addi %mul3A_184, %mul3A_186 : i32
    "tpu.region"() ({
      %run_scoped3A = tpu.sem_alloc : memref<!tpu.dma_semaphore, #tpu.memory_space<semaphore_mem>>
      %dma_start3A_188 = arith.constant 0 : i32
      %dma_start3A_189 = tpu.memref_slice %arg6[%add3A_187, %dma_start3A_188] : memref<20480x48xf32, #tpu.memory_space<hbm>> -> memref<640x48xf32, #tpu.memory_space<hbm>>
      %dma_start3A_190 = arith.constant 0 : i32
      %dma_start3A_191 = tpu.memref_slice %arg10[%mul3A_182, %dma_start3A_190] : memref<10240x48xf32, #tpu.memory_space<vmem_shared>> -> memref<640x48xf32, #tpu.memory_space<vmem_shared>>
      tpu.enqueue_dma source(%dma_start3A_191 : memref<640x48xf32, #tpu.memory_space<vmem_shared>>) target(%dma_start3A_189 : memref<640x48xf32, #tpu.memory_space<hbm>>) target_semaphore(%run_scoped3A : memref<!tpu.dma_semaphore, #tpu.memory_space<semaphore_mem>>)
      %dma_wait3A_192 = arith.constant 0 : i32
      %dma_wait3A_193 = tpu.memref_slice %arg6[%add3A_187, %dma_wait3A_192] : memref<20480x48xf32, #tpu.memory_space<hbm>> -> memref<640x48xf32, #tpu.memory_space<hbm>>
      %dma_wait3A_194 = arith.constant 0 : i32
      %dma_wait3A_195 = tpu.memref_slice %arg10[%mul3A_182, %dma_wait3A_194] : memref<10240x48xf32, #tpu.memory_space<vmem_shared>> -> memref<640x48xf32, #tpu.memory_space<vmem_shared>>
      tpu.wait_dma2 semaphore(%run_scoped3A : memref<!tpu.dma_semaphore, #tpu.memory_space<semaphore_mem>>) src(%dma_wait3A_195 : memref<640x48xf32, #tpu.memory_space<vmem_shared>>) dst(%dma_wait3A_193 : memref<640x48xf32, #tpu.memory_space<hbm>>)
      tpu.yield
    }) : () -> ()
    return
  }
}

#map = affine_map<(d0, d1) -> (0, 0)>
module attributes {stable_mosaic.version = 14 : i64} {
  func.func @_sc_segsum(%arg0: i32, %arg1: i32, %arg2: memref<10240x48xf32, #tpu.memory_space<hbm>>, %arg3: memref<2560x128xi32, #tpu.memory_space<hbm>>, %arg4: memref<2560x128xi32, #tpu.memory_space<hbm>>, %arg5: memref<10240x48xf32, #tpu.memory_space<hbm>>, %arg6: memref<20480x48xf32, #tpu.memory_space<hbm>>, %arg7: memref<80x128xi32, #tpu.memory_space<vmem>>, %arg8: memref<80x128xi32, #tpu.memory_space<vmem>>, %arg9: memref<8x128x48xf32, #tpu.memory_space<vmem>>, %arg10: memref<10240x48xf32, #tpu.memory_space<vmem_shared>>, %arg11: memref<10240x48xf32, #tpu.memory_space<vmem_shared>>, %arg12: memref<8x!tpu.dma_semaphore, #tpu.memory_space<semaphore_mem>>, %arg13: memref<8x!tpu.dma_semaphore, #tpu.memory_space<semaphore_mem>>, %arg14: memref<!tpu.dma_semaphore, #tpu.memory_space<semaphore_mem>>) attributes {dimension_semantics = [#tpu.dimension_semantics<core_parallel>, #tpu.dimension_semantics<subcore_parallel>], iteration_bounds = array<i64: 2, 16>, scalar_prefetch = 0 : i64, scratch_operands = 8 : i64, tpu.core_type = #tpu.core_type<sc_vector_subcore>, window_params = [{transform_indices = #map}, {transform_indices = #map}, {transform_indices = #map}, {transform_indices = #map}, {transform_indices = #map}]} {
    %mul3A = arith.constant 16 : i32
    %mul3A_0 = arith.muli %arg0, %mul3A : i32
    %add3A = arith.addi %mul3A_0, %arg1 : i32
    %mul3A_1 = arith.constant 80 : i32
    %mul3A_2 = arith.muli %add3A, %mul3A_1 : i32
    %dma_start3A = arith.constant 0 : i32
    %dma_start3A_3 = tpu.memref_slice %arg3[%mul3A_2, %dma_start3A] : memref<2560x128xi32, #tpu.memory_space<hbm>> -> memref<80x128xi32, #tpu.memory_space<hbm>>
    %dma_start3A_4 = arith.constant 0 : i32
    %dma_start3A_5 = tpu.memref_slice %arg3[%mul3A_2, %dma_start3A_4] : memref<2560x128xi32, #tpu.memory_space<hbm>> -> memref<80x128xi32, #tpu.memory_space<hbm>>
    tpu.enqueue_dma source(%dma_start3A_5 : memref<80x128xi32, #tpu.memory_space<hbm>>) target(%arg7 : memref<80x128xi32, #tpu.memory_space<vmem>>) target_semaphore(%arg14 : memref<!tpu.dma_semaphore, #tpu.memory_space<semaphore_mem>>)
    %mul3A_6 = arith.constant 80 : i32
    %mul3A_7 = arith.muli %add3A, %mul3A_6 : i32
    %dma_start3A_8 = arith.constant 0 : i32
    %dma_start3A_9 = tpu.memref_slice %arg4[%mul3A_7, %dma_start3A_8] : memref<2560x128xi32, #tpu.memory_space<hbm>> -> memref<80x128xi32, #tpu.memory_space<hbm>>
    %dma_start3A_10 = arith.constant 0 : i32
    %dma_start3A_11 = tpu.memref_slice %arg4[%mul3A_7, %dma_start3A_10] : memref<2560x128xi32, #tpu.memory_space<hbm>> -> memref<80x128xi32, #tpu.memory_space<hbm>>
    tpu.enqueue_dma source(%dma_start3A_11 : memref<80x128xi32, #tpu.memory_space<hbm>>) target(%arg8 : memref<80x128xi32, #tpu.memory_space<vmem>>) target_semaphore(%arg14 : memref<!tpu.dma_semaphore, #tpu.memory_space<semaphore_mem>>)
    %mul3A_12 = arith.constant 640 : i32
    %mul3A_13 = arith.muli %arg1, %mul3A_12 : i32
    %mul3A_14 = arith.constant 640 : i32
    %mul3A_15 = arith.muli %arg1, %mul3A_14 : i32
    %dma_start3A_16 = arith.constant 0 : i32
    %dma_start3A_17 = tpu.memref_slice %arg10[%mul3A_15, %dma_start3A_16] : memref<10240x48xf32, #tpu.memory_space<vmem_shared>> -> memref<640x48xf32, #tpu.memory_space<vmem_shared>>
    %dma_start3A_18 = arith.constant 0 : i32
    %dma_start3A_19 = tpu.memref_slice %arg5[%mul3A_13, %dma_start3A_18] : memref<10240x48xf32, #tpu.memory_space<hbm>> -> memref<640x48xf32, #tpu.memory_space<hbm>>
    tpu.enqueue_dma source(%dma_start3A_19 : memref<640x48xf32, #tpu.memory_space<hbm>>) target(%dma_start3A_17 : memref<640x48xf32, #tpu.memory_space<vmem_shared>>) target_semaphore(%arg14 : memref<!tpu.dma_semaphore, #tpu.memory_space<semaphore_mem>>)
    %mul3A_20 = arith.constant 640 : i32
    %mul3A_21 = arith.muli %arg1, %mul3A_20 : i32
    %mul3A_22 = arith.constant 640 : i32
    %mul3A_23 = arith.muli %arg1, %mul3A_22 : i32
    %dma_start3A_24 = arith.constant 0 : i32
    %dma_start3A_25 = tpu.memref_slice %arg11[%mul3A_23, %dma_start3A_24] : memref<10240x48xf32, #tpu.memory_space<vmem_shared>> -> memref<640x48xf32, #tpu.memory_space<vmem_shared>>
    %dma_start3A_26 = arith.constant 0 : i32
    %dma_start3A_27 = tpu.memref_slice %arg2[%mul3A_21, %dma_start3A_26] : memref<10240x48xf32, #tpu.memory_space<hbm>> -> memref<640x48xf32, #tpu.memory_space<hbm>>
    tpu.enqueue_dma source(%dma_start3A_27 : memref<640x48xf32, #tpu.memory_space<hbm>>) target(%dma_start3A_25 : memref<640x48xf32, #tpu.memory_space<vmem_shared>>) target_semaphore(%arg14 : memref<!tpu.dma_semaphore, #tpu.memory_space<semaphore_mem>>)
    %mul3A_28 = arith.constant 80 : i32
    %mul3A_29 = arith.muli %add3A, %mul3A_28 : i32
    %dma_wait3A = arith.constant 0 : i32
    %dma_wait3A_30 = tpu.memref_slice %arg3[%mul3A_29, %dma_wait3A] : memref<2560x128xi32, #tpu.memory_space<hbm>> -> memref<80x128xi32, #tpu.memory_space<hbm>>
    %dma_wait3A_31 = arith.constant 0 : i32
    %dma_wait3A_32 = tpu.memref_slice %arg3[%mul3A_29, %dma_wait3A_31] : memref<2560x128xi32, #tpu.memory_space<hbm>> -> memref<80x128xi32, #tpu.memory_space<hbm>>
    tpu.wait_dma2 semaphore(%arg14 : memref<!tpu.dma_semaphore, #tpu.memory_space<semaphore_mem>>) src(%dma_wait3A_32 : memref<80x128xi32, #tpu.memory_space<hbm>>) dst(%arg7 : memref<80x128xi32, #tpu.memory_space<vmem>>)
    %mul3A_33 = arith.constant 80 : i32
    %mul3A_34 = arith.muli %add3A, %mul3A_33 : i32
    %dma_wait3A_35 = arith.constant 0 : i32
    %dma_wait3A_36 = tpu.memref_slice %arg4[%mul3A_34, %dma_wait3A_35] : memref<2560x128xi32, #tpu.memory_space<hbm>> -> memref<80x128xi32, #tpu.memory_space<hbm>>
    %dma_wait3A_37 = arith.constant 0 : i32
    %dma_wait3A_38 = tpu.memref_slice %arg4[%mul3A_34, %dma_wait3A_37] : memref<2560x128xi32, #tpu.memory_space<hbm>> -> memref<80x128xi32, #tpu.memory_space<hbm>>
    tpu.wait_dma2 semaphore(%arg14 : memref<!tpu.dma_semaphore, #tpu.memory_space<semaphore_mem>>) src(%dma_wait3A_38 : memref<80x128xi32, #tpu.memory_space<hbm>>) dst(%arg8 : memref<80x128xi32, #tpu.memory_space<vmem>>)
    %mul3A_39 = arith.constant 640 : i32
    %mul3A_40 = arith.muli %arg1, %mul3A_39 : i32
    %mul3A_41 = arith.constant 640 : i32
    %mul3A_42 = arith.muli %arg1, %mul3A_41 : i32
    %dma_wait3A_43 = arith.constant 0 : i32
    %dma_wait3A_44 = tpu.memref_slice %arg10[%mul3A_42, %dma_wait3A_43] : memref<10240x48xf32, #tpu.memory_space<vmem_shared>> -> memref<640x48xf32, #tpu.memory_space<vmem_shared>>
    %dma_wait3A_45 = arith.constant 0 : i32
    %dma_wait3A_46 = tpu.memref_slice %arg5[%mul3A_40, %dma_wait3A_45] : memref<10240x48xf32, #tpu.memory_space<hbm>> -> memref<640x48xf32, #tpu.memory_space<hbm>>
    tpu.wait_dma2 semaphore(%arg14 : memref<!tpu.dma_semaphore, #tpu.memory_space<semaphore_mem>>) src(%dma_wait3A_46 : memref<640x48xf32, #tpu.memory_space<hbm>>) dst(%dma_wait3A_44 : memref<640x48xf32, #tpu.memory_space<vmem_shared>>)
    %mul3A_47 = arith.constant 640 : i32
    %mul3A_48 = arith.muli %arg1, %mul3A_47 : i32
    %mul3A_49 = arith.constant 640 : i32
    %mul3A_50 = arith.muli %arg1, %mul3A_49 : i32
    %dma_wait3A_51 = arith.constant 0 : i32
    %dma_wait3A_52 = tpu.memref_slice %arg11[%mul3A_50, %dma_wait3A_51] : memref<10240x48xf32, #tpu.memory_space<vmem_shared>> -> memref<640x48xf32, #tpu.memory_space<vmem_shared>>
    %dma_wait3A_53 = arith.constant 0 : i32
    %dma_wait3A_54 = tpu.memref_slice %arg2[%mul3A_48, %dma_wait3A_53] : memref<10240x48xf32, #tpu.memory_space<hbm>> -> memref<640x48xf32, #tpu.memory_space<hbm>>
    tpu.wait_dma2 semaphore(%arg14 : memref<!tpu.dma_semaphore, #tpu.memory_space<semaphore_mem>>) src(%dma_wait3A_54 : memref<640x48xf32, #tpu.memory_space<hbm>>) dst(%dma_wait3A_52 : memref<640x48xf32, #tpu.memory_space<vmem_shared>>)
    %barrier3A = arith.constant 0 : index
    tpu.barrier barrier_id(%barrier3A)
    %dma_start3A_55 = arith.constant 0 : i32
    %dma_start3A_56 = arith.constant 0 : i32
    %dma_start3A_57 = arith.constant 0 : i32
    %dma_start3A_58 = arith.constant 0 : i32
    %dma_start3A_59 = arith.constant 0 : i32
    %dma_start3A_60 = tpu.memref_slice %arg9[%dma_start3A_56, %dma_start3A_58, %dma_start3A_59] : memref<8x128x48xf32, #tpu.memory_space<vmem>> -> memref<1x128x48xf32, #tpu.memory_space<vmem>>
    %dma_start3A_61 = tpu.memref_squeeze %dma_start3A_60 : memref<1x128x48xf32, #tpu.memory_space<vmem>> -> memref<128x48xf32, #tpu.memory_space<vmem>>
    %dma_start3A_62 = arith.constant 0 : i32
    %dma_start3A_63 = tpu.memref_slice %arg7[%dma_start3A_55, %dma_start3A_62] : memref<80x128xi32, #tpu.memory_space<vmem>> -> memref<1x128xi32, #tpu.memory_space<vmem>>
    %dma_start3A_64 = tpu.memref_squeeze %dma_start3A_63 : memref<1x128xi32, #tpu.memory_space<vmem>> -> memref<128xi32, #tpu.memory_space<vmem>>
    %dma_start3A_65 = arith.constant 0 : i32
    %dma_start3A_66 = arith.constant 0 : i32
    %dma_start3A_67 = tpu.memref_slice %arg11[%dma_start3A_65, %dma_start3A_66] : memref<10240x48xf32, #tpu.memory_space<vmem_shared>> -> memref<10240x48xf32, #tpu.memory_space<vmem_shared>>
    %dma_start3A_68 = tpu.memref_slice %arg12[%dma_start3A_57] : memref<8x!tpu.dma_semaphore, #tpu.memory_space<semaphore_mem>> -> memref<1x!tpu.dma_semaphore, #tpu.memory_space<semaphore_mem>>
    %dma_start3A_69 = tpu.memref_squeeze %dma_start3A_68 : memref<1x!tpu.dma_semaphore, #tpu.memory_space<semaphore_mem>> -> memref<!tpu.dma_semaphore, #tpu.memory_space<semaphore_mem>>
    tpu.enqueue_indirect_dma source(%dma_start3A_67 : memref<10240x48xf32, #tpu.memory_space<vmem_shared>>) target(%dma_start3A_61 : memref<128x48xf32, #tpu.memory_space<vmem>>) offsets(%dma_start3A_64 : memref<128xi32, #tpu.memory_space<vmem>>) semaphore(%dma_start3A_69 : memref<!tpu.dma_semaphore, #tpu.memory_space<semaphore_mem>>)
    %dma_start3A_70 = arith.constant 1 : i32
    %dma_start3A_71 = arith.constant 1 : i32
    %dma_start3A_72 = arith.constant 1 : i32
    %dma_start3A_73 = arith.constant 0 : i32
    %dma_start3A_74 = arith.constant 0 : i32
    %dma_start3A_75 = tpu.memref_slice %arg9[%dma_start3A_71, %dma_start3A_73, %dma_start3A_74] : memref<8x128x48xf32, #tpu.memory_space<vmem>> -> memref<1x128x48xf32, #tpu.memory_space<vmem>>
    %dma_start3A_76 = tpu.memref_squeeze %dma_start3A_75 : memref<1x128x48xf32, #tpu.memory_space<vmem>> -> memref<128x48xf32, #tpu.memory_space<vmem>>
    %dma_start3A_77 = arith.constant 0 : i32
    %dma_start3A_78 = tpu.memref_slice %arg7[%dma_start3A_70, %dma_start3A_77] : memref<80x128xi32, #tpu.memory_space<vmem>> -> memref<1x128xi32, #tpu.memory_space<vmem>>
    %dma_start3A_79 = tpu.memref_squeeze %dma_start3A_78 : memref<1x128xi32, #tpu.memory_space<vmem>> -> memref<128xi32, #tpu.memory_space<vmem>>
    %dma_start3A_80 = arith.constant 0 : i32
    %dma_start3A_81 = arith.constant 0 : i32
    %dma_start3A_82 = tpu.memref_slice %arg11[%dma_start3A_80, %dma_start3A_81] : memref<10240x48xf32, #tpu.memory_space<vmem_shared>> -> memref<10240x48xf32, #tpu.memory_space<vmem_shared>>
    %dma_start3A_83 = tpu.memref_slice %arg12[%dma_start3A_72] : memref<8x!tpu.dma_semaphore, #tpu.memory_space<semaphore_mem>> -> memref<1x!tpu.dma_semaphore, #tpu.memory_space<semaphore_mem>>
    %dma_start3A_84 = tpu.memref_squeeze %dma_start3A_83 : memref<1x!tpu.dma_semaphore, #tpu.memory_space<semaphore_mem>> -> memref<!tpu.dma_semaphore, #tpu.memory_space<semaphore_mem>>
    tpu.enqueue_indirect_dma source(%dma_start3A_82 : memref<10240x48xf32, #tpu.memory_space<vmem_shared>>) target(%dma_start3A_76 : memref<128x48xf32, #tpu.memory_space<vmem>>) offsets(%dma_start3A_79 : memref<128xi32, #tpu.memory_space<vmem>>) semaphore(%dma_start3A_84 : memref<!tpu.dma_semaphore, #tpu.memory_space<semaphore_mem>>)
    %dma_start3A_85 = arith.constant 2 : i32
    %dma_start3A_86 = arith.constant 2 : i32
    %dma_start3A_87 = arith.constant 2 : i32
    %dma_start3A_88 = arith.constant 0 : i32
    %dma_start3A_89 = arith.constant 0 : i32
    %dma_start3A_90 = tpu.memref_slice %arg9[%dma_start3A_86, %dma_start3A_88, %dma_start3A_89] : memref<8x128x48xf32, #tpu.memory_space<vmem>> -> memref<1x128x48xf32, #tpu.memory_space<vmem>>
    %dma_start3A_91 = tpu.memref_squeeze %dma_start3A_90 : memref<1x128x48xf32, #tpu.memory_space<vmem>> -> memref<128x48xf32, #tpu.memory_space<vmem>>
    %dma_start3A_92 = arith.constant 0 : i32
    %dma_start3A_93 = tpu.memref_slice %arg7[%dma_start3A_85, %dma_start3A_92] : memref<80x128xi32, #tpu.memory_space<vmem>> -> memref<1x128xi32, #tpu.memory_space<vmem>>
    %dma_start3A_94 = tpu.memref_squeeze %dma_start3A_93 : memref<1x128xi32, #tpu.memory_space<vmem>> -> memref<128xi32, #tpu.memory_space<vmem>>
    %dma_start3A_95 = arith.constant 0 : i32
    %dma_start3A_96 = arith.constant 0 : i32
    %dma_start3A_97 = tpu.memref_slice %arg11[%dma_start3A_95, %dma_start3A_96] : memref<10240x48xf32, #tpu.memory_space<vmem_shared>> -> memref<10240x48xf32, #tpu.memory_space<vmem_shared>>
    %dma_start3A_98 = tpu.memref_slice %arg12[%dma_start3A_87] : memref<8x!tpu.dma_semaphore, #tpu.memory_space<semaphore_mem>> -> memref<1x!tpu.dma_semaphore, #tpu.memory_space<semaphore_mem>>
    %dma_start3A_99 = tpu.memref_squeeze %dma_start3A_98 : memref<1x!tpu.dma_semaphore, #tpu.memory_space<semaphore_mem>> -> memref<!tpu.dma_semaphore, #tpu.memory_space<semaphore_mem>>
    tpu.enqueue_indirect_dma source(%dma_start3A_97 : memref<10240x48xf32, #tpu.memory_space<vmem_shared>>) target(%dma_start3A_91 : memref<128x48xf32, #tpu.memory_space<vmem>>) offsets(%dma_start3A_94 : memref<128xi32, #tpu.memory_space<vmem>>) semaphore(%dma_start3A_99 : memref<!tpu.dma_semaphore, #tpu.memory_space<semaphore_mem>>)
    %dma_start3A_100 = arith.constant 3 : i32
    %dma_start3A_101 = arith.constant 3 : i32
    %dma_start3A_102 = arith.constant 3 : i32
    %dma_start3A_103 = arith.constant 0 : i32
    %dma_start3A_104 = arith.constant 0 : i32
    %dma_start3A_105 = tpu.memref_slice %arg9[%dma_start3A_101, %dma_start3A_103, %dma_start3A_104] : memref<8x128x48xf32, #tpu.memory_space<vmem>> -> memref<1x128x48xf32, #tpu.memory_space<vmem>>
    %dma_start3A_106 = tpu.memref_squeeze %dma_start3A_105 : memref<1x128x48xf32, #tpu.memory_space<vmem>> -> memref<128x48xf32, #tpu.memory_space<vmem>>
    %dma_start3A_107 = arith.constant 0 : i32
    %dma_start3A_108 = tpu.memref_slice %arg7[%dma_start3A_100, %dma_start3A_107] : memref<80x128xi32, #tpu.memory_space<vmem>> -> memref<1x128xi32, #tpu.memory_space<vmem>>
    %dma_start3A_109 = tpu.memref_squeeze %dma_start3A_108 : memref<1x128xi32, #tpu.memory_space<vmem>> -> memref<128xi32, #tpu.memory_space<vmem>>
    %dma_start3A_110 = arith.constant 0 : i32
    %dma_start3A_111 = arith.constant 0 : i32
    %dma_start3A_112 = tpu.memref_slice %arg11[%dma_start3A_110, %dma_start3A_111] : memref<10240x48xf32, #tpu.memory_space<vmem_shared>> -> memref<10240x48xf32, #tpu.memory_space<vmem_shared>>
    %dma_start3A_113 = tpu.memref_slice %arg12[%dma_start3A_102] : memref<8x!tpu.dma_semaphore, #tpu.memory_space<semaphore_mem>> -> memref<1x!tpu.dma_semaphore, #tpu.memory_space<semaphore_mem>>
    %dma_start3A_114 = tpu.memref_squeeze %dma_start3A_113 : memref<1x!tpu.dma_semaphore, #tpu.memory_space<semaphore_mem>> -> memref<!tpu.dma_semaphore, #tpu.memory_space<semaphore_mem>>
    tpu.enqueue_indirect_dma source(%dma_start3A_112 : memref<10240x48xf32, #tpu.memory_space<vmem_shared>>) target(%dma_start3A_106 : memref<128x48xf32, #tpu.memory_space<vmem>>) offsets(%dma_start3A_109 : memref<128xi32, #tpu.memory_space<vmem>>) semaphore(%dma_start3A_114 : memref<!tpu.dma_semaphore, #tpu.memory_space<semaphore_mem>>)
    %dma_start3A_115 = arith.constant 4 : i32
    %dma_start3A_116 = arith.constant 4 : i32
    %dma_start3A_117 = arith.constant 4 : i32
    %dma_start3A_118 = arith.constant 0 : i32
    %dma_start3A_119 = arith.constant 0 : i32
    %dma_start3A_120 = tpu.memref_slice %arg9[%dma_start3A_116, %dma_start3A_118, %dma_start3A_119] : memref<8x128x48xf32, #tpu.memory_space<vmem>> -> memref<1x128x48xf32, #tpu.memory_space<vmem>>
    %dma_start3A_121 = tpu.memref_squeeze %dma_start3A_120 : memref<1x128x48xf32, #tpu.memory_space<vmem>> -> memref<128x48xf32, #tpu.memory_space<vmem>>
    %dma_start3A_122 = arith.constant 0 : i32
    %dma_start3A_123 = tpu.memref_slice %arg7[%dma_start3A_115, %dma_start3A_122] : memref<80x128xi32, #tpu.memory_space<vmem>> -> memref<1x128xi32, #tpu.memory_space<vmem>>
    %dma_start3A_124 = tpu.memref_squeeze %dma_start3A_123 : memref<1x128xi32, #tpu.memory_space<vmem>> -> memref<128xi32, #tpu.memory_space<vmem>>
    %dma_start3A_125 = arith.constant 0 : i32
    %dma_start3A_126 = arith.constant 0 : i32
    %dma_start3A_127 = tpu.memref_slice %arg11[%dma_start3A_125, %dma_start3A_126] : memref<10240x48xf32, #tpu.memory_space<vmem_shared>> -> memref<10240x48xf32, #tpu.memory_space<vmem_shared>>
    %dma_start3A_128 = tpu.memref_slice %arg12[%dma_start3A_117] : memref<8x!tpu.dma_semaphore, #tpu.memory_space<semaphore_mem>> -> memref<1x!tpu.dma_semaphore, #tpu.memory_space<semaphore_mem>>
    %dma_start3A_129 = tpu.memref_squeeze %dma_start3A_128 : memref<1x!tpu.dma_semaphore, #tpu.memory_space<semaphore_mem>> -> memref<!tpu.dma_semaphore, #tpu.memory_space<semaphore_mem>>
    tpu.enqueue_indirect_dma source(%dma_start3A_127 : memref<10240x48xf32, #tpu.memory_space<vmem_shared>>) target(%dma_start3A_121 : memref<128x48xf32, #tpu.memory_space<vmem>>) offsets(%dma_start3A_124 : memref<128xi32, #tpu.memory_space<vmem>>) semaphore(%dma_start3A_129 : memref<!tpu.dma_semaphore, #tpu.memory_space<semaphore_mem>>)
    %dma_start3A_130 = arith.constant 5 : i32
    %dma_start3A_131 = arith.constant 5 : i32
    %dma_start3A_132 = arith.constant 5 : i32
    %dma_start3A_133 = arith.constant 0 : i32
    %dma_start3A_134 = arith.constant 0 : i32
    %dma_start3A_135 = tpu.memref_slice %arg9[%dma_start3A_131, %dma_start3A_133, %dma_start3A_134] : memref<8x128x48xf32, #tpu.memory_space<vmem>> -> memref<1x128x48xf32, #tpu.memory_space<vmem>>
    %dma_start3A_136 = tpu.memref_squeeze %dma_start3A_135 : memref<1x128x48xf32, #tpu.memory_space<vmem>> -> memref<128x48xf32, #tpu.memory_space<vmem>>
    %dma_start3A_137 = arith.constant 0 : i32
    %dma_start3A_138 = tpu.memref_slice %arg7[%dma_start3A_130, %dma_start3A_137] : memref<80x128xi32, #tpu.memory_space<vmem>> -> memref<1x128xi32, #tpu.memory_space<vmem>>
    %dma_start3A_139 = tpu.memref_squeeze %dma_start3A_138 : memref<1x128xi32, #tpu.memory_space<vmem>> -> memref<128xi32, #tpu.memory_space<vmem>>
    %dma_start3A_140 = arith.constant 0 : i32
    %dma_start3A_141 = arith.constant 0 : i32
    %dma_start3A_142 = tpu.memref_slice %arg11[%dma_start3A_140, %dma_start3A_141] : memref<10240x48xf32, #tpu.memory_space<vmem_shared>> -> memref<10240x48xf32, #tpu.memory_space<vmem_shared>>
    %dma_start3A_143 = tpu.memref_slice %arg12[%dma_start3A_132] : memref<8x!tpu.dma_semaphore, #tpu.memory_space<semaphore_mem>> -> memref<1x!tpu.dma_semaphore, #tpu.memory_space<semaphore_mem>>
    %dma_start3A_144 = tpu.memref_squeeze %dma_start3A_143 : memref<1x!tpu.dma_semaphore, #tpu.memory_space<semaphore_mem>> -> memref<!tpu.dma_semaphore, #tpu.memory_space<semaphore_mem>>
    tpu.enqueue_indirect_dma source(%dma_start3A_142 : memref<10240x48xf32, #tpu.memory_space<vmem_shared>>) target(%dma_start3A_136 : memref<128x48xf32, #tpu.memory_space<vmem>>) offsets(%dma_start3A_139 : memref<128xi32, #tpu.memory_space<vmem>>) semaphore(%dma_start3A_144 : memref<!tpu.dma_semaphore, #tpu.memory_space<semaphore_mem>>)
    %dma_start3A_145 = arith.constant 6 : i32
    %dma_start3A_146 = arith.constant 6 : i32
    %dma_start3A_147 = arith.constant 6 : i32
    %dma_start3A_148 = arith.constant 0 : i32
    %dma_start3A_149 = arith.constant 0 : i32
    %dma_start3A_150 = tpu.memref_slice %arg9[%dma_start3A_146, %dma_start3A_148, %dma_start3A_149] : memref<8x128x48xf32, #tpu.memory_space<vmem>> -> memref<1x128x48xf32, #tpu.memory_space<vmem>>
    %dma_start3A_151 = tpu.memref_squeeze %dma_start3A_150 : memref<1x128x48xf32, #tpu.memory_space<vmem>> -> memref<128x48xf32, #tpu.memory_space<vmem>>
    %dma_start3A_152 = arith.constant 0 : i32
    %dma_start3A_153 = tpu.memref_slice %arg7[%dma_start3A_145, %dma_start3A_152] : memref<80x128xi32, #tpu.memory_space<vmem>> -> memref<1x128xi32, #tpu.memory_space<vmem>>
    %dma_start3A_154 = tpu.memref_squeeze %dma_start3A_153 : memref<1x128xi32, #tpu.memory_space<vmem>> -> memref<128xi32, #tpu.memory_space<vmem>>
    %dma_start3A_155 = arith.constant 0 : i32
    %dma_start3A_156 = arith.constant 0 : i32
    %dma_start3A_157 = tpu.memref_slice %arg11[%dma_start3A_155, %dma_start3A_156] : memref<10240x48xf32, #tpu.memory_space<vmem_shared>> -> memref<10240x48xf32, #tpu.memory_space<vmem_shared>>
    %dma_start3A_158 = tpu.memref_slice %arg12[%dma_start3A_147] : memref<8x!tpu.dma_semaphore, #tpu.memory_space<semaphore_mem>> -> memref<1x!tpu.dma_semaphore, #tpu.memory_space<semaphore_mem>>
    %dma_start3A_159 = tpu.memref_squeeze %dma_start3A_158 : memref<1x!tpu.dma_semaphore, #tpu.memory_space<semaphore_mem>> -> memref<!tpu.dma_semaphore, #tpu.memory_space<semaphore_mem>>
    tpu.enqueue_indirect_dma source(%dma_start3A_157 : memref<10240x48xf32, #tpu.memory_space<vmem_shared>>) target(%dma_start3A_151 : memref<128x48xf32, #tpu.memory_space<vmem>>) offsets(%dma_start3A_154 : memref<128xi32, #tpu.memory_space<vmem>>) semaphore(%dma_start3A_159 : memref<!tpu.dma_semaphore, #tpu.memory_space<semaphore_mem>>)
    %dma_start3A_160 = arith.constant 7 : i32
    %dma_start3A_161 = arith.constant 7 : i32
    %dma_start3A_162 = arith.constant 7 : i32
    %dma_start3A_163 = arith.constant 0 : i32
    %dma_start3A_164 = arith.constant 0 : i32
    %dma_start3A_165 = tpu.memref_slice %arg9[%dma_start3A_161, %dma_start3A_163, %dma_start3A_164] : memref<8x128x48xf32, #tpu.memory_space<vmem>> -> memref<1x128x48xf32, #tpu.memory_space<vmem>>
    %dma_start3A_166 = tpu.memref_squeeze %dma_start3A_165 : memref<1x128x48xf32, #tpu.memory_space<vmem>> -> memref<128x48xf32, #tpu.memory_space<vmem>>
    %dma_start3A_167 = arith.constant 0 : i32
    %dma_start3A_168 = tpu.memref_slice %arg7[%dma_start3A_160, %dma_start3A_167] : memref<80x128xi32, #tpu.memory_space<vmem>> -> memref<1x128xi32, #tpu.memory_space<vmem>>
    %dma_start3A_169 = tpu.memref_squeeze %dma_start3A_168 : memref<1x128xi32, #tpu.memory_space<vmem>> -> memref<128xi32, #tpu.memory_space<vmem>>
    %dma_start3A_170 = arith.constant 0 : i32
    %dma_start3A_171 = arith.constant 0 : i32
    %dma_start3A_172 = tpu.memref_slice %arg11[%dma_start3A_170, %dma_start3A_171] : memref<10240x48xf32, #tpu.memory_space<vmem_shared>> -> memref<10240x48xf32, #tpu.memory_space<vmem_shared>>
    %dma_start3A_173 = tpu.memref_slice %arg12[%dma_start3A_162] : memref<8x!tpu.dma_semaphore, #tpu.memory_space<semaphore_mem>> -> memref<1x!tpu.dma_semaphore, #tpu.memory_space<semaphore_mem>>
    %dma_start3A_174 = tpu.memref_squeeze %dma_start3A_173 : memref<1x!tpu.dma_semaphore, #tpu.memory_space<semaphore_mem>> -> memref<!tpu.dma_semaphore, #tpu.memory_space<semaphore_mem>>
    tpu.enqueue_indirect_dma source(%dma_start3A_172 : memref<10240x48xf32, #tpu.memory_space<vmem_shared>>) target(%dma_start3A_166 : memref<128x48xf32, #tpu.memory_space<vmem>>) offsets(%dma_start3A_169 : memref<128xi32, #tpu.memory_space<vmem>>) semaphore(%dma_start3A_174 : memref<!tpu.dma_semaphore, #tpu.memory_space<semaphore_mem>>)
    %scan3A = arith.constant 0 : i32
    %scan3A_175 = arith.constant 0 : i32
    %scan3A_176 = arith.constant 10 : i32
    %scan3A_177 = arith.addi %scan3A_175, %scan3A_176 : i32
    %scan3A_178 = arith.constant 1 : i32
    scf.for %scan3A_188 = %scan3A_175 to %scan3A_177 step %scan3A_178  : i32 {
      %mul3A_189 = arith.constant 8 : i32
      %mul3A_190 = arith.muli %scan3A_188, %mul3A_189 : i32
      %add3A_191 = arith.constant 0 : i32
      %add3A_192 = arith.addi %mul3A_190, %add3A_191 : i32
      %dma_wait3A_193 = arith.constant 0 : i32
      %dma_wait3A_194 = arith.constant 0 : i32
      %dma_wait3A_195 = arith.constant 0 : i32
      %dma_wait3A_196 = arith.constant 0 : i32
      %dma_wait3A_197 = tpu.memref_slice %arg9[%dma_wait3A_193, %dma_wait3A_195, %dma_wait3A_196] : memref<8x128x48xf32, #tpu.memory_space<vmem>> -> memref<1x128x48xf32, #tpu.memory_space<vmem>>
      %dma_wait3A_198 = tpu.memref_squeeze %dma_wait3A_197 : memref<1x128x48xf32, #tpu.memory_space<vmem>> -> memref<128x48xf32, #tpu.memory_space<vmem>>
      %dma_wait3A_199 = arith.constant 0 : i32
      %dma_wait3A_200 = tpu.memref_slice %arg7[%add3A_192, %dma_wait3A_199] : memref<80x128xi32, #tpu.memory_space<vmem>> -> memref<1x128xi32, #tpu.memory_space<vmem>>
      %dma_wait3A_201 = tpu.memref_squeeze %dma_wait3A_200 : memref<1x128xi32, #tpu.memory_space<vmem>> -> memref<128xi32, #tpu.memory_space<vmem>>
      %dma_wait3A_202 = arith.constant 0 : i32
      %dma_wait3A_203 = arith.constant 0 : i32
      %dma_wait3A_204 = tpu.memref_slice %arg11[%dma_wait3A_202, %dma_wait3A_203] : memref<10240x48xf32, #tpu.memory_space<vmem_shared>> -> memref<10240x48xf32, #tpu.memory_space<vmem_shared>>
      %dma_wait3A_205 = tpu.memref_slice %arg12[%dma_wait3A_194] : memref<8x!tpu.dma_semaphore, #tpu.memory_space<semaphore_mem>> -> memref<1x!tpu.dma_semaphore, #tpu.memory_space<semaphore_mem>>
      %dma_wait3A_206 = tpu.memref_squeeze %dma_wait3A_205 : memref<1x!tpu.dma_semaphore, #tpu.memory_space<semaphore_mem>> -> memref<!tpu.dma_semaphore, #tpu.memory_space<semaphore_mem>>
      tpu.wait_indirect_dma semaphore(%dma_wait3A_206 : memref<!tpu.dma_semaphore, #tpu.memory_space<semaphore_mem>>) src(%dma_wait3A_204 : memref<10240x48xf32, #tpu.memory_space<vmem_shared>>) dst(%dma_wait3A_198 : memref<128x48xf32, #tpu.memory_space<vmem>>)
      %dma_start3A_207 = arith.constant 0 : i32
      %dma_start3A_208 = arith.constant 0 : i32
      %dma_start3A_209 = arith.constant 0 : i32
      %dma_start3A_210 = arith.constant 0 : i32
      %dma_start3A_211 = tpu.memref_slice %arg9[%dma_start3A_207, %dma_start3A_209, %dma_start3A_210] : memref<8x128x48xf32, #tpu.memory_space<vmem>> -> memref<1x128x48xf32, #tpu.memory_space<vmem>>
      %dma_start3A_212 = tpu.memref_squeeze %dma_start3A_211 : memref<1x128x48xf32, #tpu.memory_space<vmem>> -> memref<128x48xf32, #tpu.memory_space<vmem>>
      %dma_start3A_213 = arith.constant 0 : i32
      %dma_start3A_214 = tpu.memref_slice %arg8[%add3A_192, %dma_start3A_213] : memref<80x128xi32, #tpu.memory_space<vmem>> -> memref<1x128xi32, #tpu.memory_space<vmem>>
      %dma_start3A_215 = tpu.memref_squeeze %dma_start3A_214 : memref<1x128xi32, #tpu.memory_space<vmem>> -> memref<128xi32, #tpu.memory_space<vmem>>
      %dma_start3A_216 = arith.constant 0 : i32
      %dma_start3A_217 = arith.constant 0 : i32
      %dma_start3A_218 = tpu.memref_slice %arg10[%dma_start3A_216, %dma_start3A_217] : memref<10240x48xf32, #tpu.memory_space<vmem_shared>> -> memref<10240x48xf32, #tpu.memory_space<vmem_shared>>
      %dma_start3A_219 = tpu.memref_slice %arg13[%dma_start3A_208] : memref<8x!tpu.dma_semaphore, #tpu.memory_space<semaphore_mem>> -> memref<1x!tpu.dma_semaphore, #tpu.memory_space<semaphore_mem>>
      %dma_start3A_220 = tpu.memref_squeeze %dma_start3A_219 : memref<1x!tpu.dma_semaphore, #tpu.memory_space<semaphore_mem>> -> memref<!tpu.dma_semaphore, #tpu.memory_space<semaphore_mem>>
      tpu.enqueue_indirect_dma source(%dma_start3A_212 : memref<128x48xf32, #tpu.memory_space<vmem>>) target(%dma_start3A_218 : memref<10240x48xf32, #tpu.memory_space<vmem_shared>>) offsets(%dma_start3A_215 : memref<128xi32, #tpu.memory_space<vmem>>) semaphore(%dma_start3A_220 : memref<!tpu.dma_semaphore, #tpu.memory_space<semaphore_mem>>) {add = true}
      %add3A_221 = arith.constant 1 : i32
      %add3A_222 = arith.addi %mul3A_190, %add3A_221 : i32
      %dma_wait3A_223 = arith.constant 1 : i32
      %dma_wait3A_224 = arith.constant 1 : i32
      %dma_wait3A_225 = arith.constant 0 : i32
      %dma_wait3A_226 = arith.constant 0 : i32
      %dma_wait3A_227 = tpu.memref_slice %arg9[%dma_wait3A_223, %dma_wait3A_225, %dma_wait3A_226] : memref<8x128x48xf32, #tpu.memory_space<vmem>> -> memref<1x128x48xf32, #tpu.memory_space<vmem>>
      %dma_wait3A_228 = tpu.memref_squeeze %dma_wait3A_227 : memref<1x128x48xf32, #tpu.memory_space<vmem>> -> memref<128x48xf32, #tpu.memory_space<vmem>>
      %dma_wait3A_229 = arith.constant 0 : i32
      %dma_wait3A_230 = tpu.memref_slice %arg7[%add3A_222, %dma_wait3A_229] : memref<80x128xi32, #tpu.memory_space<vmem>> -> memref<1x128xi32, #tpu.memory_space<vmem>>
      %dma_wait3A_231 = tpu.memref_squeeze %dma_wait3A_230 : memref<1x128xi32, #tpu.memory_space<vmem>> -> memref<128xi32, #tpu.memory_space<vmem>>
      %dma_wait3A_232 = arith.constant 0 : i32
      %dma_wait3A_233 = arith.constant 0 : i32
      %dma_wait3A_234 = tpu.memref_slice %arg11[%dma_wait3A_232, %dma_wait3A_233] : memref<10240x48xf32, #tpu.memory_space<vmem_shared>> -> memref<10240x48xf32, #tpu.memory_space<vmem_shared>>
      %dma_wait3A_235 = tpu.memref_slice %arg12[%dma_wait3A_224] : memref<8x!tpu.dma_semaphore, #tpu.memory_space<semaphore_mem>> -> memref<1x!tpu.dma_semaphore, #tpu.memory_space<semaphore_mem>>
      %dma_wait3A_236 = tpu.memref_squeeze %dma_wait3A_235 : memref<1x!tpu.dma_semaphore, #tpu.memory_space<semaphore_mem>> -> memref<!tpu.dma_semaphore, #tpu.memory_space<semaphore_mem>>
      tpu.wait_indirect_dma semaphore(%dma_wait3A_236 : memref<!tpu.dma_semaphore, #tpu.memory_space<semaphore_mem>>) src(%dma_wait3A_234 : memref<10240x48xf32, #tpu.memory_space<vmem_shared>>) dst(%dma_wait3A_228 : memref<128x48xf32, #tpu.memory_space<vmem>>)
      %dma_start3A_237 = arith.constant 1 : i32
      %dma_start3A_238 = arith.constant 1 : i32
      %dma_start3A_239 = arith.constant 0 : i32
      %dma_start3A_240 = arith.constant 0 : i32
      %dma_start3A_241 = tpu.memref_slice %arg9[%dma_start3A_237, %dma_start3A_239, %dma_start3A_240] : memref<8x128x48xf32, #tpu.memory_space<vmem>> -> memref<1x128x48xf32, #tpu.memory_space<vmem>>
      %dma_start3A_242 = tpu.memref_squeeze %dma_start3A_241 : memref<1x128x48xf32, #tpu.memory_space<vmem>> -> memref<128x48xf32, #tpu.memory_space<vmem>>
      %dma_start3A_243 = arith.constant 0 : i32
      %dma_start3A_244 = tpu.memref_slice %arg8[%add3A_222, %dma_start3A_243] : memref<80x128xi32, #tpu.memory_space<vmem>> -> memref<1x128xi32, #tpu.memory_space<vmem>>
      %dma_start3A_245 = tpu.memref_squeeze %dma_start3A_244 : memref<1x128xi32, #tpu.memory_space<vmem>> -> memref<128xi32, #tpu.memory_space<vmem>>
      %dma_start3A_246 = arith.constant 0 : i32
      %dma_start3A_247 = arith.constant 0 : i32
      %dma_start3A_248 = tpu.memref_slice %arg10[%dma_start3A_246, %dma_start3A_247] : memref<10240x48xf32, #tpu.memory_space<vmem_shared>> -> memref<10240x48xf32, #tpu.memory_space<vmem_shared>>
      %dma_start3A_249 = tpu.memref_slice %arg13[%dma_start3A_238] : memref<8x!tpu.dma_semaphore, #tpu.memory_space<semaphore_mem>> -> memref<1x!tpu.dma_semaphore, #tpu.memory_space<semaphore_mem>>
      %dma_start3A_250 = tpu.memref_squeeze %dma_start3A_249 : memref<1x!tpu.dma_semaphore, #tpu.memory_space<semaphore_mem>> -> memref<!tpu.dma_semaphore, #tpu.memory_space<semaphore_mem>>
      tpu.enqueue_indirect_dma source(%dma_start3A_242 : memref<128x48xf32, #tpu.memory_space<vmem>>) target(%dma_start3A_248 : memref<10240x48xf32, #tpu.memory_space<vmem_shared>>) offsets(%dma_start3A_245 : memref<128xi32, #tpu.memory_space<vmem>>) semaphore(%dma_start3A_250 : memref<!tpu.dma_semaphore, #tpu.memory_space<semaphore_mem>>) {add = true}
      %add3A_251 = arith.constant 2 : i32
      %add3A_252 = arith.addi %mul3A_190, %add3A_251 : i32
      %dma_wait3A_253 = arith.constant 2 : i32
      %dma_wait3A_254 = arith.constant 2 : i32
      %dma_wait3A_255 = arith.constant 0 : i32
      %dma_wait3A_256 = arith.constant 0 : i32
      %dma_wait3A_257 = tpu.memref_slice %arg9[%dma_wait3A_253, %dma_wait3A_255, %dma_wait3A_256] : memref<8x128x48xf32, #tpu.memory_space<vmem>> -> memref<1x128x48xf32, #tpu.memory_space<vmem>>
      %dma_wait3A_258 = tpu.memref_squeeze %dma_wait3A_257 : memref<1x128x48xf32, #tpu.memory_space<vmem>> -> memref<128x48xf32, #tpu.memory_space<vmem>>
      %dma_wait3A_259 = arith.constant 0 : i32
      %dma_wait3A_260 = tpu.memref_slice %arg7[%add3A_252, %dma_wait3A_259] : memref<80x128xi32, #tpu.memory_space<vmem>> -> memref<1x128xi32, #tpu.memory_space<vmem>>
      %dma_wait3A_261 = tpu.memref_squeeze %dma_wait3A_260 : memref<1x128xi32, #tpu.memory_space<vmem>> -> memref<128xi32, #tpu.memory_space<vmem>>
      %dma_wait3A_262 = arith.constant 0 : i32
      %dma_wait3A_263 = arith.constant 0 : i32
      %dma_wait3A_264 = tpu.memref_slice %arg11[%dma_wait3A_262, %dma_wait3A_263] : memref<10240x48xf32, #tpu.memory_space<vmem_shared>> -> memref<10240x48xf32, #tpu.memory_space<vmem_shared>>
      %dma_wait3A_265 = tpu.memref_slice %arg12[%dma_wait3A_254] : memref<8x!tpu.dma_semaphore, #tpu.memory_space<semaphore_mem>> -> memref<1x!tpu.dma_semaphore, #tpu.memory_space<semaphore_mem>>
      %dma_wait3A_266 = tpu.memref_squeeze %dma_wait3A_265 : memref<1x!tpu.dma_semaphore, #tpu.memory_space<semaphore_mem>> -> memref<!tpu.dma_semaphore, #tpu.memory_space<semaphore_mem>>
      tpu.wait_indirect_dma semaphore(%dma_wait3A_266 : memref<!tpu.dma_semaphore, #tpu.memory_space<semaphore_mem>>) src(%dma_wait3A_264 : memref<10240x48xf32, #tpu.memory_space<vmem_shared>>) dst(%dma_wait3A_258 : memref<128x48xf32, #tpu.memory_space<vmem>>)
      %dma_start3A_267 = arith.constant 2 : i32
      %dma_start3A_268 = arith.constant 2 : i32
      %dma_start3A_269 = arith.constant 0 : i32
      %dma_start3A_270 = arith.constant 0 : i32
      %dma_start3A_271 = tpu.memref_slice %arg9[%dma_start3A_267, %dma_start3A_269, %dma_start3A_270] : memref<8x128x48xf32, #tpu.memory_space<vmem>> -> memref<1x128x48xf32, #tpu.memory_space<vmem>>
      %dma_start3A_272 = tpu.memref_squeeze %dma_start3A_271 : memref<1x128x48xf32, #tpu.memory_space<vmem>> -> memref<128x48xf32, #tpu.memory_space<vmem>>
      %dma_start3A_273 = arith.constant 0 : i32
      %dma_start3A_274 = tpu.memref_slice %arg8[%add3A_252, %dma_start3A_273] : memref<80x128xi32, #tpu.memory_space<vmem>> -> memref<1x128xi32, #tpu.memory_space<vmem>>
      %dma_start3A_275 = tpu.memref_squeeze %dma_start3A_274 : memref<1x128xi32, #tpu.memory_space<vmem>> -> memref<128xi32, #tpu.memory_space<vmem>>
      %dma_start3A_276 = arith.constant 0 : i32
      %dma_start3A_277 = arith.constant 0 : i32
      %dma_start3A_278 = tpu.memref_slice %arg10[%dma_start3A_276, %dma_start3A_277] : memref<10240x48xf32, #tpu.memory_space<vmem_shared>> -> memref<10240x48xf32, #tpu.memory_space<vmem_shared>>
      %dma_start3A_279 = tpu.memref_slice %arg13[%dma_start3A_268] : memref<8x!tpu.dma_semaphore, #tpu.memory_space<semaphore_mem>> -> memref<1x!tpu.dma_semaphore, #tpu.memory_space<semaphore_mem>>
      %dma_start3A_280 = tpu.memref_squeeze %dma_start3A_279 : memref<1x!tpu.dma_semaphore, #tpu.memory_space<semaphore_mem>> -> memref<!tpu.dma_semaphore, #tpu.memory_space<semaphore_mem>>
      tpu.enqueue_indirect_dma source(%dma_start3A_272 : memref<128x48xf32, #tpu.memory_space<vmem>>) target(%dma_start3A_278 : memref<10240x48xf32, #tpu.memory_space<vmem_shared>>) offsets(%dma_start3A_275 : memref<128xi32, #tpu.memory_space<vmem>>) semaphore(%dma_start3A_280 : memref<!tpu.dma_semaphore, #tpu.memory_space<semaphore_mem>>) {add = true}
      %add3A_281 = arith.constant 3 : i32
      %add3A_282 = arith.addi %mul3A_190, %add3A_281 : i32
      %dma_wait3A_283 = arith.constant 3 : i32
      %dma_wait3A_284 = arith.constant 3 : i32
      %dma_wait3A_285 = arith.constant 0 : i32
      %dma_wait3A_286 = arith.constant 0 : i32
      %dma_wait3A_287 = tpu.memref_slice %arg9[%dma_wait3A_283, %dma_wait3A_285, %dma_wait3A_286] : memref<8x128x48xf32, #tpu.memory_space<vmem>> -> memref<1x128x48xf32, #tpu.memory_space<vmem>>
      %dma_wait3A_288 = tpu.memref_squeeze %dma_wait3A_287 : memref<1x128x48xf32, #tpu.memory_space<vmem>> -> memref<128x48xf32, #tpu.memory_space<vmem>>
      %dma_wait3A_289 = arith.constant 0 : i32
      %dma_wait3A_290 = tpu.memref_slice %arg7[%add3A_282, %dma_wait3A_289] : memref<80x128xi32, #tpu.memory_space<vmem>> -> memref<1x128xi32, #tpu.memory_space<vmem>>
      %dma_wait3A_291 = tpu.memref_squeeze %dma_wait3A_290 : memref<1x128xi32, #tpu.memory_space<vmem>> -> memref<128xi32, #tpu.memory_space<vmem>>
      %dma_wait3A_292 = arith.constant 0 : i32
      %dma_wait3A_293 = arith.constant 0 : i32
      %dma_wait3A_294 = tpu.memref_slice %arg11[%dma_wait3A_292, %dma_wait3A_293] : memref<10240x48xf32, #tpu.memory_space<vmem_shared>> -> memref<10240x48xf32, #tpu.memory_space<vmem_shared>>
      %dma_wait3A_295 = tpu.memref_slice %arg12[%dma_wait3A_284] : memref<8x!tpu.dma_semaphore, #tpu.memory_space<semaphore_mem>> -> memref<1x!tpu.dma_semaphore, #tpu.memory_space<semaphore_mem>>
      %dma_wait3A_296 = tpu.memref_squeeze %dma_wait3A_295 : memref<1x!tpu.dma_semaphore, #tpu.memory_space<semaphore_mem>> -> memref<!tpu.dma_semaphore, #tpu.memory_space<semaphore_mem>>
      tpu.wait_indirect_dma semaphore(%dma_wait3A_296 : memref<!tpu.dma_semaphore, #tpu.memory_space<semaphore_mem>>) src(%dma_wait3A_294 : memref<10240x48xf32, #tpu.memory_space<vmem_shared>>) dst(%dma_wait3A_288 : memref<128x48xf32, #tpu.memory_space<vmem>>)
      %dma_start3A_297 = arith.constant 3 : i32
      %dma_start3A_298 = arith.constant 3 : i32
      %dma_start3A_299 = arith.constant 0 : i32
      %dma_start3A_300 = arith.constant 0 : i32
      %dma_start3A_301 = tpu.memref_slice %arg9[%dma_start3A_297, %dma_start3A_299, %dma_start3A_300] : memref<8x128x48xf32, #tpu.memory_space<vmem>> -> memref<1x128x48xf32, #tpu.memory_space<vmem>>
      %dma_start3A_302 = tpu.memref_squeeze %dma_start3A_301 : memref<1x128x48xf32, #tpu.memory_space<vmem>> -> memref<128x48xf32, #tpu.memory_space<vmem>>
      %dma_start3A_303 = arith.constant 0 : i32
      %dma_start3A_304 = tpu.memref_slice %arg8[%add3A_282, %dma_start3A_303] : memref<80x128xi32, #tpu.memory_space<vmem>> -> memref<1x128xi32, #tpu.memory_space<vmem>>
      %dma_start3A_305 = tpu.memref_squeeze %dma_start3A_304 : memref<1x128xi32, #tpu.memory_space<vmem>> -> memref<128xi32, #tpu.memory_space<vmem>>
      %dma_start3A_306 = arith.constant 0 : i32
      %dma_start3A_307 = arith.constant 0 : i32
      %dma_start3A_308 = tpu.memref_slice %arg10[%dma_start3A_306, %dma_start3A_307] : memref<10240x48xf32, #tpu.memory_space<vmem_shared>> -> memref<10240x48xf32, #tpu.memory_space<vmem_shared>>
      %dma_start3A_309 = tpu.memref_slice %arg13[%dma_start3A_298] : memref<8x!tpu.dma_semaphore, #tpu.memory_space<semaphore_mem>> -> memref<1x!tpu.dma_semaphore, #tpu.memory_space<semaphore_mem>>
      %dma_start3A_310 = tpu.memref_squeeze %dma_start3A_309 : memref<1x!tpu.dma_semaphore, #tpu.memory_space<semaphore_mem>> -> memref<!tpu.dma_semaphore, #tpu.memory_space<semaphore_mem>>
      tpu.enqueue_indirect_dma source(%dma_start3A_302 : memref<128x48xf32, #tpu.memory_space<vmem>>) target(%dma_start3A_308 : memref<10240x48xf32, #tpu.memory_space<vmem_shared>>) offsets(%dma_start3A_305 : memref<128xi32, #tpu.memory_space<vmem>>) semaphore(%dma_start3A_310 : memref<!tpu.dma_semaphore, #tpu.memory_space<semaphore_mem>>) {add = true}
      %add3A_311 = arith.constant 0 : i32
      %add3A_312 = arith.addi %mul3A_190, %add3A_311 : i32
      %add3A_313 = arith.constant 8 : i32
      %add3A_314 = arith.addi %add3A_312, %add3A_313 : i32
      %min3A = arith.constant 79 : i32
      %min3A_315 = arith.minsi %add3A_314, %min3A : i32
      %dma_wait3A_316 = arith.constant 0 : i32
      %dma_wait3A_317 = arith.constant 0 : i32
      %dma_wait3A_318 = arith.constant 0 : i32
      %dma_wait3A_319 = arith.constant 0 : i32
      %dma_wait3A_320 = tpu.memref_slice %arg9[%dma_wait3A_316, %dma_wait3A_318, %dma_wait3A_319] : memref<8x128x48xf32, #tpu.memory_space<vmem>> -> memref<1x128x48xf32, #tpu.memory_space<vmem>>
      %dma_wait3A_321 = tpu.memref_squeeze %dma_wait3A_320 : memref<1x128x48xf32, #tpu.memory_space<vmem>> -> memref<128x48xf32, #tpu.memory_space<vmem>>
      %dma_wait3A_322 = arith.constant 0 : i32
      %dma_wait3A_323 = tpu.memref_slice %arg8[%add3A_312, %dma_wait3A_322] : memref<80x128xi32, #tpu.memory_space<vmem>> -> memref<1x128xi32, #tpu.memory_space<vmem>>
      %dma_wait3A_324 = tpu.memref_squeeze %dma_wait3A_323 : memref<1x128xi32, #tpu.memory_space<vmem>> -> memref<128xi32, #tpu.memory_space<vmem>>
      %dma_wait3A_325 = arith.constant 0 : i32
      %dma_wait3A_326 = arith.constant 0 : i32
      %dma_wait3A_327 = tpu.memref_slice %arg10[%dma_wait3A_325, %dma_wait3A_326] : memref<10240x48xf32, #tpu.memory_space<vmem_shared>> -> memref<10240x48xf32, #tpu.memory_space<vmem_shared>>
      %dma_wait3A_328 = tpu.memref_slice %arg13[%dma_wait3A_317] : memref<8x!tpu.dma_semaphore, #tpu.memory_space<semaphore_mem>> -> memref<1x!tpu.dma_semaphore, #tpu.memory_space<semaphore_mem>>
      %dma_wait3A_329 = tpu.memref_squeeze %dma_wait3A_328 : memref<1x!tpu.dma_semaphore, #tpu.memory_space<semaphore_mem>> -> memref<!tpu.dma_semaphore, #tpu.memory_space<semaphore_mem>>
      tpu.wait_indirect_dma semaphore(%dma_wait3A_329 : memref<!tpu.dma_semaphore, #tpu.memory_space<semaphore_mem>>) src(%dma_wait3A_321 : memref<128x48xf32, #tpu.memory_space<vmem>>) dst(%dma_wait3A_327 : memref<10240x48xf32, #tpu.memory_space<vmem_shared>>)
      %add3A_330 = arith.constant 1 : i32
      %add3A_331 = arith.addi %scan3A_188, %add3A_330 : i32
      %lt3A = arith.constant 10 : i32
      %lt3A_332 = arith.cmpi slt, %add3A_331, %lt3A : i32
      %convert_element_type3A = arith.extui %lt3A_332 : i1 to i32
      %cond3A = arith.constant 0 : i32
      %cond3A_333 = arith.cmpi ne, %convert_element_type3A, %cond3A : i32
      scf.if %cond3A_333 {
        %dma_start3A_643 = arith.constant 0 : i32
        %dma_start3A_644 = arith.constant 0 : i32
        %dma_start3A_645 = arith.constant 0 : i32
        %dma_start3A_646 = arith.constant 0 : i32
        %dma_start3A_647 = tpu.memref_slice %arg9[%dma_start3A_643, %dma_start3A_645, %dma_start3A_646] : memref<8x128x48xf32, #tpu.memory_space<vmem>> -> memref<1x128x48xf32, #tpu.memory_space<vmem>>
        %dma_start3A_648 = tpu.memref_squeeze %dma_start3A_647 : memref<1x128x48xf32, #tpu.memory_space<vmem>> -> memref<128x48xf32, #tpu.memory_space<vmem>>
        %dma_start3A_649 = arith.constant 0 : i32
        %dma_start3A_650 = tpu.memref_slice %arg7[%min3A_315, %dma_start3A_649] : memref<80x128xi32, #tpu.memory_space<vmem>> -> memref<1x128xi32, #tpu.memory_space<vmem>>
        %dma_start3A_651 = tpu.memref_squeeze %dma_start3A_650 : memref<1x128xi32, #tpu.memory_space<vmem>> -> memref<128xi32, #tpu.memory_space<vmem>>
        %dma_start3A_652 = arith.constant 0 : i32
        %dma_start3A_653 = arith.constant 0 : i32
        %dma_start3A_654 = tpu.memref_slice %arg11[%dma_start3A_652, %dma_start3A_653] : memref<10240x48xf32, #tpu.memory_space<vmem_shared>> -> memref<10240x48xf32, #tpu.memory_space<vmem_shared>>
        %dma_start3A_655 = tpu.memref_slice %arg12[%dma_start3A_644] : memref<8x!tpu.dma_semaphore, #tpu.memory_space<semaphore_mem>> -> memref<1x!tpu.dma_semaphore, #tpu.memory_space<semaphore_mem>>
        %dma_start3A_656 = tpu.memref_squeeze %dma_start3A_655 : memref<1x!tpu.dma_semaphore, #tpu.memory_space<semaphore_mem>> -> memref<!tpu.dma_semaphore, #tpu.memory_space<semaphore_mem>>
        tpu.enqueue_indirect_dma source(%dma_start3A_654 : memref<10240x48xf32, #tpu.memory_space<vmem_shared>>) target(%dma_start3A_648 : memref<128x48xf32, #tpu.memory_space<vmem>>) offsets(%dma_start3A_651 : memref<128xi32, #tpu.memory_space<vmem>>) semaphore(%dma_start3A_656 : memref<!tpu.dma_semaphore, #tpu.memory_space<semaphore_mem>>)
      } else {
      }
      %add3A_334 = arith.constant 1 : i32
      %add3A_335 = arith.addi %mul3A_190, %add3A_334 : i32
      %add3A_336 = arith.constant 8 : i32
      %add3A_337 = arith.addi %add3A_335, %add3A_336 : i32
      %min3A_338 = arith.constant 79 : i32
      %min3A_339 = arith.minsi %add3A_337, %min3A_338 : i32
      %dma_wait3A_340 = arith.constant 1 : i32
      %dma_wait3A_341 = arith.constant 1 : i32
      %dma_wait3A_342 = arith.constant 0 : i32
      %dma_wait3A_343 = arith.constant 0 : i32
      %dma_wait3A_344 = tpu.memref_slice %arg9[%dma_wait3A_340, %dma_wait3A_342, %dma_wait3A_343] : memref<8x128x48xf32, #tpu.memory_space<vmem>> -> memref<1x128x48xf32, #tpu.memory_space<vmem>>
      %dma_wait3A_345 = tpu.memref_squeeze %dma_wait3A_344 : memref<1x128x48xf32, #tpu.memory_space<vmem>> -> memref<128x48xf32, #tpu.memory_space<vmem>>
      %dma_wait3A_346 = arith.constant 0 : i32
      %dma_wait3A_347 = tpu.memref_slice %arg8[%add3A_335, %dma_wait3A_346] : memref<80x128xi32, #tpu.memory_space<vmem>> -> memref<1x128xi32, #tpu.memory_space<vmem>>
      %dma_wait3A_348 = tpu.memref_squeeze %dma_wait3A_347 : memref<1x128xi32, #tpu.memory_space<vmem>> -> memref<128xi32, #tpu.memory_space<vmem>>
      %dma_wait3A_349 = arith.constant 0 : i32
      %dma_wait3A_350 = arith.constant 0 : i32
      %dma_wait3A_351 = tpu.memref_slice %arg10[%dma_wait3A_349, %dma_wait3A_350] : memref<10240x48xf32, #tpu.memory_space<vmem_shared>> -> memref<10240x48xf32, #tpu.memory_space<vmem_shared>>
      %dma_wait3A_352 = tpu.memref_slice %arg13[%dma_wait3A_341] : memref<8x!tpu.dma_semaphore, #tpu.memory_space<semaphore_mem>> -> memref<1x!tpu.dma_semaphore, #tpu.memory_space<semaphore_mem>>
      %dma_wait3A_353 = tpu.memref_squeeze %dma_wait3A_352 : memref<1x!tpu.dma_semaphore, #tpu.memory_space<semaphore_mem>> -> memref<!tpu.dma_semaphore, #tpu.memory_space<semaphore_mem>>
      tpu.wait_indirect_dma semaphore(%dma_wait3A_353 : memref<!tpu.dma_semaphore, #tpu.memory_space<semaphore_mem>>) src(%dma_wait3A_345 : memref<128x48xf32, #tpu.memory_space<vmem>>) dst(%dma_wait3A_351 : memref<10240x48xf32, #tpu.memory_space<vmem_shared>>)
      %add3A_354 = arith.constant 1 : i32
      %add3A_355 = arith.addi %scan3A_188, %add3A_354 : i32
      %lt3A_356 = arith.constant 10 : i32
      %lt3A_357 = arith.cmpi slt, %add3A_355, %lt3A_356 : i32
      %convert_element_type3A_358 = arith.extui %lt3A_357 : i1 to i32
      %cond3A_359 = arith.constant 0 : i32
      %cond3A_360 = arith.cmpi ne, %convert_element_type3A_358, %cond3A_359 : i32
      scf.if %cond3A_360 {
        %dma_start3A_643 = arith.constant 1 : i32
        %dma_start3A_644 = arith.constant 1 : i32
        %dma_start3A_645 = arith.constant 0 : i32
        %dma_start3A_646 = arith.constant 0 : i32
        %dma_start3A_647 = tpu.memref_slice %arg9[%dma_start3A_643, %dma_start3A_645, %dma_start3A_646] : memref<8x128x48xf32, #tpu.memory_space<vmem>> -> memref<1x128x48xf32, #tpu.memory_space<vmem>>
        %dma_start3A_648 = tpu.memref_squeeze %dma_start3A_647 : memref<1x128x48xf32, #tpu.memory_space<vmem>> -> memref<128x48xf32, #tpu.memory_space<vmem>>
        %dma_start3A_649 = arith.constant 0 : i32
        %dma_start3A_650 = tpu.memref_slice %arg7[%min3A_339, %dma_start3A_649] : memref<80x128xi32, #tpu.memory_space<vmem>> -> memref<1x128xi32, #tpu.memory_space<vmem>>
        %dma_start3A_651 = tpu.memref_squeeze %dma_start3A_650 : memref<1x128xi32, #tpu.memory_space<vmem>> -> memref<128xi32, #tpu.memory_space<vmem>>
        %dma_start3A_652 = arith.constant 0 : i32
        %dma_start3A_653 = arith.constant 0 : i32
        %dma_start3A_654 = tpu.memref_slice %arg11[%dma_start3A_652, %dma_start3A_653] : memref<10240x48xf32, #tpu.memory_space<vmem_shared>> -> memref<10240x48xf32, #tpu.memory_space<vmem_shared>>
        %dma_start3A_655 = tpu.memref_slice %arg12[%dma_start3A_644] : memref<8x!tpu.dma_semaphore, #tpu.memory_space<semaphore_mem>> -> memref<1x!tpu.dma_semaphore, #tpu.memory_space<semaphore_mem>>
        %dma_start3A_656 = tpu.memref_squeeze %dma_start3A_655 : memref<1x!tpu.dma_semaphore, #tpu.memory_space<semaphore_mem>> -> memref<!tpu.dma_semaphore, #tpu.memory_space<semaphore_mem>>
        tpu.enqueue_indirect_dma source(%dma_start3A_654 : memref<10240x48xf32, #tpu.memory_space<vmem_shared>>) target(%dma_start3A_648 : memref<128x48xf32, #tpu.memory_space<vmem>>) offsets(%dma_start3A_651 : memref<128xi32, #tpu.memory_space<vmem>>) semaphore(%dma_start3A_656 : memref<!tpu.dma_semaphore, #tpu.memory_space<semaphore_mem>>)
      } else {
      }
      %add3A_361 = arith.constant 2 : i32
      %add3A_362 = arith.addi %mul3A_190, %add3A_361 : i32
      %add3A_363 = arith.constant 8 : i32
      %add3A_364 = arith.addi %add3A_362, %add3A_363 : i32
      %min3A_365 = arith.constant 79 : i32
      %min3A_366 = arith.minsi %add3A_364, %min3A_365 : i32
      %dma_wait3A_367 = arith.constant 2 : i32
      %dma_wait3A_368 = arith.constant 2 : i32
      %dma_wait3A_369 = arith.constant 0 : i32
      %dma_wait3A_370 = arith.constant 0 : i32
      %dma_wait3A_371 = tpu.memref_slice %arg9[%dma_wait3A_367, %dma_wait3A_369, %dma_wait3A_370] : memref<8x128x48xf32, #tpu.memory_space<vmem>> -> memref<1x128x48xf32, #tpu.memory_space<vmem>>
      %dma_wait3A_372 = tpu.memref_squeeze %dma_wait3A_371 : memref<1x128x48xf32, #tpu.memory_space<vmem>> -> memref<128x48xf32, #tpu.memory_space<vmem>>
      %dma_wait3A_373 = arith.constant 0 : i32
      %dma_wait3A_374 = tpu.memref_slice %arg8[%add3A_362, %dma_wait3A_373] : memref<80x128xi32, #tpu.memory_space<vmem>> -> memref<1x128xi32, #tpu.memory_space<vmem>>
      %dma_wait3A_375 = tpu.memref_squeeze %dma_wait3A_374 : memref<1x128xi32, #tpu.memory_space<vmem>> -> memref<128xi32, #tpu.memory_space<vmem>>
      %dma_wait3A_376 = arith.constant 0 : i32
      %dma_wait3A_377 = arith.constant 0 : i32
      %dma_wait3A_378 = tpu.memref_slice %arg10[%dma_wait3A_376, %dma_wait3A_377] : memref<10240x48xf32, #tpu.memory_space<vmem_shared>> -> memref<10240x48xf32, #tpu.memory_space<vmem_shared>>
      %dma_wait3A_379 = tpu.memref_slice %arg13[%dma_wait3A_368] : memref<8x!tpu.dma_semaphore, #tpu.memory_space<semaphore_mem>> -> memref<1x!tpu.dma_semaphore, #tpu.memory_space<semaphore_mem>>
      %dma_wait3A_380 = tpu.memref_squeeze %dma_wait3A_379 : memref<1x!tpu.dma_semaphore, #tpu.memory_space<semaphore_mem>> -> memref<!tpu.dma_semaphore, #tpu.memory_space<semaphore_mem>>
      tpu.wait_indirect_dma semaphore(%dma_wait3A_380 : memref<!tpu.dma_semaphore, #tpu.memory_space<semaphore_mem>>) src(%dma_wait3A_372 : memref<128x48xf32, #tpu.memory_space<vmem>>) dst(%dma_wait3A_378 : memref<10240x48xf32, #tpu.memory_space<vmem_shared>>)
      %add3A_381 = arith.constant 1 : i32
      %add3A_382 = arith.addi %scan3A_188, %add3A_381 : i32
      %lt3A_383 = arith.constant 10 : i32
      %lt3A_384 = arith.cmpi slt, %add3A_382, %lt3A_383 : i32
      %convert_element_type3A_385 = arith.extui %lt3A_384 : i1 to i32
      %cond3A_386 = arith.constant 0 : i32
      %cond3A_387 = arith.cmpi ne, %convert_element_type3A_385, %cond3A_386 : i32
      scf.if %cond3A_387 {
        %dma_start3A_643 = arith.constant 2 : i32
        %dma_start3A_644 = arith.constant 2 : i32
        %dma_start3A_645 = arith.constant 0 : i32
        %dma_start3A_646 = arith.constant 0 : i32
        %dma_start3A_647 = tpu.memref_slice %arg9[%dma_start3A_643, %dma_start3A_645, %dma_start3A_646] : memref<8x128x48xf32, #tpu.memory_space<vmem>> -> memref<1x128x48xf32, #tpu.memory_space<vmem>>
        %dma_start3A_648 = tpu.memref_squeeze %dma_start3A_647 : memref<1x128x48xf32, #tpu.memory_space<vmem>> -> memref<128x48xf32, #tpu.memory_space<vmem>>
        %dma_start3A_649 = arith.constant 0 : i32
        %dma_start3A_650 = tpu.memref_slice %arg7[%min3A_366, %dma_start3A_649] : memref<80x128xi32, #tpu.memory_space<vmem>> -> memref<1x128xi32, #tpu.memory_space<vmem>>
        %dma_start3A_651 = tpu.memref_squeeze %dma_start3A_650 : memref<1x128xi32, #tpu.memory_space<vmem>> -> memref<128xi32, #tpu.memory_space<vmem>>
        %dma_start3A_652 = arith.constant 0 : i32
        %dma_start3A_653 = arith.constant 0 : i32
        %dma_start3A_654 = tpu.memref_slice %arg11[%dma_start3A_652, %dma_start3A_653] : memref<10240x48xf32, #tpu.memory_space<vmem_shared>> -> memref<10240x48xf32, #tpu.memory_space<vmem_shared>>
        %dma_start3A_655 = tpu.memref_slice %arg12[%dma_start3A_644] : memref<8x!tpu.dma_semaphore, #tpu.memory_space<semaphore_mem>> -> memref<1x!tpu.dma_semaphore, #tpu.memory_space<semaphore_mem>>
        %dma_start3A_656 = tpu.memref_squeeze %dma_start3A_655 : memref<1x!tpu.dma_semaphore, #tpu.memory_space<semaphore_mem>> -> memref<!tpu.dma_semaphore, #tpu.memory_space<semaphore_mem>>
        tpu.enqueue_indirect_dma source(%dma_start3A_654 : memref<10240x48xf32, #tpu.memory_space<vmem_shared>>) target(%dma_start3A_648 : memref<128x48xf32, #tpu.memory_space<vmem>>) offsets(%dma_start3A_651 : memref<128xi32, #tpu.memory_space<vmem>>) semaphore(%dma_start3A_656 : memref<!tpu.dma_semaphore, #tpu.memory_space<semaphore_mem>>)
      } else {
      }
      %add3A_388 = arith.constant 3 : i32
      %add3A_389 = arith.addi %mul3A_190, %add3A_388 : i32
      %add3A_390 = arith.constant 8 : i32
      %add3A_391 = arith.addi %add3A_389, %add3A_390 : i32
      %min3A_392 = arith.constant 79 : i32
      %min3A_393 = arith.minsi %add3A_391, %min3A_392 : i32
      %dma_wait3A_394 = arith.constant 3 : i32
      %dma_wait3A_395 = arith.constant 3 : i32
      %dma_wait3A_396 = arith.constant 0 : i32
      %dma_wait3A_397 = arith.constant 0 : i32
      %dma_wait3A_398 = tpu.memref_slice %arg9[%dma_wait3A_394, %dma_wait3A_396, %dma_wait3A_397] : memref<8x128x48xf32, #tpu.memory_space<vmem>> -> memref<1x128x48xf32, #tpu.memory_space<vmem>>
      %dma_wait3A_399 = tpu.memref_squeeze %dma_wait3A_398 : memref<1x128x48xf32, #tpu.memory_space<vmem>> -> memref<128x48xf32, #tpu.memory_space<vmem>>
      %dma_wait3A_400 = arith.constant 0 : i32
      %dma_wait3A_401 = tpu.memref_slice %arg8[%add3A_389, %dma_wait3A_400] : memref<80x128xi32, #tpu.memory_space<vmem>> -> memref<1x128xi32, #tpu.memory_space<vmem>>
      %dma_wait3A_402 = tpu.memref_squeeze %dma_wait3A_401 : memref<1x128xi32, #tpu.memory_space<vmem>> -> memref<128xi32, #tpu.memory_space<vmem>>
      %dma_wait3A_403 = arith.constant 0 : i32
      %dma_wait3A_404 = arith.constant 0 : i32
      %dma_wait3A_405 = tpu.memref_slice %arg10[%dma_wait3A_403, %dma_wait3A_404] : memref<10240x48xf32, #tpu.memory_space<vmem_shared>> -> memref<10240x48xf32, #tpu.memory_space<vmem_shared>>
      %dma_wait3A_406 = tpu.memref_slice %arg13[%dma_wait3A_395] : memref<8x!tpu.dma_semaphore, #tpu.memory_space<semaphore_mem>> -> memref<1x!tpu.dma_semaphore, #tpu.memory_space<semaphore_mem>>
      %dma_wait3A_407 = tpu.memref_squeeze %dma_wait3A_406 : memref<1x!tpu.dma_semaphore, #tpu.memory_space<semaphore_mem>> -> memref<!tpu.dma_semaphore, #tpu.memory_space<semaphore_mem>>
      tpu.wait_indirect_dma semaphore(%dma_wait3A_407 : memref<!tpu.dma_semaphore, #tpu.memory_space<semaphore_mem>>) src(%dma_wait3A_399 : memref<128x48xf32, #tpu.memory_space<vmem>>) dst(%dma_wait3A_405 : memref<10240x48xf32, #tpu.memory_space<vmem_shared>>)
      %add3A_408 = arith.constant 1 : i32
      %add3A_409 = arith.addi %scan3A_188, %add3A_408 : i32
      %lt3A_410 = arith.constant 10 : i32
      %lt3A_411 = arith.cmpi slt, %add3A_409, %lt3A_410 : i32
      %convert_element_type3A_412 = arith.extui %lt3A_411 : i1 to i32
      %cond3A_413 = arith.constant 0 : i32
      %cond3A_414 = arith.cmpi ne, %convert_element_type3A_412, %cond3A_413 : i32
      scf.if %cond3A_414 {
        %dma_start3A_643 = arith.constant 3 : i32
        %dma_start3A_644 = arith.constant 3 : i32
        %dma_start3A_645 = arith.constant 0 : i32
        %dma_start3A_646 = arith.constant 0 : i32
        %dma_start3A_647 = tpu.memref_slice %arg9[%dma_start3A_643, %dma_start3A_645, %dma_start3A_646] : memref<8x128x48xf32, #tpu.memory_space<vmem>> -> memref<1x128x48xf32, #tpu.memory_space<vmem>>
        %dma_start3A_648 = tpu.memref_squeeze %dma_start3A_647 : memref<1x128x48xf32, #tpu.memory_space<vmem>> -> memref<128x48xf32, #tpu.memory_space<vmem>>
        %dma_start3A_649 = arith.constant 0 : i32
        %dma_start3A_650 = tpu.memref_slice %arg7[%min3A_393, %dma_start3A_649] : memref<80x128xi32, #tpu.memory_space<vmem>> -> memref<1x128xi32, #tpu.memory_space<vmem>>
        %dma_start3A_651 = tpu.memref_squeeze %dma_start3A_650 : memref<1x128xi32, #tpu.memory_space<vmem>> -> memref<128xi32, #tpu.memory_space<vmem>>
        %dma_start3A_652 = arith.constant 0 : i32
        %dma_start3A_653 = arith.constant 0 : i32
        %dma_start3A_654 = tpu.memref_slice %arg11[%dma_start3A_652, %dma_start3A_653] : memref<10240x48xf32, #tpu.memory_space<vmem_shared>> -> memref<10240x48xf32, #tpu.memory_space<vmem_shared>>
        %dma_start3A_655 = tpu.memref_slice %arg12[%dma_start3A_644] : memref<8x!tpu.dma_semaphore, #tpu.memory_space<semaphore_mem>> -> memref<1x!tpu.dma_semaphore, #tpu.memory_space<semaphore_mem>>
        %dma_start3A_656 = tpu.memref_squeeze %dma_start3A_655 : memref<1x!tpu.dma_semaphore, #tpu.memory_space<semaphore_mem>> -> memref<!tpu.dma_semaphore, #tpu.memory_space<semaphore_mem>>
        tpu.enqueue_indirect_dma source(%dma_start3A_654 : memref<10240x48xf32, #tpu.memory_space<vmem_shared>>) target(%dma_start3A_648 : memref<128x48xf32, #tpu.memory_space<vmem>>) offsets(%dma_start3A_651 : memref<128xi32, #tpu.memory_space<vmem>>) semaphore(%dma_start3A_656 : memref<!tpu.dma_semaphore, #tpu.memory_space<semaphore_mem>>)
      } else {
      }
      %add3A_415 = arith.constant 4 : i32
      %add3A_416 = arith.addi %mul3A_190, %add3A_415 : i32
      %dma_wait3A_417 = arith.constant 4 : i32
      %dma_wait3A_418 = arith.constant 4 : i32
      %dma_wait3A_419 = arith.constant 0 : i32
      %dma_wait3A_420 = arith.constant 0 : i32
      %dma_wait3A_421 = tpu.memref_slice %arg9[%dma_wait3A_417, %dma_wait3A_419, %dma_wait3A_420] : memref<8x128x48xf32, #tpu.memory_space<vmem>> -> memref<1x128x48xf32, #tpu.memory_space<vmem>>
      %dma_wait3A_422 = tpu.memref_squeeze %dma_wait3A_421 : memref<1x128x48xf32, #tpu.memory_space<vmem>> -> memref<128x48xf32, #tpu.memory_space<vmem>>
      %dma_wait3A_423 = arith.constant 0 : i32
      %dma_wait3A_424 = tpu.memref_slice %arg7[%add3A_416, %dma_wait3A_423] : memref<80x128xi32, #tpu.memory_space<vmem>> -> memref<1x128xi32, #tpu.memory_space<vmem>>
      %dma_wait3A_425 = tpu.memref_squeeze %dma_wait3A_424 : memref<1x128xi32, #tpu.memory_space<vmem>> -> memref<128xi32, #tpu.memory_space<vmem>>
      %dma_wait3A_426 = arith.constant 0 : i32
      %dma_wait3A_427 = arith.constant 0 : i32
      %dma_wait3A_428 = tpu.memref_slice %arg11[%dma_wait3A_426, %dma_wait3A_427] : memref<10240x48xf32, #tpu.memory_space<vmem_shared>> -> memref<10240x48xf32, #tpu.memory_space<vmem_shared>>
      %dma_wait3A_429 = tpu.memref_slice %arg12[%dma_wait3A_418] : memref<8x!tpu.dma_semaphore, #tpu.memory_space<semaphore_mem>> -> memref<1x!tpu.dma_semaphore, #tpu.memory_space<semaphore_mem>>
      %dma_wait3A_430 = tpu.memref_squeeze %dma_wait3A_429 : memref<1x!tpu.dma_semaphore, #tpu.memory_space<semaphore_mem>> -> memref<!tpu.dma_semaphore, #tpu.memory_space<semaphore_mem>>
      tpu.wait_indirect_dma semaphore(%dma_wait3A_430 : memref<!tpu.dma_semaphore, #tpu.memory_space<semaphore_mem>>) src(%dma_wait3A_428 : memref<10240x48xf32, #tpu.memory_space<vmem_shared>>) dst(%dma_wait3A_422 : memref<128x48xf32, #tpu.memory_space<vmem>>)
      %dma_start3A_431 = arith.constant 4 : i32
      %dma_start3A_432 = arith.constant 4 : i32
      %dma_start3A_433 = arith.constant 0 : i32
      %dma_start3A_434 = arith.constant 0 : i32
      %dma_start3A_435 = tpu.memref_slice %arg9[%dma_start3A_431, %dma_start3A_433, %dma_start3A_434] : memref<8x128x48xf32, #tpu.memory_space<vmem>> -> memref<1x128x48xf32, #tpu.memory_space<vmem>>
      %dma_start3A_436 = tpu.memref_squeeze %dma_start3A_435 : memref<1x128x48xf32, #tpu.memory_space<vmem>> -> memref<128x48xf32, #tpu.memory_space<vmem>>
      %dma_start3A_437 = arith.constant 0 : i32
      %dma_start3A_438 = tpu.memref_slice %arg8[%add3A_416, %dma_start3A_437] : memref<80x128xi32, #tpu.memory_space<vmem>> -> memref<1x128xi32, #tpu.memory_space<vmem>>
      %dma_start3A_439 = tpu.memref_squeeze %dma_start3A_438 : memref<1x128xi32, #tpu.memory_space<vmem>> -> memref<128xi32, #tpu.memory_space<vmem>>
      %dma_start3A_440 = arith.constant 0 : i32
      %dma_start3A_441 = arith.constant 0 : i32
      %dma_start3A_442 = tpu.memref_slice %arg10[%dma_start3A_440, %dma_start3A_441] : memref<10240x48xf32, #tpu.memory_space<vmem_shared>> -> memref<10240x48xf32, #tpu.memory_space<vmem_shared>>
      %dma_start3A_443 = tpu.memref_slice %arg13[%dma_start3A_432] : memref<8x!tpu.dma_semaphore, #tpu.memory_space<semaphore_mem>> -> memref<1x!tpu.dma_semaphore, #tpu.memory_space<semaphore_mem>>
      %dma_start3A_444 = tpu.memref_squeeze %dma_start3A_443 : memref<1x!tpu.dma_semaphore, #tpu.memory_space<semaphore_mem>> -> memref<!tpu.dma_semaphore, #tpu.memory_space<semaphore_mem>>
      tpu.enqueue_indirect_dma source(%dma_start3A_436 : memref<128x48xf32, #tpu.memory_space<vmem>>) target(%dma_start3A_442 : memref<10240x48xf32, #tpu.memory_space<vmem_shared>>) offsets(%dma_start3A_439 : memref<128xi32, #tpu.memory_space<vmem>>) semaphore(%dma_start3A_444 : memref<!tpu.dma_semaphore, #tpu.memory_space<semaphore_mem>>) {add = true}
      %add3A_445 = arith.constant 5 : i32
      %add3A_446 = arith.addi %mul3A_190, %add3A_445 : i32
      %dma_wait3A_447 = arith.constant 5 : i32
      %dma_wait3A_448 = arith.constant 5 : i32
      %dma_wait3A_449 = arith.constant 0 : i32
      %dma_wait3A_450 = arith.constant 0 : i32
      %dma_wait3A_451 = tpu.memref_slice %arg9[%dma_wait3A_447, %dma_wait3A_449, %dma_wait3A_450] : memref<8x128x48xf32, #tpu.memory_space<vmem>> -> memref<1x128x48xf32, #tpu.memory_space<vmem>>
      %dma_wait3A_452 = tpu.memref_squeeze %dma_wait3A_451 : memref<1x128x48xf32, #tpu.memory_space<vmem>> -> memref<128x48xf32, #tpu.memory_space<vmem>>
      %dma_wait3A_453 = arith.constant 0 : i32
      %dma_wait3A_454 = tpu.memref_slice %arg7[%add3A_446, %dma_wait3A_453] : memref<80x128xi32, #tpu.memory_space<vmem>> -> memref<1x128xi32, #tpu.memory_space<vmem>>
      %dma_wait3A_455 = tpu.memref_squeeze %dma_wait3A_454 : memref<1x128xi32, #tpu.memory_space<vmem>> -> memref<128xi32, #tpu.memory_space<vmem>>
      %dma_wait3A_456 = arith.constant 0 : i32
      %dma_wait3A_457 = arith.constant 0 : i32
      %dma_wait3A_458 = tpu.memref_slice %arg11[%dma_wait3A_456, %dma_wait3A_457] : memref<10240x48xf32, #tpu.memory_space<vmem_shared>> -> memref<10240x48xf32, #tpu.memory_space<vmem_shared>>
      %dma_wait3A_459 = tpu.memref_slice %arg12[%dma_wait3A_448] : memref<8x!tpu.dma_semaphore, #tpu.memory_space<semaphore_mem>> -> memref<1x!tpu.dma_semaphore, #tpu.memory_space<semaphore_mem>>
      %dma_wait3A_460 = tpu.memref_squeeze %dma_wait3A_459 : memref<1x!tpu.dma_semaphore, #tpu.memory_space<semaphore_mem>> -> memref<!tpu.dma_semaphore, #tpu.memory_space<semaphore_mem>>
      tpu.wait_indirect_dma semaphore(%dma_wait3A_460 : memref<!tpu.dma_semaphore, #tpu.memory_space<semaphore_mem>>) src(%dma_wait3A_458 : memref<10240x48xf32, #tpu.memory_space<vmem_shared>>) dst(%dma_wait3A_452 : memref<128x48xf32, #tpu.memory_space<vmem>>)
      %dma_start3A_461 = arith.constant 5 : i32
      %dma_start3A_462 = arith.constant 5 : i32
      %dma_start3A_463 = arith.constant 0 : i32
      %dma_start3A_464 = arith.constant 0 : i32
      %dma_start3A_465 = tpu.memref_slice %arg9[%dma_start3A_461, %dma_start3A_463, %dma_start3A_464] : memref<8x128x48xf32, #tpu.memory_space<vmem>> -> memref<1x128x48xf32, #tpu.memory_space<vmem>>
      %dma_start3A_466 = tpu.memref_squeeze %dma_start3A_465 : memref<1x128x48xf32, #tpu.memory_space<vmem>> -> memref<128x48xf32, #tpu.memory_space<vmem>>
      %dma_start3A_467 = arith.constant 0 : i32
      %dma_start3A_468 = tpu.memref_slice %arg8[%add3A_446, %dma_start3A_467] : memref<80x128xi32, #tpu.memory_space<vmem>> -> memref<1x128xi32, #tpu.memory_space<vmem>>
      %dma_start3A_469 = tpu.memref_squeeze %dma_start3A_468 : memref<1x128xi32, #tpu.memory_space<vmem>> -> memref<128xi32, #tpu.memory_space<vmem>>
      %dma_start3A_470 = arith.constant 0 : i32
      %dma_start3A_471 = arith.constant 0 : i32
      %dma_start3A_472 = tpu.memref_slice %arg10[%dma_start3A_470, %dma_start3A_471] : memref<10240x48xf32, #tpu.memory_space<vmem_shared>> -> memref<10240x48xf32, #tpu.memory_space<vmem_shared>>
      %dma_start3A_473 = tpu.memref_slice %arg13[%dma_start3A_462] : memref<8x!tpu.dma_semaphore, #tpu.memory_space<semaphore_mem>> -> memref<1x!tpu.dma_semaphore, #tpu.memory_space<semaphore_mem>>
      %dma_start3A_474 = tpu.memref_squeeze %dma_start3A_473 : memref<1x!tpu.dma_semaphore, #tpu.memory_space<semaphore_mem>> -> memref<!tpu.dma_semaphore, #tpu.memory_space<semaphore_mem>>
      tpu.enqueue_indirect_dma source(%dma_start3A_466 : memref<128x48xf32, #tpu.memory_space<vmem>>) target(%dma_start3A_472 : memref<10240x48xf32, #tpu.memory_space<vmem_shared>>) offsets(%dma_start3A_469 : memref<128xi32, #tpu.memory_space<vmem>>) semaphore(%dma_start3A_474 : memref<!tpu.dma_semaphore, #tpu.memory_space<semaphore_mem>>) {add = true}
      %add3A_475 = arith.constant 6 : i32
      %add3A_476 = arith.addi %mul3A_190, %add3A_475 : i32
      %dma_wait3A_477 = arith.constant 6 : i32
      %dma_wait3A_478 = arith.constant 6 : i32
      %dma_wait3A_479 = arith.constant 0 : i32
      %dma_wait3A_480 = arith.constant 0 : i32
      %dma_wait3A_481 = tpu.memref_slice %arg9[%dma_wait3A_477, %dma_wait3A_479, %dma_wait3A_480] : memref<8x128x48xf32, #tpu.memory_space<vmem>> -> memref<1x128x48xf32, #tpu.memory_space<vmem>>
      %dma_wait3A_482 = tpu.memref_squeeze %dma_wait3A_481 : memref<1x128x48xf32, #tpu.memory_space<vmem>> -> memref<128x48xf32, #tpu.memory_space<vmem>>
      %dma_wait3A_483 = arith.constant 0 : i32
      %dma_wait3A_484 = tpu.memref_slice %arg7[%add3A_476, %dma_wait3A_483] : memref<80x128xi32, #tpu.memory_space<vmem>> -> memref<1x128xi32, #tpu.memory_space<vmem>>
      %dma_wait3A_485 = tpu.memref_squeeze %dma_wait3A_484 : memref<1x128xi32, #tpu.memory_space<vmem>> -> memref<128xi32, #tpu.memory_space<vmem>>
      %dma_wait3A_486 = arith.constant 0 : i32
      %dma_wait3A_487 = arith.constant 0 : i32
      %dma_wait3A_488 = tpu.memref_slice %arg11[%dma_wait3A_486, %dma_wait3A_487] : memref<10240x48xf32, #tpu.memory_space<vmem_shared>> -> memref<10240x48xf32, #tpu.memory_space<vmem_shared>>
      %dma_wait3A_489 = tpu.memref_slice %arg12[%dma_wait3A_478] : memref<8x!tpu.dma_semaphore, #tpu.memory_space<semaphore_mem>> -> memref<1x!tpu.dma_semaphore, #tpu.memory_space<semaphore_mem>>
      %dma_wait3A_490 = tpu.memref_squeeze %dma_wait3A_489 : memref<1x!tpu.dma_semaphore, #tpu.memory_space<semaphore_mem>> -> memref<!tpu.dma_semaphore, #tpu.memory_space<semaphore_mem>>
      tpu.wait_indirect_dma semaphore(%dma_wait3A_490 : memref<!tpu.dma_semaphore, #tpu.memory_space<semaphore_mem>>) src(%dma_wait3A_488 : memref<10240x48xf32, #tpu.memory_space<vmem_shared>>) dst(%dma_wait3A_482 : memref<128x48xf32, #tpu.memory_space<vmem>>)
      %dma_start3A_491 = arith.constant 6 : i32
      %dma_start3A_492 = arith.constant 6 : i32
      %dma_start3A_493 = arith.constant 0 : i32
      %dma_start3A_494 = arith.constant 0 : i32
      %dma_start3A_495 = tpu.memref_slice %arg9[%dma_start3A_491, %dma_start3A_493, %dma_start3A_494] : memref<8x128x48xf32, #tpu.memory_space<vmem>> -> memref<1x128x48xf32, #tpu.memory_space<vmem>>
      %dma_start3A_496 = tpu.memref_squeeze %dma_start3A_495 : memref<1x128x48xf32, #tpu.memory_space<vmem>> -> memref<128x48xf32, #tpu.memory_space<vmem>>
      %dma_start3A_497 = arith.constant 0 : i32
      %dma_start3A_498 = tpu.memref_slice %arg8[%add3A_476, %dma_start3A_497] : memref<80x128xi32, #tpu.memory_space<vmem>> -> memref<1x128xi32, #tpu.memory_space<vmem>>
      %dma_start3A_499 = tpu.memref_squeeze %dma_start3A_498 : memref<1x128xi32, #tpu.memory_space<vmem>> -> memref<128xi32, #tpu.memory_space<vmem>>
      %dma_start3A_500 = arith.constant 0 : i32
      %dma_start3A_501 = arith.constant 0 : i32
      %dma_start3A_502 = tpu.memref_slice %arg10[%dma_start3A_500, %dma_start3A_501] : memref<10240x48xf32, #tpu.memory_space<vmem_shared>> -> memref<10240x48xf32, #tpu.memory_space<vmem_shared>>
      %dma_start3A_503 = tpu.memref_slice %arg13[%dma_start3A_492] : memref<8x!tpu.dma_semaphore, #tpu.memory_space<semaphore_mem>> -> memref<1x!tpu.dma_semaphore, #tpu.memory_space<semaphore_mem>>
      %dma_start3A_504 = tpu.memref_squeeze %dma_start3A_503 : memref<1x!tpu.dma_semaphore, #tpu.memory_space<semaphore_mem>> -> memref<!tpu.dma_semaphore, #tpu.memory_space<semaphore_mem>>
      tpu.enqueue_indirect_dma source(%dma_start3A_496 : memref<128x48xf32, #tpu.memory_space<vmem>>) target(%dma_start3A_502 : memref<10240x48xf32, #tpu.memory_space<vmem_shared>>) offsets(%dma_start3A_499 : memref<128xi32, #tpu.memory_space<vmem>>) semaphore(%dma_start3A_504 : memref<!tpu.dma_semaphore, #tpu.memory_space<semaphore_mem>>) {add = true}
      %add3A_505 = arith.constant 7 : i32
      %add3A_506 = arith.addi %mul3A_190, %add3A_505 : i32
      %dma_wait3A_507 = arith.constant 7 : i32
      %dma_wait3A_508 = arith.constant 7 : i32
      %dma_wait3A_509 = arith.constant 0 : i32
      %dma_wait3A_510 = arith.constant 0 : i32
      %dma_wait3A_511 = tpu.memref_slice %arg9[%dma_wait3A_507, %dma_wait3A_509, %dma_wait3A_510] : memref<8x128x48xf32, #tpu.memory_space<vmem>> -> memref<1x128x48xf32, #tpu.memory_space<vmem>>
      %dma_wait3A_512 = tpu.memref_squeeze %dma_wait3A_511 : memref<1x128x48xf32, #tpu.memory_space<vmem>> -> memref<128x48xf32, #tpu.memory_space<vmem>>
      %dma_wait3A_513 = arith.constant 0 : i32
      %dma_wait3A_514 = tpu.memref_slice %arg7[%add3A_506, %dma_wait3A_513] : memref<80x128xi32, #tpu.memory_space<vmem>> -> memref<1x128xi32, #tpu.memory_space<vmem>>
      %dma_wait3A_515 = tpu.memref_squeeze %dma_wait3A_514 : memref<1x128xi32, #tpu.memory_space<vmem>> -> memref<128xi32, #tpu.memory_space<vmem>>
      %dma_wait3A_516 = arith.constant 0 : i32
      %dma_wait3A_517 = arith.constant 0 : i32
      %dma_wait3A_518 = tpu.memref_slice %arg11[%dma_wait3A_516, %dma_wait3A_517] : memref<10240x48xf32, #tpu.memory_space<vmem_shared>> -> memref<10240x48xf32, #tpu.memory_space<vmem_shared>>
      %dma_wait3A_519 = tpu.memref_slice %arg12[%dma_wait3A_508] : memref<8x!tpu.dma_semaphore, #tpu.memory_space<semaphore_mem>> -> memref<1x!tpu.dma_semaphore, #tpu.memory_space<semaphore_mem>>
      %dma_wait3A_520 = tpu.memref_squeeze %dma_wait3A_519 : memref<1x!tpu.dma_semaphore, #tpu.memory_space<semaphore_mem>> -> memref<!tpu.dma_semaphore, #tpu.memory_space<semaphore_mem>>
      tpu.wait_indirect_dma semaphore(%dma_wait3A_520 : memref<!tpu.dma_semaphore, #tpu.memory_space<semaphore_mem>>) src(%dma_wait3A_518 : memref<10240x48xf32, #tpu.memory_space<vmem_shared>>) dst(%dma_wait3A_512 : memref<128x48xf32, #tpu.memory_space<vmem>>)
      %dma_start3A_521 = arith.constant 7 : i32
      %dma_start3A_522 = arith.constant 7 : i32
      %dma_start3A_523 = arith.constant 0 : i32
      %dma_start3A_524 = arith.constant 0 : i32
      %dma_start3A_525 = tpu.memref_slice %arg9[%dma_start3A_521, %dma_start3A_523, %dma_start3A_524] : memref<8x128x48xf32, #tpu.memory_space<vmem>> -> memref<1x128x48xf32, #tpu.memory_space<vmem>>
      %dma_start3A_526 = tpu.memref_squeeze %dma_start3A_525 : memref<1x128x48xf32, #tpu.memory_space<vmem>> -> memref<128x48xf32, #tpu.memory_space<vmem>>
      %dma_start3A_527 = arith.constant 0 : i32
      %dma_start3A_528 = tpu.memref_slice %arg8[%add3A_506, %dma_start3A_527] : memref<80x128xi32, #tpu.memory_space<vmem>> -> memref<1x128xi32, #tpu.memory_space<vmem>>
      %dma_start3A_529 = tpu.memref_squeeze %dma_start3A_528 : memref<1x128xi32, #tpu.memory_space<vmem>> -> memref<128xi32, #tpu.memory_space<vmem>>
      %dma_start3A_530 = arith.constant 0 : i32
      %dma_start3A_531 = arith.constant 0 : i32
      %dma_start3A_532 = tpu.memref_slice %arg10[%dma_start3A_530, %dma_start3A_531] : memref<10240x48xf32, #tpu.memory_space<vmem_shared>> -> memref<10240x48xf32, #tpu.memory_space<vmem_shared>>
      %dma_start3A_533 = tpu.memref_slice %arg13[%dma_start3A_522] : memref<8x!tpu.dma_semaphore, #tpu.memory_space<semaphore_mem>> -> memref<1x!tpu.dma_semaphore, #tpu.memory_space<semaphore_mem>>
      %dma_start3A_534 = tpu.memref_squeeze %dma_start3A_533 : memref<1x!tpu.dma_semaphore, #tpu.memory_space<semaphore_mem>> -> memref<!tpu.dma_semaphore, #tpu.memory_space<semaphore_mem>>
      tpu.enqueue_indirect_dma source(%dma_start3A_526 : memref<128x48xf32, #tpu.memory_space<vmem>>) target(%dma_start3A_532 : memref<10240x48xf32, #tpu.memory_space<vmem_shared>>) offsets(%dma_start3A_529 : memref<128xi32, #tpu.memory_space<vmem>>) semaphore(%dma_start3A_534 : memref<!tpu.dma_semaphore, #tpu.memory_space<semaphore_mem>>) {add = true}
      %add3A_535 = arith.constant 4 : i32
      %add3A_536 = arith.addi %mul3A_190, %add3A_535 : i32
      %add3A_537 = arith.constant 8 : i32
      %add3A_538 = arith.addi %add3A_536, %add3A_537 : i32
      %min3A_539 = arith.constant 79 : i32
      %min3A_540 = arith.minsi %add3A_538, %min3A_539 : i32
      %dma_wait3A_541 = arith.constant 4 : i32
      %dma_wait3A_542 = arith.constant 4 : i32
      %dma_wait3A_543 = arith.constant 0 : i32
      %dma_wait3A_544 = arith.constant 0 : i32
      %dma_wait3A_545 = tpu.memref_slice %arg9[%dma_wait3A_541, %dma_wait3A_543, %dma_wait3A_544] : memref<8x128x48xf32, #tpu.memory_space<vmem>> -> memref<1x128x48xf32, #tpu.memory_space<vmem>>
      %dma_wait3A_546 = tpu.memref_squeeze %dma_wait3A_545 : memref<1x128x48xf32, #tpu.memory_space<vmem>> -> memref<128x48xf32, #tpu.memory_space<vmem>>
      %dma_wait3A_547 = arith.constant 0 : i32
      %dma_wait3A_548 = tpu.memref_slice %arg8[%add3A_536, %dma_wait3A_547] : memref<80x128xi32, #tpu.memory_space<vmem>> -> memref<1x128xi32, #tpu.memory_space<vmem>>
      %dma_wait3A_549 = tpu.memref_squeeze %dma_wait3A_548 : memref<1x128xi32, #tpu.memory_space<vmem>> -> memref<128xi32, #tpu.memory_space<vmem>>
      %dma_wait3A_550 = arith.constant 0 : i32
      %dma_wait3A_551 = arith.constant 0 : i32
      %dma_wait3A_552 = tpu.memref_slice %arg10[%dma_wait3A_550, %dma_wait3A_551] : memref<10240x48xf32, #tpu.memory_space<vmem_shared>> -> memref<10240x48xf32, #tpu.memory_space<vmem_shared>>
      %dma_wait3A_553 = tpu.memref_slice %arg13[%dma_wait3A_542] : memref<8x!tpu.dma_semaphore, #tpu.memory_space<semaphore_mem>> -> memref<1x!tpu.dma_semaphore, #tpu.memory_space<semaphore_mem>>
      %dma_wait3A_554 = tpu.memref_squeeze %dma_wait3A_553 : memref<1x!tpu.dma_semaphore, #tpu.memory_space<semaphore_mem>> -> memref<!tpu.dma_semaphore, #tpu.memory_space<semaphore_mem>>
      tpu.wait_indirect_dma semaphore(%dma_wait3A_554 : memref<!tpu.dma_semaphore, #tpu.memory_space<semaphore_mem>>) src(%dma_wait3A_546 : memref<128x48xf32, #tpu.memory_space<vmem>>) dst(%dma_wait3A_552 : memref<10240x48xf32, #tpu.memory_space<vmem_shared>>)
      %add3A_555 = arith.constant 1 : i32
      %add3A_556 = arith.addi %scan3A_188, %add3A_555 : i32
      %lt3A_557 = arith.constant 10 : i32
      %lt3A_558 = arith.cmpi slt, %add3A_556, %lt3A_557 : i32
      %convert_element_type3A_559 = arith.extui %lt3A_558 : i1 to i32
      %cond3A_560 = arith.constant 0 : i32
      %cond3A_561 = arith.cmpi ne, %convert_element_type3A_559, %cond3A_560 : i32
      scf.if %cond3A_561 {
        %dma_start3A_643 = arith.constant 4 : i32
        %dma_start3A_644 = arith.constant 4 : i32
        %dma_start3A_645 = arith.constant 0 : i32
        %dma_start3A_646 = arith.constant 0 : i32
        %dma_start3A_647 = tpu.memref_slice %arg9[%dma_start3A_643, %dma_start3A_645, %dma_start3A_646] : memref<8x128x48xf32, #tpu.memory_space<vmem>> -> memref<1x128x48xf32, #tpu.memory_space<vmem>>
        %dma_start3A_648 = tpu.memref_squeeze %dma_start3A_647 : memref<1x128x48xf32, #tpu.memory_space<vmem>> -> memref<128x48xf32, #tpu.memory_space<vmem>>
        %dma_start3A_649 = arith.constant 0 : i32
        %dma_start3A_650 = tpu.memref_slice %arg7[%min3A_540, %dma_start3A_649] : memref<80x128xi32, #tpu.memory_space<vmem>> -> memref<1x128xi32, #tpu.memory_space<vmem>>
        %dma_start3A_651 = tpu.memref_squeeze %dma_start3A_650 : memref<1x128xi32, #tpu.memory_space<vmem>> -> memref<128xi32, #tpu.memory_space<vmem>>
        %dma_start3A_652 = arith.constant 0 : i32
        %dma_start3A_653 = arith.constant 0 : i32
        %dma_start3A_654 = tpu.memref_slice %arg11[%dma_start3A_652, %dma_start3A_653] : memref<10240x48xf32, #tpu.memory_space<vmem_shared>> -> memref<10240x48xf32, #tpu.memory_space<vmem_shared>>
        %dma_start3A_655 = tpu.memref_slice %arg12[%dma_start3A_644] : memref<8x!tpu.dma_semaphore, #tpu.memory_space<semaphore_mem>> -> memref<1x!tpu.dma_semaphore, #tpu.memory_space<semaphore_mem>>
        %dma_start3A_656 = tpu.memref_squeeze %dma_start3A_655 : memref<1x!tpu.dma_semaphore, #tpu.memory_space<semaphore_mem>> -> memref<!tpu.dma_semaphore, #tpu.memory_space<semaphore_mem>>
        tpu.enqueue_indirect_dma source(%dma_start3A_654 : memref<10240x48xf32, #tpu.memory_space<vmem_shared>>) target(%dma_start3A_648 : memref<128x48xf32, #tpu.memory_space<vmem>>) offsets(%dma_start3A_651 : memref<128xi32, #tpu.memory_space<vmem>>) semaphore(%dma_start3A_656 : memref<!tpu.dma_semaphore, #tpu.memory_space<semaphore_mem>>)
      } else {
      }
      %add3A_562 = arith.constant 5 : i32
      %add3A_563 = arith.addi %mul3A_190, %add3A_562 : i32
      %add3A_564 = arith.constant 8 : i32
      %add3A_565 = arith.addi %add3A_563, %add3A_564 : i32
      %min3A_566 = arith.constant 79 : i32
      %min3A_567 = arith.minsi %add3A_565, %min3A_566 : i32
      %dma_wait3A_568 = arith.constant 5 : i32
      %dma_wait3A_569 = arith.constant 5 : i32
      %dma_wait3A_570 = arith.constant 0 : i32
      %dma_wait3A_571 = arith.constant 0 : i32
      %dma_wait3A_572 = tpu.memref_slice %arg9[%dma_wait3A_568, %dma_wait3A_570, %dma_wait3A_571] : memref<8x128x48xf32, #tpu.memory_space<vmem>> -> memref<1x128x48xf32, #tpu.memory_space<vmem>>
      %dma_wait3A_573 = tpu.memref_squeeze %dma_wait3A_572 : memref<1x128x48xf32, #tpu.memory_space<vmem>> -> memref<128x48xf32, #tpu.memory_space<vmem>>
      %dma_wait3A_574 = arith.constant 0 : i32
      %dma_wait3A_575 = tpu.memref_slice %arg8[%add3A_563, %dma_wait3A_574] : memref<80x128xi32, #tpu.memory_space<vmem>> -> memref<1x128xi32, #tpu.memory_space<vmem>>
      %dma_wait3A_576 = tpu.memref_squeeze %dma_wait3A_575 : memref<1x128xi32, #tpu.memory_space<vmem>> -> memref<128xi32, #tpu.memory_space<vmem>>
      %dma_wait3A_577 = arith.constant 0 : i32
      %dma_wait3A_578 = arith.constant 0 : i32
      %dma_wait3A_579 = tpu.memref_slice %arg10[%dma_wait3A_577, %dma_wait3A_578] : memref<10240x48xf32, #tpu.memory_space<vmem_shared>> -> memref<10240x48xf32, #tpu.memory_space<vmem_shared>>
      %dma_wait3A_580 = tpu.memref_slice %arg13[%dma_wait3A_569] : memref<8x!tpu.dma_semaphore, #tpu.memory_space<semaphore_mem>> -> memref<1x!tpu.dma_semaphore, #tpu.memory_space<semaphore_mem>>
      %dma_wait3A_581 = tpu.memref_squeeze %dma_wait3A_580 : memref<1x!tpu.dma_semaphore, #tpu.memory_space<semaphore_mem>> -> memref<!tpu.dma_semaphore, #tpu.memory_space<semaphore_mem>>
      tpu.wait_indirect_dma semaphore(%dma_wait3A_581 : memref<!tpu.dma_semaphore, #tpu.memory_space<semaphore_mem>>) src(%dma_wait3A_573 : memref<128x48xf32, #tpu.memory_space<vmem>>) dst(%dma_wait3A_579 : memref<10240x48xf32, #tpu.memory_space<vmem_shared>>)
      %add3A_582 = arith.constant 1 : i32
      %add3A_583 = arith.addi %scan3A_188, %add3A_582 : i32
      %lt3A_584 = arith.constant 10 : i32
      %lt3A_585 = arith.cmpi slt, %add3A_583, %lt3A_584 : i32
      %convert_element_type3A_586 = arith.extui %lt3A_585 : i1 to i32
      %cond3A_587 = arith.constant 0 : i32
      %cond3A_588 = arith.cmpi ne, %convert_element_type3A_586, %cond3A_587 : i32
      scf.if %cond3A_588 {
        %dma_start3A_643 = arith.constant 5 : i32
        %dma_start3A_644 = arith.constant 5 : i32
        %dma_start3A_645 = arith.constant 0 : i32
        %dma_start3A_646 = arith.constant 0 : i32
        %dma_start3A_647 = tpu.memref_slice %arg9[%dma_start3A_643, %dma_start3A_645, %dma_start3A_646] : memref<8x128x48xf32, #tpu.memory_space<vmem>> -> memref<1x128x48xf32, #tpu.memory_space<vmem>>
        %dma_start3A_648 = tpu.memref_squeeze %dma_start3A_647 : memref<1x128x48xf32, #tpu.memory_space<vmem>> -> memref<128x48xf32, #tpu.memory_space<vmem>>
        %dma_start3A_649 = arith.constant 0 : i32
        %dma_start3A_650 = tpu.memref_slice %arg7[%min3A_567, %dma_start3A_649] : memref<80x128xi32, #tpu.memory_space<vmem>> -> memref<1x128xi32, #tpu.memory_space<vmem>>
        %dma_start3A_651 = tpu.memref_squeeze %dma_start3A_650 : memref<1x128xi32, #tpu.memory_space<vmem>> -> memref<128xi32, #tpu.memory_space<vmem>>
        %dma_start3A_652 = arith.constant 0 : i32
        %dma_start3A_653 = arith.constant 0 : i32
        %dma_start3A_654 = tpu.memref_slice %arg11[%dma_start3A_652, %dma_start3A_653] : memref<10240x48xf32, #tpu.memory_space<vmem_shared>> -> memref<10240x48xf32, #tpu.memory_space<vmem_shared>>
        %dma_start3A_655 = tpu.memref_slice %arg12[%dma_start3A_644] : memref<8x!tpu.dma_semaphore, #tpu.memory_space<semaphore_mem>> -> memref<1x!tpu.dma_semaphore, #tpu.memory_space<semaphore_mem>>
        %dma_start3A_656 = tpu.memref_squeeze %dma_start3A_655 : memref<1x!tpu.dma_semaphore, #tpu.memory_space<semaphore_mem>> -> memref<!tpu.dma_semaphore, #tpu.memory_space<semaphore_mem>>
        tpu.enqueue_indirect_dma source(%dma_start3A_654 : memref<10240x48xf32, #tpu.memory_space<vmem_shared>>) target(%dma_start3A_648 : memref<128x48xf32, #tpu.memory_space<vmem>>) offsets(%dma_start3A_651 : memref<128xi32, #tpu.memory_space<vmem>>) semaphore(%dma_start3A_656 : memref<!tpu.dma_semaphore, #tpu.memory_space<semaphore_mem>>)
      } else {
      }
      %add3A_589 = arith.constant 6 : i32
      %add3A_590 = arith.addi %mul3A_190, %add3A_589 : i32
      %add3A_591 = arith.constant 8 : i32
      %add3A_592 = arith.addi %add3A_590, %add3A_591 : i32
      %min3A_593 = arith.constant 79 : i32
      %min3A_594 = arith.minsi %add3A_592, %min3A_593 : i32
      %dma_wait3A_595 = arith.constant 6 : i32
      %dma_wait3A_596 = arith.constant 6 : i32
      %dma_wait3A_597 = arith.constant 0 : i32
      %dma_wait3A_598 = arith.constant 0 : i32
      %dma_wait3A_599 = tpu.memref_slice %arg9[%dma_wait3A_595, %dma_wait3A_597, %dma_wait3A_598] : memref<8x128x48xf32, #tpu.memory_space<vmem>> -> memref<1x128x48xf32, #tpu.memory_space<vmem>>
      %dma_wait3A_600 = tpu.memref_squeeze %dma_wait3A_599 : memref<1x128x48xf32, #tpu.memory_space<vmem>> -> memref<128x48xf32, #tpu.memory_space<vmem>>
      %dma_wait3A_601 = arith.constant 0 : i32
      %dma_wait3A_602 = tpu.memref_slice %arg8[%add3A_590, %dma_wait3A_601] : memref<80x128xi32, #tpu.memory_space<vmem>> -> memref<1x128xi32, #tpu.memory_space<vmem>>
      %dma_wait3A_603 = tpu.memref_squeeze %dma_wait3A_602 : memref<1x128xi32, #tpu.memory_space<vmem>> -> memref<128xi32, #tpu.memory_space<vmem>>
      %dma_wait3A_604 = arith.constant 0 : i32
      %dma_wait3A_605 = arith.constant 0 : i32
      %dma_wait3A_606 = tpu.memref_slice %arg10[%dma_wait3A_604, %dma_wait3A_605] : memref<10240x48xf32, #tpu.memory_space<vmem_shared>> -> memref<10240x48xf32, #tpu.memory_space<vmem_shared>>
      %dma_wait3A_607 = tpu.memref_slice %arg13[%dma_wait3A_596] : memref<8x!tpu.dma_semaphore, #tpu.memory_space<semaphore_mem>> -> memref<1x!tpu.dma_semaphore, #tpu.memory_space<semaphore_mem>>
      %dma_wait3A_608 = tpu.memref_squeeze %dma_wait3A_607 : memref<1x!tpu.dma_semaphore, #tpu.memory_space<semaphore_mem>> -> memref<!tpu.dma_semaphore, #tpu.memory_space<semaphore_mem>>
      tpu.wait_indirect_dma semaphore(%dma_wait3A_608 : memref<!tpu.dma_semaphore, #tpu.memory_space<semaphore_mem>>) src(%dma_wait3A_600 : memref<128x48xf32, #tpu.memory_space<vmem>>) dst(%dma_wait3A_606 : memref<10240x48xf32, #tpu.memory_space<vmem_shared>>)
      %add3A_609 = arith.constant 1 : i32
      %add3A_610 = arith.addi %scan3A_188, %add3A_609 : i32
      %lt3A_611 = arith.constant 10 : i32
      %lt3A_612 = arith.cmpi slt, %add3A_610, %lt3A_611 : i32
      %convert_element_type3A_613 = arith.extui %lt3A_612 : i1 to i32
      %cond3A_614 = arith.constant 0 : i32
      %cond3A_615 = arith.cmpi ne, %convert_element_type3A_613, %cond3A_614 : i32
      scf.if %cond3A_615 {
        %dma_start3A_643 = arith.constant 6 : i32
        %dma_start3A_644 = arith.constant 6 : i32
        %dma_start3A_645 = arith.constant 0 : i32
        %dma_start3A_646 = arith.constant 0 : i32
        %dma_start3A_647 = tpu.memref_slice %arg9[%dma_start3A_643, %dma_start3A_645, %dma_start3A_646] : memref<8x128x48xf32, #tpu.memory_space<vmem>> -> memref<1x128x48xf32, #tpu.memory_space<vmem>>
        %dma_start3A_648 = tpu.memref_squeeze %dma_start3A_647 : memref<1x128x48xf32, #tpu.memory_space<vmem>> -> memref<128x48xf32, #tpu.memory_space<vmem>>
        %dma_start3A_649 = arith.constant 0 : i32
        %dma_start3A_650 = tpu.memref_slice %arg7[%min3A_594, %dma_start3A_649] : memref<80x128xi32, #tpu.memory_space<vmem>> -> memref<1x128xi32, #tpu.memory_space<vmem>>
        %dma_start3A_651 = tpu.memref_squeeze %dma_start3A_650 : memref<1x128xi32, #tpu.memory_space<vmem>> -> memref<128xi32, #tpu.memory_space<vmem>>
        %dma_start3A_652 = arith.constant 0 : i32
        %dma_start3A_653 = arith.constant 0 : i32
        %dma_start3A_654 = tpu.memref_slice %arg11[%dma_start3A_652, %dma_start3A_653] : memref<10240x48xf32, #tpu.memory_space<vmem_shared>> -> memref<10240x48xf32, #tpu.memory_space<vmem_shared>>
        %dma_start3A_655 = tpu.memref_slice %arg12[%dma_start3A_644] : memref<8x!tpu.dma_semaphore, #tpu.memory_space<semaphore_mem>> -> memref<1x!tpu.dma_semaphore, #tpu.memory_space<semaphore_mem>>
        %dma_start3A_656 = tpu.memref_squeeze %dma_start3A_655 : memref<1x!tpu.dma_semaphore, #tpu.memory_space<semaphore_mem>> -> memref<!tpu.dma_semaphore, #tpu.memory_space<semaphore_mem>>
        tpu.enqueue_indirect_dma source(%dma_start3A_654 : memref<10240x48xf32, #tpu.memory_space<vmem_shared>>) target(%dma_start3A_648 : memref<128x48xf32, #tpu.memory_space<vmem>>) offsets(%dma_start3A_651 : memref<128xi32, #tpu.memory_space<vmem>>) semaphore(%dma_start3A_656 : memref<!tpu.dma_semaphore, #tpu.memory_space<semaphore_mem>>)
      } else {
      }
      %add3A_616 = arith.constant 7 : i32
      %add3A_617 = arith.addi %mul3A_190, %add3A_616 : i32
      %add3A_618 = arith.constant 8 : i32
      %add3A_619 = arith.addi %add3A_617, %add3A_618 : i32
      %min3A_620 = arith.constant 79 : i32
      %min3A_621 = arith.minsi %add3A_619, %min3A_620 : i32
      %dma_wait3A_622 = arith.constant 7 : i32
      %dma_wait3A_623 = arith.constant 7 : i32
      %dma_wait3A_624 = arith.constant 0 : i32
      %dma_wait3A_625 = arith.constant 0 : i32
      %dma_wait3A_626 = tpu.memref_slice %arg9[%dma_wait3A_622, %dma_wait3A_624, %dma_wait3A_625] : memref<8x128x48xf32, #tpu.memory_space<vmem>> -> memref<1x128x48xf32, #tpu.memory_space<vmem>>
      %dma_wait3A_627 = tpu.memref_squeeze %dma_wait3A_626 : memref<1x128x48xf32, #tpu.memory_space<vmem>> -> memref<128x48xf32, #tpu.memory_space<vmem>>
      %dma_wait3A_628 = arith.constant 0 : i32
      %dma_wait3A_629 = tpu.memref_slice %arg8[%add3A_617, %dma_wait3A_628] : memref<80x128xi32, #tpu.memory_space<vmem>> -> memref<1x128xi32, #tpu.memory_space<vmem>>
      %dma_wait3A_630 = tpu.memref_squeeze %dma_wait3A_629 : memref<1x128xi32, #tpu.memory_space<vmem>> -> memref<128xi32, #tpu.memory_space<vmem>>
      %dma_wait3A_631 = arith.constant 0 : i32
      %dma_wait3A_632 = arith.constant 0 : i32
      %dma_wait3A_633 = tpu.memref_slice %arg10[%dma_wait3A_631, %dma_wait3A_632] : memref<10240x48xf32, #tpu.memory_space<vmem_shared>> -> memref<10240x48xf32, #tpu.memory_space<vmem_shared>>
      %dma_wait3A_634 = tpu.memref_slice %arg13[%dma_wait3A_623] : memref<8x!tpu.dma_semaphore, #tpu.memory_space<semaphore_mem>> -> memref<1x!tpu.dma_semaphore, #tpu.memory_space<semaphore_mem>>
      %dma_wait3A_635 = tpu.memref_squeeze %dma_wait3A_634 : memref<1x!tpu.dma_semaphore, #tpu.memory_space<semaphore_mem>> -> memref<!tpu.dma_semaphore, #tpu.memory_space<semaphore_mem>>
      tpu.wait_indirect_dma semaphore(%dma_wait3A_635 : memref<!tpu.dma_semaphore, #tpu.memory_space<semaphore_mem>>) src(%dma_wait3A_627 : memref<128x48xf32, #tpu.memory_space<vmem>>) dst(%dma_wait3A_633 : memref<10240x48xf32, #tpu.memory_space<vmem_shared>>)
      %add3A_636 = arith.constant 1 : i32
      %add3A_637 = arith.addi %scan3A_188, %add3A_636 : i32
      %lt3A_638 = arith.constant 10 : i32
      %lt3A_639 = arith.cmpi slt, %add3A_637, %lt3A_638 : i32
      %convert_element_type3A_640 = arith.extui %lt3A_639 : i1 to i32
      %cond3A_641 = arith.constant 0 : i32
      %cond3A_642 = arith.cmpi ne, %convert_element_type3A_640, %cond3A_641 : i32
      scf.if %cond3A_642 {
        %dma_start3A_643 = arith.constant 7 : i32
        %dma_start3A_644 = arith.constant 7 : i32
        %dma_start3A_645 = arith.constant 0 : i32
        %dma_start3A_646 = arith.constant 0 : i32
        %dma_start3A_647 = tpu.memref_slice %arg9[%dma_start3A_643, %dma_start3A_645, %dma_start3A_646] : memref<8x128x48xf32, #tpu.memory_space<vmem>> -> memref<1x128x48xf32, #tpu.memory_space<vmem>>
        %dma_start3A_648 = tpu.memref_squeeze %dma_start3A_647 : memref<1x128x48xf32, #tpu.memory_space<vmem>> -> memref<128x48xf32, #tpu.memory_space<vmem>>
        %dma_start3A_649 = arith.constant 0 : i32
        %dma_start3A_650 = tpu.memref_slice %arg7[%min3A_621, %dma_start3A_649] : memref<80x128xi32, #tpu.memory_space<vmem>> -> memref<1x128xi32, #tpu.memory_space<vmem>>
        %dma_start3A_651 = tpu.memref_squeeze %dma_start3A_650 : memref<1x128xi32, #tpu.memory_space<vmem>> -> memref<128xi32, #tpu.memory_space<vmem>>
        %dma_start3A_652 = arith.constant 0 : i32
        %dma_start3A_653 = arith.constant 0 : i32
        %dma_start3A_654 = tpu.memref_slice %arg11[%dma_start3A_652, %dma_start3A_653] : memref<10240x48xf32, #tpu.memory_space<vmem_shared>> -> memref<10240x48xf32, #tpu.memory_space<vmem_shared>>
        %dma_start3A_655 = tpu.memref_slice %arg12[%dma_start3A_644] : memref<8x!tpu.dma_semaphore, #tpu.memory_space<semaphore_mem>> -> memref<1x!tpu.dma_semaphore, #tpu.memory_space<semaphore_mem>>
        %dma_start3A_656 = tpu.memref_squeeze %dma_start3A_655 : memref<1x!tpu.dma_semaphore, #tpu.memory_space<semaphore_mem>> -> memref<!tpu.dma_semaphore, #tpu.memory_space<semaphore_mem>>
        tpu.enqueue_indirect_dma source(%dma_start3A_654 : memref<10240x48xf32, #tpu.memory_space<vmem_shared>>) target(%dma_start3A_648 : memref<128x48xf32, #tpu.memory_space<vmem>>) offsets(%dma_start3A_651 : memref<128xi32, #tpu.memory_space<vmem>>) semaphore(%dma_start3A_656 : memref<!tpu.dma_semaphore, #tpu.memory_space<semaphore_mem>>)
      } else {
      }
    }
    %scan3A_179 = arith.constant 10 : i32
    %barrier3A_180 = arith.constant 0 : index
    tpu.barrier barrier_id(%barrier3A_180)
    %mul3A_181 = arith.constant 640 : i32
    %mul3A_182 = arith.muli %arg1, %mul3A_181 : i32
    %mul3A_183 = arith.constant 10240 : i32
    %mul3A_184 = arith.muli %arg0, %mul3A_183 : i32
    %mul3A_185 = arith.constant 640 : i32
    %mul3A_186 = arith.muli %arg1, %mul3A_185 : i32
    %add3A_187 = arith.addi %mul3A_184, %mul3A_186 : i32
    "tpu.region"() ({
      %run_scoped3A = tpu.sem_alloc : memref<!tpu.dma_semaphore, #tpu.memory_space<semaphore_mem>>
      %dma_start3A_188 = arith.constant 0 : i32
      %dma_start3A_189 = tpu.memref_slice %arg6[%add3A_187, %dma_start3A_188] : memref<20480x48xf32, #tpu.memory_space<hbm>> -> memref<640x48xf32, #tpu.memory_space<hbm>>
      %dma_start3A_190 = arith.constant 0 : i32
      %dma_start3A_191 = tpu.memref_slice %arg10[%mul3A_182, %dma_start3A_190] : memref<10240x48xf32, #tpu.memory_space<vmem_shared>> -> memref<640x48xf32, #tpu.memory_space<vmem_shared>>
      tpu.enqueue_dma source(%dma_start3A_191 : memref<640x48xf32, #tpu.memory_space<vmem_shared>>) target(%dma_start3A_189 : memref<640x48xf32, #tpu.memory_space<hbm>>) target_semaphore(%run_scoped3A : memref<!tpu.dma_semaphore, #tpu.memory_space<semaphore_mem>>)
      %dma_wait3A_192 = arith.constant 0 : i32
      %dma_wait3A_193 = tpu.memref_slice %arg6[%add3A_187, %dma_wait3A_192] : memref<20480x48xf32, #tpu.memory_space<hbm>> -> memref<640x48xf32, #tpu.memory_space<hbm>>
      %dma_wait3A_194 = arith.constant 0 : i32
      %dma_wait3A_195 = tpu.memref_slice %arg10[%mul3A_182, %dma_wait3A_194] : memref<10240x48xf32, #tpu.memory_space<vmem_shared>> -> memref<640x48xf32, #tpu.memory_space<vmem_shared>>
      tpu.wait_dma2 semaphore(%run_scoped3A : memref<!tpu.dma_semaphore, #tpu.memory_space<semaphore_mem>>) src(%dma_wait3A_195 : memref<640x48xf32, #tpu.memory_space<vmem_shared>>) dst(%dma_wait3A_193 : memref<640x48xf32, #tpu.memory_space<hbm>>)
      tpu.yield
    }) : () -> ()
    return
  }
}

module attributes {stable_mosaic.version = 14 : i64} {
  func.func @_xw_body(%arg0: i32, %arg1: memref<1024x128xf32, #tpu.memory_space<vmem>>, %arg2: memref<128x48xf32, #tpu.memory_space<vmem>>, %arg3: memref<1024x48xf32, #tpu.memory_space<vmem>>) attributes {dimension_semantics = [#tpu.dimension_semantics<arbitrary>], iteration_bounds = array<i64: 10>, scalar_prefetch = 0 : i64, scratch_operands = 0 : i64, tpu.core_type = #tpu.core_type<tc>, window_params = [{transform_indices = @transform_0, window_bounds = array<i64: 1024, 128>}, {pipeline_mode = #tpu.pipeline_mode<synchronous>, transform_indices = @transform_1, window_bounds = array<i64: 128, 48>}, {transform_indices = @transform_2, window_bounds = array<i64: 1024, 48>}]} {
    %get3A = arith.constant 0 : index
    %get3A_0 = arith.constant 0 : index
    %get3A_1 = vector.load %arg1[%get3A, %get3A_0] : memref<1024x128xf32, #tpu.memory_space<vmem>>, vector<1024x128xf32>
    %get3A_2 = arith.constant 0 : index
    %get3A_3 = arith.constant 0 : index
    %get3A_4 = vector.load %arg2[%get3A_2, %get3A_3] : memref<128x48xf32, #tpu.memory_space<vmem>>, vector<128x48xf32>
    %dot_general3A = arith.constant dense<0.000000e+00> : vector<1024x48xf32>
    %dot_general3A_5 = tpu.matmul %get3A_1, %get3A_4, %dot_general3A {dimension_numbers = #tpu.dot_dimension_numbers<[1], [0], [0], [1], [0, 0, 1, 1], [], []>, transpose_lhs_hint = false} : vector<1024x128xf32>, vector<128x48xf32>, vector<1024x48xf32> -> vector<1024x48xf32>
    %swap3A = arith.constant 0 : index
    %swap3A_6 = arith.constant 0 : index
    %swap3A_7 = vector.load %arg3[%swap3A, %swap3A_6] : memref<1024x48xf32, #tpu.memory_space<vmem>>, vector<1024x48xf32>
    tpu.vector_store %arg3[%swap3A, %swap3A_6], %dot_general3A_5 {strides = array<i32>} : memref<1024x48xf32, #tpu.memory_space<vmem>>, vector<1024x48xf32>,
    return
  }
  func.func @transform_0(%arg0: i32) -> (i32, i32) {
    %c0_i32 = arith.constant 0 : i32
    %c0_i32_0 = arith.constant 0 : i32
    return %arg0, %c0_i32 : i32, i32
  }
  func.func @transform_1(%arg0: i32) -> (i32, i32) {
    %c0_i32 = arith.constant 0 : i32
    %c0_i32_0 = arith.constant 0 : i32
    %c0_i32_1 = arith.constant 0 : i32
    return %c0_i32, %c0_i32_0 : i32, i32
  }
  func.func @transform_2(%arg0: i32) -> (i32, i32) {
    %c0_i32 = arith.constant 0 : i32
    %c0_i32_0 = arith.constant 0 : i32
    return %arg0, %c0_i32 : i32, i32
  }
}

module attributes {stable_mosaic.version = 14 : i64} {
  func.func @_scale_body(%arg0: i32, %arg1: memref<1024x48xf32, #tpu.memory_space<vmem>>, %arg2: memref<1024x16xf32, #tpu.memory_space<vmem>>, %arg3: memref<1024x16xf32, #tpu.memory_space<vmem>>, %arg4: memref<1024x48xf32, #tpu.memory_space<vmem>>) attributes {dimension_semantics = [#tpu.dimension_semantics<arbitrary>], iteration_bounds = array<i64: 10>, scalar_prefetch = 0 : i64, scratch_operands = 0 : i64, tpu.core_type = #tpu.core_type<tc>, window_params = [{transform_indices = @transform_0, window_bounds = array<i64: 1024, 48>}, {transform_indices = @transform_1, window_bounds = array<i64: 1024, 16>}, {transform_indices = @transform_2, window_bounds = array<i64: 1024, 16>}, {transform_indices = @transform_3, window_bounds = array<i64: 1024, 48>}]} {
    %get3A = arith.constant 0 : index
    %get3A_0 = arith.constant 0 : index
    %get3A_1 = vector.load %arg1[%get3A, %get3A_0] : memref<1024x48xf32, #tpu.memory_space<vmem>>, vector<1024x48xf32>
    %get3A_2 = arith.constant 0 : index
    %get3A_3 = arith.constant 0 : index
    %get3A_4 = vector.load %arg2[%get3A_2, %get3A_3] : memref<1024x16xf32, #tpu.memory_space<vmem>>, vector<1024x1xf32>
    %get3A_5 = arith.constant 0 : index
    %get3A_6 = arith.constant 0 : index
    %get3A_7 = vector.load %arg3[%get3A_5, %get3A_6] : memref<1024x16xf32, #tpu.memory_space<vmem>>, vector<1024x1xf32>
    %add3A = arith.addf %get3A_4, %get3A_7 : vector<1024x1xf32>
    %add3A_8 = arith.constant 1.000000e+00 : f32
    %add3A_9 = vector.broadcast %add3A_8 : f32 to vector<1024x1xf32>
    %add3A_10 = arith.addf %add3A, %add3A_9 : vector<1024x1xf32>
    %rsqrt3A = math.rsqrt %add3A_10 : vector<1024x1xf32>
    %mul3A = vector.broadcast %rsqrt3A : vector<1024x1xf32> to vector<1024x48xf32>
    %mul3A_11 = arith.mulf %get3A_1, %mul3A : vector<1024x48xf32>
    %swap3A = arith.constant 0 : index
    %swap3A_12 = arith.constant 0 : index
    %swap3A_13 = vector.load %arg4[%swap3A, %swap3A_12] : memref<1024x48xf32, #tpu.memory_space<vmem>>, vector<1024x48xf32>
    tpu.vector_store %arg4[%swap3A, %swap3A_12], %mul3A_11 {strides = array<i32>} : memref<1024x48xf32, #tpu.memory_space<vmem>>, vector<1024x48xf32>,
    return
  }
  func.func @transform_0(%arg0: i32) -> (i32, i32) {
    %c0_i32 = arith.constant 0 : i32
    %c0_i32_0 = arith.constant 0 : i32
    return %arg0, %c0_i32 : i32, i32
  }
  func.func @transform_1(%arg0: i32) -> (i32, i32) {
    %c0_i32 = arith.constant 0 : i32
    %c0_i32_0 = arith.constant 0 : i32
    return %arg0, %c0_i32 : i32, i32
  }
  func.func @transform_2(%arg0: i32) -> (i32, i32) {
    %add3A = arith.constant 10 : i32
    %add3A_0 = arith.addi %arg0, %add3A : i32
    %c0_i32 = arith.constant 0 : i32
    %c0_i32_1 = arith.constant 0 : i32
    return %add3A_0, %c0_i32 : i32, i32
  }
  func.func @transform_3(%arg0: i32) -> (i32, i32) {
    %c0_i32 = arith.constant 0 : i32
    %c0_i32_0 = arith.constant 0 : i32
    return %arg0, %c0_i32 : i32, i32
  }
}

module attributes {stable_mosaic.version = 14 : i64} {
  func.func @_mid_body(%arg0: i32, %arg1: memref<1024x48xf32, #tpu.memory_space<vmem>>, %arg2: memref<1024x48xf32, #tpu.memory_space<vmem>>, %arg3: memref<1024x48xf32, #tpu.memory_space<vmem>>, %arg4: memref<1024x16xf32, #tpu.memory_space<vmem>>, %arg5: memref<1024x16xf32, #tpu.memory_space<vmem>>, %arg6: memref<1x48xf32, #tpu.memory_space<vmem>>, %arg7: memref<48x48xf32, #tpu.memory_space<vmem>>, %arg8: memref<1024x48xf32, #tpu.memory_space<vmem>>) attributes {dimension_semantics = [#tpu.dimension_semantics<arbitrary>], iteration_bounds = array<i64: 10>, scalar_prefetch = 0 : i64, scratch_operands = 0 : i64, tpu.core_type = #tpu.core_type<tc>, window_params = [{transform_indices = @transform_0, window_bounds = array<i64: 1024, 48>}, {transform_indices = @transform_1, window_bounds = array<i64: 1024, 48>}, {transform_indices = @transform_2, window_bounds = array<i64: 1024, 48>}, {transform_indices = @transform_3, window_bounds = array<i64: 1024, 16>}, {transform_indices = @transform_4, window_bounds = array<i64: 1024, 16>}, {pipeline_mode = #tpu.pipeline_mode<synchronous>, transform_indices = @transform_5, window_bounds = array<i64: 1, 48>}, {pipeline_mode = #tpu.pipeline_mode<synchronous>, transform_indices = @transform_6, window_bounds = array<i64: 48, 48>}, {transform_indices = @transform_7, window_bounds = array<i64: 1024, 48>}]} {
    %get3A = arith.constant 0 : index
    %get3A_0 = arith.constant 0 : index
    %get3A_1 = vector.load %arg4[%get3A, %get3A_0] : memref<1024x16xf32, #tpu.memory_space<vmem>>, vector<1024x1xf32>
    %get3A_2 = arith.constant 0 : index
    %get3A_3 = arith.constant 0 : index
    %get3A_4 = vector.load %arg5[%get3A_2, %get3A_3] : memref<1024x16xf32, #tpu.memory_space<vmem>>, vector<1024x1xf32>
    %add3A = arith.addf %get3A_1, %get3A_4 : vector<1024x1xf32>
    %add3A_5 = arith.constant 1.000000e+00 : f32
    %add3A_6 = vector.broadcast %add3A_5 : f32 to vector<1024x1xf32>
    %add3A_7 = arith.addf %add3A, %add3A_6 : vector<1024x1xf32>
    %rsqrt3A = math.rsqrt %add3A_7 : vector<1024x1xf32>
    %get3A_8 = arith.constant 0 : index
    %get3A_9 = arith.constant 0 : index
    %get3A_10 = vector.load %arg1[%get3A_8, %get3A_9] : memref<1024x48xf32, #tpu.memory_space<vmem>>, vector<1024x48xf32>
    %get3A_11 = arith.constant 0 : index
    %get3A_12 = arith.constant 0 : index
    %get3A_13 = vector.load %arg2[%get3A_11, %get3A_12] : memref<1024x48xf32, #tpu.memory_space<vmem>>, vector<1024x48xf32>
    %add3A_14 = arith.addf %get3A_10, %get3A_13 : vector<1024x48xf32>
    %get3A_15 = arith.constant 0 : index
    %get3A_16 = arith.constant 0 : index
    %get3A_17 = vector.load %arg3[%get3A_15, %get3A_16] : memref<1024x48xf32, #tpu.memory_space<vmem>>, vector<1024x48xf32>
    %add3A_18 = arith.addf %add3A_14, %get3A_17 : vector<1024x48xf32>
    %mul3A = vector.broadcast %rsqrt3A : vector<1024x1xf32> to vector<1024x48xf32>
    %mul3A_19 = arith.mulf %add3A_18, %mul3A : vector<1024x48xf32>
    %get3A_20 = arith.constant 0 : index
    %get3A_21 = arith.constant 0 : index
    %get3A_22 = vector.load %arg6[%get3A_20, %get3A_21] : memref<1x48xf32, #tpu.memory_space<vmem>>, vector<1x48xf32>
    %add3A_23 = vector.broadcast %get3A_22 : vector<1x48xf32> to vector<1024x48xf32>
    %add3A_24 = arith.addf %mul3A_19, %add3A_23 : vector<1024x48xf32>
    %max3A = arith.constant 0.000000e+00 : f32
    %max3A_25 = vector.broadcast %max3A : f32 to vector<1024x48xf32>
    %max3A_26 = arith.maximumf %add3A_24, %max3A_25 : vector<1024x48xf32>
    %get3A_27 = arith.constant 0 : index
    %get3A_28 = arith.constant 0 : index
    %get3A_29 = vector.load %arg7[%get3A_27, %get3A_28] : memref<48x48xf32, #tpu.memory_space<vmem>>, vector<48x48xf32>
    %dot_general3A = arith.constant dense<0.000000e+00> : vector<1024x48xf32>
    %dot_general3A_30 = tpu.matmul %max3A_26, %get3A_29, %dot_general3A {dimension_numbers = #tpu.dot_dimension_numbers<[1], [0], [0], [1], [0, 0, 1, 1], [], []>, transpose_lhs_hint = false} : vector<1024x48xf32>, vector<48x48xf32>, vector<1024x48xf32> -> vector<1024x48xf32>
    %mul3A_31 = vector.broadcast %rsqrt3A : vector<1024x1xf32> to vector<1024x48xf32>
    %mul3A_32 = arith.mulf %dot_general3A_30, %mul3A_31 : vector<1024x48xf32>
    %swap3A = arith.constant 0 : index
    %swap3A_33 = arith.constant 0 : index
    %swap3A_34 = vector.load %arg8[%swap3A, %swap3A_33] : memref<1024x48xf32, #tpu.memory_space<vmem>>, vector<1024x48xf32>
    tpu.vector_store %arg8[%swap3A, %swap3A_33], %mul3A_32 {strides = array<i32>} : memref<1024x48xf32, #tpu.memory_space<vmem>>, vector<1024x48xf32>,
    return
  }
  func.func @transform_0(%arg0: i32) -> (i32, i32) {
    %c0_i32 = arith.constant 0 : i32
    %c0_i32_0 = arith.constant 0 : i32
    return %arg0, %c0_i32 : i32, i32
  }
  func.func @transform_1(%arg0: i32) -> (i32, i32) {
    %add3A = arith.constant 10 : i32
    %add3A_0 = arith.addi %arg0, %add3A : i32
    %c0_i32 = arith.constant 0 : i32
    %c0_i32_1 = arith.constant 0 : i32
    return %add3A_0, %c0_i32 : i32, i32
  }
  func.func @transform_2(%arg0: i32) -> (i32, i32) {
    %c0_i32 = arith.constant 0 : i32
    %c0_i32_0 = arith.constant 0 : i32
    return %arg0, %c0_i32 : i32, i32
  }
  func.func @transform_3(%arg0: i32) -> (i32, i32) {
    %c0_i32 = arith.constant 0 : i32
    %c0_i32_0 = arith.constant 0 : i32
    return %arg0, %c0_i32 : i32, i32
  }
  func.func @transform_4(%arg0: i32) -> (i32, i32) {
    %add3A = arith.constant 10 : i32
    %add3A_0 = arith.addi %arg0, %add3A : i32
    %c0_i32 = arith.constant 0 : i32
    %c0_i32_1 = arith.constant 0 : i32
    return %add3A_0, %c0_i32 : i32, i32
  }
  func.func @transform_5(%arg0: i32) -> (i32, i32) {
    %c0_i32 = arith.constant 0 : i32
    %c0_i32_0 = arith.constant 0 : i32
    %c0_i32_1 = arith.constant 0 : i32
    return %c0_i32, %c0_i32_0 : i32, i32
  }
  func.func @transform_6(%arg0: i32) -> (i32, i32) {
    %c0_i32 = arith.constant 0 : i32
    %c0_i32_0 = arith.constant 0 : i32
    %c0_i32_1 = arith.constant 0 : i32
    return %c0_i32, %c0_i32_0 : i32, i32
  }
  func.func @transform_7(%arg0: i32) -> (i32, i32) {
    %c0_i32 = arith.constant 0 : i32
    %c0_i32_0 = arith.constant 0 : i32
    return %arg0, %c0_i32 : i32, i32
  }
}

module attributes {stable_mosaic.version = 14 : i64} {
  func.func @_out_body(%arg0: i32, %arg1: memref<1024x48xf32, #tpu.memory_space<vmem>>, %arg2: memref<1024x48xf32, #tpu.memory_space<vmem>>, %arg3: memref<1024x48xf32, #tpu.memory_space<vmem>>, %arg4: memref<1024x16xf32, #tpu.memory_space<vmem>>, %arg5: memref<1024x16xf32, #tpu.memory_space<vmem>>, %arg6: memref<1x48xf32, #tpu.memory_space<vmem>>, %arg7: memref<1024x48xf32, #tpu.memory_space<vmem>>) attributes {dimension_semantics = [#tpu.dimension_semantics<arbitrary>], iteration_bounds = array<i64: 10>, scalar_prefetch = 0 : i64, scratch_operands = 0 : i64, tpu.core_type = #tpu.core_type<tc>, window_params = [{transform_indices = @transform_0, window_bounds = array<i64: 1024, 48>}, {transform_indices = @transform_1, window_bounds = array<i64: 1024, 48>}, {transform_indices = @transform_2, window_bounds = array<i64: 1024, 48>}, {transform_indices = @transform_3, window_bounds = array<i64: 1024, 16>}, {transform_indices = @transform_4, window_bounds = array<i64: 1024, 16>}, {pipeline_mode = #tpu.pipeline_mode<synchronous>, transform_indices = @transform_5, window_bounds = array<i64: 1, 48>}, {transform_indices = @transform_6, window_bounds = array<i64: 1024, 48>}]} {
    %get3A = arith.constant 0 : index
    %get3A_0 = arith.constant 0 : index
    %get3A_1 = vector.load %arg4[%get3A, %get3A_0] : memref<1024x16xf32, #tpu.memory_space<vmem>>, vector<1024x1xf32>
    %get3A_2 = arith.constant 0 : index
    %get3A_3 = arith.constant 0 : index
    %get3A_4 = vector.load %arg5[%get3A_2, %get3A_3] : memref<1024x16xf32, #tpu.memory_space<vmem>>, vector<1024x1xf32>
    %add3A = arith.addf %get3A_1, %get3A_4 : vector<1024x1xf32>
    %add3A_5 = arith.constant 1.000000e+00 : f32
    %add3A_6 = vector.broadcast %add3A_5 : f32 to vector<1024x1xf32>
    %add3A_7 = arith.addf %add3A, %add3A_6 : vector<1024x1xf32>
    %rsqrt3A = math.rsqrt %add3A_7 : vector<1024x1xf32>
    %get3A_8 = arith.constant 0 : index
    %get3A_9 = arith.constant 0 : index
    %get3A_10 = vector.load %arg1[%get3A_8, %get3A_9] : memref<1024x48xf32, #tpu.memory_space<vmem>>, vector<1024x48xf32>
    %get3A_11 = arith.constant 0 : index
    %get3A_12 = arith.constant 0 : index
    %get3A_13 = vector.load %arg2[%get3A_11, %get3A_12] : memref<1024x48xf32, #tpu.memory_space<vmem>>, vector<1024x48xf32>
    %add3A_14 = arith.addf %get3A_10, %get3A_13 : vector<1024x48xf32>
    %get3A_15 = arith.constant 0 : index
    %get3A_16 = arith.constant 0 : index
    %get3A_17 = vector.load %arg3[%get3A_15, %get3A_16] : memref<1024x48xf32, #tpu.memory_space<vmem>>, vector<1024x48xf32>
    %add3A_18 = arith.addf %add3A_14, %get3A_17 : vector<1024x48xf32>
    %mul3A = vector.broadcast %rsqrt3A : vector<1024x1xf32> to vector<1024x48xf32>
    %mul3A_19 = arith.mulf %add3A_18, %mul3A : vector<1024x48xf32>
    %get3A_20 = arith.constant 0 : index
    %get3A_21 = arith.constant 0 : index
    %get3A_22 = vector.load %arg6[%get3A_20, %get3A_21] : memref<1x48xf32, #tpu.memory_space<vmem>>, vector<1x48xf32>
    %add3A_23 = vector.broadcast %get3A_22 : vector<1x48xf32> to vector<1024x48xf32>
    %add3A_24 = arith.addf %mul3A_19, %add3A_23 : vector<1024x48xf32>
    %iota3A = tpu.iota {dimensions = array<i32: 1>} : vector<1024x48xi32>
    %lt3A = arith.constant 40 : i32
    %lt3A_25 = vector.broadcast %lt3A : i32 to vector<1024x48xi32>
    %lt3A_26 = arith.cmpi slt, %iota3A, %lt3A_25 : vector<1024x48xi32>
    %jit3A = arith.constant 0xFF800000 : f32
    %broadcast_in_dim3A = vector.broadcast %jit3A : f32 to vector<1024x48xf32>
    %select_n3A = arith.select %lt3A_26, %add3A_24, %broadcast_in_dim3A : vector<1024x48xi1>, vector<1024x48xf32>
    %reduce_max3A = arith.constant dense<0xFF800000> : vector<1024xf32>
    %reduce_max3A_27 = vector.multi_reduction <maximumf>, %select_n3A, %reduce_max3A [1] : vector<1024x48xf32> to vector<1024xf32>
    %broadcast_in_dim3A_28 = vector.shape_cast %reduce_max3A_27 : vector<1024xf32> to vector<1024x1xf32>
    %sub3A = vector.broadcast %broadcast_in_dim3A_28 : vector<1024x1xf32> to vector<1024x48xf32>
    %sub3A_29 = arith.subf %select_n3A, %sub3A : vector<1024x48xf32>
    %exp3A = math.exp %sub3A_29 : vector<1024x48xf32>
    %reduce_sum3A = arith.constant dense<0.000000e+00> : vector<1024xf32>
    %reduce_sum3A_30 = vector.multi_reduction <add>, %exp3A, %reduce_sum3A [1] : vector<1024x48xf32> to vector<1024xf32>
    %broadcast_in_dim3A_31 = vector.shape_cast %reduce_sum3A_30 : vector<1024xf32> to vector<1024x1xf32>
    %div3A = vector.broadcast %broadcast_in_dim3A_31 : vector<1024x1xf32> to vector<1024x48xf32>
    %div3A_32 = arith.divf %exp3A, %div3A : vector<1024x48xf32>
    %swap3A = arith.constant 0 : index
    %swap3A_33 = arith.constant 0 : index
    %swap3A_34 = vector.load %arg7[%swap3A, %swap3A_33] : memref<1024x48xf32, #tpu.memory_space<vmem>>, vector<1024x48xf32>
    tpu.vector_store %arg7[%swap3A, %swap3A_33], %div3A_32 {strides = array<i32>} : memref<1024x48xf32, #tpu.memory_space<vmem>>, vector<1024x48xf32>,
    return
  }
  func.func @transform_0(%arg0: i32) -> (i32, i32) {
    %c0_i32 = arith.constant 0 : i32
    %c0_i32_0 = arith.constant 0 : i32
    return %arg0, %c0_i32 : i32, i32
  }
  func.func @transform_1(%arg0: i32) -> (i32, i32) {
    %add3A = arith.constant 10 : i32
    %add3A_0 = arith.addi %arg0, %add3A : i32
    %c0_i32 = arith.constant 0 : i32
    %c0_i32_1 = arith.constant 0 : i32
    return %add3A_0, %c0_i32 : i32, i32
  }
  func.func @transform_2(%arg0: i32) -> (i32, i32) {
    %c0_i32 = arith.constant 0 : i32
    %c0_i32_0 = arith.constant 0 : i32
    return %arg0, %c0_i32 : i32, i32
  }
  func.func @transform_3(%arg0: i32) -> (i32, i32) {
    %c0_i32 = arith.constant 0 : i32
    %c0_i32_0 = arith.constant 0 : i32
    return %arg0, %c0_i32 : i32, i32
  }
  func.func @transform_4(%arg0: i32) -> (i32, i32) {
    %add3A = arith.constant 10 : i32
    %add3A_0 = arith.addi %arg0, %add3A : i32
    %c0_i32 = arith.constant 0 : i32
    %c0_i32_1 = arith.constant 0 : i32
    return %add3A_0, %c0_i32 : i32, i32
  }
  func.func @transform_5(%arg0: i32) -> (i32, i32) {
    %c0_i32 = arith.constant 0 : i32
    %c0_i32_0 = arith.constant 0 : i32
    %c0_i32_1 = arith.constant 0 : i32
    return %c0_i32, %c0_i32_0 : i32, i32
  }
  func.func @transform_6(%arg0: i32) -> (i32, i32) {
    %c0_i32 = arith.constant 0 : i32
    %c0_i32_0 = arith.constant 0 : i32
    return %arg0, %c0_i32 : i32, i32
  }
}

</mosaic_0001>

<sc_bundles>
// kernel: kernel.11.cloned.1.call-start
scs
__scs_entry_jumppad:
0x0: {  	(pc) =	sbr.rel $0x88, $3  }
0x1: {  	(tag) =	ssettag $0x0;
	lr =	simm.s32 $0x1  }
0x2: {  	[smem:$0x3F99] =	sst lr;
	_ =	strace $0xD0000000  }
0x3: {  	_ = 	snop  }
0x4: {  	_ = 	snop  }
0x5: {  	_ = 	snop  }
0x6: {  	_ = 	snop  }
0x7: {  	_ = 	snop  }
__scs_overlays_trampoline_lowered:
0x8: {  	[smem:$0x3FA8] =	sst s0  }
0x9: {  	[smem:$0x3FA9] =	sst s1  }
0xa: {  	[smem:$0x3FAA] =	sst s2  }
0xb: {  	[smem:$0x3FAB] =	sst s3  }
0xc: {  	[smem:$0x3FAC] =	sst s4  }
0xd: {  	[smem:$0x3FAD] =	sst s5  }
0xe: {  	[smem:$0x3FAE] =	sst s6  }
0xf: {  	[smem:$0x3FAF] =	sst s7  }
0x10: {  	[smem:$0x3FB0] =	sst s8  }
0x11: {  	[smem:$0x3FB1] =	sst s9;
	s0 =	simm.s32 @!p0 $0x0  }
0x12: {  	s1 =	sld [smem:$0x3F97];
	s0 =	simm.s32 @p0 $0x1  }
0x13: {  	[smem:$0x3FB2] =	sst s0;
	s0 =	simm.s32 @!p1 $0x0  }
0x14: {  	s2 =	sld [smem:$0x3F96];
	s0 =	simm.s32 @p1 $0x1  }
0x15: {  	[smem:$0x3FB3] =	sst s0;
	s0 =	simm.s32 @!p2 $0x0  }
0x16: {  	s3 =	sld [smem:$0x3FDB];
	s0 =	simm.s32 @p2 $0x1  }
0x17: {  	s4 =	simm.s32 $0x1BF5;
	[smem:$0x3FB5] =	sst s0  }
0x18: {  	s0 =	sld [smem:$0x3F98];
	_ =	swait.ge [sflag:s4], $0x0  }
0x19: {  	s7 =	sld [smem:$0x3F99]  }
0x1a: {  	s8 =	sadd.s32 $0xFFFFE003, lr  }
0x1b: {  	s9 =	sadd.s32 $0xFFFFFEF7, lr;
	s5 =	simm.s32 $0xFFFFFFFF;
	p2 =	slt.u32 s8, $0xFFFFF086  }
0x1c: {  	p1 =	slt.u32 s9, $0xF7A;
	s5 =	simm.s32 @!p2 $0x0  }
0x1d: {  	s5 =	simm.s32 @p1 $0x1;
	p0 =	seq.s32 s7, s2  }
0x1e: {  	s7 =	smul.u32 @!p0 $0xF7A, s2;
	p2 =	seq.s32 @!p0 s5, $0x0  }
0x1f: {  	s9 =	smul.u32 $0xF7A, s1;
	s8 =	simm.s32 @!p0 $0x1BF5;
	p2 =	por !p2, p0  }
0x20: {  	[sflag:s8] =	ssyncset.s32 @!p0 $0xFFFFF086;
	s6 =	sadd.s32 @!p0 s3, s7;
	s7 =	simm.s32 @!p0 $0x108  }
0x21: {  	s3 =	sadd.s32 s3, s9;
	s6 =	sadd.s32 @!p0 $0x88, s6;
	s7 =	simm.s32 @p2 $0x1082  }
0x22: {  	[simem:s7], [sflag:s8] =	dma.local @!p0 [hbm:s6], $0xF7A  }
0x23: {  	s9 =	sor.u32 $0xD0000000, s2;
	s6 =	simm.s32 $0x108;
	_ =	swait.ge @!p0 [sflag:s8], $0x0  }
0x24: {  	s3 =	sadd.s32 $0x88, s3;
	s6 =	simm.s32 @!p1 $0x1082;
	[sflag:s4] =	ssyncset.s32 $0xFFFFF086  }
0x25: {  	[simem:s6], [sflag:s4] =	dma.local [hbm:s3], $0xF7A  }
0x26: {  	[smem:$0x3F99] =	sst s1;
	(tag) =	ssettag s2;
	_ =	strace s9  }
0x27: {  	s1 =	sld [smem:$0x3FA9]  }
0x28: {  	s2 =	sld [smem:$0x3FAA]  }
0x29: {  	s4 =	sld [smem:$0x3FAC]  }
0x2a: {  	p0 =	seq.s32 s5, $0x0;
	s5 =	sld [smem:$0x3FAD]  }
0x2b: {  	s6 =	sld [smem:$0x3FAE]  }
0x2c: {  	s7 =	sld [smem:$0x3FAF]  }
0x2d: {  	s3 =	simm.s32 $0x108;
	s8 =	sld [smem:$0x3FB0]  }
0x2e: {  	s3 =	simm.s32 @!p0 $0x1082;
	s9 =	sld [smem:$0x3FB1]  }
0x2f: {  	lr =	sadd.s32 s0, s3;
	s0 =	sld [smem:$0x3FA8]  }
0x30: {  	s3 =	sld [smem:$0x3FAB]  }
0x31: {  	[smem:$0x3FB4] =	sst s10  }
0x32: {  	s10 =	sld [smem:$0x3FB2];
	_ =	sdelay $0x3  }
0x33: {  	p0 =	seq.s32 s10, $0x1;
	s10 =	sld [smem:$0x3FB4];
	_ =	sdelay $0x3  }
0x34: {  	[smem:$0x3FB4] =	sst s10  }
0x35: {  	s10 =	sld [smem:$0x3FB3];
	_ =	sdelay $0x3  }
0x36: {  	p1 =	seq.s32 s10, $0x1;
	s10 =	sld [smem:$0x3FB4];
	_ =	sdelay $0x3  }
0x37: {  	[smem:$0x3FB4] =	sst s10  }
0x38: {  	s10 =	sld [smem:$0x3FB5]  }
0x39: {  	_ = 	snop;
	(pc) =	sbr.ind lr, $3  }
0x3a: {  	_ = 	snop  }
0x3b: {  	_ = 	snop  }
0x3c: {  	p2 =	seq.s32 s10, $0x1;
	s10 =	sld [smem:$0x3FB4]  }
0x3d: {  	_ =	shalt  }
0x3e: {  	_ =	shalt  }
0x3f: {  	_ =	shalt  }
0x40: {  	_ =	shalt  }
0x41: {  	_ =	shalt  }
0x42: {  	_ =	shalt  }
0x43: {  	_ =	shalt  }
0x44: {  	_ =	shalt  }
0x45: {  	_ =	shalt  }
0x46: {  	_ =	shalt  }
0x47: {  	_ =	shalt  }
0x48: {  	_ =	shalt  }
0x49: {  	_ =	shalt  }
0x4a: {  	_ =	shalt  }
0x4b: {  	_ =	shalt  }
0x4c: {  	_ =	shalt  }
0x4d: {  	_ =	shalt  }
0x4e: {  	_ =	shalt  }
0x4f: {  	_ =	shalt  }
0x50: {  	_ =	shalt  }
0x51: {  	_ =	shalt  }
0x52: {  	_ =	shalt  }
0x53: {  	_ =	shalt  }
0x54: {  	_ =	shalt  }
0x55: {  	_ =	shalt  }
0x56: {  	_ =	shalt  }
0x57: {  	_ =	shalt  }
0x58: {  	_ =	shalt  }
0x59: {  	_ =	shalt  }
0x5a: {  	_ =	shalt  }
0x5b: {  	_ =	shalt  }
0x5c: {  	_ =	shalt  }
0x5d: {  	_ =	shalt  }
0x5e: {  	_ =	shalt  }
0x5f: {  	_ =	shalt  }
0x60: {  	_ =	shalt  }
0x61: {  	_ =	shalt  }
0x62: {  	_ =	shalt  }
0x63: {  	_ =	shalt  }
0x64: {  	_ =	shalt  }
0x65: {  	_ =	shalt  }
0x66: {  	_ =	shalt  }
0x67: {  	_ =	shalt  }
0x68: {  	_ =	shalt  }
0x69: {  	_ =	shalt  }
0x6a: {  	_ =	shalt  }
0x6b: {  	_ =	shalt  }
0x6c: {  	_ =	shalt  }
0x6d: {  	_ =	shalt  }
0x6e: {  	_ =	shalt  }
0x6f: {  	_ =	shalt  }
0x70: {  	_ =	shalt  }
0x71: {  	_ =	shalt  }
0x72: {  	_ =	shalt  }
0x73: {  	_ =	shalt  }
0x74: {  	_ =	shalt  }
0x75: {  	_ =	shalt  }
0x76: {  	_ =	shalt  }
0x77: {  	_ =	shalt  }
0x78: {  	_ =	shalt  }
0x79: {  	_ =	shalt  }
0x7a: {  	_ =	shalt  }
0x7b: {  	_ =	shalt  }
0x7c: {  	_ =	shalt  }
0x7d: {  	_ =	shalt  }
0x7e: {  	_ =	shalt  }
0x7f: {  	_ =	shalt  }
0x80: {  	_ =	shalt  }
0x81: {  	_ =	shalt  }
0x82: {  	_ =	shalt  }
0x83: {  	_ =	shalt  }
0x84: {  	_ =	shalt  }
0x85: {  	_ =	shalt  }
0x86: {  	_ =	shalt  }
0x87: {  	_ =	shalt  }
.Lfunc_end0:
.L_simem_size_0:
called_computation_lowered:
.L_overlay_start_0:
0x88: {  	s2 =	sld [smem:$0x3FD9]  }
0x89: {  	s3 =	sld [smem:$0x3FFE];
	_ =	sdelay $0x1  }
0x8a: {  	s1 =	srdreg.scid  }
0x8b: {  	s0 =	sand.u32 $0x1, s1  }
0x8c: {  	s17 =	sshll.u32 s0, $0xA;
	s2 =	sadd.s32 s3, s2  }
0x8d: {  	s2 =	sadd.s32 s2, s17  }
0x8e: {  	[smem:$0x3FC0] =	sst s2  }
0x8f: {  	_ = 	snop  }
0x90: {  	s2 =	sld [smem:$0x3FD0];
	(tm) =	ssettm $0x1  }
0x91: {  	s18 =	sld [smem:$0x3FFB];
	_ =	sdelay $0x3  }
0x92: {  	_ =	strace s18  }
0x93: {  	s3 =	sld [smem:$0x3FFC];
	_ =	sdelay $0x3  }
0x94: {  	_ =	strace s3  }
0x95: {  	s3 =	sld [smem:$0x3FFD];
	_ =	sdelay $0x3  }
0x96: {  	_ =	strace s3  }
0x97: {  	_ =	strace $0x8FFFFFFF  }
0x98: {  	s19 =	sld [smem:$0x3FDB];
	_ =	sdelay $0x1  }
0x99: {  	s4 =	simm.s32 $_scs_section_size  }
0x9a: {  	s5 =	simm.s32 $_size__tile_overlayer_lowered;
	s6 =	simm.s32 $_tile_overlayer_lowered  }
0x9b: {  	s22 =	simm.s32 $0x1BFF;
	s21 =	sshll.u32 s6, $0x1;
	s3 =	sadd.s32 s4, s19  }
0x9c: {  	s7 =	simm.s32 $0x0;
	s20 =	sshll.u32 s5, $0x1;
	s5 =	sadd.s32 s21, s3  }
0x9d: {  	[timem:s7], [sflag:s22] =	dma.local [hbm:s5], s20  }
0x9e: {  	_ =	swait.ge [sflag:s22], s20  }
0x9f: {  	s4 =	ssub.s32 $0x0, s20;
	[sflag:s22] =	ssyncset.done $0x0  }
0xa0: {  	[sflag:s22] =	ssyncadd.s32 s4;
	_ =	sdelay $0x1  }
0xa1: {  	s23 =	simm.s32 $0x1B8B  }
0xa2: {  	_ =	swait.ge [sflag:s23], $0x1  }
0xa3: {  	[sflag:s23] =	ssyncset.done $0x0  }
0xa4: {  	s25 =	simm.s32 $0x1B8E;
	s24 =	sld [smem:$0x3FFE];
	[sflag:s23] =	ssyncadd.s32 $0xFFFFFFFF  }
0xa5: {  	s26 =	simm.s32 $execute0_lowered;
	[smem:$0x3FD2] =	sst s25  }
0xa6: {  	s5 =	sshll.u32 s26, $0x1;
	_ =	strace $0x80000046;
	[dreg:$0x1] =	wrdreg $0xFFFFFFFF  }
0xa7: {  	s28 =	simm.s32 $_size_execute0_lowered;
	s3 =	sadd.s32 s3, s5;
	[dreg:$0x0] =	wrdreg $0x0  }
0xa8: {  	s5 =	sshll.u32 s28, $0x1;
	[dreg:$0x2] =	wrdreg s3  }
0xa9: {  	[dreg:$0x3] =	wrdreg s5  }
0xaa: {  	[dreg:$0x4] =	wrdreg $0xC0  }
0xab: {  	_ =	task [dreg:s7], $0x5FFFF  }
0xac: {  	[dreg:$0x1] =	wrdreg $0xFFFFFFFF  }
0xad: {  	[dreg:$0x0] =	wrdreg $0x60  }
0xae: {  	[dreg:$0x2] =	wrdreg s2  }
0xaf: {  	[dreg:$0x3] =	wrdreg s24  }
0xb0: {  	[dreg:$0x4] =	wrdreg $0x30000  }
0xb1: {  	[dreg:$0x5] =	wrdreg $0x9  }
0xb2: {  	_ =	task.clear_ibuf [dreg:s7], $0x6FFFF;
	_ =	strace $0x90000046  }
0xb3: {  	s29 =	simm.s32 $0x9;
	_ =	strace $0x80000048  }
0xb4: {  	_ =	swait.ge [sflag:s29], $0x1  }
0xb5: {  	[sflag:s29] =	ssyncadd.s32 $0xFFFFFFFF  }
0xb6: {  	_ =	strace $0x90000048  }
0xb7: {  	_ =	sfence  }
0xb8: {  	s30 =	sld [smem:$0x0];
	_ =	sdelay $0x2  }
0xb9: {  	s31 =	sshll.u32 s1, $0xD;
	s1 =	sshrl.u32 s1, $0x2  }
0xba: {  	s3 =	sand.u32 $0x4000, s31;
	s1 =	sadd.s32 s1, s30  }
0xbb: {  	s0 =	sor.u32 s3, s0;
	s1 =	sshll.u32 s1, $0x11  }
0xbc: {  	s0 =	sor.u32 s1, s0  }
0xbd: {  	s0 =	sadd.s32 $0x8F2B, s0  }
0xbe: {  	[sflag:s0] =	ssyncadd.remote.s32 $0x1  }
0xbf: {  	_ =	sfence.sel $0xFFFF  }
0xc0: {  	[dreg:$0x0] =	wrdreg $0xFFFFFFFF;
	(pc) =	sbr.abs _section_cstart, $3  }
0xc1: {  	[dreg:$0x1] =	wrdreg $0xFFFFFFFF  }
0xc2: {  	_ =	task.clear_ibuf [dreg:s7], $0x2FFFF;
	_ =	strace $0x9FFFFFFF  }
0xc3: {  	(tm) =	ssettm $0x7FFFFFFF  }
tec
execute0_lowered:
.L_overlay_start_1:
0x0: {  	(tag) =	ssettag $0x1  }
0x1: {  	s7 =	rddreg [dreg:$0x0]  }
0x2: {  	s5 =	rddreg [dreg:$0x1]  }
0x3: {  	s2 =	rddreg [dreg:$0x2]  }
0x4: {  	s0 =	rddreg [dreg:$0x3]  }
0x5: {  	s1 =	stileid.u32;
	s4 =	srdreg.scid;
	s3 =	simm.s32 $0x0  }
0x6: {  	s14 =	simm.s32 $0x1;
	s15 =	simm.s32 $0x0;
	s6 =	smul.u32 $0x2800, s1  }
0x7: {  	s8 =	sand.u32 $0x1, s4;
	s9 =	smul.u32 $0x500, s1;
	[smem:$0x7FF] =	sst s3  }
0x8: {  	s4 =	sadd.s32 $0x6E00, s5;
	s12 =	sshll.u32 s1, $0x6;
	s11 =	smul.u32 $0x5000, s8  }
0x9: {  	_ =	strace $0x80000047;
	s30 =	ssub.s32 $0x2, s8;
	s8 =	sshll.u32 s8, $0x4  }
0xa: {  	s10 =	sshrl.u32 s6, $0x3;
	s31 =	sshrl.u32 s30, $0x1;
	s8 =	sor.u32 s1, s8  }
0xb: {  	s13 =	sadd.s32 s6, s2;
	s6 =	sor.u32 $0x1C02, s12;
	s12 =	simm.s32 $0x2800  }
0xc: {  	s10 =	sadd.s32 s10, s5;
	s9 =	sadd.s32 s9, s11;
	s8 =	smul.u32 $0x500, s8  }
0xd: {  	s11 =	ssub.s32 s30, s31;
	s9 =	sadd.s32 s9, s5;
	s5 =	sadd.s32 $0x1E00, s10  }
0xe: {  	s10 =	sshrl.u32 s13, $0x3;
	s13 =	simm.s32 $0x80;
	s7 =	sadd.s32 s7, s8  }
0xf: {  	s8 =	sadd.s32 $0x7000, s9;
	s9 =	smax.u32 s11, $0x1;
	s11 =	simm.s32 $0x2  }
.LBB2_1:
0x10: {  	[spmem:s10], [sflag:s6] =	dma.local [hbm:s5], $0x500  }
0x11: {  	_ =	swait.ge [sflag:s11], $0x500  }
0x12: {  	[sflag:s11] =	ssyncset.done $0x0  }
0x13: {  	[sflag:s11] =	ssyncadd.s32 $0xFFFFFB00  }
0x14: {  	[tilespmem:s12], [sflag:$0x2] =	stream.linear.gather [hbm4b:s4+s3], $0x800, $0x38;
	[tilespmem:$0x5800] =	vst v63  }
0x15: {  	_ =	swait.ge [sflag:s11], $0x800  }
0x16: {  	[sflag:s11] =	ssyncset.done $0x0  }
0x17: {  	[sflag:s11] =	ssyncadd.s32 $0xFFFFF800  }
0x18: {  	[tilespmem:s3], [sflag:$0x2] =	stream.linear.gather [hbm4b:s7+s3], $0x2800, $0x38;
	[tilespmem:$0x5800] =	vst v63  }
0x19: {  	_ =	swait.ge [sflag:s11], $0x2800  }
0x1a: {  	[sflag:s11] =	ssyncset.done $0x0  }
0x1b: {  	[sflag:s11] =	ssyncadd.s32 $0xFFFFD800  }
0x1c: {  	s16 =	simm.s32 $0x0;
	[bflag:$0x0] =	sbarrier.arrive $0xFFFF  }
.LBB2_2:
0x1d: {  	p0 =	sne.s32 s16, $0x9E00  }
.Ltmp0:
0x1e: {  	_ = 	snop;
	(pc) =	sbr.rel @p0 .LBB2_2-.Ltmp0, $3  }
0x1f: {  	_ =	sdelay $0x1  }
0x20: {  	s17 =	sshra.s32 s16, $0x2;
	s16 =	sadd.s32 $0x200, s16  }
0x21: {  	[spmem:s2] =	stream.indirect.scatter.add.f32 [tilespmem:s12], [sflag:$0x1], $0x10, s17, s13, $0xb8;
	[tilespmem:$0x5800] =	vst v63  }
0x22: {  	_ =	swait.ge [sflag:s14], $0x800  }
0x23: {  	s16 =	simm.s32 $0x4F;
	[sflag:s14] =	ssyncset.done $0x0  }
.LBB2_4:
0x24: {  	p0 =	sne.s32 s16, $0x1;
	s16 =	sadd.s32 $0xFFFFFFFF, s16;
	[sflag:s14] =	ssyncadd.s32 $0xFFFFF800  }
.Ltmp1:
0x25: {  	(pc) =	sbr.rel @p0 .LBB2_4-.Ltmp1, $3  }
0x26: {  	_ =	sdelay $0x1  }
0x27: {  	_ =	swait.ge [sflag:s14], $0x800  }
0x28: {  	[sflag:s14] =	ssyncset.done $0x0  }
0x29: {  	s15 =	sadd.s32 $0x1, s15  }
0x2a: {  	[sflag:s14] =	ssyncadd.s32 $0xFFFFF800;
	p0 =	sne.s32 s15, s9  }
.Ltmp2:
0x2b: {  	[bflag:$0x0] =	sbarrier.arrive $0xFFFF;
	(pc) =	sbr.rel @p0 .LBB2_1-.Ltmp2, $4  }
0x2c: {  	[hbm:s8], [sflag:s6] =	dma.local [spmem:s10], $0x500  }
0x2d: {  	_ =	swait.ge [sflag:s11], $0x500  }
0x2e: {  	[sflag:s11] =	ssyncset.done $0x0  }
0x2f: {  	[sflag:s11] =	ssyncadd.s32 $0xFFFFFB00  }
0x30: {  	_ =	sfence.sel $0x180000  }
0x31: {  	[bflag:$0x0] =	sbarrier.arrive $0xFFFF  }
0x32: {  	p0 =	sne.s32 s1, $0x0;
	_ =	strace $0x90000047  }
0x33: {  	s0 =	sadd.s32 @!p0 $0x100000, s0;
	[bflag:$0x2] =	sbarrier.arrive $0xFFFF  }
0x34: {  	[sflag:s0] =	ssyncadd.tile.s32 @!p0 $0x1;
	_ =	shalt  }
.Lfunc_end2:
_tile_overlayer_lowered:
.L_overlay_start_2:
0x35: {  	(tag) =	ssettag $0x2  }
0x36: {  	s0 =	rddreg [dreg:$0x0];
	s2 =	stileid.u32  }
0x37: {  	s1 =	rddreg [dreg:$0x1];
	p0 =	sne.s32 s2, $0x0  }
0x38: {  	s3 =	rddreg [dreg:$0x2];
	[bflag:$0x3] =	sbarrier.arrive $0xFFFF;
	s2 =	simm.s32 @!p0 $0x1C02  }
0x39: {  	[timem:s3], [sflag:s2] =	dma.local @!p0 [hbm:s0], s1  }
0x3a: {  	s0 =	simm.s32 @!p0 $0x2  }
0x3b: {  	_ =	swait.ge @!p0 [sflag:s0], s1  }
0x3c: {  	s1 =	ssub.s32 @!p0 $0x0, s1;
	[sflag:s0] =	ssyncset.done @!p0 $0x0  }
0x3d: {  	[sflag:s0] =	ssyncadd.s32 @!p0 s1  }
0x3e: {  	[bflag:$0x3] =	sbarrier.arrive $0xFFFF  }
0x3f: {  	_ =	shalt  }

// kernel: kernel.14.cloned.1.call-start
scs
__scs_entry_jumppad:
0x0: {  	(pc) =	sbr.rel $0x88, $3  }
0x1: {  	(tag) =	ssettag $0x0;
	lr =	simm.s32 $0x1  }
0x2: {  	[smem:$0x3F99] =	sst lr;
	_ =	strace $0xD0000000  }
0x3: {  	_ = 	snop  }
0x4: {  	_ = 	snop  }
0x5: {  	_ = 	snop  }
0x6: {  	_ = 	snop  }
0x7: {  	_ = 	snop  }
__scs_overlays_trampoline_lowered:
0x8: {  	[smem:$0x3FA8] =	sst s0  }
0x9: {  	[smem:$0x3FA9] =	sst s1  }
0xa: {  	[smem:$0x3FAA] =	sst s2  }
0xb: {  	[smem:$0x3FAB] =	sst s3  }
0xc: {  	[smem:$0x3FAC] =	sst s4  }
0xd: {  	[smem:$0x3FAD] =	sst s5  }
0xe: {  	[smem:$0x3FAE] =	sst s6  }
0xf: {  	[smem:$0x3FAF] =	sst s7  }
0x10: {  	[smem:$0x3FB0] =	sst s8  }
0x11: {  	[smem:$0x3FB1] =	sst s9;
	s0 =	simm.s32 @!p0 $0x0  }
0x12: {  	s1 =	sld [smem:$0x3F97];
	s0 =	simm.s32 @p0 $0x1  }
0x13: {  	[smem:$0x3FB2] =	sst s0;
	s0 =	simm.s32 @!p1 $0x0  }
0x14: {  	s2 =	sld [smem:$0x3F96];
	s0 =	simm.s32 @p1 $0x1  }
0x15: {  	[smem:$0x3FB3] =	sst s0;
	s0 =	simm.s32 @!p2 $0x0  }
0x16: {  	s3 =	sld [smem:$0x3FDB];
	s0 =	simm.s32 @p2 $0x1  }
0x17: {  	s4 =	simm.s32 $0x1BF5;
	[smem:$0x3FB5] =	sst s0  }
0x18: {  	s0 =	sld [smem:$0x3F98];
	_ =	swait.ge [sflag:s4], $0x0  }
0x19: {  	s7 =	sld [smem:$0x3F99]  }
0x1a: {  	s8 =	sadd.s32 $0xFFFFE003, lr  }
0x1b: {  	s9 =	sadd.s32 $0xFFFFFEF7, lr;
	s5 =	simm.s32 $0xFFFFFFFF;
	p2 =	slt.u32 s8, $0xFFFFF086  }
0x1c: {  	p1 =	slt.u32 s9, $0xF7A;
	s5 =	simm.s32 @!p2 $0x0  }
0x1d: {  	s5 =	simm.s32 @p1 $0x1;
	p0 =	seq.s32 s7, s2  }
0x1e: {  	s7 =	smul.u32 @!p0 $0xF7A, s2;
	p2 =	seq.s32 @!p0 s5, $0x0  }
0x1f: {  	s9 =	smul.u32 $0xF7A, s1;
	s8 =	simm.s32 @!p0 $0x1BF5;
	p2 =	por !p2, p0  }
0x20: {  	[sflag:s8] =	ssyncset.s32 @!p0 $0xFFFFF086;
	s6 =	sadd.s32 @!p0 s3, s7;
	s7 =	simm.s32 @!p0 $0x108  }
0x21: {  	s3 =	sadd.s32 s3, s9;
	s6 =	sadd.s32 @!p0 $0x88, s6;
	s7 =	simm.s32 @p2 $0x1082  }
0x22: {  	[simem:s7], [sflag:s8] =	dma.local @!p0 [hbm:s6], $0xF7A  }
0x23: {  	s9 =	sor.u32 $0xD0000000, s2;
	s6 =	simm.s32 $0x108;
	_ =	swait.ge @!p0 [sflag:s8], $0x0  }
0x24: {  	s3 =	sadd.s32 $0x88, s3;
	s6 =	simm.s32 @!p1 $0x1082;
	[sflag:s4] =	ssyncset.s32 $0xFFFFF086  }
0x25: {  	[simem:s6], [sflag:s4] =	dma.local [hbm:s3], $0xF7A  }
0x26: {  	[smem:$0x3F99] =	sst s1;
	(tag) =	ssettag s2;
	_ =	strace s9  }
0x27: {  	s1 =	sld [smem:$0x3FA9]  }
0x28: {  	s2 =	sld [smem:$0x3FAA]  }
0x29: {  	s4 =	sld [smem:$0x3FAC]  }
0x2a: {  	p0 =	seq.s32 s5, $0x0;
	s5 =	sld [smem:$0x3FAD]  }
0x2b: {  	s6 =	sld [smem:$0x3FAE]  }
0x2c: {  	s7 =	sld [smem:$0x3FAF]  }
0x2d: {  	s3 =	simm.s32 $0x108;
	s8 =	sld [smem:$0x3FB0]  }
0x2e: {  	s3 =	simm.s32 @!p0 $0x1082;
	s9 =	sld [smem:$0x3FB1]  }
0x2f: {  	lr =	sadd.s32 s0, s3;
	s0 =	sld [smem:$0x3FA8]  }
0x30: {  	s3 =	sld [smem:$0x3FAB]  }
0x31: {  	[smem:$0x3FB4] =	sst s10  }
0x32: {  	s10 =	sld [smem:$0x3FB2];
	_ =	sdelay $0x3  }
0x33: {  	p0 =	seq.s32 s10, $0x1;
	s10 =	sld [smem:$0x3FB4];
	_ =	sdelay $0x3  }
0x34: {  	[smem:$0x3FB4] =	sst s10  }
0x35: {  	s10 =	sld [smem:$0x3FB3];
	_ =	sdelay $0x3  }
0x36: {  	p1 =	seq.s32 s10, $0x1;
	s10 =	sld [smem:$0x3FB4];
	_ =	sdelay $0x3  }
0x37: {  	[smem:$0x3FB4] =	sst s10  }
0x38: {  	s10 =	sld [smem:$0x3FB5]  }
0x39: {  	_ = 	snop;
	(pc) =	sbr.ind lr, $3  }
0x3a: {  	_ = 	snop  }
0x3b: {  	_ = 	snop  }
0x3c: {  	p2 =	seq.s32 s10, $0x1;
	s10 =	sld [smem:$0x3FB4]  }
0x3d: {  	_ =	shalt  }
0x3e: {  	_ =	shalt  }
0x3f: {  	_ =	shalt  }
0x40: {  	_ =	shalt  }
0x41: {  	_ =	shalt  }
0x42: {  	_ =	shalt  }
0x43: {  	_ =	shalt  }
0x44: {  	_ =	shalt  }
0x45: {  	_ =	shalt  }
0x46: {  	_ =	shalt  }
0x47: {  	_ =	shalt  }
0x48: {  	_ =	shalt  }
0x49: {  	_ =	shalt  }
0x4a: {  	_ =	shalt  }
0x4b: {  	_ =	shalt  }
0x4c: {  	_ =	shalt  }
0x4d: {  	_ =	shalt  }
0x4e: {  	_ =	shalt  }
0x4f: {  	_ =	shalt  }
0x50: {  	_ =	shalt  }
0x51: {  	_ =	shalt  }
0x52: {  	_ =	shalt  }
0x53: {  	_ =	shalt  }
0x54: {  	_ =	shalt  }
0x55: {  	_ =	shalt  }
0x56: {  	_ =	shalt  }
0x57: {  	_ =	shalt  }
0x58: {  	_ =	shalt  }
0x59: {  	_ =	shalt  }
0x5a: {  	_ =	shalt  }
0x5b: {  	_ =	shalt  }
0x5c: {  	_ =	shalt  }
0x5d: {  	_ =	shalt  }
0x5e: {  	_ =	shalt  }
0x5f: {  	_ =	shalt  }
0x60: {  	_ =	shalt  }
0x61: {  	_ =	shalt  }
0x62: {  	_ =	shalt  }
0x63: {  	_ =	shalt  }
0x64: {  	_ =	shalt  }
0x65: {  	_ =	shalt  }
0x66: {  	_ =	shalt  }
0x67: {  	_ =	shalt  }
0x68: {  	_ =	shalt  }
0x69: {  	_ =	shalt  }
0x6a: {  	_ =	shalt  }
0x6b: {  	_ =	shalt  }
0x6c: {  	_ =	shalt  }
0x6d: {  	_ =	shalt  }
0x6e: {  	_ =	shalt  }
0x6f: {  	_ =	shalt  }
0x70: {  	_ =	shalt  }
0x71: {  	_ =	shalt  }
0x72: {  	_ =	shalt  }
0x73: {  	_ =	shalt  }
0x74: {  	_ =	shalt  }
0x75: {  	_ =	shalt  }
0x76: {  	_ =	shalt  }
0x77: {  	_ =	shalt  }
0x78: {  	_ =	shalt  }
0x79: {  	_ =	shalt  }
0x7a: {  	_ =	shalt  }
0x7b: {  	_ =	shalt  }
0x7c: {  	_ =	shalt  }
0x7d: {  	_ =	shalt  }
0x7e: {  	_ =	shalt  }
0x7f: {  	_ =	shalt  }
0x80: {  	_ =	shalt  }
0x81: {  	_ =	shalt  }
0x82: {  	_ =	shalt  }
0x83: {  	_ =	shalt  }
0x84: {  	_ =	shalt  }
0x85: {  	_ =	shalt  }
0x86: {  	_ =	shalt  }
0x87: {  	_ =	shalt  }
.Lfunc_end0:
.L_simem_size_0:
called_computation.1_lowered:
.L_overlay_start_0:
0x88: {  	s2 =	sld [smem:$0x3FD9]  }
0x89: {  	s3 =	sld [smem:$0x3FFE];
	_ =	sdelay $0x1  }
0x8a: {  	s1 =	srdreg.scid  }
0x8b: {  	s0 =	sand.u32 $0x1, s1  }
0x8c: {  	s17 =	sshll.u32 s0, $0xA;
	s2 =	sadd.s32 s3, s2  }
0x8d: {  	s2 =	sadd.s32 s2, s17  }
0x8e: {  	[smem:$0x3FC0] =	sst s2  }
0x8f: {  	_ = 	snop  }
0x90: {  	s2 =	sld [smem:$0x3FD0];
	(tm) =	ssettm $0x1  }
0x91: {  	s18 =	sld [smem:$0x3FFB];
	_ =	sdelay $0x3  }
0x92: {  	_ =	strace s18  }
0x93: {  	s3 =	sld [smem:$0x3FFC];
	_ =	sdelay $0x3  }
0x94: {  	_ =	strace s3  }
0x95: {  	s3 =	sld [smem:$0x3FFD];
	_ =	sdelay $0x3  }
0x96: {  	_ =	strace s3  }
0x97: {  	_ =	strace $0x8FFFFFFF  }
0x98: {  	s19 =	sld [smem:$0x3FDB];
	_ =	sdelay $0x1  }
0x99: {  	s4 =	simm.s32 $_scs_section_size  }
0x9a: {  	s5 =	simm.s32 $_size__tile_overlayer_lowered;
	s6 =	simm.s32 $_tile_overlayer_lowered  }
0x9b: {  	s22 =	simm.s32 $0x1BFF;
	s21 =	sshll.u32 s6, $0x1;
	s3 =	sadd.s32 s4, s19  }
0x9c: {  	s7 =	simm.s32 $0x0;
	s20 =	sshll.u32 s5, $0x1;
	s5 =	sadd.s32 s21, s3  }
0x9d: {  	[timem:s7], [sflag:s22] =	dma.local [hbm:s5], s20  }
0x9e: {  	_ =	swait.ge [sflag:s22], s20  }
0x9f: {  	s4 =	ssub.s32 $0x0, s20;
	[sflag:s22] =	ssyncset.done $0x0  }
0xa0: {  	[sflag:s22] =	ssyncadd.s32 s4;
	_ =	sdelay $0x1  }
0xa1: {  	s23 =	simm.s32 $0x1B8B  }
0xa2: {  	_ =	swait.ge [sflag:s23], $0x1  }
0xa3: {  	[sflag:s23] =	ssyncset.done $0x0  }
0xa4: {  	s25 =	simm.s32 $0x1B8E;
	s24 =	sld [smem:$0x3FFE];
	[sflag:s23] =	ssyncadd.s32 $0xFFFFFFFF  }
0xa5: {  	s26 =	simm.s32 $execute0_lowered;
	[smem:$0x3FD2] =	sst s25  }
0xa6: {  	s5 =	sshll.u32 s26, $0x1;
	_ =	strace $0x80000049;
	[dreg:$0x1] =	wrdreg $0xFFFFFFFF  }
0xa7: {  	s28 =	simm.s32 $_size_execute0_lowered;
	s3 =	sadd.s32 s3, s5;
	[dreg:$0x0] =	wrdreg $0x0  }
0xa8: {  	s5 =	sshll.u32 s28, $0x1;
	[dreg:$0x2] =	wrdreg s3  }
0xa9: {  	[dreg:$0x3] =	wrdreg s5  }
0xaa: {  	[dreg:$0x4] =	wrdreg $0xC0  }
0xab: {  	_ =	task [dreg:s7], $0x5FFFF  }
0xac: {  	[dreg:$0x1] =	wrdreg $0xFFFFFFFF  }
0xad: {  	[dreg:$0x0] =	wrdreg $0x60  }
0xae: {  	[dreg:$0x2] =	wrdreg s24  }
0xaf: {  	[dreg:$0x3] =	wrdreg s2  }
0xb0: {  	[dreg:$0x4] =	wrdreg $0x110000  }
0xb1: {  	[dreg:$0x5] =	wrdreg $0x188000  }
0xb2: {  	[dreg:$0x6] =	wrdreg $0x9  }
0xb3: {  	_ =	task.clear_ibuf [dreg:s7], $0x7FFFF;
	_ =	strace $0x90000049  }
0xb4: {  	s29 =	simm.s32 $0x9;
	_ =	strace $0x8000004B  }
0xb5: {  	_ =	swait.ge [sflag:s29], $0x1  }
0xb6: {  	[sflag:s29] =	ssyncadd.s32 $0xFFFFFFFF  }
0xb7: {  	_ =	strace $0x9000004B  }
0xb8: {  	_ =	sfence  }
0xb9: {  	s30 =	sld [smem:$0x0];
	_ =	sdelay $0x2  }
0xba: {  	s31 =	sshll.u32 s1, $0xD;
	s1 =	sshrl.u32 s1, $0x2  }
0xbb: {  	s3 =	sand.u32 $0x4000, s31;
	s1 =	sadd.s32 s1, s30  }
0xbc: {  	s0 =	sor.u32 s3, s0;
	s1 =	sshll.u32 s1, $0x11  }
0xbd: {  	s0 =	sor.u32 s1, s0  }
0xbe: {  	s0 =	sadd.s32 $0x8F2B, s0  }
0xbf: {  	[sflag:s0] =	ssyncadd.remote.s32 $0x1  }
0xc0: {  	_ =	sfence.sel $0xFFFF  }
0xc1: {  	[dreg:$0x0] =	wrdreg $0xFFFFFFFF;
	(pc) =	sbr.abs _section_cstart, $3  }
0xc2: {  	[dreg:$0x1] =	wrdreg $0xFFFFFFFF  }
0xc3: {  	_ =	task.clear_ibuf [dreg:s7], $0x2FFFF;
	_ =	strace $0x9FFFFFFF  }
0xc4: {  	(tm) =	ssettm $0x7FFFFFFF  }
0xc5: {  	_ =	shalt  }
tec
execute0_lowered:
.L_overlay_start_1:
0x0: {  	(tag) =	ssettag $0x1  }
0x1: {  	s0 =	rddreg [dreg:$0x0]  }
0x2: {  	s1 =	rddreg [dreg:$0x1]  }
0x3: {  	s2 =	rddreg [dreg:$0x2]  }
0x4: {  	s3 =	rddreg [dreg:$0x3]  }
0x5: {  	s11 =	stileid.u32;
	s4 =	srdreg.scid;
	s8 =	simm.s32 $0x0  }
0x6: {  	s28 =	simm.s32 $0xC800;
	s30 =	simm.s32 $0xE000;
	s13 =	simm.s32 $0x2  }
0x7: {  	s29 =	simm.s32 $0x6;
	s31 =	simm.s32 $0x7;
	s5 =	smul.u32 $0x7800, s11  }
0x8: {  	s4 =	sand.u32 $0x1, s4;
	s7 =	smul.u32 $0xF00, s11;
	[smem:$0x7FF] =	sst s8  }
0x9: {  	s23 =	sshll.u32 s11, $0x6;
	s8 =	simm.s32 $0x0;
	s6 =	sshll.u32 s4, $0x4  }
0xa: {  	s17 =	smul.u32 $0xF000, s4;
	_ =	strace $0x8000004A;
	s4 =	ssub.s32 $0x2, s4  }
0xb: {  	[dreg:$0x8] =	wrdreg s23;
	s6 =	sor.u32 s11, s6;
	s9 =	sshrl.u32 s5, $0x3  }
0xc: {  	s19 =	sshrl.u32 s4, $0x1;
	s21 =	sadd.s32 s5, s2;
	s5 =	sadd.s32 s5, s3  }
0xd: {  	s11 =	simm.s32 $0x10;
	s6 =	smul.u32 $0x500, s6;
	s10 =	sadd.s32 s9, s0  }
0xe: {  	s7 =	sadd.s32 s7, s17;
	s4 =	ssub.s32 s4, s19;
	s14 =	sshrl.u32 s21, $0x3  }
0xf: {  	s26 =	sshrl.u32 s5, $0x3;
	s17 =	simm.s32 $0x80;
	s19 =	simm.s32 $0x6800  }
0x10: {  	s21 =	simm.s32 $0x8000;
	s5 =	simm.s32 $0x8;
	s22 =	sadd.s32 $0x93200, s10  }
0x11: {  	s24 =	sadd.s32 $0x1E00, s10;
	s25 =	smax.u32 s4, $0x1;
	[dreg:$0xe] =	wrdreg s26  }
0x12: {  	s26 =	simm.s32 $0x5;
	s10 =	simm.s32 $0xF;
	[dreg:$0xd] =	wrdreg s14  }
0x13: {  	s18 =	sadd.s32 s6, s0;
	s0 =	sadd.s32 s7, s0;
	[dreg:$0x7] =	wrdreg s22  }
0x14: {  	s1 =	sadd.s32 s1, s6;
	s6 =	sor.u32 $0x1C11, s23;
	[dreg:$0xa] =	wrdreg s24  }
0x15: {  	[dreg:$0xc] =	wrdreg s25;
	s23 =	simm.s32 $0x9800;
	s25 =	simm.s32 $0xB000  }
.Ltmp0:
0x16: {  	s22 =	simm.s32 $0x4;
	s24 =	simm.s32 $0x9;
	(pc) =	sbr.rel .LBB2_1-.Ltmp0, $4  }
0x17: {  	s7 =	simm.s32 $0xE;
	s20 =	sadd.s32 $0x11200, s18;
	[dreg:$0x6] =	wrdreg s1  }
0x18: {  	[dreg:$0x9] =	wrdreg s6;
	s0 =	sadd.s32 $0xA2200, s0;
	s18 =	simm.s32 $0x5000  }
0x19: {  	s1 =	simm.s32 $0x1;
	s6 =	simm.s32 $0xD;
	[dreg:$0x5] =	wrdreg s20  }
0x1a: {  	[dreg:$0xb] =	wrdreg s0;
	s0 =	simm.s32 $0xF800;
	s20 =	simm.s32 $0x3  }
.LBB2_3:
0x1b: {  	_ =	swait.ge [sflag:s7], $0x1800  }
0x1c: {  	[sflag:s7] =	ssyncset.done $0x0  }
0x1d: {  	[sflag:s7] =	ssyncadd.s32 $0xFFFFE800  }
0x1e: {  	_ =	swait.ge [sflag:s10], $0x1800  }
0x1f: {  	[sflag:s10] =	ssyncset.done $0x0  }
0x20: {  	[sflag:s10] =	ssyncadd.s32 $0xFFFFE800  }
0x21: {  	_ =	swait.ge [sflag:s11], $0x1800  }
0x22: {  	[sflag:s11] =	ssyncset.done $0x0  }
0x23: {  	[sflag:s11] =	ssyncadd.s32 $0xFFFFE800  }
.LBB2_5:
0x24: {  	[bflag:$0x0] =	sbarrier.arrive $0xFFFF  }
0x25: {  	s4 =	rddreg [dreg:$0x8]  }
0x26: {  	s9 =	rddreg [dreg:$0xb]  }
0x27: {  	s15 =	simm.s32 $0x12;
	s14 =	rddreg [dreg:$0xd];
	s4 =	sor.u32 $0x1C12, s4  }
0x28: {  	[hbm:s9], [sflag:s4] =	dma.local [spmem:s14], $0xF00  }
0x29: {  	_ =	swait.ge [sflag:s15], $0xF00  }
0x2a: {  	s8 =	sadd.s32 $0x1, s8;
	s16 =	rddreg [dreg:$0xc]  }
0x2b: {  	p0 =	sne.s32 s8, s16  }
.Ltmp1:
0x2c: {  	_ = 	snop;
	(pc) =	sbr.rel @!p0 .LBB2_6-.Ltmp1, $3  }
0x2d: {  	_ =	sdelay $0x1  }
0x2e: {  	[sflag:s15] =	ssyncset.done $0x0  }
0x2f: {  	[sflag:s15] =	ssyncadd.s32 $0xFFFFF100  }
.LBB2_1:
0x30: {  	s9 =	rddreg [dreg:$0x5]  }
0x31: {  	s4 =	simm.s32 $0x0;
	s16 =	rddreg [dreg:$0x6]  }
0x32: {  	[tilespmem:s4], [sflag:$0x11] =	stream.linear.gather [hbm4b:s9+s4], $0x2800, $0x38;
	v63 =	vld [tilespmem:$0x0]  }
0x33: {  	s12 =	simm.s32 $0x2800;
	s15 =	rddreg [dreg:$0x7]  }
0x34: {  	[tilespmem:s12], [sflag:$0x11] =	stream.linear.gather [hbm4b:s16+s4], $0x2800, $0x38;
	v63 =	vld [tilespmem:$0x0]  }
0x35: {  	s16 =	rddreg [dreg:$0x9]  }
0x36: {  	[spmem:s14], [sflag:s16] =	dma.local [hbm:s15], $0xF00  }
0x37: {  	s9 =	rddreg [dreg:$0xa]  }
0x38: {  	s15 =	simm.s32 $0x11;
	s14 =	rddreg [dreg:$0xe]  }
0x39: {  	[spmem:s14], [sflag:s16] =	dma.local [hbm:s9], $0xF00  }
0x3a: {  	_ =	swait.ge [sflag:s15], $0x2800  }
0x3b: {  	[sflag:s15] =	ssyncset.done $0x0  }
0x3c: {  	[sflag:s15] =	ssyncadd.s32 $0xFFFFD800  }
0x3d: {  	_ =	swait.ge [sflag:s15], $0x2800  }
0x3e: {  	[sflag:s15] =	ssyncset.done $0x0  }
0x3f: {  	[sflag:s15] =	ssyncadd.s32 $0xFFFFD800  }
0x40: {  	_ =	swait.ge [sflag:s15], $0xF00  }
0x41: {  	[sflag:s15] =	ssyncset.done $0x0  }
0x42: {  	[sflag:s15] =	ssyncadd.s32 $0xFFFFF100  }
0x43: {  	_ =	swait.ge [sflag:s15], $0xF00  }
0x44: {  	[sflag:s15] =	ssyncset.done $0x0  }
0x45: {  	[sflag:s15] =	ssyncadd.s32 $0xFFFFF100  }
0x46: {  	[bflag:$0x0] =	sbarrier.arrive $0xFFFF  }
0x47: {  	[tilespmem:s18], [sflag:$0x1] =	stream.indirect.gather [spmem:s3], $0x30, s4, s17, $0xb8;
	v63 =	vld [tilespmem:$0x0]  }
0x48: {  	_ = 	snop  }
0x49: {  	[tilespmem:s19], [sflag:$0x2] =	stream.indirect.gather [spmem:s3], $0x30, s17, s17, $0xb8;
	v63 =	vld [tilespmem:$0x0]  }
0x4a: {  	s16 =	simm.s32 $0x100  }
0x4b: {  	[tilespmem:s21], [sflag:$0x3] =	stream.indirect.gather [spmem:s3], $0x30, s16, s17, $0xb8;
	v63 =	vld [tilespmem:$0x0]  }
0x4c: {  	s9 =	simm.s32 $0x180  }
0x4d: {  	[tilespmem:s23], [sflag:$0x4] =	stream.indirect.gather [spmem:s3], $0x30, s9, s17, $0xb8;
	v63 =	vld [tilespmem:$0x0]  }
0x4e: {  	s12 =	simm.s32 $0x200  }
0x4f: {  	[tilespmem:s25], [sflag:$0x5] =	stream.indirect.gather [spmem:s3], $0x30, s12, s17, $0xb8;
	v63 =	vld [tilespmem:$0x0]  }
0x50: {  	s14 =	simm.s32 $0x280  }
0x51: {  	[tilespmem:s28], [sflag:$0x6] =	stream.indirect.gather [spmem:s3], $0x30, s14, s17, $0xb8;
	v63 =	vld [tilespmem:$0x0]  }
0x52: {  	s15 =	simm.s32 $0x300  }
0x53: {  	[tilespmem:s30], [sflag:$0x7] =	stream.indirect.gather [spmem:s3], $0x30, s15, s17, $0xb8;
	v63 =	vld [tilespmem:$0x0]  }
0x54: {  	s4 =	simm.s32 $0x0;
	s16 =	simm.s32 $0x380;
	s15 =	simm.s32 $0x0  }
0x55: {  	[tilespmem:s0], [sflag:$0x8] =	stream.indirect.gather [spmem:s3], $0x30, s16, s17, $0xb8;
	v63 =	vld [tilespmem:$0x0]  }
.LBB2_2:
0x56: {  	_ =	swait.ge [sflag:s1], $0x1800  }
0x57: {  	s12 =	sshra.s32 s4, $0x2;
	[sflag:s1] =	ssyncset.done $0x0  }
0x58: {  	s9 =	sadd.s32 $0x2800, s12;
	[sflag:s1] =	ssyncadd.s32 $0xFFFFE800  }
0x59: {  	[spmem:s2] =	stream.indirect.scatter.add.f32 [tilespmem:s18], [sflag:$0x9], $0x30, s9, s17, $0xb8;
	v63 =	vld [tilespmem:$0x0]  }
0x5a: {  	_ =	swait.ge [sflag:s13], $0x1800  }
0x5b: {  	[sflag:s13] =	ssyncset.done $0x0  }
0x5c: {  	s16 =	sadd.s32 $0x2880, s12;
	[sflag:s13] =	ssyncadd.s32 $0xFFFFE800  }
0x5d: {  	[spmem:s2] =	stream.indirect.scatter.add.f32 [tilespmem:s19], [sflag:$0xA], $0x30, s16, s17, $0xb8;
	v63 =	vld [tilespmem:$0x0]  }
0x5e: {  	_ =	swait.ge [sflag:s20], $0x1800  }
0x5f: {  	[sflag:s20] =	ssyncset.done $0x0  }
0x60: {  	s14 =	sadd.s32 $0x2900, s12;
	[sflag:s20] =	ssyncadd.s32 $0xFFFFE800  }
0x61: {  	[spmem:s2] =	stream.indirect.scatter.add.f32 [tilespmem:s21], [sflag:$0xB], $0x30, s14, s17, $0xb8;
	v63 =	vld [tilespmem:$0x0]  }
0x62: {  	_ =	swait.ge [sflag:s22], $0x1800  }
0x63: {  	[sflag:s22] =	ssyncset.done $0x0  }
0x64: {  	s16 =	sadd.s32 $0x2980, s12;
	[sflag:s22] =	ssyncadd.s32 $0xFFFFE800  }
0x65: {  	[spmem:s2] =	stream.indirect.scatter.add.f32 [tilespmem:s23], [sflag:$0xC], $0x30, s16, s17, $0xb8;
	v63 =	vld [tilespmem:$0x0]  }
0x66: {  	_ =	swait.ge [sflag:s24], $0x1800  }
0x67: {  	p0 =	seq.s32 s4, $0x9000;
	[sflag:s24] =	ssyncset.done $0x0  }
0x68: {  	s9 =	simm.s32 @p0 $0xA;
	[sflag:s24] =	ssyncadd.s32 $0xFFFFE800  }
0x69: {  	_ =	swait.ge @p0 [sflag:s9], $0x1800  }
0x6a: {  	[sflag:s9] =	ssyncset.done @p0 $0x0  }
0x6b: {  	[sflag:s9] =	ssyncadd.s32 @p0 $0xFFFFE800;
	s9 =	simm.s32 @p0 $0xB  }
0x6c: {  	_ =	swait.ge @p0 [sflag:s9], $0x1800  }
0x6d: {  	[sflag:s9] =	ssyncset.done @p0 $0x0  }
0x6e: {  	[sflag:s9] =	ssyncadd.s32 @p0 $0xFFFFE800;
	s9 =	simm.s32 @p0 $0xC  }
0x6f: {  	_ =	swait.ge @p0 [sflag:s9], $0x1800  }
0x70: {  	s14 =	smin.u32 @!p0 s15, $0x47;
	[sflag:s9] =	ssyncset.done @p0 $0x0  }
0x71: {  	[sflag:s9] =	ssyncadd.s32 @p0 $0xFFFFE800;
	s9 =	sshll.u32 @!p0 s14, $0x7  }
0x72: {  	s16 =	simm.s32 @!p0 $0x5000;
	s14 =	simm.s32 @!p0 $0x80;
	s9 =	sadd.s32 @!p0 $0x400, s9  }
0x73: {  	[tilespmem:s16], [sflag:$0x1] =	stream.indirect.gather @!p0 [spmem:s3], $0x30, s9, s14, $0xb8;
	v63 =	vld [tilespmem:$0x0]  }
0x74: {  	s9 =	simm.s32 @!p0 $0xA  }
0x75: {  	s16 =	smin.u32 @!p0 s15, $0x46;
	_ =	swait.ge @!p0 [sflag:s9], $0x1800  }
0x76: {  	s16 =	sshll.u32 @!p0 s16, $0x7;
	[sflag:s9] =	ssyncset.done @!p0 $0x0  }
0x77: {  	[sflag:s9] =	ssyncadd.s32 @!p0 $0xFFFFE800;
	s9 =	sadd.s32 @!p0 $0x480, s16;
	s16 =	simm.s32 @!p0 $0x6800  }
0x78: {  	[tilespmem:s16], [sflag:$0x2] =	stream.indirect.gather @!p0 [spmem:s3], $0x30, s9, s14, $0xb8;
	v63 =	vld [tilespmem:$0x0]  }
0x79: {  	s9 =	simm.s32 @!p0 $0xB  }
0x7a: {  	s16 =	smin.u32 @!p0 s15, $0x45;
	_ =	swait.ge @!p0 [sflag:s9], $0x1800  }
0x7b: {  	s16 =	sshll.u32 @!p0 s16, $0x7;
	[sflag:s9] =	ssyncset.done @!p0 $0x0  }
0x7c: {  	[sflag:s9] =	ssyncadd.s32 @!p0 $0xFFFFE800;
	s9 =	sadd.s32 @!p0 $0x500, s16;
	s16 =	simm.s32 @!p0 $0x8000  }
0x7d: {  	[tilespmem:s16], [sflag:$0x3] =	stream.indirect.gather @!p0 [spmem:s3], $0x30, s9, s14, $0xb8;
	v63 =	vld [tilespmem:$0x0]  }
0x7e: {  	s9 =	simm.s32 @!p0 $0xC  }
0x7f: {  	s16 =	smin.u32 @!p0 s15, $0x44;
	_ =	swait.ge @!p0 [sflag:s9], $0x1800  }
0x80: {  	s16 =	sshll.u32 @!p0 s16, $0x7;
	[sflag:s9] =	ssyncset.done @!p0 $0x0  }
0x81: {  	[sflag:s9] =	ssyncadd.s32 @!p0 $0xFFFFE800;
	s9 =	sadd.s32 @!p0 $0x580, s16;
	s16 =	simm.s32 @!p0 $0x9800  }
0x82: {  	[tilespmem:s16], [sflag:$0x4] =	stream.indirect.gather @!p0 [spmem:s3], $0x30, s9, s14, $0xb8;
	v63 =	vld [tilespmem:$0x0]  }
0x83: {  	_ =	swait.ge [sflag:s26], $0x1800  }
0x84: {  	[sflag:s26] =	ssyncset.done $0x0  }
0x85: {  	s14 =	sadd.s32 $0x2A00, s12;
	[sflag:s26] =	ssyncadd.s32 $0xFFFFE800  }
0x86: {  	[spmem:s2] =	stream.indirect.scatter.add.f32 [tilespmem:s25], [sflag:$0xD], $0x30, s14, s17, $0xb8;
	v63 =	vld [tilespmem:$0x0]  }
0x87: {  	_ =	swait.ge [sflag:s29], $0x1800  }
0x88: {  	[sflag:s29] =	ssyncset.done $0x0  }
0x89: {  	s16 =	sadd.s32 $0x2A80, s12;
	[sflag:s29] =	ssyncadd.s32 $0xFFFFE800  }
0x8a: {  	[spmem:s2] =	stream.indirect.scatter.add.f32 [tilespmem:s28], [sflag:$0xE], $0x30, s16, s17, $0xb8;
	v63 =	vld [tilespmem:$0x0]  }
0x8b: {  	_ =	swait.ge [sflag:s31], $0x1800  }
0x8c: {  	[sflag:s31] =	ssyncset.done $0x0  }
0x8d: {  	s14 =	sadd.s32 $0x2B00, s12;
	[sflag:s31] =	ssyncadd.s32 $0xFFFFE800  }
0x8e: {  	[spmem:s2] =	stream.indirect.scatter.add.f32 [tilespmem:s30], [sflag:$0xF], $0x30, s14, s17, $0xb8;
	v63 =	vld [tilespmem:$0x0]  }
0x8f: {  	_ =	swait.ge [sflag:s5], $0x1800  }
0x90: {  	p0 =	sne.s32 s4, $0x9000;
	[sflag:s5] =	ssyncset.done $0x0  }
.Ltmp2:
0x91: {  	s16 =	sadd.s32 $0x2B80, s12;
	[sflag:s5] =	ssyncadd.s32 $0xFFFFE800;
	(pc) =	sbr.rel @!p0 .LBB2_3-.Ltmp2, $4  }
0x92: {  	[spmem:s2] =	stream.indirect.scatter.add.f32 [tilespmem:s0], [sflag:$0x10], $0x30, s16, s17, $0xb8;
	v63 =	vld [tilespmem:$0x0]  }
0x93: {  	_ =	swait.ge [sflag:s6], $0x1800  }
0x94: {  	[sflag:s6] =	ssyncset.done $0x0  }
0x95: {  	[sflag:s6] =	ssyncadd.s32 $0xFFFFE800  }
0x96: {  	s9 =	smin.u32 s15, $0x43  }
0x97: {  	s9 =	sshll.u32 s9, $0x7  }
0x98: {  	s9 =	sadd.s32 $0x600, s9  }
0x99: {  	[tilespmem:s25], [sflag:$0x5] =	stream.indirect.gather [spmem:s3], $0x30, s9, s17, $0xb8;
	v63 =	vld [tilespmem:$0x0]  }
0x9a: {  	s12 =	smin.u32 s15, $0x42;
	_ =	swait.ge [sflag:s7], $0x1800  }
0x9b: {  	s9 =	sshll.u32 s12, $0x7;
	[sflag:s7] =	ssyncset.done $0x0  }
0x9c: {  	s9 =	sadd.s32 $0x680, s9;
	[sflag:s7] =	ssyncadd.s32 $0xFFFFE800  }
0x9d: {  	[tilespmem:s28], [sflag:$0x6] =	stream.indirect.gather [spmem:s3], $0x30, s9, s17, $0xb8;
	v63 =	vld [tilespmem:$0x0]  }
0x9e: {  	s14 =	smin.u32 s15, $0x41;
	_ =	swait.ge [sflag:s10], $0x1800  }
0x9f: {  	s4 =	sadd.s32 $0x1000, s4;
	s9 =	sshll.u32 s14, $0x7;
	[sflag:s10] =	ssyncset.done $0x0  }
0xa0: {  	p0 =	sne.s32 s4, $0xA000;
	s9 =	sadd.s32 $0x700, s9;
	[sflag:s10] =	ssyncadd.s32 $0xFFFFE800  }
0xa1: {  	[tilespmem:s30], [sflag:$0x7] =	stream.indirect.gather [spmem:s3], $0x30, s9, s17, $0xb8;
	v63 =	vld [tilespmem:$0x0]  }
.Ltmp3:
0xa2: {  	_ = 	snop;
	(pc) =	sbr.rel @p0 .LBB2_2-.Ltmp3, $4  }
.Ltmp4:
0xa3: {  	s16 =	smin.u32 s15, $0x40;
	_ =	swait.ge [sflag:s11], $0x1800;
	(pc) =	sbr.rel @!p0 .LBB2_5-.Ltmp4, $4  }
0xa4: {  	s9 =	sshll.u32 s16, $0x7;
	[sflag:s11] =	ssyncset.done $0x0  }
0xa5: {  	s15 =	sadd.s32 $0x8, s15;
	s9 =	sadd.s32 $0x780, s9;
	[sflag:s11] =	ssyncadd.s32 $0xFFFFE800  }
0xa6: {  	[tilespmem:s0], [sflag:$0x8] =	stream.indirect.gather [spmem:s3], $0x30, s9, s17, $0xb8;
	v63 =	vld [tilespmem:$0x0]  }
0xa7: {  	_ = 	snop  }
.LBB2_6:
0xa8: {  	_ =	sfence.sel $0x180000  }
0xa9: {  	[bflag:$0x0] =	sbarrier.arrive $0xFFFF  }
0xaa: {  	_ =	strace $0x9000004A  }
0xab: {  	s0 =	stileid.u32;
	[bflag:$0x2] =	sbarrier.arrive $0xFFFF  }
0xac: {  	p0 =	sne.s32 s0, $0x0;
	s0 =	rddreg [dreg:$0x4]  }
0xad: {  	s0 =	sadd.s32 @!p0 $0x100000, s0  }
0xae: {  	[sflag:s0] =	ssyncadd.tile.s32 @!p0 $0x1;
	_ =	shalt  }
.Lfunc_end2:
_tile_overlayer_lowered:
.L_overlay_start_2:
0xaf: {  	(tag) =	ssettag $0x2  }
0xb0: {  	s0 =	rddreg [dreg:$0x0];
	s2 =	stileid.u32  }
0xb1: {  	s1 =	rddreg [dreg:$0x1];
	p0 =	sne.s32 s2, $0x0  }
0xb2: {  	s3 =	rddreg [dreg:$0x2];
	[bflag:$0x3] =	sbarrier.arrive $0xFFFF;
	s2 =	simm.s32 @!p0 $0x1C12  }
0xb3: {  	[timem:s3], [sflag:s2] =	dma.local @!p0 [hbm:s0], s1  }
0xb4: {  	s0 =	simm.s32 @!p0 $0x12  }
0xb5: {  	_ =	swait.ge @!p0 [sflag:s0], s1  }
0xb6: {  	s1 =	ssub.s32 @!p0 $0x0, s1;
	[sflag:s0] =	ssyncset.done @!p0 $0x0  }
0xb7: {  	[sflag:s0] =	ssyncadd.s32 @!p0 s1  }
0xb8: {  	[bflag:$0x3] =	sbarrier.arrive $0xFFFF  }
0xb9: {  	_ =	shalt  }

// kernel: kernel.17.cloned.1.call-start
scs
__scs_entry_jumppad:
0x0: {  	(pc) =	sbr.rel $0x88, $3  }
0x1: {  	(tag) =	ssettag $0x0;
	lr =	simm.s32 $0x1  }
0x2: {  	[smem:$0x3F99] =	sst lr;
	_ =	strace $0xD0000000  }
0x3: {  	_ = 	snop  }
0x4: {  	_ = 	snop  }
0x5: {  	_ = 	snop  }
0x6: {  	_ = 	snop  }
0x7: {  	_ = 	snop  }
__scs_overlays_trampoline_lowered:
0x8: {  	[smem:$0x3FA8] =	sst s0  }
0x9: {  	[smem:$0x3FA9] =	sst s1  }
0xa: {  	[smem:$0x3FAA] =	sst s2  }
0xb: {  	[smem:$0x3FAB] =	sst s3  }
0xc: {  	[smem:$0x3FAC] =	sst s4  }
0xd: {  	[smem:$0x3FAD] =	sst s5  }
0xe: {  	[smem:$0x3FAE] =	sst s6  }
0xf: {  	[smem:$0x3FAF] =	sst s7  }
0x10: {  	[smem:$0x3FB0] =	sst s8  }
0x11: {  	[smem:$0x3FB1] =	sst s9;
	s0 =	simm.s32 @!p0 $0x0  }
0x12: {  	s1 =	sld [smem:$0x3F97];
	s0 =	simm.s32 @p0 $0x1  }
0x13: {  	[smem:$0x3FB2] =	sst s0;
	s0 =	simm.s32 @!p1 $0x0  }
0x14: {  	s2 =	sld [smem:$0x3F96];
	s0 =	simm.s32 @p1 $0x1  }
0x15: {  	[smem:$0x3FB3] =	sst s0;
	s0 =	simm.s32 @!p2 $0x0  }
0x16: {  	s3 =	sld [smem:$0x3FDB];
	s0 =	simm.s32 @p2 $0x1  }
0x17: {  	s4 =	simm.s32 $0x1BF5;
	[smem:$0x3FB5] =	sst s0  }
0x18: {  	s0 =	sld [smem:$0x3F98];
	_ =	swait.ge [sflag:s4], $0x0  }
0x19: {  	s7 =	sld [smem:$0x3F99]  }
0x1a: {  	s8 =	sadd.s32 $0xFFFFE003, lr  }
0x1b: {  	s9 =	sadd.s32 $0xFFFFFEF7, lr;
	s5 =	simm.s32 $0xFFFFFFFF;
	p2 =	slt.u32 s8, $0xFFFFF086  }
0x1c: {  	p1 =	slt.u32 s9, $0xF7A;
	s5 =	simm.s32 @!p2 $0x0  }
0x1d: {  	s5 =	simm.s32 @p1 $0x1;
	p0 =	seq.s32 s7, s2  }
0x1e: {  	s7 =	smul.u32 @!p0 $0xF7A, s2;
	p2 =	seq.s32 @!p0 s5, $0x0  }
0x1f: {  	s9 =	smul.u32 $0xF7A, s1;
	s8 =	simm.s32 @!p0 $0x1BF5;
	p2 =	por !p2, p0  }
0x20: {  	[sflag:s8] =	ssyncset.s32 @!p0 $0xFFFFF086;
	s6 =	sadd.s32 @!p0 s3, s7;
	s7 =	simm.s32 @!p0 $0x108  }
0x21: {  	s3 =	sadd.s32 s3, s9;
	s6 =	sadd.s32 @!p0 $0x88, s6;
	s7 =	simm.s32 @p2 $0x1082  }
0x22: {  	[simem:s7], [sflag:s8] =	dma.local @!p0 [hbm:s6], $0xF7A  }
0x23: {  	s9 =	sor.u32 $0xD0000000, s2;
	s6 =	simm.s32 $0x108;
	_ =	swait.ge @!p0 [sflag:s8], $0x0  }
0x24: {  	s3 =	sadd.s32 $0x88, s3;
	s6 =	simm.s32 @!p1 $0x1082;
	[sflag:s4] =	ssyncset.s32 $0xFFFFF086  }
0x25: {  	[simem:s6], [sflag:s4] =	dma.local [hbm:s3], $0xF7A  }
0x26: {  	[smem:$0x3F99] =	sst s1;
	(tag) =	ssettag s2;
	_ =	strace s9  }
0x27: {  	s1 =	sld [smem:$0x3FA9]  }
0x28: {  	s2 =	sld [smem:$0x3FAA]  }
0x29: {  	s4 =	sld [smem:$0x3FAC]  }
0x2a: {  	p0 =	seq.s32 s5, $0x0;
	s5 =	sld [smem:$0x3FAD]  }
0x2b: {  	s6 =	sld [smem:$0x3FAE]  }
0x2c: {  	s7 =	sld [smem:$0x3FAF]  }
0x2d: {  	s3 =	simm.s32 $0x108;
	s8 =	sld [smem:$0x3FB0]  }
0x2e: {  	s3 =	simm.s32 @!p0 $0x1082;
	s9 =	sld [smem:$0x3FB1]  }
0x2f: {  	lr =	sadd.s32 s0, s3;
	s0 =	sld [smem:$0x3FA8]  }
0x30: {  	s3 =	sld [smem:$0x3FAB]  }
0x31: {  	[smem:$0x3FB4] =	sst s10  }
0x32: {  	s10 =	sld [smem:$0x3FB2];
	_ =	sdelay $0x3  }
0x33: {  	p0 =	seq.s32 s10, $0x1;
	s10 =	sld [smem:$0x3FB4];
	_ =	sdelay $0x3  }
0x34: {  	[smem:$0x3FB4] =	sst s10  }
0x35: {  	s10 =	sld [smem:$0x3FB3];
	_ =	sdelay $0x3  }
0x36: {  	p1 =	seq.s32 s10, $0x1;
	s10 =	sld [smem:$0x3FB4];
	_ =	sdelay $0x3  }
0x37: {  	[smem:$0x3FB4] =	sst s10  }
0x38: {  	s10 =	sld [smem:$0x3FB5]  }
0x39: {  	_ = 	snop;
	(pc) =	sbr.ind lr, $3  }
0x3a: {  	_ = 	snop  }
0x3b: {  	_ = 	snop  }
0x3c: {  	p2 =	seq.s32 s10, $0x1;
	s10 =	sld [smem:$0x3FB4]  }
0x3d: {  	_ =	shalt  }
0x3e: {  	_ =	shalt  }
0x3f: {  	_ =	shalt  }
0x40: {  	_ =	shalt  }
0x41: {  	_ =	shalt  }
0x42: {  	_ =	shalt  }
0x43: {  	_ =	shalt  }
0x44: {  	_ =	shalt  }
0x45: {  	_ =	shalt  }
0x46: {  	_ =	shalt  }
0x47: {  	_ =	shalt  }
0x48: {  	_ =	shalt  }
0x49: {  	_ =	shalt  }
0x4a: {  	_ =	shalt  }
0x4b: {  	_ =	shalt  }
0x4c: {  	_ =	shalt  }
0x4d: {  	_ =	shalt  }
0x4e: {  	_ =	shalt  }
0x4f: {  	_ =	shalt  }
0x50: {  	_ =	shalt  }
0x51: {  	_ =	shalt  }
0x52: {  	_ =	shalt  }
0x53: {  	_ =	shalt  }
0x54: {  	_ =	shalt  }
0x55: {  	_ =	shalt  }
0x56: {  	_ =	shalt  }
0x57: {  	_ =	shalt  }
0x58: {  	_ =	shalt  }
0x59: {  	_ =	shalt  }
0x5a: {  	_ =	shalt  }
0x5b: {  	_ =	shalt  }
0x5c: {  	_ =	shalt  }
0x5d: {  	_ =	shalt  }
0x5e: {  	_ =	shalt  }
0x5f: {  	_ =	shalt  }
0x60: {  	_ =	shalt  }
0x61: {  	_ =	shalt  }
0x62: {  	_ =	shalt  }
0x63: {  	_ =	shalt  }
0x64: {  	_ =	shalt  }
0x65: {  	_ =	shalt  }
0x66: {  	_ =	shalt  }
0x67: {  	_ =	shalt  }
0x68: {  	_ =	shalt  }
0x69: {  	_ =	shalt  }
0x6a: {  	_ =	shalt  }
0x6b: {  	_ =	shalt  }
0x6c: {  	_ =	shalt  }
0x6d: {  	_ =	shalt  }
0x6e: {  	_ =	shalt  }
0x6f: {  	_ =	shalt  }
0x70: {  	_ =	shalt  }
0x71: {  	_ =	shalt  }
0x72: {  	_ =	shalt  }
0x73: {  	_ =	shalt  }
0x74: {  	_ =	shalt  }
0x75: {  	_ =	shalt  }
0x76: {  	_ =	shalt  }
0x77: {  	_ =	shalt  }
0x78: {  	_ =	shalt  }
0x79: {  	_ =	shalt  }
0x7a: {  	_ =	shalt  }
0x7b: {  	_ =	shalt  }
0x7c: {  	_ =	shalt  }
0x7d: {  	_ =	shalt  }
0x7e: {  	_ =	shalt  }
0x7f: {  	_ =	shalt  }
0x80: {  	_ =	shalt  }
0x81: {  	_ =	shalt  }
0x82: {  	_ =	shalt  }
0x83: {  	_ =	shalt  }
0x84: {  	_ =	shalt  }
0x85: {  	_ =	shalt  }
0x86: {  	_ =	shalt  }
0x87: {  	_ =	shalt  }
.Lfunc_end0:
.L_simem_size_0:
called_computation.2_lowered:
.L_overlay_start_0:
0x88: {  	s2 =	sld [smem:$0x3FD9]  }
0x89: {  	s3 =	sld [smem:$0x3FFE];
	_ =	sdelay $0x1  }
0x8a: {  	s1 =	srdreg.scid  }
0x8b: {  	s0 =	sand.u32 $0x1, s1  }
0x8c: {  	s17 =	sshll.u32 s0, $0xA;
	s2 =	sadd.s32 s3, s2  }
0x8d: {  	s2 =	sadd.s32 s2, s17  }
0x8e: {  	[smem:$0x3FC0] =	sst s2  }
0x8f: {  	_ = 	snop  }
0x90: {  	s2 =	sld [smem:$0x3FD0];
	(tm) =	ssettm $0x1  }
0x91: {  	s18 =	sld [smem:$0x3FFB];
	_ =	sdelay $0x3  }
0x92: {  	_ =	strace s18  }
0x93: {  	s3 =	sld [smem:$0x3FFC];
	_ =	sdelay $0x3  }
0x94: {  	_ =	strace s3  }
0x95: {  	s3 =	sld [smem:$0x3FFD];
	_ =	sdelay $0x3  }
0x96: {  	_ =	strace s3  }
0x97: {  	_ =	strace $0x8FFFFFFF  }
0x98: {  	s19 =	sld [smem:$0x3FDB];
	_ =	sdelay $0x1  }
0x99: {  	s4 =	simm.s32 $_scs_section_size  }
0x9a: {  	s5 =	simm.s32 $_size__tile_overlayer_lowered;
	s6 =	simm.s32 $_tile_overlayer_lowered  }
0x9b: {  	s22 =	simm.s32 $0x1BFF;
	s21 =	sshll.u32 s6, $0x1;
	s3 =	sadd.s32 s4, s19  }
0x9c: {  	s7 =	simm.s32 $0x0;
	s20 =	sshll.u32 s5, $0x1;
	s5 =	sadd.s32 s21, s3  }
0x9d: {  	[timem:s7], [sflag:s22] =	dma.local [hbm:s5], s20  }
0x9e: {  	_ =	swait.ge [sflag:s22], s20  }
0x9f: {  	s4 =	ssub.s32 $0x0, s20;
	[sflag:s22] =	ssyncset.done $0x0  }
0xa0: {  	[sflag:s22] =	ssyncadd.s32 s4;
	_ =	sdelay $0x1  }
0xa1: {  	s23 =	simm.s32 $0x1B8B  }
0xa2: {  	_ =	swait.ge [sflag:s23], $0x1  }
0xa3: {  	[sflag:s23] =	ssyncset.done $0x0  }
0xa4: {  	s25 =	simm.s32 $0x1B8E;
	s24 =	sld [smem:$0x3FFE];
	[sflag:s23] =	ssyncadd.s32 $0xFFFFFFFF  }
0xa5: {  	s26 =	simm.s32 $execute0_lowered;
	[smem:$0x3FD2] =	sst s25  }
0xa6: {  	s5 =	sshll.u32 s26, $0x1;
	_ =	strace $0x8000004C;
	[dreg:$0x1] =	wrdreg $0xFFFFFFFF  }
0xa7: {  	s28 =	simm.s32 $_size_execute0_lowered;
	s3 =	sadd.s32 s3, s5;
	[dreg:$0x0] =	wrdreg $0x0  }
0xa8: {  	s5 =	sshll.u32 s28, $0x1;
	[dreg:$0x2] =	wrdreg s3  }
0xa9: {  	[dreg:$0x3] =	wrdreg s5  }
0xaa: {  	[dreg:$0x4] =	wrdreg $0xC0  }
0xab: {  	_ =	task [dreg:s7], $0x5FFFF  }
0xac: {  	[dreg:$0x1] =	wrdreg $0xFFFFFFFF  }
0xad: {  	[dreg:$0x0] =	wrdreg $0x60  }
0xae: {  	[dreg:$0x2] =	wrdreg s24  }
0xaf: {  	[dreg:$0x3] =	wrdreg s2  }
0xb0: {  	[dreg:$0x4] =	wrdreg $0x110000  }
0xb1: {  	[dreg:$0x5] =	wrdreg $0x188000  }
0xb2: {  	[dreg:$0x6] =	wrdreg $0x9  }
0xb3: {  	_ =	task.clear_ibuf [dreg:s7], $0x7FFFF;
	_ =	strace $0x9000004C  }
0xb4: {  	s29 =	simm.s32 $0x9;
	_ =	strace $0x8000004E  }
0xb5: {  	_ =	swait.ge [sflag:s29], $0x1  }
0xb6: {  	[sflag:s29] =	ssyncadd.s32 $0xFFFFFFFF  }
0xb7: {  	_ =	strace $0x9000004E  }
0xb8: {  	_ =	sfence  }
0xb9: {  	s30 =	sld [smem:$0x0];
	_ =	sdelay $0x2  }
0xba: {  	s31 =	sshll.u32 s1, $0xD;
	s1 =	sshrl.u32 s1, $0x2  }
0xbb: {  	s3 =	sand.u32 $0x4000, s31;
	s1 =	sadd.s32 s1, s30  }
0xbc: {  	s0 =	sor.u32 s3, s0;
	s1 =	sshll.u32 s1, $0x11  }
0xbd: {  	s0 =	sor.u32 s1, s0  }
0xbe: {  	s0 =	sadd.s32 $0x8F2B, s0  }
0xbf: {  	[sflag:s0] =	ssyncadd.remote.s32 $0x1  }
0xc0: {  	_ =	sfence.sel $0xFFFF  }
0xc1: {  	[dreg:$0x0] =	wrdreg $0xFFFFFFFF;
	(pc) =	sbr.abs _section_cstart, $3  }
0xc2: {  	[dreg:$0x1] =	wrdreg $0xFFFFFFFF  }
0xc3: {  	_ =	task.clear_ibuf [dreg:s7], $0x2FFFF;
	_ =	strace $0x9FFFFFFF  }
0xc4: {  	(tm) =	ssettm $0x7FFFFFFF  }
0xc5: {  	_ =	shalt  }
tec
execute0_lowered:
.L_overlay_start_1:
0x0: {  	(tag) =	ssettag $0x1  }
0x1: {  	s0 =	rddreg [dreg:$0x0]  }
0x2: {  	s1 =	rddreg [dreg:$0x1]  }
0x3: {  	s2 =	rddreg [dreg:$0x2]  }
0x4: {  	s3 =	rddreg [dreg:$0x3]  }
0x5: {  	s11 =	stileid.u32;
	s4 =	srdreg.scid;
	s8 =	simm.s32 $0x0  }
0x6: {  	s28 =	simm.s32 $0xC800;
	s30 =	simm.s32 $0xE000;
	s13 =	simm.s32 $0x2  }
0x7: {  	s29 =	simm.s32 $0x6;
	s31 =	simm.s32 $0x7;
	s5 =	smul.u32 $0x7800, s11  }
0x8: {  	s4 =	sand.u32 $0x1, s4;
	s7 =	smul.u32 $0xF00, s11;
	[smem:$0x7FF] =	sst s8  }
0x9: {  	s23 =	sshll.u32 s11, $0x6;
	s8 =	simm.s32 $0x0;
	s6 =	sshll.u32 s4, $0x4  }
0xa: {  	s17 =	smul.u32 $0xF000, s4;
	_ =	strace $0x8000004D;
	s4 =	ssub.s32 $0x2, s4  }
0xb: {  	[dreg:$0x8] =	wrdreg s23;
	s6 =	sor.u32 s11, s6;
	s9 =	sshrl.u32 s5, $0x3  }
0xc: {  	s19 =	sshrl.u32 s4, $0x1;
	s21 =	sadd.s32 s5, s2;
	s5 =	sadd.s32 s5, s3  }
0xd: {  	s11 =	simm.s32 $0x10;
	s6 =	smul.u32 $0x500, s6;
	s10 =	sadd.s32 s9, s0  }
0xe: {  	s7 =	sadd.s32 s7, s17;
	s4 =	ssub.s32 s4, s19;
	s14 =	sshrl.u32 s21, $0x3  }
0xf: {  	s26 =	sshrl.u32 s5, $0x3;
	s17 =	simm.s32 $0x80;
	s19 =	simm.s32 $0x6800  }
0x10: {  	s21 =	simm.s32 $0x8000;
	s5 =	simm.s32 $0x8;
	s22 =	sadd.s32 $0x93200, s10  }
0x11: {  	s24 =	sadd.s32 $0x1E00, s10;
	s25 =	smax.u32 s4, $0x1;
	[dreg:$0xe] =	wrdreg s26  }
0x12: {  	s26 =	simm.s32 $0x5;
	s10 =	simm.s32 $0xF;
	[dreg:$0xd] =	wrdreg s14  }
0x13: {  	s18 =	sadd.s32 s6, s0;
	s0 =	sadd.s32 s7, s0;
	[dreg:$0x7] =	wrdreg s22  }
0x14: {  	s1 =	sadd.s32 s1, s6;
	s6 =	sor.u32 $0x1C11, s23;
	[dreg:$0xa] =	wrdreg s24  }
0x15: {  	[dreg:$0xc] =	wrdreg s25;
	s23 =	simm.s32 $0x9800;
	s25 =	simm.s32 $0xB000  }
.Ltmp0:
0x16: {  	s22 =	simm.s32 $0x4;
	s24 =	simm.s32 $0x9;
	(pc) =	sbr.rel .LBB2_1-.Ltmp0, $4  }
0x17: {  	s7 =	simm.s32 $0xE;
	s20 =	sadd.s32 $0x11200, s18;
	[dreg:$0x6] =	wrdreg s1  }
0x18: {  	[dreg:$0x9] =	wrdreg s6;
	s0 =	sadd.s32 $0x6B200, s0;
	s18 =	simm.s32 $0x5000  }
0x19: {  	s1 =	simm.s32 $0x1;
	s6 =	simm.s32 $0xD;
	[dreg:$0x5] =	wrdreg s20  }
0x1a: {  	[dreg:$0xb] =	wrdreg s0;
	s0 =	simm.s32 $0xF800;
	s20 =	simm.s32 $0x3  }
.LBB2_3:
0x1b: {  	_ =	swait.ge [sflag:s7], $0x1800  }
0x1c: {  	[sflag:s7] =	ssyncset.done $0x0  }
0x1d: {  	[sflag:s7] =	ssyncadd.s32 $0xFFFFE800  }
0x1e: {  	_ =	swait.ge [sflag:s10], $0x1800  }
0x1f: {  	[sflag:s10] =	ssyncset.done $0x0  }
0x20: {  	[sflag:s10] =	ssyncadd.s32 $0xFFFFE800  }
0x21: {  	_ =	swait.ge [sflag:s11], $0x1800  }
0x22: {  	[sflag:s11] =	ssyncset.done $0x0  }
0x23: {  	[sflag:s11] =	ssyncadd.s32 $0xFFFFE800  }
.LBB2_5:
0x24: {  	[bflag:$0x0] =	sbarrier.arrive $0xFFFF  }
0x25: {  	s4 =	rddreg [dreg:$0x8]  }
0x26: {  	s9 =	rddreg [dreg:$0xb]  }
0x27: {  	s15 =	simm.s32 $0x12;
	s14 =	rddreg [dreg:$0xd];
	s4 =	sor.u32 $0x1C12, s4  }
0x28: {  	[hbm:s9], [sflag:s4] =	dma.local [spmem:s14], $0xF00  }
0x29: {  	_ =	swait.ge [sflag:s15], $0xF00  }
0x2a: {  	s8 =	sadd.s32 $0x1, s8;
	s16 =	rddreg [dreg:$0xc]  }
0x2b: {  	p0 =	sne.s32 s8, s16  }
.Ltmp1:
0x2c: {  	_ = 	snop;
	(pc) =	sbr.rel @!p0 .LBB2_6-.Ltmp1, $3  }
0x2d: {  	_ =	sdelay $0x1  }
0x2e: {  	[sflag:s15] =	ssyncset.done $0x0  }
0x2f: {  	[sflag:s15] =	ssyncadd.s32 $0xFFFFF100  }
.LBB2_1:
0x30: {  	s9 =	rddreg [dreg:$0x5]  }
0x31: {  	s4 =	simm.s32 $0x0;
	s16 =	rddreg [dreg:$0x6]  }
0x32: {  	[tilespmem:s4], [sflag:$0x11] =	stream.linear.gather [hbm4b:s9+s4], $0x2800, $0x38;
	v63 =	vld [tilespmem:$0x0]  }
0x33: {  	s12 =	simm.s32 $0x2800;
	s15 =	rddreg [dreg:$0x7]  }
0x34: {  	[tilespmem:s12], [sflag:$0x11] =	stream.linear.gather [hbm4b:s16+s4], $0x2800, $0x38;
	v63 =	vld [tilespmem:$0x0]  }
0x35: {  	s16 =	rddreg [dreg:$0x9]  }
0x36: {  	[spmem:s14], [sflag:s16] =	dma.local [hbm:s15], $0xF00  }
0x37: {  	s9 =	rddreg [dreg:$0xa]  }
0x38: {  	s15 =	simm.s32 $0x11;
	s14 =	rddreg [dreg:$0xe]  }
0x39: {  	[spmem:s14], [sflag:s16] =	dma.local [hbm:s9], $0xF00  }
0x3a: {  	_ =	swait.ge [sflag:s15], $0x2800  }
0x3b: {  	[sflag:s15] =	ssyncset.done $0x0  }
0x3c: {  	[sflag:s15] =	ssyncadd.s32 $0xFFFFD800  }
0x3d: {  	_ =	swait.ge [sflag:s15], $0x2800  }
0x3e: {  	[sflag:s15] =	ssyncset.done $0x0  }
0x3f: {  	[sflag:s15] =	ssyncadd.s32 $0xFFFFD800  }
0x40: {  	_ =	swait.ge [sflag:s15], $0xF00  }
0x41: {  	[sflag:s15] =	ssyncset.done $0x0  }
0x42: {  	[sflag:s15] =	ssyncadd.s32 $0xFFFFF100  }
0x43: {  	_ =	swait.ge [sflag:s15], $0xF00  }
0x44: {  	[sflag:s15] =	ssyncset.done $0x0  }
0x45: {  	[sflag:s15] =	ssyncadd.s32 $0xFFFFF100  }
0x46: {  	[bflag:$0x0] =	sbarrier.arrive $0xFFFF  }
0x47: {  	[tilespmem:s18], [sflag:$0x1] =	stream.indirect.gather [spmem:s3], $0x30, s4, s17, $0xb8;
	v63 =	vld [tilespmem:$0x0]  }
0x48: {  	_ = 	snop  }
0x49: {  	[tilespmem:s19], [sflag:$0x2] =	stream.indirect.gather [spmem:s3], $0x30, s17, s17, $0xb8;
	v63 =	vld [tilespmem:$0x0]  }
0x4a: {  	s16 =	simm.s32 $0x100  }
0x4b: {  	[tilespmem:s21], [sflag:$0x3] =	stream.indirect.gather [spmem:s3], $0x30, s16, s17, $0xb8;
	v63 =	vld [tilespmem:$0x0]  }
0x4c: {  	s9 =	simm.s32 $0x180  }
0x4d: {  	[tilespmem:s23], [sflag:$0x4] =	stream.indirect.gather [spmem:s3], $0x30, s9, s17, $0xb8;
	v63 =	vld [tilespmem:$0x0]  }
0x4e: {  	s12 =	simm.s32 $0x200  }
0x4f: {  	[tilespmem:s25], [sflag:$0x5] =	stream.indirect.gather [spmem:s3], $0x30, s12, s17, $0xb8;
	v63 =	vld [tilespmem:$0x0]  }
0x50: {  	s14 =	simm.s32 $0x280  }
0x51: {  	[tilespmem:s28], [sflag:$0x6] =	stream.indirect.gather [spmem:s3], $0x30, s14, s17, $0xb8;
	v63 =	vld [tilespmem:$0x0]  }
0x52: {  	s15 =	simm.s32 $0x300  }
0x53: {  	[tilespmem:s30], [sflag:$0x7] =	stream.indirect.gather [spmem:s3], $0x30, s15, s17, $0xb8;
	v63 =	vld [tilespmem:$0x0]  }
0x54: {  	s4 =	simm.s32 $0x0;
	s16 =	simm.s32 $0x380;
	s15 =	simm.s32 $0x0  }
0x55: {  	[tilespmem:s0], [sflag:$0x8] =	stream.indirect.gather [spmem:s3], $0x30, s16, s17, $0xb8;
	v63 =	vld [tilespmem:$0x0]  }
.LBB2_2:
0x56: {  	_ =	swait.ge [sflag:s1], $0x1800  }
0x57: {  	s12 =	sshra.s32 s4, $0x2;
	[sflag:s1] =	ssyncset.done $0x0  }
0x58: {  	s9 =	sadd.s32 $0x2800, s12;
	[sflag:s1] =	ssyncadd.s32 $0xFFFFE800  }
0x59: {  	[spmem:s2] =	stream.indirect.scatter.add.f32 [tilespmem:s18], [sflag:$0x9], $0x30, s9, s17, $0xb8;
	v63 =	vld [tilespmem:$0x0]  }
0x5a: {  	_ =	swait.ge [sflag:s13], $0x1800  }
0x5b: {  	[sflag:s13] =	ssyncset.done $0x0  }
0x5c: {  	s16 =	sadd.s32 $0x2880, s12;
	[sflag:s13] =	ssyncadd.s32 $0xFFFFE800  }
0x5d: {  	[spmem:s2] =	stream.indirect.scatter.add.f32 [tilespmem:s19], [sflag:$0xA], $0x30, s16, s17, $0xb8;
	v63 =	vld [tilespmem:$0x0]  }
0x5e: {  	_ =	swait.ge [sflag:s20], $0x1800  }
0x5f: {  	[sflag:s20] =	ssyncset.done $0x0  }
0x60: {  	s14 =	sadd.s32 $0x2900, s12;
	[sflag:s20] =	ssyncadd.s32 $0xFFFFE800  }
0x61: {  	[spmem:s2] =	stream.indirect.scatter.add.f32 [tilespmem:s21], [sflag:$0xB], $0x30, s14, s17, $0xb8;
	v63 =	vld [tilespmem:$0x0]  }
0x62: {  	_ =	swait.ge [sflag:s22], $0x1800  }
0x63: {  	[sflag:s22] =	ssyncset.done $0x0  }
0x64: {  	s16 =	sadd.s32 $0x2980, s12;
	[sflag:s22] =	ssyncadd.s32 $0xFFFFE800  }
0x65: {  	[spmem:s2] =	stream.indirect.scatter.add.f32 [tilespmem:s23], [sflag:$0xC], $0x30, s16, s17, $0xb8;
	v63 =	vld [tilespmem:$0x0]  }
0x66: {  	_ =	swait.ge [sflag:s24], $0x1800  }
0x67: {  	p0 =	seq.s32 s4, $0x9000;
	[sflag:s24] =	ssyncset.done $0x0  }
0x68: {  	s9 =	simm.s32 @p0 $0xA;
	[sflag:s24] =	ssyncadd.s32 $0xFFFFE800  }
0x69: {  	_ =	swait.ge @p0 [sflag:s9], $0x1800  }
0x6a: {  	[sflag:s9] =	ssyncset.done @p0 $0x0  }
0x6b: {  	[sflag:s9] =	ssyncadd.s32 @p0 $0xFFFFE800;
	s9 =	simm.s32 @p0 $0xB  }
0x6c: {  	_ =	swait.ge @p0 [sflag:s9], $0x1800  }
0x6d: {  	[sflag:s9] =	ssyncset.done @p0 $0x0  }
0x6e: {  	[sflag:s9] =	ssyncadd.s32 @p0 $0xFFFFE800;
	s9 =	simm.s32 @p0 $0xC  }
0x6f: {  	_ =	swait.ge @p0 [sflag:s9], $0x1800  }
0x70: {  	s14 =	smin.u32 @!p0 s15, $0x47;
	[sflag:s9] =	ssyncset.done @p0 $0x0  }
0x71: {  	[sflag:s9] =	ssyncadd.s32 @p0 $0xFFFFE800;
	s9 =	sshll.u32 @!p0 s14, $0x7  }
0x72: {  	s16 =	simm.s32 @!p0 $0x5000;
	s14 =	simm.s32 @!p0 $0x80;
	s9 =	sadd.s32 @!p0 $0x400, s9  }
0x73: {  	[tilespmem:s16], [sflag:$0x1] =	stream.indirect.gather @!p0 [spmem:s3], $0x30, s9, s14, $0xb8;
	v63 =	vld [tilespmem:$0x0]  }
0x74: {  	s9 =	simm.s32 @!p0 $0xA  }
0x75: {  	s16 =	smin.u32 @!p0 s15, $0x46;
	_ =	swait.ge @!p0 [sflag:s9], $0x1800  }
0x76: {  	s16 =	sshll.u32 @!p0 s16, $0x7;
	[sflag:s9] =	ssyncset.done @!p0 $0x0  }
0x77: {  	[sflag:s9] =	ssyncadd.s32 @!p0 $0xFFFFE800;
	s9 =	sadd.s32 @!p0 $0x480, s16;
	s16 =	simm.s32 @!p0 $0x6800  }
0x78: {  	[tilespmem:s16], [sflag:$0x2] =	stream.indirect.gather @!p0 [spmem:s3], $0x30, s9, s14, $0xb8;
	v63 =	vld [tilespmem:$0x0]  }
0x79: {  	s9 =	simm.s32 @!p0 $0xB  }
0x7a: {  	s16 =	smin.u32 @!p0 s15, $0x45;
	_ =	swait.ge @!p0 [sflag:s9], $0x1800  }
0x7b: {  	s16 =	sshll.u32 @!p0 s16, $0x7;
	[sflag:s9] =	ssyncset.done @!p0 $0x0  }
0x7c: {  	[sflag:s9] =	ssyncadd.s32 @!p0 $0xFFFFE800;
	s9 =	sadd.s32 @!p0 $0x500, s16;
	s16 =	simm.s32 @!p0 $0x8000  }
0x7d: {  	[tilespmem:s16], [sflag:$0x3] =	stream.indirect.gather @!p0 [spmem:s3], $0x30, s9, s14, $0xb8;
	v63 =	vld [tilespmem:$0x0]  }
0x7e: {  	s9 =	simm.s32 @!p0 $0xC  }
0x7f: {  	s16 =	smin.u32 @!p0 s15, $0x44;
	_ =	swait.ge @!p0 [sflag:s9], $0x1800  }
0x80: {  	s16 =	sshll.u32 @!p0 s16, $0x7;
	[sflag:s9] =	ssyncset.done @!p0 $0x0  }
0x81: {  	[sflag:s9] =	ssyncadd.s32 @!p0 $0xFFFFE800;
	s9 =	sadd.s32 @!p0 $0x580, s16;
	s16 =	simm.s32 @!p0 $0x9800  }
0x82: {  	[tilespmem:s16], [sflag:$0x4] =	stream.indirect.gather @!p0 [spmem:s3], $0x30, s9, s14, $0xb8;
	v63 =	vld [tilespmem:$0x0]  }
0x83: {  	_ =	swait.ge [sflag:s26], $0x1800  }
0x84: {  	[sflag:s26] =	ssyncset.done $0x0  }
0x85: {  	s14 =	sadd.s32 $0x2A00, s12;
	[sflag:s26] =	ssyncadd.s32 $0xFFFFE800  }
0x86: {  	[spmem:s2] =	stream.indirect.scatter.add.f32 [tilespmem:s25], [sflag:$0xD], $0x30, s14, s17, $0xb8;
	v63 =	vld [tilespmem:$0x0]  }
0x87: {  	_ =	swait.ge [sflag:s29], $0x1800  }
0x88: {  	[sflag:s29] =	ssyncset.done $0x0  }
0x89: {  	s16 =	sadd.s32 $0x2A80, s12;
	[sflag:s29] =	ssyncadd.s32 $0xFFFFE800  }
0x8a: {  	[spmem:s2] =	stream.indirect.scatter.add.f32 [tilespmem:s28], [sflag:$0xE], $0x30, s16, s17, $0xb8;
	v63 =	vld [tilespmem:$0x0]  }
0x8b: {  	_ =	swait.ge [sflag:s31], $0x1800  }
0x8c: {  	[sflag:s31] =	ssyncset.done $0x0  }
0x8d: {  	s14 =	sadd.s32 $0x2B00, s12;
	[sflag:s31] =	ssyncadd.s32 $0xFFFFE800  }
0x8e: {  	[spmem:s2] =	stream.indirect.scatter.add.f32 [tilespmem:s30], [sflag:$0xF], $0x30, s14, s17, $0xb8;
	v63 =	vld [tilespmem:$0x0]  }
0x8f: {  	_ =	swait.ge [sflag:s5], $0x1800  }
0x90: {  	p0 =	sne.s32 s4, $0x9000;
	[sflag:s5] =	ssyncset.done $0x0  }
.Ltmp2:
0x91: {  	s16 =	sadd.s32 $0x2B80, s12;
	[sflag:s5] =	ssyncadd.s32 $0xFFFFE800;
	(pc) =	sbr.rel @!p0 .LBB2_3-.Ltmp2, $4  }
0x92: {  	[spmem:s2] =	stream.indirect.scatter.add.f32 [tilespmem:s0], [sflag:$0x10], $0x30, s16, s17, $0xb8;
	v63 =	vld [tilespmem:$0x0]  }
0x93: {  	_ =	swait.ge [sflag:s6], $0x1800  }
0x94: {  	[sflag:s6] =	ssyncset.done $0x0  }
0x95: {  	[sflag:s6] =	ssyncadd.s32 $0xFFFFE800  }
0x96: {  	s9 =	smin.u32 s15, $0x43  }
0x97: {  	s9 =	sshll.u32 s9, $0x7  }
0x98: {  	s9 =	sadd.s32 $0x600, s9  }
0x99: {  	[tilespmem:s25], [sflag:$0x5] =	stream.indirect.gather [spmem:s3], $0x30, s9, s17, $0xb8;
	v63 =	vld [tilespmem:$0x0]  }
0x9a: {  	s12 =	smin.u32 s15, $0x42;
	_ =	swait.ge [sflag:s7], $0x1800  }
0x9b: {  	s9 =	sshll.u32 s12, $0x7;
	[sflag:s7] =	ssyncset.done $0x0  }
0x9c: {  	s9 =	sadd.s32 $0x680, s9;
	[sflag:s7] =	ssyncadd.s32 $0xFFFFE800  }
0x9d: {  	[tilespmem:s28], [sflag:$0x6] =	stream.indirect.gather [spmem:s3], $0x30, s9, s17, $0xb8;
	v63 =	vld [tilespmem:$0x0]  }
0x9e: {  	s14 =	smin.u32 s15, $0x41;
	_ =	swait.ge [sflag:s10], $0x1800  }
0x9f: {  	s4 =	sadd.s32 $0x1000, s4;
	s9 =	sshll.u32 s14, $0x7;
	[sflag:s10] =	ssyncset.done $0x0  }
0xa0: {  	p0 =	sne.s32 s4, $0xA000;
	s9 =	sadd.s32 $0x700, s9;
	[sflag:s10] =	ssyncadd.s32 $0xFFFFE800  }
0xa1: {  	[tilespmem:s30], [sflag:$0x7] =	stream.indirect.gather [spmem:s3], $0x30, s9, s17, $0xb8;
	v63 =	vld [tilespmem:$0x0]  }
.Ltmp3:
0xa2: {  	_ = 	snop;
	(pc) =	sbr.rel @p0 .LBB2_2-.Ltmp3, $4  }
.Ltmp4:
0xa3: {  	s16 =	smin.u32 s15, $0x40;
	_ =	swait.ge [sflag:s11], $0x1800;
	(pc) =	sbr.rel @!p0 .LBB2_5-.Ltmp4, $4  }
0xa4: {  	s9 =	sshll.u32 s16, $0x7;
	[sflag:s11] =	ssyncset.done $0x0  }
0xa5: {  	s15 =	sadd.s32 $0x8, s15;
	s9 =	sadd.s32 $0x780, s9;
	[sflag:s11] =	ssyncadd.s32 $0xFFFFE800  }
0xa6: {  	[tilespmem:s0], [sflag:$0x8] =	stream.indirect.gather [spmem:s3], $0x30, s9, s17, $0xb8;
	v63 =	vld [tilespmem:$0x0]  }
0xa7: {  	_ = 	snop  }
.LBB2_6:
0xa8: {  	_ =	sfence.sel $0x180000  }
0xa9: {  	[bflag:$0x0] =	sbarrier.arrive $0xFFFF  }
0xaa: {  	_ =	strace $0x9000004D  }
0xab: {  	s0 =	stileid.u32;
	[bflag:$0x2] =	sbarrier.arrive $0xFFFF  }
0xac: {  	p0 =	sne.s32 s0, $0x0;
	s0 =	rddreg [dreg:$0x4]  }
0xad: {  	s0 =	sadd.s32 @!p0 $0x100000, s0  }
0xae: {  	[sflag:s0] =	ssyncadd.tile.s32 @!p0 $0x1;
	_ =	shalt  }
.Lfunc_end2:
_tile_overlayer_lowered:
.L_overlay_start_2:
0xaf: {  	(tag) =	ssettag $0x2  }
0xb0: {  	s0 =	rddreg [dreg:$0x0];
	s2 =	stileid.u32  }
0xb1: {  	s1 =	rddreg [dreg:$0x1];
	p0 =	sne.s32 s2, $0x0  }
0xb2: {  	s3 =	rddreg [dreg:$0x2];
	[bflag:$0x3] =	sbarrier.arrive $0xFFFF;
	s2 =	simm.s32 @!p0 $0x1C12  }
0xb3: {  	[timem:s3], [sflag:s2] =	dma.local @!p0 [hbm:s0], s1  }
0xb4: {  	s0 =	simm.s32 @!p0 $0x12  }
0xb5: {  	_ =	swait.ge @!p0 [sflag:s0], s1  }
0xb6: {  	s1 =	ssub.s32 @!p0 $0x0, s1;
	[sflag:s0] =	ssyncset.done @!p0 $0x0  }
0xb7: {  	[sflag:s0] =	ssyncadd.s32 @!p0 s1  }
0xb8: {  	[bflag:$0x3] =	sbarrier.arrive $0xFFFF  }
0xb9: {  	_ =	shalt  }

// kernel: kernel.20.cloned.1.call-start
scs
__scs_entry_jumppad:
0x0: {  	(pc) =	sbr.rel $0x88, $3  }
0x1: {  	(tag) =	ssettag $0x0;
	lr =	simm.s32 $0x1  }
0x2: {  	[smem:$0x3F99] =	sst lr;
	_ =	strace $0xD0000000  }
0x3: {  	_ = 	snop  }
0x4: {  	_ = 	snop  }
0x5: {  	_ = 	snop  }
0x6: {  	_ = 	snop  }
0x7: {  	_ = 	snop  }
__scs_overlays_trampoline_lowered:
0x8: {  	[smem:$0x3FA8] =	sst s0  }
0x9: {  	[smem:$0x3FA9] =	sst s1  }
0xa: {  	[smem:$0x3FAA] =	sst s2  }
0xb: {  	[smem:$0x3FAB] =	sst s3  }
0xc: {  	[smem:$0x3FAC] =	sst s4  }
0xd: {  	[smem:$0x3FAD] =	sst s5  }
0xe: {  	[smem:$0x3FAE] =	sst s6  }
0xf: {  	[smem:$0x3FAF] =	sst s7  }
0x10: {  	[smem:$0x3FB0] =	sst s8  }
0x11: {  	[smem:$0x3FB1] =	sst s9;
	s0 =	simm.s32 @!p0 $0x0  }
0x12: {  	s1 =	sld [smem:$0x3F97];
	s0 =	simm.s32 @p0 $0x1  }
0x13: {  	[smem:$0x3FB2] =	sst s0;
	s0 =	simm.s32 @!p1 $0x0  }
0x14: {  	s2 =	sld [smem:$0x3F96];
	s0 =	simm.s32 @p1 $0x1  }
0x15: {  	[smem:$0x3FB3] =	sst s0;
	s0 =	simm.s32 @!p2 $0x0  }
0x16: {  	s3 =	sld [smem:$0x3FDB];
	s0 =	simm.s32 @p2 $0x1  }
0x17: {  	s4 =	simm.s32 $0x1BF5;
	[smem:$0x3FB5] =	sst s0  }
0x18: {  	s0 =	sld [smem:$0x3F98];
	_ =	swait.ge [sflag:s4], $0x0  }
0x19: {  	s7 =	sld [smem:$0x3F99]  }
0x1a: {  	s8 =	sadd.s32 $0xFFFFE003, lr  }
0x1b: {  	s9 =	sadd.s32 $0xFFFFFEF7, lr;
	s5 =	simm.s32 $0xFFFFFFFF;
	p2 =	slt.u32 s8, $0xFFFFF086  }
0x1c: {  	p1 =	slt.u32 s9, $0xF7A;
	s5 =	simm.s32 @!p2 $0x0  }
0x1d: {  	s5 =	simm.s32 @p1 $0x1;
	p0 =	seq.s32 s7, s2  }
0x1e: {  	s7 =	smul.u32 @!p0 $0xF7A, s2;
	p2 =	seq.s32 @!p0 s5, $0x0  }
0x1f: {  	s9 =	smul.u32 $0xF7A, s1;
	s8 =	simm.s32 @!p0 $0x1BF5;
	p2 =	por !p2, p0  }
0x20: {  	[sflag:s8] =	ssyncset.s32 @!p0 $0xFFFFF086;
	s6 =	sadd.s32 @!p0 s3, s7;
	s7 =	simm.s32 @!p0 $0x108  }
0x21: {  	s3 =	sadd.s32 s3, s9;
	s6 =	sadd.s32 @!p0 $0x88, s6;
	s7 =	simm.s32 @p2 $0x1082  }
0x22: {  	[simem:s7], [sflag:s8] =	dma.local @!p0 [hbm:s6], $0xF7A  }
0x23: {  	s9 =	sor.u32 $0xD0000000, s2;
	s6 =	simm.s32 $0x108;
	_ =	swait.ge @!p0 [sflag:s8], $0x0  }
0x24: {  	s3 =	sadd.s32 $0x88, s3;
	s6 =	simm.s32 @!p1 $0x1082;
	[sflag:s4] =	ssyncset.s32 $0xFFFFF086  }
0x25: {  	[simem:s6], [sflag:s4] =	dma.local [hbm:s3], $0xF7A  }
0x26: {  	[smem:$0x3F99] =	sst s1;
	(tag) =	ssettag s2;
	_ =	strace s9  }
0x27: {  	s1 =	sld [smem:$0x3FA9]  }
0x28: {  	s2 =	sld [smem:$0x3FAA]  }
0x29: {  	s4 =	sld [smem:$0x3FAC]  }
0x2a: {  	p0 =	seq.s32 s5, $0x0;
	s5 =	sld [smem:$0x3FAD]  }
0x2b: {  	s6 =	sld [smem:$0x3FAE]  }
0x2c: {  	s7 =	sld [smem:$0x3FAF]  }
0x2d: {  	s3 =	simm.s32 $0x108;
	s8 =	sld [smem:$0x3FB0]  }
0x2e: {  	s3 =	simm.s32 @!p0 $0x1082;
	s9 =	sld [smem:$0x3FB1]  }
0x2f: {  	lr =	sadd.s32 s0, s3;
	s0 =	sld [smem:$0x3FA8]  }
0x30: {  	s3 =	sld [smem:$0x3FAB]  }
0x31: {  	[smem:$0x3FB4] =	sst s10  }
0x32: {  	s10 =	sld [smem:$0x3FB2];
	_ =	sdelay $0x3  }
0x33: {  	p0 =	seq.s32 s10, $0x1;
	s10 =	sld [smem:$0x3FB4];
	_ =	sdelay $0x3  }
0x34: {  	[smem:$0x3FB4] =	sst s10  }
0x35: {  	s10 =	sld [smem:$0x3FB3];
	_ =	sdelay $0x3  }
0x36: {  	p1 =	seq.s32 s10, $0x1;
	s10 =	sld [smem:$0x3FB4];
	_ =	sdelay $0x3  }
0x37: {  	[smem:$0x3FB4] =	sst s10  }
0x38: {  	s10 =	sld [smem:$0x3FB5]  }
0x39: {  	_ = 	snop;
	(pc) =	sbr.ind lr, $3  }
0x3a: {  	_ = 	snop  }
0x3b: {  	_ = 	snop  }
0x3c: {  	p2 =	seq.s32 s10, $0x1;
	s10 =	sld [smem:$0x3FB4]  }
0x3d: {  	_ =	shalt  }
0x3e: {  	_ =	shalt  }
0x3f: {  	_ =	shalt  }
0x40: {  	_ =	shalt  }
0x41: {  	_ =	shalt  }
0x42: {  	_ =	shalt  }
0x43: {  	_ =	shalt  }
0x44: {  	_ =	shalt  }
0x45: {  	_ =	shalt  }
0x46: {  	_ =	shalt  }
0x47: {  	_ =	shalt  }
0x48: {  	_ =	shalt  }
0x49: {  	_ =	shalt  }
0x4a: {  	_ =	shalt  }
0x4b: {  	_ =	shalt  }
0x4c: {  	_ =	shalt  }
0x4d: {  	_ =	shalt  }
0x4e: {  	_ =	shalt  }
0x4f: {  	_ =	shalt  }
0x50: {  	_ =	shalt  }
0x51: {  	_ =	shalt  }
0x52: {  	_ =	shalt  }
0x53: {  	_ =	shalt  }
0x54: {  	_ =	shalt  }
0x55: {  	_ =	shalt  }
0x56: {  	_ =	shalt  }
0x57: {  	_ =	shalt  }
0x58: {  	_ =	shalt  }
0x59: {  	_ =	shalt  }
0x5a: {  	_ =	shalt  }
0x5b: {  	_ =	shalt  }
0x5c: {  	_ =	shalt  }
0x5d: {  	_ =	shalt  }
0x5e: {  	_ =	shalt  }
0x5f: {  	_ =	shalt  }
0x60: {  	_ =	shalt  }
0x61: {  	_ =	shalt  }
0x62: {  	_ =	shalt  }
0x63: {  	_ =	shalt  }
0x64: {  	_ =	shalt  }
0x65: {  	_ =	shalt  }
0x66: {  	_ =	shalt  }
0x67: {  	_ =	shalt  }
0x68: {  	_ =	shalt  }
0x69: {  	_ =	shalt  }
0x6a: {  	_ =	shalt  }
0x6b: {  	_ =	shalt  }
0x6c: {  	_ =	shalt  }
0x6d: {  	_ =	shalt  }
0x6e: {  	_ =	shalt  }
0x6f: {  	_ =	shalt  }
0x70: {  	_ =	shalt  }
0x71: {  	_ =	shalt  }
0x72: {  	_ =	shalt  }
0x73: {  	_ =	shalt  }
0x74: {  	_ =	shalt  }
0x75: {  	_ =	shalt  }
0x76: {  	_ =	shalt  }
0x77: {  	_ =	shalt  }
0x78: {  	_ =	shalt  }
0x79: {  	_ =	shalt  }
0x7a: {  	_ =	shalt  }
0x7b: {  	_ =	shalt  }
0x7c: {  	_ =	shalt  }
0x7d: {  	_ =	shalt  }
0x7e: {  	_ =	shalt  }
0x7f: {  	_ =	shalt  }
0x80: {  	_ =	shalt  }
0x81: {  	_ =	shalt  }
0x82: {  	_ =	shalt  }
0x83: {  	_ =	shalt  }
0x84: {  	_ =	shalt  }
0x85: {  	_ =	shalt  }
0x86: {  	_ =	shalt  }
0x87: {  	_ =	shalt  }
.Lfunc_end0:
.L_simem_size_0:
called_computation.3_lowered:
.L_overlay_start_0:
0x88: {  	s2 =	sld [smem:$0x3FD9]  }
0x89: {  	s3 =	sld [smem:$0x3FFE];
	_ =	sdelay $0x1  }
0x8a: {  	s1 =	srdreg.scid  }
0x8b: {  	s0 =	sand.u32 $0x1, s1  }
0x8c: {  	s17 =	sshll.u32 s0, $0xA;
	s2 =	sadd.s32 s3, s2  }
0x8d: {  	s2 =	sadd.s32 s2, s17  }
0x8e: {  	[smem:$0x3FC0] =	sst s2  }
0x8f: {  	_ = 	snop  }
0x90: {  	s2 =	sld [smem:$0x3FD0];
	(tm) =	ssettm $0x1  }
0x91: {  	s18 =	sld [smem:$0x3FFB];
	_ =	sdelay $0x3  }
0x92: {  	_ =	strace s18  }
0x93: {  	s3 =	sld [smem:$0x3FFC];
	_ =	sdelay $0x3  }
0x94: {  	_ =	strace s3  }
0x95: {  	s3 =	sld [smem:$0x3FFD];
	_ =	sdelay $0x3  }
0x96: {  	_ =	strace s3  }
0x97: {  	_ =	strace $0x8FFFFFFF  }
0x98: {  	s19 =	sld [smem:$0x3FDB];
	_ =	sdelay $0x1  }
0x99: {  	s4 =	simm.s32 $_scs_section_size  }
0x9a: {  	s5 =	simm.s32 $_size__tile_overlayer_lowered;
	s6 =	simm.s32 $_tile_overlayer_lowered  }
0x9b: {  	s22 =	simm.s32 $0x1BFF;
	s21 =	sshll.u32 s6, $0x1;
	s3 =	sadd.s32 s4, s19  }
0x9c: {  	s7 =	simm.s32 $0x0;
	s20 =	sshll.u32 s5, $0x1;
	s5 =	sadd.s32 s21, s3  }
0x9d: {  	[timem:s7], [sflag:s22] =	dma.local [hbm:s5], s20  }
0x9e: {  	_ =	swait.ge [sflag:s22], s20  }
0x9f: {  	s4 =	ssub.s32 $0x0, s20;
	[sflag:s22] =	ssyncset.done $0x0  }
0xa0: {  	[sflag:s22] =	ssyncadd.s32 s4;
	_ =	sdelay $0x1  }
0xa1: {  	s23 =	simm.s32 $0x1B8B  }
0xa2: {  	_ =	swait.ge [sflag:s23], $0x1  }
0xa3: {  	[sflag:s23] =	ssyncset.done $0x0  }
0xa4: {  	s25 =	simm.s32 $0x1B8E;
	s24 =	sld [smem:$0x3FFE];
	[sflag:s23] =	ssyncadd.s32 $0xFFFFFFFF  }
0xa5: {  	s26 =	simm.s32 $execute0_lowered;
	[smem:$0x3FD2] =	sst s25  }
0xa6: {  	s5 =	sshll.u32 s26, $0x1;
	_ =	strace $0x8000004F;
	[dreg:$0x1] =	wrdreg $0xFFFFFFFF  }
0xa7: {  	s28 =	simm.s32 $_size_execute0_lowered;
	s3 =	sadd.s32 s3, s5;
	[dreg:$0x0] =	wrdreg $0x0  }
0xa8: {  	s5 =	sshll.u32 s28, $0x1;
	[dreg:$0x2] =	wrdreg s3  }
0xa9: {  	[dreg:$0x3] =	wrdreg s5  }
0xaa: {  	[dreg:$0x4] =	wrdreg $0xC0  }
0xab: {  	_ =	task [dreg:s7], $0x5FFFF  }
0xac: {  	[dreg:$0x1] =	wrdreg $0xFFFFFFFF  }
0xad: {  	[dreg:$0x0] =	wrdreg $0x60  }
0xae: {  	[dreg:$0x2] =	wrdreg s24  }
0xaf: {  	[dreg:$0x3] =	wrdreg s2  }
0xb0: {  	[dreg:$0x4] =	wrdreg $0x110000  }
0xb1: {  	[dreg:$0x5] =	wrdreg $0x188000  }
0xb2: {  	[dreg:$0x6] =	wrdreg $0x9  }
0xb3: {  	_ =	task.clear_ibuf [dreg:s7], $0x7FFFF;
	_ =	strace $0x9000004F  }
0xb4: {  	s29 =	simm.s32 $0x9;
	_ =	strace $0x80000051  }
0xb5: {  	_ =	swait.ge [sflag:s29], $0x1  }
0xb6: {  	[sflag:s29] =	ssyncadd.s32 $0xFFFFFFFF  }
0xb7: {  	_ =	strace $0x90000051  }
0xb8: {  	_ =	sfence  }
0xb9: {  	s30 =	sld [smem:$0x0];
	_ =	sdelay $0x2  }
0xba: {  	s31 =	sshll.u32 s1, $0xD;
	s1 =	sshrl.u32 s1, $0x2  }
0xbb: {  	s3 =	sand.u32 $0x4000, s31;
	s1 =	sadd.s32 s1, s30  }
0xbc: {  	s0 =	sor.u32 s3, s0;
	s1 =	sshll.u32 s1, $0x11  }
0xbd: {  	s0 =	sor.u32 s1, s0  }
0xbe: {  	s0 =	sadd.s32 $0x8F2B, s0  }
0xbf: {  	[sflag:s0] =	ssyncadd.remote.s32 $0x1  }
0xc0: {  	_ =	sfence.sel $0xFFFF  }
0xc1: {  	[dreg:$0x0] =	wrdreg $0xFFFFFFFF;
	(pc) =	sbr.abs _section_cstart, $3  }
0xc2: {  	[dreg:$0x1] =	wrdreg $0xFFFFFFFF  }
0xc3: {  	_ =	task.clear_ibuf [dreg:s7], $0x2FFFF;
	_ =	strace $0x9FFFFFFF  }
0xc4: {  	(tm) =	ssettm $0x7FFFFFFF  }
0xc5: {  	_ =	shalt  }
tec
execute0_lowered:
.L_overlay_start_1:
0x0: {  	(tag) =	ssettag $0x1  }
0x1: {  	s0 =	rddreg [dreg:$0x0]  }
0x2: {  	s1 =	rddreg [dreg:$0x1]  }
0x3: {  	s2 =	rddreg [dreg:$0x2]  }
0x4: {  	s3 =	rddreg [dreg:$0x3]  }
0x5: {  	s11 =	stileid.u32;
	s4 =	srdreg.scid;
	s8 =	simm.s32 $0x0  }
0x6: {  	s28 =	simm.s32 $0xC800;
	s30 =	simm.s32 $0xE000;
	s13 =	simm.s32 $0x2  }
0x7: {  	s29 =	simm.s32 $0x6;
	s31 =	simm.s32 $0x7;
	s5 =	smul.u32 $0x7800, s11  }
0x8: {  	s4 =	sand.u32 $0x1, s4;
	s7 =	smul.u32 $0xF00, s11;
	[smem:$0x7FF] =	sst s8  }
0x9: {  	s23 =	sshll.u32 s11, $0x6;
	s8 =	simm.s32 $0x0;
	s6 =	sshll.u32 s4, $0x4  }
0xa: {  	s17 =	smul.u32 $0xF000, s4;
	_ =	strace $0x80000050;
	s4 =	ssub.s32 $0x2, s4  }
0xb: {  	[dreg:$0x8] =	wrdreg s23;
	s6 =	sor.u32 s11, s6;
	s9 =	sshrl.u32 s5, $0x3  }
0xc: {  	s19 =	sshrl.u32 s4, $0x1;
	s21 =	sadd.s32 s5, s2;
	s5 =	sadd.s32 s5, s3  }
0xd: {  	s11 =	simm.s32 $0x10;
	s6 =	smul.u32 $0x500, s6;
	s10 =	sadd.s32 s9, s0  }
0xe: {  	s7 =	sadd.s32 s7, s17;
	s4 =	ssub.s32 s4, s19;
	s14 =	sshrl.u32 s21, $0x3  }
0xf: {  	s26 =	sshrl.u32 s5, $0x3;
	s17 =	simm.s32 $0x80;
	s19 =	simm.s32 $0x6800  }
0x10: {  	s21 =	simm.s32 $0x8000;
	s5 =	simm.s32 $0x8;
	s22 =	sadd.s32 $0x93200, s10  }
0x11: {  	s24 =	sadd.s32 $0x1E00, s10;
	s25 =	smax.u32 s4, $0x1;
	[dreg:$0xe] =	wrdreg s26  }
0x12: {  	s26 =	simm.s32 $0x5;
	s10 =	simm.s32 $0xF;
	[dreg:$0xd] =	wrdreg s14  }
0x13: {  	s18 =	sadd.s32 s6, s0;
	s0 =	sadd.s32 s7, s0;
	[dreg:$0x7] =	wrdreg s22  }
0x14: {  	s1 =	sadd.s32 s1, s6;
	s6 =	sor.u32 $0x1C11, s23;
	[dreg:$0xa] =	wrdreg s24  }
0x15: {  	[dreg:$0xc] =	wrdreg s25;
	s23 =	simm.s32 $0x9800;
	s25 =	simm.s32 $0xB000  }
.Ltmp0:
0x16: {  	s22 =	simm.s32 $0x4;
	s24 =	simm.s32 $0x9;
	(pc) =	sbr.rel .LBB2_1-.Ltmp0, $4  }
0x17: {  	s7 =	simm.s32 $0xE;
	s20 =	sadd.s32 $0x11200, s18;
	[dreg:$0x6] =	wrdreg s1  }
0x18: {  	[dreg:$0x9] =	wrdreg s6;
	s0 =	sadd.s32 $0x6B200, s0;
	s18 =	simm.s32 $0x5000  }
0x19: {  	s1 =	simm.s32 $0x1;
	s6 =	simm.s32 $0xD;
	[dreg:$0x5] =	wrdreg s20  }
0x1a: {  	[dreg:$0xb] =	wrdreg s0;
	s0 =	simm.s32 $0xF800;
	s20 =	simm.s32 $0x3  }
.LBB2_3:
0x1b: {  	_ =	swait.ge [sflag:s7], $0x1800  }
0x1c: {  	[sflag:s7] =	ssyncset.done $0x0  }
0x1d: {  	[sflag:s7] =	ssyncadd.s32 $0xFFFFE800  }
0x1e: {  	_ =	swait.ge [sflag:s10], $0x1800  }
0x1f: {  	[sflag:s10] =	ssyncset.done $0x0  }
0x20: {  	[sflag:s10] =	ssyncadd.s32 $0xFFFFE800  }
0x21: {  	_ =	swait.ge [sflag:s11], $0x1800  }
0x22: {  	[sflag:s11] =	ssyncset.done $0x0  }
0x23: {  	[sflag:s11] =	ssyncadd.s32 $0xFFFFE800  }
.LBB2_5:
0x24: {  	[bflag:$0x0] =	sbarrier.arrive $0xFFFF  }
0x25: {  	s4 =	rddreg [dreg:$0x8]  }
0x26: {  	s9 =	rddreg [dreg:$0xb]  }
0x27: {  	s15 =	simm.s32 $0x12;
	s14 =	rddreg [dreg:$0xd];
	s4 =	sor.u32 $0x1C12, s4  }
0x28: {  	[hbm:s9], [sflag:s4] =	dma.local [spmem:s14], $0xF00  }
0x29: {  	_ =	swait.ge [sflag:s15], $0xF00  }
0x2a: {  	s8 =	sadd.s32 $0x1, s8;
	s16 =	rddreg [dreg:$0xc]  }
0x2b: {  	p0 =	sne.s32 s8, s16  }
.Ltmp1:
0x2c: {  	_ = 	snop;
	(pc) =	sbr.rel @!p0 .LBB2_6-.Ltmp1, $3  }
0x2d: {  	_ =	sdelay $0x1  }
0x2e: {  	[sflag:s15] =	ssyncset.done $0x0  }
0x2f: {  	[sflag:s15] =	ssyncadd.s32 $0xFFFFF100  }
.LBB2_1:
0x30: {  	s9 =	rddreg [dreg:$0x5]  }
0x31: {  	s4 =	simm.s32 $0x0;
	s16 =	rddreg [dreg:$0x6]  }
0x32: {  	[tilespmem:s4], [sflag:$0x11] =	stream.linear.gather [hbm4b:s9+s4], $0x2800, $0x38;
	v63 =	vld [tilespmem:$0x0]  }
0x33: {  	s12 =	simm.s32 $0x2800;
	s15 =	rddreg [dreg:$0x7]  }
0x34: {  	[tilespmem:s12], [sflag:$0x11] =	stream.linear.gather [hbm4b:s16+s4], $0x2800, $0x38;
	v63 =	vld [tilespmem:$0x0]  }
0x35: {  	s16 =	rddreg [dreg:$0x9]  }
0x36: {  	[spmem:s14], [sflag:s16] =	dma.local [hbm:s15], $0xF00  }
0x37: {  	s9 =	rddreg [dreg:$0xa]  }
0x38: {  	s15 =	simm.s32 $0x11;
	s14 =	rddreg [dreg:$0xe]  }
0x39: {  	[spmem:s14], [sflag:s16] =	dma.local [hbm:s9], $0xF00  }
0x3a: {  	_ =	swait.ge [sflag:s15], $0x2800  }
0x3b: {  	[sflag:s15] =	ssyncset.done $0x0  }
0x3c: {  	[sflag:s15] =	ssyncadd.s32 $0xFFFFD800  }
0x3d: {  	_ =	swait.ge [sflag:s15], $0x2800  }
0x3e: {  	[sflag:s15] =	ssyncset.done $0x0  }
0x3f: {  	[sflag:s15] =	ssyncadd.s32 $0xFFFFD800  }
0x40: {  	_ =	swait.ge [sflag:s15], $0xF00  }
0x41: {  	[sflag:s15] =	ssyncset.done $0x0  }
0x42: {  	[sflag:s15] =	ssyncadd.s32 $0xFFFFF100  }
0x43: {  	_ =	swait.ge [sflag:s15], $0xF00  }
0x44: {  	[sflag:s15] =	ssyncset.done $0x0  }
0x45: {  	[sflag:s15] =	ssyncadd.s32 $0xFFFFF100  }
0x46: {  	[bflag:$0x0] =	sbarrier.arrive $0xFFFF  }
0x47: {  	[tilespmem:s18], [sflag:$0x1] =	stream.indirect.gather [spmem:s3], $0x30, s4, s17, $0xb8;
	v63 =	vld [tilespmem:$0x0]  }
0x48: {  	_ = 	snop  }
0x49: {  	[tilespmem:s19], [sflag:$0x2] =	stream.indirect.gather [spmem:s3], $0x30, s17, s17, $0xb8;
	v63 =	vld [tilespmem:$0x0]  }
0x4a: {  	s16 =	simm.s32 $0x100  }
0x4b: {  	[tilespmem:s21], [sflag:$0x3] =	stream.indirect.gather [spmem:s3], $0x30, s16, s17, $0xb8;
	v63 =	vld [tilespmem:$0x0]  }
0x4c: {  	s9 =	simm.s32 $0x180  }
0x4d: {  	[tilespmem:s23], [sflag:$0x4] =	stream.indirect.gather [spmem:s3], $0x30, s9, s17, $0xb8;
	v63 =	vld [tilespmem:$0x0]  }
0x4e: {  	s12 =	simm.s32 $0x200  }
0x4f: {  	[tilespmem:s25], [sflag:$0x5] =	stream.indirect.gather [spmem:s3], $0x30, s12, s17, $0xb8;
	v63 =	vld [tilespmem:$0x0]  }
0x50: {  	s14 =	simm.s32 $0x280  }
0x51: {  	[tilespmem:s28], [sflag:$0x6] =	stream.indirect.gather [spmem:s3], $0x30, s14, s17, $0xb8;
	v63 =	vld [tilespmem:$0x0]  }
0x52: {  	s15 =	simm.s32 $0x300  }
0x53: {  	[tilespmem:s30], [sflag:$0x7] =	stream.indirect.gather [spmem:s3], $0x30, s15, s17, $0xb8;
	v63 =	vld [tilespmem:$0x0]  }
0x54: {  	s4 =	simm.s32 $0x0;
	s16 =	simm.s32 $0x380;
	s15 =	simm.s32 $0x0  }
0x55: {  	[tilespmem:s0], [sflag:$0x8] =	stream.indirect.gather [spmem:s3], $0x30, s16, s17, $0xb8;
	v63 =	vld [tilespmem:$0x0]  }
.LBB2_2:
0x56: {  	_ =	swait.ge [sflag:s1], $0x1800  }
0x57: {  	s12 =	sshra.s32 s4, $0x2;
	[sflag:s1] =	ssyncset.done $0x0  }
0x58: {  	s9 =	sadd.s32 $0x2800, s12;
	[sflag:s1] =	ssyncadd.s32 $0xFFFFE800  }
0x59: {  	[spmem:s2] =	stream.indirect.scatter.add.f32 [tilespmem:s18], [sflag:$0x9], $0x30, s9, s17, $0xb8;
	v63 =	vld [tilespmem:$0x0]  }
0x5a: {  	_ =	swait.ge [sflag:s13], $0x1800  }
0x5b: {  	[sflag:s13] =	ssyncset.done $0x0  }
0x5c: {  	s16 =	sadd.s32 $0x2880, s12;
	[sflag:s13] =	ssyncadd.s32 $0xFFFFE800  }
0x5d: {  	[spmem:s2] =	stream.indirect.scatter.add.f32 [tilespmem:s19], [sflag:$0xA], $0x30, s16, s17, $0xb8;
	v63 =	vld [tilespmem:$0x0]  }
0x5e: {  	_ =	swait.ge [sflag:s20], $0x1800  }
0x5f: {  	[sflag:s20] =	ssyncset.done $0x0  }
0x60: {  	s14 =	sadd.s32 $0x2900, s12;
	[sflag:s20] =	ssyncadd.s32 $0xFFFFE800  }
0x61: {  	[spmem:s2] =	stream.indirect.scatter.add.f32 [tilespmem:s21], [sflag:$0xB], $0x30, s14, s17, $0xb8;
	v63 =	vld [tilespmem:$0x0]  }
0x62: {  	_ =	swait.ge [sflag:s22], $0x1800  }
0x63: {  	[sflag:s22] =	ssyncset.done $0x0  }
0x64: {  	s16 =	sadd.s32 $0x2980, s12;
	[sflag:s22] =	ssyncadd.s32 $0xFFFFE800  }
0x65: {  	[spmem:s2] =	stream.indirect.scatter.add.f32 [tilespmem:s23], [sflag:$0xC], $0x30, s16, s17, $0xb8;
	v63 =	vld [tilespmem:$0x0]  }
0x66: {  	_ =	swait.ge [sflag:s24], $0x1800  }
0x67: {  	p0 =	seq.s32 s4, $0x9000;
	[sflag:s24] =	ssyncset.done $0x0  }
0x68: {  	s9 =	simm.s32 @p0 $0xA;
	[sflag:s24] =	ssyncadd.s32 $0xFFFFE800  }
0x69: {  	_ =	swait.ge @p0 [sflag:s9], $0x1800  }
0x6a: {  	[sflag:s9] =	ssyncset.done @p0 $0x0  }
0x6b: {  	[sflag:s9] =	ssyncadd.s32 @p0 $0xFFFFE800;
	s9 =	simm.s32 @p0 $0xB  }
0x6c: {  	_ =	swait.ge @p0 [sflag:s9], $0x1800  }
0x6d: {  	[sflag:s9] =	ssyncset.done @p0 $0x0  }
0x6e: {  	[sflag:s9] =	ssyncadd.s32 @p0 $0xFFFFE800;
	s9 =	simm.s32 @p0 $0xC  }
0x6f: {  	_ =	swait.ge @p0 [sflag:s9], $0x1800  }
0x70: {  	s14 =	smin.u32 @!p0 s15, $0x47;
	[sflag:s9] =	ssyncset.done @p0 $0x0  }
0x71: {  	[sflag:s9] =	ssyncadd.s32 @p0 $0xFFFFE800;
	s9 =	sshll.u32 @!p0 s14, $0x7  }
0x72: {  	s16 =	simm.s32 @!p0 $0x5000;
	s14 =	simm.s32 @!p0 $0x80;
	s9 =	sadd.s32 @!p0 $0x400, s9  }
0x73: {  	[tilespmem:s16], [sflag:$0x1] =	stream.indirect.gather @!p0 [spmem:s3], $0x30, s9, s14, $0xb8;
	v63 =	vld [tilespmem:$0x0]  }
0x74: {  	s9 =	simm.s32 @!p0 $0xA  }
0x75: {  	s16 =	smin.u32 @!p0 s15, $0x46;
	_ =	swait.ge @!p0 [sflag:s9], $0x1800  }
0x76: {  	s16 =	sshll.u32 @!p0 s16, $0x7;
	[sflag:s9] =	ssyncset.done @!p0 $0x0  }
0x77: {  	[sflag:s9] =	ssyncadd.s32 @!p0 $0xFFFFE800;
	s9 =	sadd.s32 @!p0 $0x480, s16;
	s16 =	simm.s32 @!p0 $0x6800  }
0x78: {  	[tilespmem:s16], [sflag:$0x2] =	stream.indirect.gather @!p0 [spmem:s3], $0x30, s9, s14, $0xb8;
	v63 =	vld [tilespmem:$0x0]  }
0x79: {  	s9 =	simm.s32 @!p0 $0xB  }
0x7a: {  	s16 =	smin.u32 @!p0 s15, $0x45;
	_ =	swait.ge @!p0 [sflag:s9], $0x1800  }
0x7b: {  	s16 =	sshll.u32 @!p0 s16, $0x7;
	[sflag:s9] =	ssyncset.done @!p0 $0x0  }
0x7c: {  	[sflag:s9] =	ssyncadd.s32 @!p0 $0xFFFFE800;
	s9 =	sadd.s32 @!p0 $0x500, s16;
	s16 =	simm.s32 @!p0 $0x8000  }
0x7d: {  	[tilespmem:s16], [sflag:$0x3] =	stream.indirect.gather @!p0 [spmem:s3], $0x30, s9, s14, $0xb8;
	v63 =	vld [tilespmem:$0x0]  }
0x7e: {  	s9 =	simm.s32 @!p0 $0xC  }
0x7f: {  	s16 =	smin.u32 @!p0 s15, $0x44;
	_ =	swait.ge @!p0 [sflag:s9], $0x1800  }
0x80: {  	s16 =	sshll.u32 @!p0 s16, $0x7;
	[sflag:s9] =	ssyncset.done @!p0 $0x0  }
0x81: {  	[sflag:s9] =	ssyncadd.s32 @!p0 $0xFFFFE800;
	s9 =	sadd.s32 @!p0 $0x580, s16;
	s16 =	simm.s32 @!p0 $0x9800  }
0x82: {  	[tilespmem:s16], [sflag:$0x4] =	stream.indirect.gather @!p0 [spmem:s3], $0x30, s9, s14, $0xb8;
	v63 =	vld [tilespmem:$0x0]  }
0x83: {  	_ =	swait.ge [sflag:s26], $0x1800  }
0x84: {  	[sflag:s26] =	ssyncset.done $0x0  }
0x85: {  	s14 =	sadd.s32 $0x2A00, s12;
	[sflag:s26] =	ssyncadd.s32 $0xFFFFE800  }
0x86: {  	[spmem:s2] =	stream.indirect.scatter.add.f32 [tilespmem:s25], [sflag:$0xD], $0x30, s14, s17, $0xb8;
	v63 =	vld [tilespmem:$0x0]  }
0x87: {  	_ =	swait.ge [sflag:s29], $0x1800  }
0x88: {  	[sflag:s29] =	ssyncset.done $0x0  }
0x89: {  	s16 =	sadd.s32 $0x2A80, s12;
	[sflag:s29] =	ssyncadd.s32 $0xFFFFE800  }
0x8a: {  	[spmem:s2] =	stream.indirect.scatter.add.f32 [tilespmem:s28], [sflag:$0xE], $0x30, s16, s17, $0xb8;
	v63 =	vld [tilespmem:$0x0]  }
0x8b: {  	_ =	swait.ge [sflag:s31], $0x1800  }
0x8c: {  	[sflag:s31] =	ssyncset.done $0x0  }
0x8d: {  	s14 =	sadd.s32 $0x2B00, s12;
	[sflag:s31] =	ssyncadd.s32 $0xFFFFE800  }
0x8e: {  	[spmem:s2] =	stream.indirect.scatter.add.f32 [tilespmem:s30], [sflag:$0xF], $0x30, s14, s17, $0xb8;
	v63 =	vld [tilespmem:$0x0]  }
0x8f: {  	_ =	swait.ge [sflag:s5], $0x1800  }
0x90: {  	p0 =	sne.s32 s4, $0x9000;
	[sflag:s5] =	ssyncset.done $0x0  }
.Ltmp2:
0x91: {  	s16 =	sadd.s32 $0x2B80, s12;
	[sflag:s5] =	ssyncadd.s32 $0xFFFFE800;
	(pc) =	sbr.rel @!p0 .LBB2_3-.Ltmp2, $4  }
0x92: {  	[spmem:s2] =	stream.indirect.scatter.add.f32 [tilespmem:s0], [sflag:$0x10], $0x30, s16, s17, $0xb8;
	v63 =	vld [tilespmem:$0x0]  }
0x93: {  	_ =	swait.ge [sflag:s6], $0x1800  }
0x94: {  	[sflag:s6] =	ssyncset.done $0x0  }
0x95: {  	[sflag:s6] =	ssyncadd.s32 $0xFFFFE800  }
0x96: {  	s9 =	smin.u32 s15, $0x43  }
0x97: {  	s9 =	sshll.u32 s9, $0x7  }
0x98: {  	s9 =	sadd.s32 $0x600, s9  }
0x99: {  	[tilespmem:s25], [sflag:$0x5] =	stream.indirect.gather [spmem:s3], $0x30, s9, s17, $0xb8;
	v63 =	vld [tilespmem:$0x0]  }
0x9a: {  	s12 =	smin.u32 s15, $0x42;
	_ =	swait.ge [sflag:s7], $0x1800  }
0x9b: {  	s9 =	sshll.u32 s12, $0x7;
	[sflag:s7] =	ssyncset.done $0x0  }
0x9c: {  	s9 =	sadd.s32 $0x680, s9;
	[sflag:s7] =	ssyncadd.s32 $0xFFFFE800  }
0x9d: {  	[tilespmem:s28], [sflag:$0x6] =	stream.indirect.gather [spmem:s3], $0x30, s9, s17, $0xb8;
	v63 =	vld [tilespmem:$0x0]  }
0x9e: {  	s14 =	smin.u32 s15, $0x41;
	_ =	swait.ge [sflag:s10], $0x1800  }
0x9f: {  	s4 =	sadd.s32 $0x1000, s4;
	s9 =	sshll.u32 s14, $0x7;
	[sflag:s10] =	ssyncset.done $0x0  }
0xa0: {  	p0 =	sne.s32 s4, $0xA000;
	s9 =	sadd.s32 $0x700, s9;
	[sflag:s10] =	ssyncadd.s32 $0xFFFFE800  }
0xa1: {  	[tilespmem:s30], [sflag:$0x7] =	stream.indirect.gather [spmem:s3], $0x30, s9, s17, $0xb8;
	v63 =	vld [tilespmem:$0x0]  }
.Ltmp3:
0xa2: {  	_ = 	snop;
	(pc) =	sbr.rel @p0 .LBB2_2-.Ltmp3, $4  }
.Ltmp4:
0xa3: {  	s16 =	smin.u32 s15, $0x40;
	_ =	swait.ge [sflag:s11], $0x1800;
	(pc) =	sbr.rel @!p0 .LBB2_5-.Ltmp4, $4  }
0xa4: {  	s9 =	sshll.u32 s16, $0x7;
	[sflag:s11] =	ssyncset.done $0x0  }
0xa5: {  	s15 =	sadd.s32 $0x8, s15;
	s9 =	sadd.s32 $0x780, s9;
	[sflag:s11] =	ssyncadd.s32 $0xFFFFE800  }
0xa6: {  	[tilespmem:s0], [sflag:$0x8] =	stream.indirect.gather [spmem:s3], $0x30, s9, s17, $0xb8;
	v63 =	vld [tilespmem:$0x0]  }
0xa7: {  	_ = 	snop  }
.LBB2_6:
0xa8: {  	_ =	sfence.sel $0x180000  }
0xa9: {  	[bflag:$0x0] =	sbarrier.arrive $0xFFFF  }
0xaa: {  	_ =	strace $0x90000050  }
0xab: {  	s0 =	stileid.u32;
	[bflag:$0x2] =	sbarrier.arrive $0xFFFF  }
0xac: {  	p0 =	sne.s32 s0, $0x0;
	s0 =	rddreg [dreg:$0x4]  }
0xad: {  	s0 =	sadd.s32 @!p0 $0x100000, s0  }
0xae: {  	[sflag:s0] =	ssyncadd.tile.s32 @!p0 $0x1;
	_ =	shalt  }
.Lfunc_end2:
_tile_overlayer_lowered:
.L_overlay_start_2:
0xaf: {  	(tag) =	ssettag $0x2  }
0xb0: {  	s0 =	rddreg [dreg:$0x0];
	s2 =	stileid.u32  }
0xb1: {  	s1 =	rddreg [dreg:$0x1];
	p0 =	sne.s32 s2, $0x0  }
0xb2: {  	s3 =	rddreg [dreg:$0x2];
	[bflag:$0x3] =	sbarrier.arrive $0xFFFF;
	s2 =	simm.s32 @!p0 $0x1C12  }
0xb3: {  	[timem:s3], [sflag:s2] =	dma.local @!p0 [hbm:s0], s1  }
0xb4: {  	s0 =	simm.s32 @!p0 $0x12  }
0xb5: {  	_ =	swait.ge @!p0 [sflag:s0], s1  }
0xb6: {  	s1 =	ssub.s32 @!p0 $0x0, s1;
	[sflag:s0] =	ssyncset.done @!p0 $0x0  }
0xb7: {  	[sflag:s0] =	ssyncadd.s32 @!p0 s1  }
0xb8: {  	[bflag:$0x3] =	sbarrier.arrive $0xFFFF  }
0xb9: {  	_ =	shalt  }

</sc_bundles>
